<compile_context>
chip_gen: v7x
topology: tpu7x:2x2x1
jax: 0.10.2.dev20260603
libtpu: 0.0.44.dev20260713+nightly
codegen_flags: <defaults>
</compile_context>

<pallas_src>
import functools

import jax
import jax.numpy as jnp
import numpy as np
from jax import lax
from jax.experimental import pallas as pl
from jax.experimental.pallas import tpu as pltpu
from jax.experimental.pallas import tpu_sc as plsc

_THRESH = float(np.log(1.0 / 0.7))
_MIN_KEPT = 131072

_B, _C, _H, _W = 8, 19, 512, 512
_P = _H * _W
_ROWS = 512
_NBLK = (_P // 128) // _ROWS

_N = _B * _P

_NC = 2
_NS = 16
_NW = _NC * _NS
_CHUNK = _N // _NW
_SLAB = 32768
_NSLAB = _CHUNK // _SLAB
_HSLAB = 16384
_NHSLAB = _CHUNK // _HSLAB
_NB16 = 65536


def _ce_body(lg_ref, lb_ref, loss_ref, s_ref, c_ref):
    x = lg_ref[0]
    lab = lb_ref[0]
    s = jnp.sum(jnp.exp(x), axis=0)
    lse = jnp.log(s)
    cls = lax.broadcasted_iota(jnp.int32, (_C, _ROWS, 128), 0)
    picked = jnp.sum(jnp.where(cls == lab[None], x, 0.0), axis=0)
    loss = lse - picked
    loss_ref[0] = loss
    msk = loss > _THRESH
    ls = jnp.where(msk, loss, 0.0).reshape(_ROWS // 8, 8, 128)
    lc = msk.astype(jnp.float32).reshape(_ROWS // 8, 8, 128)

    @pl.when(jnp.logical_and(pl.program_id(0) == 0, pl.program_id(1) == 0))
    def _():
        s_ref[...] = jnp.zeros_like(s_ref)
        c_ref[...] = jnp.zeros_like(c_ref)

    s_ref[...] += jnp.sum(ls, axis=0)
    c_ref[...] += jnp.sum(lc, axis=0)


_ce_call = pl.pallas_call(
    _ce_body,
    grid=(_B, _NBLK),
    in_specs=[
        pl.BlockSpec((1, _C, _ROWS, 128), lambda i, j: (i, 0, j, 0)),
        pl.BlockSpec((1, _ROWS, 128), lambda i, j: (i, j, 0)),
    ],
    out_specs=[
        pl.BlockSpec((1, _ROWS, 128), lambda i, j: (i, j, 0)),
        pl.BlockSpec((8, 128), lambda i, j: (0, 0)),
        pl.BlockSpec((8, 128), lambda i, j: (0, 0)),
    ],
    out_shape=[
        jax.ShapeDtypeStruct((_B, _P // 128, 128), jnp.float32),
        jax.ShapeDtypeStruct((8, 128), jnp.float32),
        jax.ShapeDtypeStruct((8, 128), jnp.float32),
    ],
)


def _sc_mesh():
    return plsc.VectorSubcoreMesh(
        core_axis_name="c", subcore_axis_name="s", num_cores=_NC
    )


@functools.lru_cache(maxsize=None)
def _make_hist16_kernel(shift, masked):

    @functools.partial(
        pl.kernel,
        mesh=_sc_mesh(),
        out_type=jax.ShapeDtypeStruct((_NW, _NB16), jnp.int32),
        scratch_types=[
            pltpu.VMEM((2, _HSLAB), jnp.float32),
            pltpu.VMEM((2, 16), jnp.int32),
            pltpu.VMEM((_NB16,), jnp.int32),
            pltpu.SemaphoreType.DMA,
            pltpu.SemaphoreType.DMA,
        ],
        compiler_params=pltpu.CompilerParams(needs_layout_passes=False),
    )
    def hist(loss_hbm, state_hbm, cnt_out, loss_v, state_v, cnt_v, sem0, sem1):
        wid = lax.axis_index("s") * _NC + lax.axis_index("c")
        base = pl.multiple_of(wid * _CHUNK, 8)
        sems = (sem0, sem1)

        def issue(slab, buf):
            return pltpu.async_copy(
                loss_hbm.at[pl.ds(base + slab * _HSLAB, _HSLAB)],
                loss_v.at[buf],
                sems[buf],
            )

        in_h = {0: issue(0, 0), 1: issue(1, 1)}

        pltpu.sync_copy(state_hbm, state_v)
        prefv = state_v[0, :]
        maskv = state_v[1, :]

        zi = jnp.zeros((16,), jnp.int32)

        def zinit(j, carry):
            for u in range(8):
                cnt_v[pl.ds((j * 8 + u) * 16, 16)] = zi
            return carry

        lax.fori_loop(0, _NB16 // 128, zinit, 0)

        ones = jnp.ones((16,), jnp.int32)
        lomask = jnp.int32(_NB16 - 1)
        sgn = jnp.int32(-2147483648)

        for s in range(_NHSLAB):
            buf = s & 1
            in_h[buf].wait()
            if s + 2 < _NHSLAB:
                in_h[buf] = issue(s + 2, buf)

            def body(i, carry):
                for u in range(8):
                    x = loss_v[buf, pl.ds((i * 8 + u) * 16, 16)]
                    b = lax.bitcast_convert_type(x, jnp.int32)
                    key = b ^ ((b >> 31) | sgn)
                    digit = (key >> shift) & lomask
                    if masked:
                        match = (key & maskv) == prefv
                        plsc.addupdate_scatter(cnt_v, [digit], ones, mask=match)
                    else:
                        plsc.addupdate_scatter(cnt_v, [digit], ones)
                return carry

            lax.fori_loop(0, _HSLAB // 128, body, 0)

        pltpu.sync_copy(cnt_v, cnt_out.at[wid])

    return hist


@functools.lru_cache(maxsize=None)
def _make_sumgt_kernel():

    @functools.partial(
        pl.kernel,
        mesh=_sc_mesh(),
        out_type=jax.ShapeDtypeStruct((_NW, 16), jnp.float32),
        scratch_types=[
            pltpu.VMEM((2, _HSLAB), jnp.float32),
            pltpu.VMEM((16,), jnp.float32),
            pltpu.SemaphoreType.DMA,
            pltpu.SemaphoreType.DMA,
        ],
        compiler_params=pltpu.CompilerParams(needs_layout_passes=False),
    )
    def sumgt(loss_hbm, t_hbm, sum_out, loss_v, t_v, sem0, sem1):
        wid = lax.axis_index("s") * _NC + lax.axis_index("c")
        base = pl.multiple_of(wid * _CHUNK, 8)
        sems = (sem0, sem1)

        def issue(slab, buf):
            return pltpu.async_copy(
                loss_hbm.at[pl.ds(base + slab * _HSLAB, _HSLAB)],
                loss_v.at[buf],
                sems[buf],
            )

        in_h = {0: issue(0, 0), 1: issue(1, 1)}
        pltpu.sync_copy(t_hbm, t_v)
        tv = t_v[...]
        zf = jnp.zeros((16,), jnp.float32)

        acc_total = zf
        for s in range(_NHSLAB):
            buf = s & 1
            in_h[buf].wait()
            if s + 2 < _NHSLAB:
                in_h[buf] = issue(s + 2, buf)

            def body(i, acc):
                for u in range(8):
                    x = loss_v[buf, pl.ds((i * 8 + u) * 16, 16)]
                    acc = acc + jnp.where(x > tv, x, zf)
                return acc

            acc_total = lax.fori_loop(0, _HSLAB // 128, body, acc_total)

        t_v[...] = acc_total
        pltpu.sync_copy(t_v, sum_out.at[wid])

    return sumgt


def kernel(logits, labels):
    lg = logits.reshape(_B, _C, _P // 128, 128)
    lb = labels.reshape(_B, _P // 128, 128)
    loss3, s_acc, c_acc = _ce_call(lg, lb)
    loss = loss3.reshape(_N)
    sum_t = jnp.sum(s_acc)
    cnt_t = jnp.sum(c_acc)

    k = _MIN_KEPT
    sgn = jnp.int32(-2147483648)

    state0 = jnp.zeros((2, 16), jnp.int32)
    cnts1 = _make_hist16_kernel(16, False)(loss, state0)
    cnt1 = jnp.sum(cnts1, axis=0)
    rc1 = jnp.cumsum(cnt1[::-1])[::-1]
    d1 = jnp.sum((rc1 >= k).astype(jnp.int32)) - 1
    above1 = rc1[d1] - cnt1[d1]
    k_rem = k - above1
    prefix = jnp.left_shift(d1, 16)

    state1 = jnp.stack(
        [
            jnp.broadcast_to(prefix, (16,)),
            jnp.broadcast_to(jnp.int32(-65536), (16,)),
        ]
    )
    cnts2 = _make_hist16_kernel(0, True)(loss, state1)
    cnt2 = jnp.sum(cnts2, axis=0)
    rc2 = jnp.cumsum(cnt2[::-1])[::-1]
    d2 = jnp.sum((rc2 >= k_rem).astype(jnp.int32)) - 1
    above2 = rc2[d2] - cnt2[d2]
    cnt_gt = (above1 + above2).astype(jnp.float32)
    key = prefix | d2

    bb = jnp.where(key < 0, key ^ sgn, ~key)
    t = lax.bitcast_convert_type(bb, jnp.float32)
    sums = _make_sumgt_kernel()(loss, jnp.broadcast_to(t, (16,)))
    sum_gt = jnp.sum(sums)

    mean_topk = (sum_gt + (jnp.float32(k) - cnt_gt) * t) / k
    mean_thresh = sum_t / jnp.maximum(cnt_t, 1.0)
    cond = cnt_t > jnp.float32(_MIN_KEPT)
    return jnp.where(cond, mean_thresh, mean_topk)

# --- scband reference (transcript-rebuilt; emitter-appended) ---
"""Pipeline reference for scband-ohem-celoss-27384711480125 (READ-ONLY COPY).

The authoritative reference and input builder live on the scoring server;
editing this copy changes nothing except your own understanding.
"""

import jax, jax.numpy as jnp
import numpy as np

THRESH = float(np.log(1.0 / 0.7))
MIN_KEPT = 131072

def setup_inputs(seed: int = 0) -> dict:
    key = jax.random.key(seed)
    k1, k2 = jax.random.split(key)
    logits = jax.random.normal(k1, (8, 19, 512, 512), dtype=jnp.float32)
    labels = jax.random.randint(k2, (8, 512, 512), 0, 19, dtype=jnp.int32)
    return {"logits": logits, "labels": labels}

def reference(logits, labels):
    # per-pixel cross entropy (reduction='none'), logits [B, C, H, W], labels [B, H, W]
    logp = jax.nn.log_softmax(logits, axis=1)
    nll = -jnp.take_along_axis(logp, labels[:, None, :, :], axis=1)[:, 0]
    loss = nll.reshape(-1)
    # sort descending (OHEM: keep hardest pixels)
    loss = jnp.sort(loss)[::-1]
    cond = loss[MIN_KEPT] > THRESH
    # branch A: keep all losses above thresh
    mask = loss > THRESH
    n_kept = jnp.maximum(jnp.sum(mask.astype(jnp.float32)), 1.0)
    mean_thresh = jnp.sum(jnp.where(mask, loss, 0.0)) / n_kept
    # branch B: keep top min_kept losses
    mean_topk = jnp.mean(loss[:MIN_KEPT])
    return jnp.where(cond, mean_thresh, mean_topk)

if __name__ == "__main__":
    import jax
    _d = setup_inputs()
    print(jax.jit(kernel)(*tuple(_d.values())))

</pallas_src>

<mosaic_0001>
#map = affine_map<(d0, d1) -> (0)>
#map1 = affine_map<(d0, d1) -> (0, 0)>
module attributes {stable_mosaic.version = 14 : i64} {
  func.func @hist(%arg0: i32, %arg1: i32, %arg2: memref<2097152xf32, #tpu.memory_space<hbm>>, %arg3: memref<2x16xi32, #tpu.memory_space<hbm>>, %arg4: memref<32x65536xi32, #tpu.memory_space<hbm>>, %arg5: memref<2x16384xf32, #tpu.memory_space<vmem>>, %arg6: memref<2x16xi32, #tpu.memory_space<vmem>>, %arg7: memref<65536xi32, #tpu.memory_space<vmem>>, %arg8: memref<!tpu.dma_semaphore, #tpu.memory_space<semaphore_mem>>, %arg9: memref<!tpu.dma_semaphore, #tpu.memory_space<semaphore_mem>>) attributes {dimension_semantics = [#tpu.dimension_semantics<core_parallel>, #tpu.dimension_semantics<subcore_parallel>], iteration_bounds = array<i64: 2, 16>, scalar_prefetch = 0 : i64, scratch_operands = 5 : i64, tpu.core_type = #tpu.core_type<sc_vector_subcore>, window_params = [{transform_indices = #map}, {transform_indices = #map1}, {transform_indices = #map1}]} {
    %mul3A = arith.constant 2 : i32
    %mul3A_0 = arith.muli %arg1, %mul3A : i32
    %add3A = arith.addi %mul3A_0, %arg0 : i32
    %mul3A_1 = arith.constant 65536 : i32
    %mul3A_2 = arith.muli %add3A, %mul3A_1 : i32
    %multiple_of3A = tpu.assume_multiple %mul3A_2, 8 : i32
    %add3A_3 = arith.constant 0 : i32
    %add3A_4 = arith.addi %multiple_of3A, %add3A_3 : i32
    %dma_start3A = arith.constant 0 : i32
    %dma_start3A_5 = arith.constant 0 : i32
    %dma_start3A_6 = tpu.memref_slice %arg5[%dma_start3A, %dma_start3A_5] : memref<2x16384xf32, #tpu.memory_space<vmem>> -> memref<1x16384xf32, #tpu.memory_space<vmem>>
    %dma_start3A_7 = tpu.memref_squeeze %dma_start3A_6 : memref<1x16384xf32, #tpu.memory_space<vmem>> -> memref<16384xf32, #tpu.memory_space<vmem>>
    %dma_start3A_8 = tpu.memref_slice %arg2[%add3A_4] : memref<2097152xf32, #tpu.memory_space<hbm>> -> memref<16384xf32, #tpu.memory_space<hbm>>
    %dma_start3A_9 = arith.constant 0 : i32
    %dma_start3A_10 = tpu.memref_slice %arg5[%dma_start3A, %dma_start3A_9] : memref<2x16384xf32, #tpu.memory_space<vmem>> -> memref<1x16384xf32, #tpu.memory_space<vmem>>
    %dma_start3A_11 = tpu.memref_squeeze %dma_start3A_10 : memref<1x16384xf32, #tpu.memory_space<vmem>> -> memref<16384xf32, #tpu.memory_space<vmem>>
    %dma_start3A_12 = tpu.memref_slice %arg2[%add3A_4] : memref<2097152xf32, #tpu.memory_space<hbm>> -> memref<16384xf32, #tpu.memory_space<hbm>>
    tpu.enqueue_dma source(%dma_start3A_12 : memref<16384xf32, #tpu.memory_space<hbm>>) target(%dma_start3A_11 : memref<16384xf32, #tpu.memory_space<vmem>>) target_semaphore(%arg8 : memref<!tpu.dma_semaphore, #tpu.memory_space<semaphore_mem>>)
    %add3A_13 = arith.constant 16384 : i32
    %add3A_14 = arith.addi %multiple_of3A, %add3A_13 : i32
    %dma_start3A_15 = arith.constant 1 : i32
    %dma_start3A_16 = arith.constant 0 : i32
    %dma_start3A_17 = tpu.memref_slice %arg5[%dma_start3A_15, %dma_start3A_16] : memref<2x16384xf32, #tpu.memory_space<vmem>> -> memref<1x16384xf32, #tpu.memory_space<vmem>>
    %dma_start3A_18 = tpu.memref_squeeze %dma_start3A_17 : memref<1x16384xf32, #tpu.memory_space<vmem>> -> memref<16384xf32, #tpu.memory_space<vmem>>
    %dma_start3A_19 = tpu.memref_slice %arg2[%add3A_14] : memref<2097152xf32, #tpu.memory_space<hbm>> -> memref<16384xf32, #tpu.memory_space<hbm>>
    %dma_start3A_20 = arith.constant 0 : i32
    %dma_start3A_21 = tpu.memref_slice %arg5[%dma_start3A_15, %dma_start3A_20] : memref<2x16384xf32, #tpu.memory_space<vmem>> -> memref<1x16384xf32, #tpu.memory_space<vmem>>
    %dma_start3A_22 = tpu.memref_squeeze %dma_start3A_21 : memref<1x16384xf32, #tpu.memory_space<vmem>> -> memref<16384xf32, #tpu.memory_space<vmem>>
    %dma_start3A_23 = tpu.memref_slice %arg2[%add3A_14] : memref<2097152xf32, #tpu.memory_space<hbm>> -> memref<16384xf32, #tpu.memory_space<hbm>>
    tpu.enqueue_dma source(%dma_start3A_23 : memref<16384xf32, #tpu.memory_space<hbm>>) target(%dma_start3A_22 : memref<16384xf32, #tpu.memory_space<vmem>>) target_semaphore(%arg9 : memref<!tpu.dma_semaphore, #tpu.memory_space<semaphore_mem>>)
    "tpu.region"() ({
      %run_scoped3A = tpu.sem_alloc : memref<!tpu.dma_semaphore, #tpu.memory_space<semaphore_mem>>
      tpu.enqueue_dma source(%arg3 : memref<2x16xi32, #tpu.memory_space<hbm>>) target(%arg6 : memref<2x16xi32, #tpu.memory_space<vmem>>) target_semaphore(%run_scoped3A : memref<!tpu.dma_semaphore, #tpu.memory_space<semaphore_mem>>)
      tpu.wait_dma2 semaphore(%run_scoped3A : memref<!tpu.dma_semaphore, #tpu.memory_space<semaphore_mem>>) src(%arg3 : memref<2x16xi32, #tpu.memory_space<hbm>>) dst(%arg6 : memref<2x16xi32, #tpu.memory_space<vmem>>)
      tpu.yield
    }) : () -> ()
    %get3A = arith.constant 0 : i32
    %get3A_24 = arith.index_cast %get3A : i32 to index
    %get3A_25 = arith.constant 0 : index
    %get3A_26 = tpu.vector_load %arg6[%get3A_24, %get3A_25] {strides = array<i32>} : memref<2x16xi32, #tpu.memory_space<vmem>>, vector<16xi32>,
    %get3A_27 = arith.constant 1 : i32
    %get3A_28 = arith.index_cast %get3A_27 : i32 to index
    %get3A_29 = arith.constant 0 : index
    %get3A_30 = tpu.vector_load %arg6[%get3A_28, %get3A_29] {strides = array<i32>} : memref<2x16xi32, #tpu.memory_space<vmem>>, vector<16xi32>,
    %broadcast_in_dim3A = arith.constant 0 : i32
    %broadcast_in_dim3A_31 = vector.broadcast %broadcast_in_dim3A : i32 to vector<16xi32>
    %scan3A = arith.constant 0 : i32
    %scan3A_32 = arith.constant 0 : i32
    %scan3A_33 = arith.constant 512 : i32
    %scan3A_34 = arith.addi %scan3A_32, %scan3A_33 : i32
    %scan3A_35 = arith.constant 1 : i32
    scf.for %scan3A_128 = %scan3A_32 to %scan3A_34 step %scan3A_35  : i32 {
      %mul3A_129 = arith.constant 8 : i32
      %mul3A_130 = arith.muli %scan3A_128, %mul3A_129 : i32
      %add3A_131 = arith.constant 0 : i32
      %add3A_132 = arith.addi %mul3A_130, %add3A_131 : i32
      %mul3A_133 = arith.constant 16 : i32
      %mul3A_134 = arith.muli %add3A_132, %mul3A_133 : i32
      %swap3A = arith.index_cast %mul3A_134 : i32 to index
      %swap3A_135 = tpu.vector_load %arg7[%swap3A] {strides = array<i32>} : memref<65536xi32, #tpu.memory_space<vmem>>, vector<16xi32>,
      tpu.vector_store %arg7[%swap3A], %broadcast_in_dim3A_31 {strides = array<i32>} : memref<65536xi32, #tpu.memory_space<vmem>>, vector<16xi32>,
      %mul3A_136 = arith.constant 8 : i32
      %mul3A_137 = arith.muli %scan3A_128, %mul3A_136 : i32
      %add3A_138 = arith.constant 1 : i32
      %add3A_139 = arith.addi %mul3A_137, %add3A_138 : i32
      %mul3A_140 = arith.constant 16 : i32
      %mul3A_141 = arith.muli %add3A_139, %mul3A_140 : i32
      %swap3A_142 = arith.index_cast %mul3A_141 : i32 to index
      %swap3A_143 = tpu.vector_load %arg7[%swap3A_142] {strides = array<i32>} : memref<65536xi32, #tpu.memory_space<vmem>>, vector<16xi32>,
      tpu.vector_store %arg7[%swap3A_142], %broadcast_in_dim3A_31 {strides = array<i32>} : memref<65536xi32, #tpu.memory_space<vmem>>, vector<16xi32>,
      %mul3A_144 = arith.constant 8 : i32
      %mul3A_145 = arith.muli %scan3A_128, %mul3A_144 : i32
      %add3A_146 = arith.constant 2 : i32
      %add3A_147 = arith.addi %mul3A_145, %add3A_146 : i32
      %mul3A_148 = arith.constant 16 : i32
      %mul3A_149 = arith.muli %add3A_147, %mul3A_148 : i32
      %swap3A_150 = arith.index_cast %mul3A_149 : i32 to index
      %swap3A_151 = tpu.vector_load %arg7[%swap3A_150] {strides = array<i32>} : memref<65536xi32, #tpu.memory_space<vmem>>, vector<16xi32>,
      tpu.vector_store %arg7[%swap3A_150], %broadcast_in_dim3A_31 {strides = array<i32>} : memref<65536xi32, #tpu.memory_space<vmem>>, vector<16xi32>,
      %mul3A_152 = arith.constant 8 : i32
      %mul3A_153 = arith.muli %scan3A_128, %mul3A_152 : i32
      %add3A_154 = arith.constant 3 : i32
      %add3A_155 = arith.addi %mul3A_153, %add3A_154 : i32
      %mul3A_156 = arith.constant 16 : i32
      %mul3A_157 = arith.muli %add3A_155, %mul3A_156 : i32
      %swap3A_158 = arith.index_cast %mul3A_157 : i32 to index
      %swap3A_159 = tpu.vector_load %arg7[%swap3A_158] {strides = array<i32>} : memref<65536xi32, #tpu.memory_space<vmem>>, vector<16xi32>,
      tpu.vector_store %arg7[%swap3A_158], %broadcast_in_dim3A_31 {strides = array<i32>} : memref<65536xi32, #tpu.memory_space<vmem>>, vector<16xi32>,
      %mul3A_160 = arith.constant 8 : i32
      %mul3A_161 = arith.muli %scan3A_128, %mul3A_160 : i32
      %add3A_162 = arith.constant 4 : i32
      %add3A_163 = arith.addi %mul3A_161, %add3A_162 : i32
      %mul3A_164 = arith.constant 16 : i32
      %mul3A_165 = arith.muli %add3A_163, %mul3A_164 : i32
      %swap3A_166 = arith.index_cast %mul3A_165 : i32 to index
      %swap3A_167 = tpu.vector_load %arg7[%swap3A_166] {strides = array<i32>} : memref<65536xi32, #tpu.memory_space<vmem>>, vector<16xi32>,
      tpu.vector_store %arg7[%swap3A_166], %broadcast_in_dim3A_31 {strides = array<i32>} : memref<65536xi32, #tpu.memory_space<vmem>>, vector<16xi32>,
      %mul3A_168 = arith.constant 8 : i32
      %mul3A_169 = arith.muli %scan3A_128, %mul3A_168 : i32
      %add3A_170 = arith.constant 5 : i32
      %add3A_171 = arith.addi %mul3A_169, %add3A_170 : i32
      %mul3A_172 = arith.constant 16 : i32
      %mul3A_173 = arith.muli %add3A_171, %mul3A_172 : i32
      %swap3A_174 = arith.index_cast %mul3A_173 : i32 to index
      %swap3A_175 = tpu.vector_load %arg7[%swap3A_174] {strides = array<i32>} : memref<65536xi32, #tpu.memory_space<vmem>>, vector<16xi32>,
      tpu.vector_store %arg7[%swap3A_174], %broadcast_in_dim3A_31 {strides = array<i32>} : memref<65536xi32, #tpu.memory_space<vmem>>, vector<16xi32>,
      %mul3A_176 = arith.constant 8 : i32
      %mul3A_177 = arith.muli %scan3A_128, %mul3A_176 : i32
      %add3A_178 = arith.constant 6 : i32
      %add3A_179 = arith.addi %mul3A_177, %add3A_178 : i32
      %mul3A_180 = arith.constant 16 : i32
      %mul3A_181 = arith.muli %add3A_179, %mul3A_180 : i32
      %swap3A_182 = arith.index_cast %mul3A_181 : i32 to index
      %swap3A_183 = tpu.vector_load %arg7[%swap3A_182] {strides = array<i32>} : memref<65536xi32, #tpu.memory_space<vmem>>, vector<16xi32>,
      tpu.vector_store %arg7[%swap3A_182], %broadcast_in_dim3A_31 {strides = array<i32>} : memref<65536xi32, #tpu.memory_space<vmem>>, vector<16xi32>,
      %mul3A_184 = arith.constant 8 : i32
      %mul3A_185 = arith.muli %scan3A_128, %mul3A_184 : i32
      %add3A_186 = arith.constant 7 : i32
      %add3A_187 = arith.addi %mul3A_185, %add3A_186 : i32
      %mul3A_188 = arith.constant 16 : i32
      %mul3A_189 = arith.muli %add3A_187, %mul3A_188 : i32
      %swap3A_190 = arith.index_cast %mul3A_189 : i32 to index
      %swap3A_191 = tpu.vector_load %arg7[%swap3A_190] {strides = array<i32>} : memref<65536xi32, #tpu.memory_space<vmem>>, vector<16xi32>,
      tpu.vector_store %arg7[%swap3A_190], %broadcast_in_dim3A_31 {strides = array<i32>} : memref<65536xi32, #tpu.memory_space<vmem>>, vector<16xi32>,
    }
    %scan3A_36 = arith.constant 512 : i32
    %broadcast_in_dim3A_37 = arith.constant 1 : i32
    %broadcast_in_dim3A_38 = vector.broadcast %broadcast_in_dim3A_37 : i32 to vector<16xi32>
    %dma_wait3A = arith.constant 0 : i32
    %dma_wait3A_39 = arith.constant 0 : i32
    %dma_wait3A_40 = tpu.memref_slice %arg5[%dma_wait3A, %dma_wait3A_39] : memref<2x16384xf32, #tpu.memory_space<vmem>> -> memref<1x16384xf32, #tpu.memory_space<vmem>>
    %dma_wait3A_41 = tpu.memref_squeeze %dma_wait3A_40 : memref<1x16384xf32, #tpu.memory_space<vmem>> -> memref<16384xf32, #tpu.memory_space<vmem>>
    %dma_wait3A_42 = tpu.memref_slice %arg2[%add3A_4] : memref<2097152xf32, #tpu.memory_space<hbm>> -> memref<16384xf32, #tpu.memory_space<hbm>>
    %dma_wait3A_43 = arith.constant 0 : i32
    %dma_wait3A_44 = tpu.memref_slice %arg5[%dma_wait3A, %dma_wait3A_43] : memref<2x16384xf32, #tpu.memory_space<vmem>> -> memref<1x16384xf32, #tpu.memory_space<vmem>>
    %dma_wait3A_45 = tpu.memref_squeeze %dma_wait3A_44 : memref<1x16384xf32, #tpu.memory_space<vmem>> -> memref<16384xf32, #tpu.memory_space<vmem>>
    %dma_wait3A_46 = tpu.memref_slice %arg2[%add3A_4] : memref<2097152xf32, #tpu.memory_space<hbm>> -> memref<16384xf32, #tpu.memory_space<hbm>>
    tpu.wait_dma2 semaphore(%arg8 : memref<!tpu.dma_semaphore, #tpu.memory_space<semaphore_mem>>) src(%dma_wait3A_46 : memref<16384xf32, #tpu.memory_space<hbm>>) dst(%dma_wait3A_45 : memref<16384xf32, #tpu.memory_space<vmem>>)
    %add3A_47 = arith.constant 32768 : i32
    %add3A_48 = arith.addi %multiple_of3A, %add3A_47 : i32
    %dma_start3A_49 = arith.constant 0 : i32
    %dma_start3A_50 = arith.constant 0 : i32
    %dma_start3A_51 = tpu.memref_slice %arg5[%dma_start3A_49, %dma_start3A_50] : memref<2x16384xf32, #tpu.memory_space<vmem>> -> memref<1x16384xf32, #tpu.memory_space<vmem>>
    %dma_start3A_52 = tpu.memref_squeeze %dma_start3A_51 : memref<1x16384xf32, #tpu.memory_space<vmem>> -> memref<16384xf32, #tpu.memory_space<vmem>>
    %dma_start3A_53 = tpu.memref_slice %arg2[%add3A_48] : memref<2097152xf32, #tpu.memory_space<hbm>> -> memref<16384xf32, #tpu.memory_space<hbm>>
    %dma_start3A_54 = arith.constant 0 : i32
    %dma_start3A_55 = tpu.memref_slice %arg5[%dma_start3A_49, %dma_start3A_54] : memref<2x16384xf32, #tpu.memory_space<vmem>> -> memref<1x16384xf32, #tpu.memory_space<vmem>>
    %dma_start3A_56 = tpu.memref_squeeze %dma_start3A_55 : memref<1x16384xf32, #tpu.memory_space<vmem>> -> memref<16384xf32, #tpu.memory_space<vmem>>
    %dma_start3A_57 = tpu.memref_slice %arg2[%add3A_48] : memref<2097152xf32, #tpu.memory_space<hbm>> -> memref<16384xf32, #tpu.memory_space<hbm>>
    tpu.enqueue_dma source(%dma_start3A_57 : memref<16384xf32, #tpu.memory_space<hbm>>) target(%dma_start3A_56 : memref<16384xf32, #tpu.memory_space<vmem>>) target_semaphore(%arg8 : memref<!tpu.dma_semaphore, #tpu.memory_space<semaphore_mem>>)
    %scan3A_58 = arith.constant 0 : i32
    %scan3A_59 = arith.constant -2147483648 : i32
    %scan3A_60 = arith.constant 65535 : i32
    %scan3A_61 = arith.constant 0 : i32
    %scan3A_62 = arith.constant 128 : i32
    %scan3A_63 = arith.addi %scan3A_61, %scan3A_62 : i32
    %scan3A_64 = arith.constant 1 : i32
    scf.for %scan3A_128 = %scan3A_61 to %scan3A_63 step %scan3A_64  : i32 {
      %mul3A_129 = arith.constant 8 : i32
      %mul3A_130 = arith.muli %scan3A_128, %mul3A_129 : i32
      %add3A_131 = arith.constant 0 : i32
      %add3A_132 = arith.addi %mul3A_130, %add3A_131 : i32
      %mul3A_133 = arith.constant 16 : i32
      %mul3A_134 = arith.muli %add3A_132, %mul3A_133 : i32
      %get3A_135 = arith.constant 0 : i32
      %get3A_136 = arith.index_cast %get3A_135 : i32 to index
      %get3A_137 = arith.index_cast %mul3A_134 : i32 to index
      %get3A_138 = tpu.vector_load %arg5[%get3A_136, %get3A_137] {strides = array<i32>} : memref<2x16384xf32, #tpu.memory_space<vmem>>, vector<16xf32>,
      %bitcast_convert_type3A = tpu.bitcast %get3A_138 : vector<16xf32> -> vector<16xi32>
      %shift_right_arithmetic3A = arith.constant 31 : i32
      %shift_right_arithmetic3A_139 = vector.broadcast %shift_right_arithmetic3A : i32 to vector<16xi32>
      %shift_right_arithmetic3A_140 = arith.shrsi %bitcast_convert_type3A, %shift_right_arithmetic3A_139 : vector<16xi32>
      %or3A = vector.broadcast %scan3A_59 : i32 to vector<16xi32>
      %or3A_141 = arith.ori %shift_right_arithmetic3A_140, %or3A : vector<16xi32>
      %xor3A = arith.xori %bitcast_convert_type3A, %or3A_141 : vector<16xi32>
      %shift_right_arithmetic3A_142 = arith.constant 16 : i32
      %shift_right_arithmetic3A_143 = vector.broadcast %shift_right_arithmetic3A_142 : i32 to vector<16xi32>
      %shift_right_arithmetic3A_144 = arith.shrsi %xor3A, %shift_right_arithmetic3A_143 : vector<16xi32>
      %and3A = vector.broadcast %scan3A_60 : i32 to vector<16xi32>
      %and3A_145 = arith.andi %shift_right_arithmetic3A_144, %and3A : vector<16xi32>
      tpu.vector_store_idx %arg7[%and3A_145], %broadcast_in_dim3A_38 {add = true} : memref<65536xi32, #tpu.memory_space<vmem>>[vector<16xi32>], vector<16xi32>,
      %mul3A_146 = arith.constant 8 : i32
      %mul3A_147 = arith.muli %scan3A_128, %mul3A_146 : i32
      %add3A_148 = arith.constant 1 : i32
      %add3A_149 = arith.addi %mul3A_147, %add3A_148 : i32
      %mul3A_150 = arith.constant 16 : i32
      %mul3A_151 = arith.muli %add3A_149, %mul3A_150 : i32
      %get3A_152 = arith.constant 0 : i32
      %get3A_153 = arith.index_cast %get3A_152 : i32 to index
      %get3A_154 = arith.index_cast %mul3A_151 : i32 to index
      %get3A_155 = tpu.vector_load %arg5[%get3A_153, %get3A_154] {strides = array<i32>} : memref<2x16384xf32, #tpu.memory_space<vmem>>, vector<16xf32>,
      %bitcast_convert_type3A_156 = tpu.bitcast %get3A_155 : vector<16xf32> -> vector<16xi32>
      %shift_right_arithmetic3A_157 = arith.constant 31 : i32
      %shift_right_arithmetic3A_158 = vector.broadcast %shift_right_arithmetic3A_157 : i32 to vector<16xi32>
      %shift_right_arithmetic3A_159 = arith.shrsi %bitcast_convert_type3A_156, %shift_right_arithmetic3A_158 : vector<16xi32>
      %or3A_160 = vector.broadcast %scan3A_59 : i32 to vector<16xi32>
      %or3A_161 = arith.ori %shift_right_arithmetic3A_159, %or3A_160 : vector<16xi32>
      %xor3A_162 = arith.xori %bitcast_convert_type3A_156, %or3A_161 : vector<16xi32>
      %shift_right_arithmetic3A_163 = arith.constant 16 : i32
      %shift_right_arithmetic3A_164 = vector.broadcast %shift_right_arithmetic3A_163 : i32 to vector<16xi32>
      %shift_right_arithmetic3A_165 = arith.shrsi %xor3A_162, %shift_right_arithmetic3A_164 : vector<16xi32>
      %and3A_166 = vector.broadcast %scan3A_60 : i32 to vector<16xi32>
      %and3A_167 = arith.andi %shift_right_arithmetic3A_165, %and3A_166 : vector<16xi32>
      tpu.vector_store_idx %arg7[%and3A_167], %broadcast_in_dim3A_38 {add = true} : memref<65536xi32, #tpu.memory_space<vmem>>[vector<16xi32>], vector<16xi32>,
      %mul3A_168 = arith.constant 8 : i32
      %mul3A_169 = arith.muli %scan3A_128, %mul3A_168 : i32
      %add3A_170 = arith.constant 2 : i32
      %add3A_171 = arith.addi %mul3A_169, %add3A_170 : i32
      %mul3A_172 = arith.constant 16 : i32
      %mul3A_173 = arith.muli %add3A_171, %mul3A_172 : i32
      %get3A_174 = arith.constant 0 : i32
      %get3A_175 = arith.index_cast %get3A_174 : i32 to index
      %get3A_176 = arith.index_cast %mul3A_173 : i32 to index
      %get3A_177 = tpu.vector_load %arg5[%get3A_175, %get3A_176] {strides = array<i32>} : memref<2x16384xf32, #tpu.memory_space<vmem>>, vector<16xf32>,
      %bitcast_convert_type3A_178 = tpu.bitcast %get3A_177 : vector<16xf32> -> vector<16xi32>
      %shift_right_arithmetic3A_179 = arith.constant 31 : i32
      %shift_right_arithmetic3A_180 = vector.broadcast %shift_right_arithmetic3A_179 : i32 to vector<16xi32>
      %shift_right_arithmetic3A_181 = arith.shrsi %bitcast_convert_type3A_178, %shift_right_arithmetic3A_180 : vector<16xi32>
      %or3A_182 = vector.broadcast %scan3A_59 : i32 to vector<16xi32>
      %or3A_183 = arith.ori %shift_right_arithmetic3A_181, %or3A_182 : vector<16xi32>
      %xor3A_184 = arith.xori %bitcast_convert_type3A_178, %or3A_183 : vector<16xi32>
      %shift_right_arithmetic3A_185 = arith.constant 16 : i32
      %shift_right_arithmetic3A_186 = vector.broadcast %shift_right_arithmetic3A_185 : i32 to vector<16xi32>
      %shift_right_arithmetic3A_187 = arith.shrsi %xor3A_184, %shift_right_arithmetic3A_186 : vector<16xi32>
      %and3A_188 = vector.broadcast %scan3A_60 : i32 to vector<16xi32>
      %and3A_189 = arith.andi %shift_right_arithmetic3A_187, %and3A_188 : vector<16xi32>
      tpu.vector_store_idx %arg7[%and3A_189], %broadcast_in_dim3A_38 {add = true} : memref<65536xi32, #tpu.memory_space<vmem>>[vector<16xi32>], vector<16xi32>,
      %mul3A_190 = arith.constant 8 : i32
      %mul3A_191 = arith.muli %scan3A_128, %mul3A_190 : i32
      %add3A_192 = arith.constant 3 : i32
      %add3A_193 = arith.addi %mul3A_191, %add3A_192 : i32
      %mul3A_194 = arith.constant 16 : i32
      %mul3A_195 = arith.muli %add3A_193, %mul3A_194 : i32
      %get3A_196 = arith.constant 0 : i32
      %get3A_197 = arith.index_cast %get3A_196 : i32 to index
      %get3A_198 = arith.index_cast %mul3A_195 : i32 to index
      %get3A_199 = tpu.vector_load %arg5[%get3A_197, %get3A_198] {strides = array<i32>} : memref<2x16384xf32, #tpu.memory_space<vmem>>, vector<16xf32>,
      %bitcast_convert_type3A_200 = tpu.bitcast %get3A_199 : vector<16xf32> -> vector<16xi32>
      %shift_right_arithmetic3A_201 = arith.constant 31 : i32
      %shift_right_arithmetic3A_202 = vector.broadcast %shift_right_arithmetic3A_201 : i32 to vector<16xi32>
      %shift_right_arithmetic3A_203 = arith.shrsi %bitcast_convert_type3A_200, %shift_right_arithmetic3A_202 : vector<16xi32>
      %or3A_204 = vector.broadcast %scan3A_59 : i32 to vector<16xi32>
      %or3A_205 = arith.ori %shift_right_arithmetic3A_203, %or3A_204 : vector<16xi32>
      %xor3A_206 = arith.xori %bitcast_convert_type3A_200, %or3A_205 : vector<16xi32>
      %shift_right_arithmetic3A_207 = arith.constant 16 : i32
      %shift_right_arithmetic3A_208 = vector.broadcast %shift_right_arithmetic3A_207 : i32 to vector<16xi32>
      %shift_right_arithmetic3A_209 = arith.shrsi %xor3A_206, %shift_right_arithmetic3A_208 : vector<16xi32>
      %and3A_210 = vector.broadcast %scan3A_60 : i32 to vector<16xi32>
      %and3A_211 = arith.andi %shift_right_arithmetic3A_209, %and3A_210 : vector<16xi32>
      tpu.vector_store_idx %arg7[%and3A_211], %broadcast_in_dim3A_38 {add = true} : memref<65536xi32, #tpu.memory_space<vmem>>[vector<16xi32>], vector<16xi32>,
      %mul3A_212 = arith.constant 8 : i32
      %mul3A_213 = arith.muli %scan3A_128, %mul3A_212 : i32
      %add3A_214 = arith.constant 4 : i32
      %add3A_215 = arith.addi %mul3A_213, %add3A_214 : i32
      %mul3A_216 = arith.constant 16 : i32
      %mul3A_217 = arith.muli %add3A_215, %mul3A_216 : i32
      %get3A_218 = arith.constant 0 : i32
      %get3A_219 = arith.index_cast %get3A_218 : i32 to index
      %get3A_220 = arith.index_cast %mul3A_217 : i32 to index
      %get3A_221 = tpu.vector_load %arg5[%get3A_219, %get3A_220] {strides = array<i32>} : memref<2x16384xf32, #tpu.memory_space<vmem>>, vector<16xf32>,
      %bitcast_convert_type3A_222 = tpu.bitcast %get3A_221 : vector<16xf32> -> vector<16xi32>
      %shift_right_arithmetic3A_223 = arith.constant 31 : i32
      %shift_right_arithmetic3A_224 = vector.broadcast %shift_right_arithmetic3A_223 : i32 to vector<16xi32>
      %shift_right_arithmetic3A_225 = arith.shrsi %bitcast_convert_type3A_222, %shift_right_arithmetic3A_224 : vector<16xi32>
      %or3A_226 = vector.broadcast %scan3A_59 : i32 to vector<16xi32>
      %or3A_227 = arith.ori %shift_right_arithmetic3A_225, %or3A_226 : vector<16xi32>
      %xor3A_228 = arith.xori %bitcast_convert_type3A_222, %or3A_227 : vector<16xi32>
      %shift_right_arithmetic3A_229 = arith.constant 16 : i32
      %shift_right_arithmetic3A_230 = vector.broadcast %shift_right_arithmetic3A_229 : i32 to vector<16xi32>
      %shift_right_arithmetic3A_231 = arith.shrsi %xor3A_228, %shift_right_arithmetic3A_230 : vector<16xi32>
      %and3A_232 = vector.broadcast %scan3A_60 : i32 to vector<16xi32>
      %and3A_233 = arith.andi %shift_right_arithmetic3A_231, %and3A_232 : vector<16xi32>
      tpu.vector_store_idx %arg7[%and3A_233], %broadcast_in_dim3A_38 {add = true} : memref<65536xi32, #tpu.memory_space<vmem>>[vector<16xi32>], vector<16xi32>,
      %mul3A_234 = arith.constant 8 : i32
      %mul3A_235 = arith.muli %scan3A_128, %mul3A_234 : i32
      %add3A_236 = arith.constant 5 : i32
      %add3A_237 = arith.addi %mul3A_235, %add3A_236 : i32
      %mul3A_238 = arith.constant 16 : i32
      %mul3A_239 = arith.muli %add3A_237, %mul3A_238 : i32
      %get3A_240 = arith.constant 0 : i32
      %get3A_241 = arith.index_cast %get3A_240 : i32 to index
      %get3A_242 = arith.index_cast %mul3A_239 : i32 to index
      %get3A_243 = tpu.vector_load %arg5[%get3A_241, %get3A_242] {strides = array<i32>} : memref<2x16384xf32, #tpu.memory_space<vmem>>, vector<16xf32>,
      %bitcast_convert_type3A_244 = tpu.bitcast %get3A_243 : vector<16xf32> -> vector<16xi32>
      %shift_right_arithmetic3A_245 = arith.constant 31 : i32
      %shift_right_arithmetic3A_246 = vector.broadcast %shift_right_arithmetic3A_245 : i32 to vector<16xi32>
      %shift_right_arithmetic3A_247 = arith.shrsi %bitcast_convert_type3A_244, %shift_right_arithmetic3A_246 : vector<16xi32>
      %or3A_248 = vector.broadcast %scan3A_59 : i32 to vector<16xi32>
      %or3A_249 = arith.ori %shift_right_arithmetic3A_247, %or3A_248 : vector<16xi32>
      %xor3A_250 = arith.xori %bitcast_convert_type3A_244, %or3A_249 : vector<16xi32>
      %shift_right_arithmetic3A_251 = arith.constant 16 : i32
      %shift_right_arithmetic3A_252 = vector.broadcast %shift_right_arithmetic3A_251 : i32 to vector<16xi32>
      %shift_right_arithmetic3A_253 = arith.shrsi %xor3A_250, %shift_right_arithmetic3A_252 : vector<16xi32>
      %and3A_254 = vector.broadcast %scan3A_60 : i32 to vector<16xi32>
      %and3A_255 = arith.andi %shift_right_arithmetic3A_253, %and3A_254 : vector<16xi32>
      tpu.vector_store_idx %arg7[%and3A_255], %broadcast_in_dim3A_38 {add = true} : memref<65536xi32, #tpu.memory_space<vmem>>[vector<16xi32>], vector<16xi32>,
      %mul3A_256 = arith.constant 8 : i32
      %mul3A_257 = arith.muli %scan3A_128, %mul3A_256 : i32
      %add3A_258 = arith.constant 6 : i32
      %add3A_259 = arith.addi %mul3A_257, %add3A_258 : i32
      %mul3A_260 = arith.constant 16 : i32
      %mul3A_261 = arith.muli %add3A_259, %mul3A_260 : i32
      %get3A_262 = arith.constant 0 : i32
      %get3A_263 = arith.index_cast %get3A_262 : i32 to index
      %get3A_264 = arith.index_cast %mul3A_261 : i32 to index
      %get3A_265 = tpu.vector_load %arg5[%get3A_263, %get3A_264] {strides = array<i32>} : memref<2x16384xf32, #tpu.memory_space<vmem>>, vector<16xf32>,
      %bitcast_convert_type3A_266 = tpu.bitcast %get3A_265 : vector<16xf32> -> vector<16xi32>
      %shift_right_arithmetic3A_267 = arith.constant 31 : i32
      %shift_right_arithmetic3A_268 = vector.broadcast %shift_right_arithmetic3A_267 : i32 to vector<16xi32>
      %shift_right_arithmetic3A_269 = arith.shrsi %bitcast_convert_type3A_266, %shift_right_arithmetic3A_268 : vector<16xi32>
      %or3A_270 = vector.broadcast %scan3A_59 : i32 to vector<16xi32>
      %or3A_271 = arith.ori %shift_right_arithmetic3A_269, %or3A_270 : vector<16xi32>
      %xor3A_272 = arith.xori %bitcast_convert_type3A_266, %or3A_271 : vector<16xi32>
      %shift_right_arithmetic3A_273 = arith.constant 16 : i32
      %shift_right_arithmetic3A_274 = vector.broadcast %shift_right_arithmetic3A_273 : i32 to vector<16xi32>
      %shift_right_arithmetic3A_275 = arith.shrsi %xor3A_272, %shift_right_arithmetic3A_274 : vector<16xi32>
      %and3A_276 = vector.broadcast %scan3A_60 : i32 to vector<16xi32>
      %and3A_277 = arith.andi %shift_right_arithmetic3A_275, %and3A_276 : vector<16xi32>
      tpu.vector_store_idx %arg7[%and3A_277], %broadcast_in_dim3A_38 {add = true} : memref<65536xi32, #tpu.memory_space<vmem>>[vector<16xi32>], vector<16xi32>,
      %mul3A_278 = arith.constant 8 : i32
      %mul3A_279 = arith.muli %scan3A_128, %mul3A_278 : i32
      %add3A_280 = arith.constant 7 : i32
      %add3A_281 = arith.addi %mul3A_279, %add3A_280 : i32
      %mul3A_282 = arith.constant 16 : i32
      %mul3A_283 = arith.muli %add3A_281, %mul3A_282 : i32
      %get3A_284 = arith.constant 0 : i32
      %get3A_285 = arith.index_cast %get3A_284 : i32 to index
      %get3A_286 = arith.index_cast %mul3A_283 : i32 to index
      %get3A_287 = tpu.vector_load %arg5[%get3A_285, %get3A_286] {strides = array<i32>} : memref<2x16384xf32, #tpu.memory_space<vmem>>, vector<16xf32>,
      %bitcast_convert_type3A_288 = tpu.bitcast %get3A_287 : vector<16xf32> -> vector<16xi32>
      %shift_right_arithmetic3A_289 = arith.constant 31 : i32
      %shift_right_arithmetic3A_290 = vector.broadcast %shift_right_arithmetic3A_289 : i32 to vector<16xi32>
      %shift_right_arithmetic3A_291 = arith.shrsi %bitcast_convert_type3A_288, %shift_right_arithmetic3A_290 : vector<16xi32>
      %or3A_292 = vector.broadcast %scan3A_59 : i32 to vector<16xi32>
      %or3A_293 = arith.ori %shift_right_arithmetic3A_291, %or3A_292 : vector<16xi32>
      %xor3A_294 = arith.xori %bitcast_convert_type3A_288, %or3A_293 : vector<16xi32>
      %shift_right_arithmetic3A_295 = arith.constant 16 : i32
      %shift_right_arithmetic3A_296 = vector.broadcast %shift_right_arithmetic3A_295 : i32 to vector<16xi32>
      %shift_right_arithmetic3A_297 = arith.shrsi %xor3A_294, %shift_right_arithmetic3A_296 : vector<16xi32>
      %and3A_298 = vector.broadcast %scan3A_60 : i32 to vector<16xi32>
      %and3A_299 = arith.andi %shift_right_arithmetic3A_297, %and3A_298 : vector<16xi32>
      tpu.vector_store_idx %arg7[%and3A_299], %broadcast_in_dim3A_38 {add = true} : memref<65536xi32, #tpu.memory_space<vmem>>[vector<16xi32>], vector<16xi32>,
    }
    %scan3A_65 = arith.constant 128 : i32
    %dma_wait3A_66 = arith.constant 1 : i32
    %dma_wait3A_67 = arith.constant 0 : i32
    %dma_wait3A_68 = tpu.memref_slice %arg5[%dma_wait3A_66, %dma_wait3A_67] : memref<2x16384xf32, #tpu.memory_space<vmem>> -> memref<1x16384xf32, #tpu.memory_space<vmem>>
    %dma_wait3A_69 = tpu.memref_squeeze %dma_wait3A_68 : memref<1x16384xf32, #tpu.memory_space<vmem>> -> memref<16384xf32, #tpu.memory_space<vmem>>
    %dma_wait3A_70 = tpu.memref_slice %arg2[%add3A_14] : memref<2097152xf32, #tpu.memory_space<hbm>> -> memref<16384xf32, #tpu.memory_space<hbm>>
    %dma_wait3A_71 = arith.constant 0 : i32
    %dma_wait3A_72 = tpu.memref_slice %arg5[%dma_wait3A_66, %dma_wait3A_71] : memref<2x16384xf32, #tpu.memory_space<vmem>> -> memref<1x16384xf32, #tpu.memory_space<vmem>>
    %dma_wait3A_73 = tpu.memref_squeeze %dma_wait3A_72 : memref<1x16384xf32, #tpu.memory_space<vmem>> -> memref<16384xf32, #tpu.memory_space<vmem>>
    %dma_wait3A_74 = tpu.memref_slice %arg2[%add3A_14] : memref<2097152xf32, #tpu.memory_space<hbm>> -> memref<16384xf32, #tpu.memory_space<hbm>>
    tpu.wait_dma2 semaphore(%arg9 : memref<!tpu.dma_semaphore, #tpu.memory_space<semaphore_mem>>) src(%dma_wait3A_74 : memref<16384xf32, #tpu.memory_space<hbm>>) dst(%dma_wait3A_73 : memref<16384xf32, #tpu.memory_space<vmem>>)
    %add3A_75 = arith.constant 49152 : i32
    %add3A_76 = arith.addi %multiple_of3A, %add3A_75 : i32
    %dma_start3A_77 = arith.constant 1 : i32
    %dma_start3A_78 = arith.constant 0 : i32
    %dma_start3A_79 = tpu.memref_slice %arg5[%dma_start3A_77, %dma_start3A_78] : memref<2x16384xf32, #tpu.memory_space<vmem>> -> memref<1x16384xf32, #tpu.memory_space<vmem>>
    %dma_start3A_80 = tpu.memref_squeeze %dma_start3A_79 : memref<1x16384xf32, #tpu.memory_space<vmem>> -> memref<16384xf32, #tpu.memory_space<vmem>>
    %dma_start3A_81 = tpu.memref_slice %arg2[%add3A_76] : memref<2097152xf32, #tpu.memory_space<hbm>> -> memref<16384xf32, #tpu.memory_space<hbm>>
    %dma_start3A_82 = arith.constant 0 : i32
    %dma_start3A_83 = tpu.memref_slice %arg5[%dma_start3A_77, %dma_start3A_82] : memref<2x16384xf32, #tpu.memory_space<vmem>> -> memref<1x16384xf32, #tpu.memory_space<vmem>>
    %dma_start3A_84 = tpu.memref_squeeze %dma_start3A_83 : memref<1x16384xf32, #tpu.memory_space<vmem>> -> memref<16384xf32, #tpu.memory_space<vmem>>
    %dma_start3A_85 = tpu.memref_slice %arg2[%add3A_76] : memref<2097152xf32, #tpu.memory_space<hbm>> -> memref<16384xf32, #tpu.memory_space<hbm>>
    tpu.enqueue_dma source(%dma_start3A_85 : memref<16384xf32, #tpu.memory_space<hbm>>) target(%dma_start3A_84 : memref<16384xf32, #tpu.memory_space<vmem>>) target_semaphore(%arg9 : memref<!tpu.dma_semaphore, #tpu.memory_space<semaphore_mem>>)
    %scan3A_86 = arith.constant 0 : i32
    %scan3A_87 = arith.constant -2147483648 : i32
    %scan3A_88 = arith.constant 65535 : i32
    %scan3A_89 = arith.constant 0 : i32
    %scan3A_90 = arith.constant 128 : i32
    %scan3A_91 = arith.addi %scan3A_89, %scan3A_90 : i32
    %scan3A_92 = arith.constant 1 : i32
    scf.for %scan3A_128 = %scan3A_89 to %scan3A_91 step %scan3A_92  : i32 {
      %mul3A_129 = arith.constant 8 : i32
      %mul3A_130 = arith.muli %scan3A_128, %mul3A_129 : i32
      %add3A_131 = arith.constant 0 : i32
      %add3A_132 = arith.addi %mul3A_130, %add3A_131 : i32
      %mul3A_133 = arith.constant 16 : i32
      %mul3A_134 = arith.muli %add3A_132, %mul3A_133 : i32
      %get3A_135 = arith.constant 1 : i32
      %get3A_136 = arith.index_cast %get3A_135 : i32 to index
      %get3A_137 = arith.index_cast %mul3A_134 : i32 to index
      %get3A_138 = tpu.vector_load %arg5[%get3A_136, %get3A_137] {strides = array<i32>} : memref<2x16384xf32, #tpu.memory_space<vmem>>, vector<16xf32>,
      %bitcast_convert_type3A = tpu.bitcast %get3A_138 : vector<16xf32> -> vector<16xi32>
      %shift_right_arithmetic3A = arith.constant 31 : i32
      %shift_right_arithmetic3A_139 = vector.broadcast %shift_right_arithmetic3A : i32 to vector<16xi32>
      %shift_right_arithmetic3A_140 = arith.shrsi %bitcast_convert_type3A, %shift_right_arithmetic3A_139 : vector<16xi32>
      %or3A = vector.broadcast %scan3A_87 : i32 to vector<16xi32>
      %or3A_141 = arith.ori %shift_right_arithmetic3A_140, %or3A : vector<16xi32>
      %xor3A = arith.xori %bitcast_convert_type3A, %or3A_141 : vector<16xi32>
      %shift_right_arithmetic3A_142 = arith.constant 16 : i32
      %shift_right_arithmetic3A_143 = vector.broadcast %shift_right_arithmetic3A_142 : i32 to vector<16xi32>
      %shift_right_arithmetic3A_144 = arith.shrsi %xor3A, %shift_right_arithmetic3A_143 : vector<16xi32>
      %and3A = vector.broadcast %scan3A_88 : i32 to vector<16xi32>
      %and3A_145 = arith.andi %shift_right_arithmetic3A_144, %and3A : vector<16xi32>
      tpu.vector_store_idx %arg7[%and3A_145], %broadcast_in_dim3A_38 {add = true} : memref<65536xi32, #tpu.memory_space<vmem>>[vector<16xi32>], vector<16xi32>,
      %mul3A_146 = arith.constant 8 : i32
      %mul3A_147 = arith.muli %scan3A_128, %mul3A_146 : i32
      %add3A_148 = arith.constant 1 : i32
      %add3A_149 = arith.addi %mul3A_147, %add3A_148 : i32
      %mul3A_150 = arith.constant 16 : i32
      %mul3A_151 = arith.muli %add3A_149, %mul3A_150 : i32
      %get3A_152 = arith.constant 1 : i32
      %get3A_153 = arith.index_cast %get3A_152 : i32 to index
      %get3A_154 = arith.index_cast %mul3A_151 : i32 to index
      %get3A_155 = tpu.vector_load %arg5[%get3A_153, %get3A_154] {strides = array<i32>} : memref<2x16384xf32, #tpu.memory_space<vmem>>, vector<16xf32>,
      %bitcast_convert_type3A_156 = tpu.bitcast %get3A_155 : vector<16xf32> -> vector<16xi32>
      %shift_right_arithmetic3A_157 = arith.constant 31 : i32
      %shift_right_arithmetic3A_158 = vector.broadcast %shift_right_arithmetic3A_157 : i32 to vector<16xi32>
      %shift_right_arithmetic3A_159 = arith.shrsi %bitcast_convert_type3A_156, %shift_right_arithmetic3A_158 : vector<16xi32>
      %or3A_160 = vector.broadcast %scan3A_87 : i32 to vector<16xi32>
      %or3A_161 = arith.ori %shift_right_arithmetic3A_159, %or3A_160 : vector<16xi32>
      %xor3A_162 = arith.xori %bitcast_convert_type3A_156, %or3A_161 : vector<16xi32>
      %shift_right_arithmetic3A_163 = arith.constant 16 : i32
      %shift_right_arithmetic3A_164 = vector.broadcast %shift_right_arithmetic3A_163 : i32 to vector<16xi32>
      %shift_right_arithmetic3A_165 = arith.shrsi %xor3A_162, %shift_right_arithmetic3A_164 : vector<16xi32>
      %and3A_166 = vector.broadcast %scan3A_88 : i32 to vector<16xi32>
      %and3A_167 = arith.andi %shift_right_arithmetic3A_165, %and3A_166 : vector<16xi32>
      tpu.vector_store_idx %arg7[%and3A_167], %broadcast_in_dim3A_38 {add = true} : memref<65536xi32, #tpu.memory_space<vmem>>[vector<16xi32>], vector<16xi32>,
      %mul3A_168 = arith.constant 8 : i32
      %mul3A_169 = arith.muli %scan3A_128, %mul3A_168 : i32
      %add3A_170 = arith.constant 2 : i32
      %add3A_171 = arith.addi %mul3A_169, %add3A_170 : i32
      %mul3A_172 = arith.constant 16 : i32
      %mul3A_173 = arith.muli %add3A_171, %mul3A_172 : i32
      %get3A_174 = arith.constant 1 : i32
      %get3A_175 = arith.index_cast %get3A_174 : i32 to index
      %get3A_176 = arith.index_cast %mul3A_173 : i32 to index
      %get3A_177 = tpu.vector_load %arg5[%get3A_175, %get3A_176] {strides = array<i32>} : memref<2x16384xf32, #tpu.memory_space<vmem>>, vector<16xf32>,
      %bitcast_convert_type3A_178 = tpu.bitcast %get3A_177 : vector<16xf32> -> vector<16xi32>
      %shift_right_arithmetic3A_179 = arith.constant 31 : i32
      %shift_right_arithmetic3A_180 = vector.broadcast %shift_right_arithmetic3A_179 : i32 to vector<16xi32>
      %shift_right_arithmetic3A_181 = arith.shrsi %bitcast_convert_type3A_178, %shift_right_arithmetic3A_180 : vector<16xi32>
      %or3A_182 = vector.broadcast %scan3A_87 : i32 to vector<16xi32>
      %or3A_183 = arith.ori %shift_right_arithmetic3A_181, %or3A_182 : vector<16xi32>
      %xor3A_184 = arith.xori %bitcast_convert_type3A_178, %or3A_183 : vector<16xi32>
      %shift_right_arithmetic3A_185 = arith.constant 16 : i32
      %shift_right_arithmetic3A_186 = vector.broadcast %shift_right_arithmetic3A_185 : i32 to vector<16xi32>
      %shift_right_arithmetic3A_187 = arith.shrsi %xor3A_184, %shift_right_arithmetic3A_186 : vector<16xi32>
      %and3A_188 = vector.broadcast %scan3A_88 : i32 to vector<16xi32>
      %and3A_189 = arith.andi %shift_right_arithmetic3A_187, %and3A_188 : vector<16xi32>
      tpu.vector_store_idx %arg7[%and3A_189], %broadcast_in_dim3A_38 {add = true} : memref<65536xi32, #tpu.memory_space<vmem>>[vector<16xi32>], vector<16xi32>,
      %mul3A_190 = arith.constant 8 : i32
      %mul3A_191 = arith.muli %scan3A_128, %mul3A_190 : i32
      %add3A_192 = arith.constant 3 : i32
      %add3A_193 = arith.addi %mul3A_191, %add3A_192 : i32
      %mul3A_194 = arith.constant 16 : i32
      %mul3A_195 = arith.muli %add3A_193, %mul3A_194 : i32
      %get3A_196 = arith.constant 1 : i32
      %get3A_197 = arith.index_cast %get3A_196 : i32 to index
      %get3A_198 = arith.index_cast %mul3A_195 : i32 to index
      %get3A_199 = tpu.vector_load %arg5[%get3A_197, %get3A_198] {strides = array<i32>} : memref<2x16384xf32, #tpu.memory_space<vmem>>, vector<16xf32>,
      %bitcast_convert_type3A_200 = tpu.bitcast %get3A_199 : vector<16xf32> -> vector<16xi32>
      %shift_right_arithmetic3A_201 = arith.constant 31 : i32
      %shift_right_arithmetic3A_202 = vector.broadcast %shift_right_arithmetic3A_201 : i32 to vector<16xi32>
      %shift_right_arithmetic3A_203 = arith.shrsi %bitcast_convert_type3A_200, %shift_right_arithmetic3A_202 : vector<16xi32>
      %or3A_204 = vector.broadcast %scan3A_87 : i32 to vector<16xi32>
      %or3A_205 = arith.ori %shift_right_arithmetic3A_203, %or3A_204 : vector<16xi32>
      %xor3A_206 = arith.xori %bitcast_convert_type3A_200, %or3A_205 : vector<16xi32>
      %shift_right_arithmetic3A_207 = arith.constant 16 : i32
      %shift_right_arithmetic3A_208 = vector.broadcast %shift_right_arithmetic3A_207 : i32 to vector<16xi32>
      %shift_right_arithmetic3A_209 = arith.shrsi %xor3A_206, %shift_right_arithmetic3A_208 : vector<16xi32>
      %and3A_210 = vector.broadcast %scan3A_88 : i32 to vector<16xi32>
      %and3A_211 = arith.andi %shift_right_arithmetic3A_209, %and3A_210 : vector<16xi32>
      tpu.vector_store_idx %arg7[%and3A_211], %broadcast_in_dim3A_38 {add = true} : memref<65536xi32, #tpu.memory_space<vmem>>[vector<16xi32>], vector<16xi32>,
      %mul3A_212 = arith.constant 8 : i32
      %mul3A_213 = arith.muli %scan3A_128, %mul3A_212 : i32
      %add3A_214 = arith.constant 4 : i32
      %add3A_215 = arith.addi %mul3A_213, %add3A_214 : i32
      %mul3A_216 = arith.constant 16 : i32
      %mul3A_217 = arith.muli %add3A_215, %mul3A_216 : i32
      %get3A_218 = arith.constant 1 : i32
      %get3A_219 = arith.index_cast %get3A_218 : i32 to index
      %get3A_220 = arith.index_cast %mul3A_217 : i32 to index
      %get3A_221 = tpu.vector_load %arg5[%get3A_219, %get3A_220] {strides = array<i32>} : memref<2x16384xf32, #tpu.memory_space<vmem>>, vector<16xf32>,
      %bitcast_convert_type3A_222 = tpu.bitcast %get3A_221 : vector<16xf32> -> vector<16xi32>
      %shift_right_arithmetic3A_223 = arith.constant 31 : i32
      %shift_right_arithmetic3A_224 = vector.broadcast %shift_right_arithmetic3A_223 : i32 to vector<16xi32>
      %shift_right_arithmetic3A_225 = arith.shrsi %bitcast_convert_type3A_222, %shift_right_arithmetic3A_224 : vector<16xi32>
      %or3A_226 = vector.broadcast %scan3A_87 : i32 to vector<16xi32>
      %or3A_227 = arith.ori %shift_right_arithmetic3A_225, %or3A_226 : vector<16xi32>
      %xor3A_228 = arith.xori %bitcast_convert_type3A_222, %or3A_227 : vector<16xi32>
      %shift_right_arithmetic3A_229 = arith.constant 16 : i32
      %shift_right_arithmetic3A_230 = vector.broadcast %shift_right_arithmetic3A_229 : i32 to vector<16xi32>
      %shift_right_arithmetic3A_231 = arith.shrsi %xor3A_228, %shift_right_arithmetic3A_230 : vector<16xi32>
      %and3A_232 = vector.broadcast %scan3A_88 : i32 to vector<16xi32>
      %and3A_233 = arith.andi %shift_right_arithmetic3A_231, %and3A_232 : vector<16xi32>
      tpu.vector_store_idx %arg7[%and3A_233], %broadcast_in_dim3A_38 {add = true} : memref<65536xi32, #tpu.memory_space<vmem>>[vector<16xi32>], vector<16xi32>,
      %mul3A_234 = arith.constant 8 : i32
      %mul3A_235 = arith.muli %scan3A_128, %mul3A_234 : i32
      %add3A_236 = arith.constant 5 : i32
      %add3A_237 = arith.addi %mul3A_235, %add3A_236 : i32
      %mul3A_238 = arith.constant 16 : i32
      %mul3A_239 = arith.muli %add3A_237, %mul3A_238 : i32
      %get3A_240 = arith.constant 1 : i32
      %get3A_241 = arith.index_cast %get3A_240 : i32 to index
      %get3A_242 = arith.index_cast %mul3A_239 : i32 to index
      %get3A_243 = tpu.vector_load %arg5[%get3A_241, %get3A_242] {strides = array<i32>} : memref<2x16384xf32, #tpu.memory_space<vmem>>, vector<16xf32>,
      %bitcast_convert_type3A_244 = tpu.bitcast %get3A_243 : vector<16xf32> -> vector<16xi32>
      %shift_right_arithmetic3A_245 = arith.constant 31 : i32
      %shift_right_arithmetic3A_246 = vector.broadcast %shift_right_arithmetic3A_245 : i32 to vector<16xi32>
      %shift_right_arithmetic3A_247 = arith.shrsi %bitcast_convert_type3A_244, %shift_right_arithmetic3A_246 : vector<16xi32>
      %or3A_248 = vector.broadcast %scan3A_87 : i32 to vector<16xi32>
      %or3A_249 = arith.ori %shift_right_arithmetic3A_247, %or3A_248 : vector<16xi32>
      %xor3A_250 = arith.xori %bitcast_convert_type3A_244, %or3A_249 : vector<16xi32>
      %shift_right_arithmetic3A_251 = arith.constant 16 : i32
      %shift_right_arithmetic3A_252 = vector.broadcast %shift_right_arithmetic3A_251 : i32 to vector<16xi32>
      %shift_right_arithmetic3A_253 = arith.shrsi %xor3A_250, %shift_right_arithmetic3A_252 : vector<16xi32>
      %and3A_254 = vector.broadcast %scan3A_88 : i32 to vector<16xi32>
      %and3A_255 = arith.andi %shift_right_arithmetic3A_253, %and3A_254 : vector<16xi32>
      tpu.vector_store_idx %arg7[%and3A_255], %broadcast_in_dim3A_38 {add = true} : memref<65536xi32, #tpu.memory_space<vmem>>[vector<16xi32>], vector<16xi32>,
      %mul3A_256 = arith.constant 8 : i32
      %mul3A_257 = arith.muli %scan3A_128, %mul3A_256 : i32
      %add3A_258 = arith.constant 6 : i32
      %add3A_259 = arith.addi %mul3A_257, %add3A_258 : i32
      %mul3A_260 = arith.constant 16 : i32
      %mul3A_261 = arith.muli %add3A_259, %mul3A_260 : i32
      %get3A_262 = arith.constant 1 : i32
      %get3A_263 = arith.index_cast %get3A_262 : i32 to index
      %get3A_264 = arith.index_cast %mul3A_261 : i32 to index
      %get3A_265 = tpu.vector_load %arg5[%get3A_263, %get3A_264] {strides = array<i32>} : memref<2x16384xf32, #tpu.memory_space<vmem>>, vector<16xf32>,
      %bitcast_convert_type3A_266 = tpu.bitcast %get3A_265 : vector<16xf32> -> vector<16xi32>
      %shift_right_arithmetic3A_267 = arith.constant 31 : i32
      %shift_right_arithmetic3A_268 = vector.broadcast %shift_right_arithmetic3A_267 : i32 to vector<16xi32>
      %shift_right_arithmetic3A_269 = arith.shrsi %bitcast_convert_type3A_266, %shift_right_arithmetic3A_268 : vector<16xi32>
      %or3A_270 = vector.broadcast %scan3A_87 : i32 to vector<16xi32>
      %or3A_271 = arith.ori %shift_right_arithmetic3A_269, %or3A_270 : vector<16xi32>
      %xor3A_272 = arith.xori %bitcast_convert_type3A_266, %or3A_271 : vector<16xi32>
      %shift_right_arithmetic3A_273 = arith.constant 16 : i32
      %shift_right_arithmetic3A_274 = vector.broadcast %shift_right_arithmetic3A_273 : i32 to vector<16xi32>
      %shift_right_arithmetic3A_275 = arith.shrsi %xor3A_272, %shift_right_arithmetic3A_274 : vector<16xi32>
      %and3A_276 = vector.broadcast %scan3A_88 : i32 to vector<16xi32>
      %and3A_277 = arith.andi %shift_right_arithmetic3A_275, %and3A_276 : vector<16xi32>
      tpu.vector_store_idx %arg7[%and3A_277], %broadcast_in_dim3A_38 {add = true} : memref<65536xi32, #tpu.memory_space<vmem>>[vector<16xi32>], vector<16xi32>,
      %mul3A_278 = arith.constant 8 : i32
      %mul3A_279 = arith.muli %scan3A_128, %mul3A_278 : i32
      %add3A_280 = arith.constant 7 : i32
      %add3A_281 = arith.addi %mul3A_279, %add3A_280 : i32
      %mul3A_282 = arith.constant 16 : i32
      %mul3A_283 = arith.muli %add3A_281, %mul3A_282 : i32
      %get3A_284 = arith.constant 1 : i32
      %get3A_285 = arith.index_cast %get3A_284 : i32 to index
      %get3A_286 = arith.index_cast %mul3A_283 : i32 to index
      %get3A_287 = tpu.vector_load %arg5[%get3A_285, %get3A_286] {strides = array<i32>} : memref<2x16384xf32, #tpu.memory_space<vmem>>, vector<16xf32>,
      %bitcast_convert_type3A_288 = tpu.bitcast %get3A_287 : vector<16xf32> -> vector<16xi32>
      %shift_right_arithmetic3A_289 = arith.constant 31 : i32
      %shift_right_arithmetic3A_290 = vector.broadcast %shift_right_arithmetic3A_289 : i32 to vector<16xi32>
      %shift_right_arithmetic3A_291 = arith.shrsi %bitcast_convert_type3A_288, %shift_right_arithmetic3A_290 : vector<16xi32>
      %or3A_292 = vector.broadcast %scan3A_87 : i32 to vector<16xi32>
      %or3A_293 = arith.ori %shift_right_arithmetic3A_291, %or3A_292 : vector<16xi32>
      %xor3A_294 = arith.xori %bitcast_convert_type3A_288, %or3A_293 : vector<16xi32>
      %shift_right_arithmetic3A_295 = arith.constant 16 : i32
      %shift_right_arithmetic3A_296 = vector.broadcast %shift_right_arithmetic3A_295 : i32 to vector<16xi32>
      %shift_right_arithmetic3A_297 = arith.shrsi %xor3A_294, %shift_right_arithmetic3A_296 : vector<16xi32>
      %and3A_298 = vector.broadcast %scan3A_88 : i32 to vector<16xi32>
      %and3A_299 = arith.andi %shift_right_arithmetic3A_297, %and3A_298 : vector<16xi32>
      tpu.vector_store_idx %arg7[%and3A_299], %broadcast_in_dim3A_38 {add = true} : memref<65536xi32, #tpu.memory_space<vmem>>[vector<16xi32>], vector<16xi32>,
    }
    %scan3A_93 = arith.constant 128 : i32
    %dma_wait3A_94 = arith.constant 0 : i32
    %dma_wait3A_95 = arith.constant 0 : i32
    %dma_wait3A_96 = tpu.memref_slice %arg5[%dma_wait3A_94, %dma_wait3A_95] : memref<2x16384xf32, #tpu.memory_space<vmem>> -> memref<1x16384xf32, #tpu.memory_space<vmem>>
    %dma_wait3A_97 = tpu.memref_squeeze %dma_wait3A_96 : memref<1x16384xf32, #tpu.memory_space<vmem>> -> memref<16384xf32, #tpu.memory_space<vmem>>
    %dma_wait3A_98 = tpu.memref_slice %arg2[%add3A_48] : memref<2097152xf32, #tpu.memory_space<hbm>> -> memref<16384xf32, #tpu.memory_space<hbm>>
    %dma_wait3A_99 = arith.constant 0 : i32
    %dma_wait3A_100 = tpu.memref_slice %arg5[%dma_wait3A_94, %dma_wait3A_99] : memref<2x16384xf32, #tpu.memory_space<vmem>> -> memref<1x16384xf32, #tpu.memory_space<vmem>>
    %dma_wait3A_101 = tpu.memref_squeeze %dma_wait3A_100 : memref<1x16384xf32, #tpu.memory_space<vmem>> -> memref<16384xf32, #tpu.memory_space<vmem>>
    %dma_wait3A_102 = tpu.memref_slice %arg2[%add3A_48] : memref<2097152xf32, #tpu.memory_space<hbm>> -> memref<16384xf32, #tpu.memory_space<hbm>>
    tpu.wait_dma2 semaphore(%arg8 : memref<!tpu.dma_semaphore, #tpu.memory_space<semaphore_mem>>) src(%dma_wait3A_102 : memref<16384xf32, #tpu.memory_space<hbm>>) dst(%dma_wait3A_101 : memref<16384xf32, #tpu.memory_space<vmem>>)
    %scan3A_103 = arith.constant 0 : i32
    %scan3A_104 = arith.constant -2147483648 : i32
    %scan3A_105 = arith.constant 65535 : i32
    %scan3A_106 = arith.constant 0 : i32
    %scan3A_107 = arith.constant 128 : i32
    %scan3A_108 = arith.addi %scan3A_106, %scan3A_107 : i32
    %scan3A_109 = arith.constant 1 : i32
    scf.for %scan3A_128 = %scan3A_106 to %scan3A_108 step %scan3A_109  : i32 {
      %mul3A_129 = arith.constant 8 : i32
      %mul3A_130 = arith.muli %scan3A_128, %mul3A_129 : i32
      %add3A_131 = arith.constant 0 : i32
      %add3A_132 = arith.addi %mul3A_130, %add3A_131 : i32
      %mul3A_133 = arith.constant 16 : i32
      %mul3A_134 = arith.muli %add3A_132, %mul3A_133 : i32
      %get3A_135 = arith.constant 0 : i32
      %get3A_136 = arith.index_cast %get3A_135 : i32 to index
      %get3A_137 = arith.index_cast %mul3A_134 : i32 to index
      %get3A_138 = tpu.vector_load %arg5[%get3A_136, %get3A_137] {strides = array<i32>} : memref<2x16384xf32, #tpu.memory_space<vmem>>, vector<16xf32>,
      %bitcast_convert_type3A = tpu.bitcast %get3A_138 : vector<16xf32> -> vector<16xi32>
      %shift_right_arithmetic3A = arith.constant 31 : i32
      %shift_right_arithmetic3A_139 = vector.broadcast %shift_right_arithmetic3A : i32 to vector<16xi32>
      %shift_right_arithmetic3A_140 = arith.shrsi %bitcast_convert_type3A, %shift_right_arithmetic3A_139 : vector<16xi32>
      %or3A = vector.broadcast %scan3A_104 : i32 to vector<16xi32>
      %or3A_141 = arith.ori %shift_right_arithmetic3A_140, %or3A : vector<16xi32>
      %xor3A = arith.xori %bitcast_convert_type3A, %or3A_141 : vector<16xi32>
      %shift_right_arithmetic3A_142 = arith.constant 16 : i32
      %shift_right_arithmetic3A_143 = vector.broadcast %shift_right_arithmetic3A_142 : i32 to vector<16xi32>
      %shift_right_arithmetic3A_144 = arith.shrsi %xor3A, %shift_right_arithmetic3A_143 : vector<16xi32>
      %and3A = vector.broadcast %scan3A_105 : i32 to vector<16xi32>
      %and3A_145 = arith.andi %shift_right_arithmetic3A_144, %and3A : vector<16xi32>
      tpu.vector_store_idx %arg7[%and3A_145], %broadcast_in_dim3A_38 {add = true} : memref<65536xi32, #tpu.memory_space<vmem>>[vector<16xi32>], vector<16xi32>,
      %mul3A_146 = arith.constant 8 : i32
      %mul3A_147 = arith.muli %scan3A_128, %mul3A_146 : i32
      %add3A_148 = arith.constant 1 : i32
      %add3A_149 = arith.addi %mul3A_147, %add3A_148 : i32
      %mul3A_150 = arith.constant 16 : i32
      %mul3A_151 = arith.muli %add3A_149, %mul3A_150 : i32
      %get3A_152 = arith.constant 0 : i32
      %get3A_153 = arith.index_cast %get3A_152 : i32 to index
      %get3A_154 = arith.index_cast %mul3A_151 : i32 to index
      %get3A_155 = tpu.vector_load %arg5[%get3A_153, %get3A_154] {strides = array<i32>} : memref<2x16384xf32, #tpu.memory_space<vmem>>, vector<16xf32>,
      %bitcast_convert_type3A_156 = tpu.bitcast %get3A_155 : vector<16xf32> -> vector<16xi32>
      %shift_right_arithmetic3A_157 = arith.constant 31 : i32
      %shift_right_arithmetic3A_158 = vector.broadcast %shift_right_arithmetic3A_157 : i32 to vector<16xi32>
      %shift_right_arithmetic3A_159 = arith.shrsi %bitcast_convert_type3A_156, %shift_right_arithmetic3A_158 : vector<16xi32>
      %or3A_160 = vector.broadcast %scan3A_104 : i32 to vector<16xi32>
      %or3A_161 = arith.ori %shift_right_arithmetic3A_159, %or3A_160 : vector<16xi32>
      %xor3A_162 = arith.xori %bitcast_convert_type3A_156, %or3A_161 : vector<16xi32>
      %shift_right_arithmetic3A_163 = arith.constant 16 : i32
      %shift_right_arithmetic3A_164 = vector.broadcast %shift_right_arithmetic3A_163 : i32 to vector<16xi32>
      %shift_right_arithmetic3A_165 = arith.shrsi %xor3A_162, %shift_right_arithmetic3A_164 : vector<16xi32>
      %and3A_166 = vector.broadcast %scan3A_105 : i32 to vector<16xi32>
      %and3A_167 = arith.andi %shift_right_arithmetic3A_165, %and3A_166 : vector<16xi32>
      tpu.vector_store_idx %arg7[%and3A_167], %broadcast_in_dim3A_38 {add = true} : memref<65536xi32, #tpu.memory_space<vmem>>[vector<16xi32>], vector<16xi32>,
      %mul3A_168 = arith.constant 8 : i32
      %mul3A_169 = arith.muli %scan3A_128, %mul3A_168 : i32
      %add3A_170 = arith.constant 2 : i32
      %add3A_171 = arith.addi %mul3A_169, %add3A_170 : i32
      %mul3A_172 = arith.constant 16 : i32
      %mul3A_173 = arith.muli %add3A_171, %mul3A_172 : i32
      %get3A_174 = arith.constant 0 : i32
      %get3A_175 = arith.index_cast %get3A_174 : i32 to index
      %get3A_176 = arith.index_cast %mul3A_173 : i32 to index
      %get3A_177 = tpu.vector_load %arg5[%get3A_175, %get3A_176] {strides = array<i32>} : memref<2x16384xf32, #tpu.memory_space<vmem>>, vector<16xf32>,
      %bitcast_convert_type3A_178 = tpu.bitcast %get3A_177 : vector<16xf32> -> vector<16xi32>
      %shift_right_arithmetic3A_179 = arith.constant 31 : i32
      %shift_right_arithmetic3A_180 = vector.broadcast %shift_right_arithmetic3A_179 : i32 to vector<16xi32>
      %shift_right_arithmetic3A_181 = arith.shrsi %bitcast_convert_type3A_178, %shift_right_arithmetic3A_180 : vector<16xi32>
      %or3A_182 = vector.broadcast %scan3A_104 : i32 to vector<16xi32>
      %or3A_183 = arith.ori %shift_right_arithmetic3A_181, %or3A_182 : vector<16xi32>
      %xor3A_184 = arith.xori %bitcast_convert_type3A_178, %or3A_183 : vector<16xi32>
      %shift_right_arithmetic3A_185 = arith.constant 16 : i32
      %shift_right_arithmetic3A_186 = vector.broadcast %shift_right_arithmetic3A_185 : i32 to vector<16xi32>
      %shift_right_arithmetic3A_187 = arith.shrsi %xor3A_184, %shift_right_arithmetic3A_186 : vector<16xi32>
      %and3A_188 = vector.broadcast %scan3A_105 : i32 to vector<16xi32>
      %and3A_189 = arith.andi %shift_right_arithmetic3A_187, %and3A_188 : vector<16xi32>
      tpu.vector_store_idx %arg7[%and3A_189], %broadcast_in_dim3A_38 {add = true} : memref<65536xi32, #tpu.memory_space<vmem>>[vector<16xi32>], vector<16xi32>,
      %mul3A_190 = arith.constant 8 : i32
      %mul3A_191 = arith.muli %scan3A_128, %mul3A_190 : i32
      %add3A_192 = arith.constant 3 : i32
      %add3A_193 = arith.addi %mul3A_191, %add3A_192 : i32
      %mul3A_194 = arith.constant 16 : i32
      %mul3A_195 = arith.muli %add3A_193, %mul3A_194 : i32
      %get3A_196 = arith.constant 0 : i32
      %get3A_197 = arith.index_cast %get3A_196 : i32 to index
      %get3A_198 = arith.index_cast %mul3A_195 : i32 to index
      %get3A_199 = tpu.vector_load %arg5[%get3A_197, %get3A_198] {strides = array<i32>} : memref<2x16384xf32, #tpu.memory_space<vmem>>, vector<16xf32>,
      %bitcast_convert_type3A_200 = tpu.bitcast %get3A_199 : vector<16xf32> -> vector<16xi32>
      %shift_right_arithmetic3A_201 = arith.constant 31 : i32
      %shift_right_arithmetic3A_202 = vector.broadcast %shift_right_arithmetic3A_201 : i32 to vector<16xi32>
      %shift_right_arithmetic3A_203 = arith.shrsi %bitcast_convert_type3A_200, %shift_right_arithmetic3A_202 : vector<16xi32>
      %or3A_204 = vector.broadcast %scan3A_104 : i32 to vector<16xi32>
      %or3A_205 = arith.ori %shift_right_arithmetic3A_203, %or3A_204 : vector<16xi32>
      %xor3A_206 = arith.xori %bitcast_convert_type3A_200, %or3A_205 : vector<16xi32>
      %shift_right_arithmetic3A_207 = arith.constant 16 : i32
      %shift_right_arithmetic3A_208 = vector.broadcast %shift_right_arithmetic3A_207 : i32 to vector<16xi32>
      %shift_right_arithmetic3A_209 = arith.shrsi %xor3A_206, %shift_right_arithmetic3A_208 : vector<16xi32>
      %and3A_210 = vector.broadcast %scan3A_105 : i32 to vector<16xi32>
      %and3A_211 = arith.andi %shift_right_arithmetic3A_209, %and3A_210 : vector<16xi32>
      tpu.vector_store_idx %arg7[%and3A_211], %broadcast_in_dim3A_38 {add = true} : memref<65536xi32, #tpu.memory_space<vmem>>[vector<16xi32>], vector<16xi32>,
      %mul3A_212 = arith.constant 8 : i32
      %mul3A_213 = arith.muli %scan3A_128, %mul3A_212 : i32
      %add3A_214 = arith.constant 4 : i32
      %add3A_215 = arith.addi %mul3A_213, %add3A_214 : i32
      %mul3A_216 = arith.constant 16 : i32
      %mul3A_217 = arith.muli %add3A_215, %mul3A_216 : i32
      %get3A_218 = arith.constant 0 : i32
      %get3A_219 = arith.index_cast %get3A_218 : i32 to index
      %get3A_220 = arith.index_cast %mul3A_217 : i32 to index
      %get3A_221 = tpu.vector_load %arg5[%get3A_219, %get3A_220] {strides = array<i32>} : memref<2x16384xf32, #tpu.memory_space<vmem>>, vector<16xf32>,
      %bitcast_convert_type3A_222 = tpu.bitcast %get3A_221 : vector<16xf32> -> vector<16xi32>
      %shift_right_arithmetic3A_223 = arith.constant 31 : i32
      %shift_right_arithmetic3A_224 = vector.broadcast %shift_right_arithmetic3A_223 : i32 to vector<16xi32>
      %shift_right_arithmetic3A_225 = arith.shrsi %bitcast_convert_type3A_222, %shift_right_arithmetic3A_224 : vector<16xi32>
      %or3A_226 = vector.broadcast %scan3A_104 : i32 to vector<16xi32>
      %or3A_227 = arith.ori %shift_right_arithmetic3A_225, %or3A_226 : vector<16xi32>
      %xor3A_228 = arith.xori %bitcast_convert_type3A_222, %or3A_227 : vector<16xi32>
      %shift_right_arithmetic3A_229 = arith.constant 16 : i32
      %shift_right_arithmetic3A_230 = vector.broadcast %shift_right_arithmetic3A_229 : i32 to vector<16xi32>
      %shift_right_arithmetic3A_231 = arith.shrsi %xor3A_228, %shift_right_arithmetic3A_230 : vector<16xi32>
      %and3A_232 = vector.broadcast %scan3A_105 : i32 to vector<16xi32>
      %and3A_233 = arith.andi %shift_right_arithmetic3A_231, %and3A_232 : vector<16xi32>
      tpu.vector_store_idx %arg7[%and3A_233], %broadcast_in_dim3A_38 {add = true} : memref<65536xi32, #tpu.memory_space<vmem>>[vector<16xi32>], vector<16xi32>,
      %mul3A_234 = arith.constant 8 : i32
      %mul3A_235 = arith.muli %scan3A_128, %mul3A_234 : i32
      %add3A_236 = arith.constant 5 : i32
      %add3A_237 = arith.addi %mul3A_235, %add3A_236 : i32
      %mul3A_238 = arith.constant 16 : i32
      %mul3A_239 = arith.muli %add3A_237, %mul3A_238 : i32
      %get3A_240 = arith.constant 0 : i32
      %get3A_241 = arith.index_cast %get3A_240 : i32 to index
      %get3A_242 = arith.index_cast %mul3A_239 : i32 to index
      %get3A_243 = tpu.vector_load %arg5[%get3A_241, %get3A_242] {strides = array<i32>} : memref<2x16384xf32, #tpu.memory_space<vmem>>, vector<16xf32>,
      %bitcast_convert_type3A_244 = tpu.bitcast %get3A_243 : vector<16xf32> -> vector<16xi32>
      %shift_right_arithmetic3A_245 = arith.constant 31 : i32
      %shift_right_arithmetic3A_246 = vector.broadcast %shift_right_arithmetic3A_245 : i32 to vector<16xi32>
      %shift_right_arithmetic3A_247 = arith.shrsi %bitcast_convert_type3A_244, %shift_right_arithmetic3A_246 : vector<16xi32>
      %or3A_248 = vector.broadcast %scan3A_104 : i32 to vector<16xi32>
      %or3A_249 = arith.ori %shift_right_arithmetic3A_247, %or3A_248 : vector<16xi32>
      %xor3A_250 = arith.xori %bitcast_convert_type3A_244, %or3A_249 : vector<16xi32>
      %shift_right_arithmetic3A_251 = arith.constant 16 : i32
      %shift_right_arithmetic3A_252 = vector.broadcast %shift_right_arithmetic3A_251 : i32 to vector<16xi32>
      %shift_right_arithmetic3A_253 = arith.shrsi %xor3A_250, %shift_right_arithmetic3A_252 : vector<16xi32>
      %and3A_254 = vector.broadcast %scan3A_105 : i32 to vector<16xi32>
      %and3A_255 = arith.andi %shift_right_arithmetic3A_253, %and3A_254 : vector<16xi32>
      tpu.vector_store_idx %arg7[%and3A_255], %broadcast_in_dim3A_38 {add = true} : memref<65536xi32, #tpu.memory_space<vmem>>[vector<16xi32>], vector<16xi32>,
      %mul3A_256 = arith.constant 8 : i32
      %mul3A_257 = arith.muli %scan3A_128, %mul3A_256 : i32
      %add3A_258 = arith.constant 6 : i32
      %add3A_259 = arith.addi %mul3A_257, %add3A_258 : i32
      %mul3A_260 = arith.constant 16 : i32
      %mul3A_261 = arith.muli %add3A_259, %mul3A_260 : i32
      %get3A_262 = arith.constant 0 : i32
      %get3A_263 = arith.index_cast %get3A_262 : i32 to index
      %get3A_264 = arith.index_cast %mul3A_261 : i32 to index
      %get3A_265 = tpu.vector_load %arg5[%get3A_263, %get3A_264] {strides = array<i32>} : memref<2x16384xf32, #tpu.memory_space<vmem>>, vector<16xf32>,
      %bitcast_convert_type3A_266 = tpu.bitcast %get3A_265 : vector<16xf32> -> vector<16xi32>
      %shift_right_arithmetic3A_267 = arith.constant 31 : i32
      %shift_right_arithmetic3A_268 = vector.broadcast %shift_right_arithmetic3A_267 : i32 to vector<16xi32>
      %shift_right_arithmetic3A_269 = arith.shrsi %bitcast_convert_type3A_266, %shift_right_arithmetic3A_268 : vector<16xi32>
      %or3A_270 = vector.broadcast %scan3A_104 : i32 to vector<16xi32>
      %or3A_271 = arith.ori %shift_right_arithmetic3A_269, %or3A_270 : vector<16xi32>
      %xor3A_272 = arith.xori %bitcast_convert_type3A_266, %or3A_271 : vector<16xi32>
      %shift_right_arithmetic3A_273 = arith.constant 16 : i32
      %shift_right_arithmetic3A_274 = vector.broadcast %shift_right_arithmetic3A_273 : i32 to vector<16xi32>
      %shift_right_arithmetic3A_275 = arith.shrsi %xor3A_272, %shift_right_arithmetic3A_274 : vector<16xi32>
      %and3A_276 = vector.broadcast %scan3A_105 : i32 to vector<16xi32>
      %and3A_277 = arith.andi %shift_right_arithmetic3A_275, %and3A_276 : vector<16xi32>
      tpu.vector_store_idx %arg7[%and3A_277], %broadcast_in_dim3A_38 {add = true} : memref<65536xi32, #tpu.memory_space<vmem>>[vector<16xi32>], vector<16xi32>,
      %mul3A_278 = arith.constant 8 : i32
      %mul3A_279 = arith.muli %scan3A_128, %mul3A_278 : i32
      %add3A_280 = arith.constant 7 : i32
      %add3A_281 = arith.addi %mul3A_279, %add3A_280 : i32
      %mul3A_282 = arith.constant 16 : i32
      %mul3A_283 = arith.muli %add3A_281, %mul3A_282 : i32
      %get3A_284 = arith.constant 0 : i32
      %get3A_285 = arith.index_cast %get3A_284 : i32 to index
      %get3A_286 = arith.index_cast %mul3A_283 : i32 to index
      %get3A_287 = tpu.vector_load %arg5[%get3A_285, %get3A_286] {strides = array<i32>} : memref<2x16384xf32, #tpu.memory_space<vmem>>, vector<16xf32>,
      %bitcast_convert_type3A_288 = tpu.bitcast %get3A_287 : vector<16xf32> -> vector<16xi32>
      %shift_right_arithmetic3A_289 = arith.constant 31 : i32
      %shift_right_arithmetic3A_290 = vector.broadcast %shift_right_arithmetic3A_289 : i32 to vector<16xi32>
      %shift_right_arithmetic3A_291 = arith.shrsi %bitcast_convert_type3A_288, %shift_right_arithmetic3A_290 : vector<16xi32>
      %or3A_292 = vector.broadcast %scan3A_104 : i32 to vector<16xi32>
      %or3A_293 = arith.ori %shift_right_arithmetic3A_291, %or3A_292 : vector<16xi32>
      %xor3A_294 = arith.xori %bitcast_convert_type3A_288, %or3A_293 : vector<16xi32>
      %shift_right_arithmetic3A_295 = arith.constant 16 : i32
      %shift_right_arithmetic3A_296 = vector.broadcast %shift_right_arithmetic3A_295 : i32 to vector<16xi32>
      %shift_right_arithmetic3A_297 = arith.shrsi %xor3A_294, %shift_right_arithmetic3A_296 : vector<16xi32>
      %and3A_298 = vector.broadcast %scan3A_105 : i32 to vector<16xi32>
      %and3A_299 = arith.andi %shift_right_arithmetic3A_297, %and3A_298 : vector<16xi32>
      tpu.vector_store_idx %arg7[%and3A_299], %broadcast_in_dim3A_38 {add = true} : memref<65536xi32, #tpu.memory_space<vmem>>[vector<16xi32>], vector<16xi32>,
    }
    %scan3A_110 = arith.constant 128 : i32
    %dma_wait3A_111 = arith.constant 1 : i32
    %dma_wait3A_112 = arith.constant 0 : i32
    %dma_wait3A_113 = tpu.memref_slice %arg5[%dma_wait3A_111, %dma_wait3A_112] : memref<2x16384xf32, #tpu.memory_space<vmem>> -> memref<1x16384xf32, #tpu.memory_space<vmem>>
    %dma_wait3A_114 = tpu.memref_squeeze %dma_wait3A_113 : memref<1x16384xf32, #tpu.memory_space<vmem>> -> memref<16384xf32, #tpu.memory_space<vmem>>
    %dma_wait3A_115 = tpu.memref_slice %arg2[%add3A_76] : memref<2097152xf32, #tpu.memory_space<hbm>> -> memref<16384xf32, #tpu.memory_space<hbm>>
    %dma_wait3A_116 = arith.constant 0 : i32
    %dma_wait3A_117 = tpu.memref_slice %arg5[%dma_wait3A_111, %dma_wait3A_116] : memref<2x16384xf32, #tpu.memory_space<vmem>> -> memref<1x16384xf32, #tpu.memory_space<vmem>>
    %dma_wait3A_118 = tpu.memref_squeeze %dma_wait3A_117 : memref<1x16384xf32, #tpu.memory_space<vmem>> -> memref<16384xf32, #tpu.memory_space<vmem>>
    %dma_wait3A_119 = tpu.memref_slice %arg2[%add3A_76] : memref<2097152xf32, #tpu.memory_space<hbm>> -> memref<16384xf32, #tpu.memory_space<hbm>>
    tpu.wait_dma2 semaphore(%arg9 : memref<!tpu.dma_semaphore, #tpu.memory_space<semaphore_mem>>) src(%dma_wait3A_119 : memref<16384xf32, #tpu.memory_space<hbm>>) dst(%dma_wait3A_118 : memref<16384xf32, #tpu.memory_space<vmem>>)
    %scan3A_120 = arith.constant 0 : i32
    %scan3A_121 = arith.constant -2147483648 : i32
    %scan3A_122 = arith.constant 65535 : i32
    %scan3A_123 = arith.constant 0 : i32
    %scan3A_124 = arith.constant 128 : i32
    %scan3A_125 = arith.addi %scan3A_123, %scan3A_124 : i32
    %scan3A_126 = arith.constant 1 : i32
    scf.for %scan3A_128 = %scan3A_123 to %scan3A_125 step %scan3A_126  : i32 {
      %mul3A_129 = arith.constant 8 : i32
      %mul3A_130 = arith.muli %scan3A_128, %mul3A_129 : i32
      %add3A_131 = arith.constant 0 : i32
      %add3A_132 = arith.addi %mul3A_130, %add3A_131 : i32
      %mul3A_133 = arith.constant 16 : i32
      %mul3A_134 = arith.muli %add3A_132, %mul3A_133 : i32
      %get3A_135 = arith.constant 1 : i32
      %get3A_136 = arith.index_cast %get3A_135 : i32 to index
      %get3A_137 = arith.index_cast %mul3A_134 : i32 to index
      %get3A_138 = tpu.vector_load %arg5[%get3A_136, %get3A_137] {strides = array<i32>} : memref<2x16384xf32, #tpu.memory_space<vmem>>, vector<16xf32>,
      %bitcast_convert_type3A = tpu.bitcast %get3A_138 : vector<16xf32> -> vector<16xi32>
      %shift_right_arithmetic3A = arith.constant 31 : i32
      %shift_right_arithmetic3A_139 = vector.broadcast %shift_right_arithmetic3A : i32 to vector<16xi32>
      %shift_right_arithmetic3A_140 = arith.shrsi %bitcast_convert_type3A, %shift_right_arithmetic3A_139 : vector<16xi32>
      %or3A = vector.broadcast %scan3A_121 : i32 to vector<16xi32>
      %or3A_141 = arith.ori %shift_right_arithmetic3A_140, %or3A : vector<16xi32>
      %xor3A = arith.xori %bitcast_convert_type3A, %or3A_141 : vector<16xi32>
      %shift_right_arithmetic3A_142 = arith.constant 16 : i32
      %shift_right_arithmetic3A_143 = vector.broadcast %shift_right_arithmetic3A_142 : i32 to vector<16xi32>
      %shift_right_arithmetic3A_144 = arith.shrsi %xor3A, %shift_right_arithmetic3A_143 : vector<16xi32>
      %and3A = vector.broadcast %scan3A_122 : i32 to vector<16xi32>
      %and3A_145 = arith.andi %shift_right_arithmetic3A_144, %and3A : vector<16xi32>
      tpu.vector_store_idx %arg7[%and3A_145], %broadcast_in_dim3A_38 {add = true} : memref<65536xi32, #tpu.memory_space<vmem>>[vector<16xi32>], vector<16xi32>,
      %mul3A_146 = arith.constant 8 : i32
      %mul3A_147 = arith.muli %scan3A_128, %mul3A_146 : i32
      %add3A_148 = arith.constant 1 : i32
      %add3A_149 = arith.addi %mul3A_147, %add3A_148 : i32
      %mul3A_150 = arith.constant 16 : i32
      %mul3A_151 = arith.muli %add3A_149, %mul3A_150 : i32
      %get3A_152 = arith.constant 1 : i32
      %get3A_153 = arith.index_cast %get3A_152 : i32 to index
      %get3A_154 = arith.index_cast %mul3A_151 : i32 to index
      %get3A_155 = tpu.vector_load %arg5[%get3A_153, %get3A_154] {strides = array<i32>} : memref<2x16384xf32, #tpu.memory_space<vmem>>, vector<16xf32>,
      %bitcast_convert_type3A_156 = tpu.bitcast %get3A_155 : vector<16xf32> -> vector<16xi32>
      %shift_right_arithmetic3A_157 = arith.constant 31 : i32
      %shift_right_arithmetic3A_158 = vector.broadcast %shift_right_arithmetic3A_157 : i32 to vector<16xi32>
      %shift_right_arithmetic3A_159 = arith.shrsi %bitcast_convert_type3A_156, %shift_right_arithmetic3A_158 : vector<16xi32>
      %or3A_160 = vector.broadcast %scan3A_121 : i32 to vector<16xi32>
      %or3A_161 = arith.ori %shift_right_arithmetic3A_159, %or3A_160 : vector<16xi32>
      %xor3A_162 = arith.xori %bitcast_convert_type3A_156, %or3A_161 : vector<16xi32>
      %shift_right_arithmetic3A_163 = arith.constant 16 : i32
      %shift_right_arithmetic3A_164 = vector.broadcast %shift_right_arithmetic3A_163 : i32 to vector<16xi32>
      %shift_right_arithmetic3A_165 = arith.shrsi %xor3A_162, %shift_right_arithmetic3A_164 : vector<16xi32>
      %and3A_166 = vector.broadcast %scan3A_122 : i32 to vector<16xi32>
      %and3A_167 = arith.andi %shift_right_arithmetic3A_165, %and3A_166 : vector<16xi32>
      tpu.vector_store_idx %arg7[%and3A_167], %broadcast_in_dim3A_38 {add = true} : memref<65536xi32, #tpu.memory_space<vmem>>[vector<16xi32>], vector<16xi32>,
      %mul3A_168 = arith.constant 8 : i32
      %mul3A_169 = arith.muli %scan3A_128, %mul3A_168 : i32
      %add3A_170 = arith.constant 2 : i32
      %add3A_171 = arith.addi %mul3A_169, %add3A_170 : i32
      %mul3A_172 = arith.constant 16 : i32
      %mul3A_173 = arith.muli %add3A_171, %mul3A_172 : i32
      %get3A_174 = arith.constant 1 : i32
      %get3A_175 = arith.index_cast %get3A_174 : i32 to index
      %get3A_176 = arith.index_cast %mul3A_173 : i32 to index
      %get3A_177 = tpu.vector_load %arg5[%get3A_175, %get3A_176] {strides = array<i32>} : memref<2x16384xf32, #tpu.memory_space<vmem>>, vector<16xf32>,
      %bitcast_convert_type3A_178 = tpu.bitcast %get3A_177 : vector<16xf32> -> vector<16xi32>
      %shift_right_arithmetic3A_179 = arith.constant 31 : i32
      %shift_right_arithmetic3A_180 = vector.broadcast %shift_right_arithmetic3A_179 : i32 to vector<16xi32>
      %shift_right_arithmetic3A_181 = arith.shrsi %bitcast_convert_type3A_178, %shift_right_arithmetic3A_180 : vector<16xi32>
      %or3A_182 = vector.broadcast %scan3A_121 : i32 to vector<16xi32>
      %or3A_183 = arith.ori %shift_right_arithmetic3A_181, %or3A_182 : vector<16xi32>
      %xor3A_184 = arith.xori %bitcast_convert_type3A_178, %or3A_183 : vector<16xi32>
      %shift_right_arithmetic3A_185 = arith.constant 16 : i32
      %shift_right_arithmetic3A_186 = vector.broadcast %shift_right_arithmetic3A_185 : i32 to vector<16xi32>
      %shift_right_arithmetic3A_187 = arith.shrsi %xor3A_184, %shift_right_arithmetic3A_186 : vector<16xi32>
      %and3A_188 = vector.broadcast %scan3A_122 : i32 to vector<16xi32>
      %and3A_189 = arith.andi %shift_right_arithmetic3A_187, %and3A_188 : vector<16xi32>
      tpu.vector_store_idx %arg7[%and3A_189], %broadcast_in_dim3A_38 {add = true} : memref<65536xi32, #tpu.memory_space<vmem>>[vector<16xi32>], vector<16xi32>,
      %mul3A_190 = arith.constant 8 : i32
      %mul3A_191 = arith.muli %scan3A_128, %mul3A_190 : i32
      %add3A_192 = arith.constant 3 : i32
      %add3A_193 = arith.addi %mul3A_191, %add3A_192 : i32
      %mul3A_194 = arith.constant 16 : i32
      %mul3A_195 = arith.muli %add3A_193, %mul3A_194 : i32
      %get3A_196 = arith.constant 1 : i32
      %get3A_197 = arith.index_cast %get3A_196 : i32 to index
      %get3A_198 = arith.index_cast %mul3A_195 : i32 to index
      %get3A_199 = tpu.vector_load %arg5[%get3A_197, %get3A_198] {strides = array<i32>} : memref<2x16384xf32, #tpu.memory_space<vmem>>, vector<16xf32>,
      %bitcast_convert_type3A_200 = tpu.bitcast %get3A_199 : vector<16xf32> -> vector<16xi32>
      %shift_right_arithmetic3A_201 = arith.constant 31 : i32
      %shift_right_arithmetic3A_202 = vector.broadcast %shift_right_arithmetic3A_201 : i32 to vector<16xi32>
      %shift_right_arithmetic3A_203 = arith.shrsi %bitcast_convert_type3A_200, %shift_right_arithmetic3A_202 : vector<16xi32>
      %or3A_204 = vector.broadcast %scan3A_121 : i32 to vector<16xi32>
      %or3A_205 = arith.ori %shift_right_arithmetic3A_203, %or3A_204 : vector<16xi32>
      %xor3A_206 = arith.xori %bitcast_convert_type3A_200, %or3A_205 : vector<16xi32>
      %shift_right_arithmetic3A_207 = arith.constant 16 : i32
      %shift_right_arithmetic3A_208 = vector.broadcast %shift_right_arithmetic3A_207 : i32 to vector<16xi32>
      %shift_right_arithmetic3A_209 = arith.shrsi %xor3A_206, %shift_right_arithmetic3A_208 : vector<16xi32>
      %and3A_210 = vector.broadcast %scan3A_122 : i32 to vector<16xi32>
      %and3A_211 = arith.andi %shift_right_arithmetic3A_209, %and3A_210 : vector<16xi32>
      tpu.vector_store_idx %arg7[%and3A_211], %broadcast_in_dim3A_38 {add = true} : memref<65536xi32, #tpu.memory_space<vmem>>[vector<16xi32>], vector<16xi32>,
      %mul3A_212 = arith.constant 8 : i32
      %mul3A_213 = arith.muli %scan3A_128, %mul3A_212 : i32
      %add3A_214 = arith.constant 4 : i32
      %add3A_215 = arith.addi %mul3A_213, %add3A_214 : i32
      %mul3A_216 = arith.constant 16 : i32
      %mul3A_217 = arith.muli %add3A_215, %mul3A_216 : i32
      %get3A_218 = arith.constant 1 : i32
      %get3A_219 = arith.index_cast %get3A_218 : i32 to index
      %get3A_220 = arith.index_cast %mul3A_217 : i32 to index
      %get3A_221 = tpu.vector_load %arg5[%get3A_219, %get3A_220] {strides = array<i32>} : memref<2x16384xf32, #tpu.memory_space<vmem>>, vector<16xf32>,
      %bitcast_convert_type3A_222 = tpu.bitcast %get3A_221 : vector<16xf32> -> vector<16xi32>
      %shift_right_arithmetic3A_223 = arith.constant 31 : i32
      %shift_right_arithmetic3A_224 = vector.broadcast %shift_right_arithmetic3A_223 : i32 to vector<16xi32>
      %shift_right_arithmetic3A_225 = arith.shrsi %bitcast_convert_type3A_222, %shift_right_arithmetic3A_224 : vector<16xi32>
      %or3A_226 = vector.broadcast %scan3A_121 : i32 to vector<16xi32>
      %or3A_227 = arith.ori %shift_right_arithmetic3A_225, %or3A_226 : vector<16xi32>
      %xor3A_228 = arith.xori %bitcast_convert_type3A_222, %or3A_227 : vector<16xi32>
      %shift_right_arithmetic3A_229 = arith.constant 16 : i32
      %shift_right_arithmetic3A_230 = vector.broadcast %shift_right_arithmetic3A_229 : i32 to vector<16xi32>
      %shift_right_arithmetic3A_231 = arith.shrsi %xor3A_228, %shift_right_arithmetic3A_230 : vector<16xi32>
      %and3A_232 = vector.broadcast %scan3A_122 : i32 to vector<16xi32>
      %and3A_233 = arith.andi %shift_right_arithmetic3A_231, %and3A_232 : vector<16xi32>
      tpu.vector_store_idx %arg7[%and3A_233], %broadcast_in_dim3A_38 {add = true} : memref<65536xi32, #tpu.memory_space<vmem>>[vector<16xi32>], vector<16xi32>,
      %mul3A_234 = arith.constant 8 : i32
      %mul3A_235 = arith.muli %scan3A_128, %mul3A_234 : i32
      %add3A_236 = arith.constant 5 : i32
      %add3A_237 = arith.addi %mul3A_235, %add3A_236 : i32
      %mul3A_238 = arith.constant 16 : i32
      %mul3A_239 = arith.muli %add3A_237, %mul3A_238 : i32
      %get3A_240 = arith.constant 1 : i32
      %get3A_241 = arith.index_cast %get3A_240 : i32 to index
      %get3A_242 = arith.index_cast %mul3A_239 : i32 to index
      %get3A_243 = tpu.vector_load %arg5[%get3A_241, %get3A_242] {strides = array<i32>} : memref<2x16384xf32, #tpu.memory_space<vmem>>, vector<16xf32>,
      %bitcast_convert_type3A_244 = tpu.bitcast %get3A_243 : vector<16xf32> -> vector<16xi32>
      %shift_right_arithmetic3A_245 = arith.constant 31 : i32
      %shift_right_arithmetic3A_246 = vector.broadcast %shift_right_arithmetic3A_245 : i32 to vector<16xi32>
      %shift_right_arithmetic3A_247 = arith.shrsi %bitcast_convert_type3A_244, %shift_right_arithmetic3A_246 : vector<16xi32>
      %or3A_248 = vector.broadcast %scan3A_121 : i32 to vector<16xi32>
      %or3A_249 = arith.ori %shift_right_arithmetic3A_247, %or3A_248 : vector<16xi32>
      %xor3A_250 = arith.xori %bitcast_convert_type3A_244, %or3A_249 : vector<16xi32>
      %shift_right_arithmetic3A_251 = arith.constant 16 : i32
      %shift_right_arithmetic3A_252 = vector.broadcast %shift_right_arithmetic3A_251 : i32 to vector<16xi32>
      %shift_right_arithmetic3A_253 = arith.shrsi %xor3A_250, %shift_right_arithmetic3A_252 : vector<16xi32>
      %and3A_254 = vector.broadcast %scan3A_122 : i32 to vector<16xi32>
      %and3A_255 = arith.andi %shift_right_arithmetic3A_253, %and3A_254 : vector<16xi32>
      tpu.vector_store_idx %arg7[%and3A_255], %broadcast_in_dim3A_38 {add = true} : memref<65536xi32, #tpu.memory_space<vmem>>[vector<16xi32>], vector<16xi32>,
      %mul3A_256 = arith.constant 8 : i32
      %mul3A_257 = arith.muli %scan3A_128, %mul3A_256 : i32
      %add3A_258 = arith.constant 6 : i32
      %add3A_259 = arith.addi %mul3A_257, %add3A_258 : i32
      %mul3A_260 = arith.constant 16 : i32
      %mul3A_261 = arith.muli %add3A_259, %mul3A_260 : i32
      %get3A_262 = arith.constant 1 : i32
      %get3A_263 = arith.index_cast %get3A_262 : i32 to index
      %get3A_264 = arith.index_cast %mul3A_261 : i32 to index
      %get3A_265 = tpu.vector_load %arg5[%get3A_263, %get3A_264] {strides = array<i32>} : memref<2x16384xf32, #tpu.memory_space<vmem>>, vector<16xf32>,
      %bitcast_convert_type3A_266 = tpu.bitcast %get3A_265 : vector<16xf32> -> vector<16xi32>
      %shift_right_arithmetic3A_267 = arith.constant 31 : i32
      %shift_right_arithmetic3A_268 = vector.broadcast %shift_right_arithmetic3A_267 : i32 to vector<16xi32>
      %shift_right_arithmetic3A_269 = arith.shrsi %bitcast_convert_type3A_266, %shift_right_arithmetic3A_268 : vector<16xi32>
      %or3A_270 = vector.broadcast %scan3A_121 : i32 to vector<16xi32>
      %or3A_271 = arith.ori %shift_right_arithmetic3A_269, %or3A_270 : vector<16xi32>
      %xor3A_272 = arith.xori %bitcast_convert_type3A_266, %or3A_271 : vector<16xi32>
      %shift_right_arithmetic3A_273 = arith.constant 16 : i32
      %shift_right_arithmetic3A_274 = vector.broadcast %shift_right_arithmetic3A_273 : i32 to vector<16xi32>
      %shift_right_arithmetic3A_275 = arith.shrsi %xor3A_272, %shift_right_arithmetic3A_274 : vector<16xi32>
      %and3A_276 = vector.broadcast %scan3A_122 : i32 to vector<16xi32>
      %and3A_277 = arith.andi %shift_right_arithmetic3A_275, %and3A_276 : vector<16xi32>
      tpu.vector_store_idx %arg7[%and3A_277], %broadcast_in_dim3A_38 {add = true} : memref<65536xi32, #tpu.memory_space<vmem>>[vector<16xi32>], vector<16xi32>,
      %mul3A_278 = arith.constant 8 : i32
      %mul3A_279 = arith.muli %scan3A_128, %mul3A_278 : i32
      %add3A_280 = arith.constant 7 : i32
      %add3A_281 = arith.addi %mul3A_279, %add3A_280 : i32
      %mul3A_282 = arith.constant 16 : i32
      %mul3A_283 = arith.muli %add3A_281, %mul3A_282 : i32
      %get3A_284 = arith.constant 1 : i32
      %get3A_285 = arith.index_cast %get3A_284 : i32 to index
      %get3A_286 = arith.index_cast %mul3A_283 : i32 to index
      %get3A_287 = tpu.vector_load %arg5[%get3A_285, %get3A_286] {strides = array<i32>} : memref<2x16384xf32, #tpu.memory_space<vmem>>, vector<16xf32>,
      %bitcast_convert_type3A_288 = tpu.bitcast %get3A_287 : vector<16xf32> -> vector<16xi32>
      %shift_right_arithmetic3A_289 = arith.constant 31 : i32
      %shift_right_arithmetic3A_290 = vector.broadcast %shift_right_arithmetic3A_289 : i32 to vector<16xi32>
      %shift_right_arithmetic3A_291 = arith.shrsi %bitcast_convert_type3A_288, %shift_right_arithmetic3A_290 : vector<16xi32>
      %or3A_292 = vector.broadcast %scan3A_121 : i32 to vector<16xi32>
      %or3A_293 = arith.ori %shift_right_arithmetic3A_291, %or3A_292 : vector<16xi32>
      %xor3A_294 = arith.xori %bitcast_convert_type3A_288, %or3A_293 : vector<16xi32>
      %shift_right_arithmetic3A_295 = arith.constant 16 : i32
      %shift_right_arithmetic3A_296 = vector.broadcast %shift_right_arithmetic3A_295 : i32 to vector<16xi32>
      %shift_right_arithmetic3A_297 = arith.shrsi %xor3A_294, %shift_right_arithmetic3A_296 : vector<16xi32>
      %and3A_298 = vector.broadcast %scan3A_122 : i32 to vector<16xi32>
      %and3A_299 = arith.andi %shift_right_arithmetic3A_297, %and3A_298 : vector<16xi32>
      tpu.vector_store_idx %arg7[%and3A_299], %broadcast_in_dim3A_38 {add = true} : memref<65536xi32, #tpu.memory_space<vmem>>[vector<16xi32>], vector<16xi32>,
    }
    %scan3A_127 = arith.constant 128 : i32
    "tpu.region"() ({
      %run_scoped3A = tpu.sem_alloc : memref<!tpu.dma_semaphore, #tpu.memory_space<semaphore_mem>>
      %dma_start3A_128 = arith.constant 0 : i32
      %dma_start3A_129 = tpu.memref_slice %arg4[%add3A, %dma_start3A_128] : memref<32x65536xi32, #tpu.memory_space<hbm>> -> memref<1x65536xi32, #tpu.memory_space<hbm>>
      %dma_start3A_130 = tpu.memref_squeeze %dma_start3A_129 : memref<1x65536xi32, #tpu.memory_space<hbm>> -> memref<65536xi32, #tpu.memory_space<hbm>>
      %dma_start3A_131 = arith.constant 0 : i32
      %dma_start3A_132 = tpu.memref_slice %arg4[%add3A, %dma_start3A_131] : memref<32x65536xi32, #tpu.memory_space<hbm>> -> memref<1x65536xi32, #tpu.memory_space<hbm>>
      %dma_start3A_133 = tpu.memref_squeeze %dma_start3A_132 : memref<1x65536xi32, #tpu.memory_space<hbm>> -> memref<65536xi32, #tpu.memory_space<hbm>>
      tpu.enqueue_dma source(%arg7 : memref<65536xi32, #tpu.memory_space<vmem>>) target(%dma_start3A_133 : memref<65536xi32, #tpu.memory_space<hbm>>) target_semaphore(%run_scoped3A : memref<!tpu.dma_semaphore, #tpu.memory_space<semaphore_mem>>)
      %dma_wait3A_134 = arith.constant 0 : i32
      %dma_wait3A_135 = tpu.memref_slice %arg4[%add3A, %dma_wait3A_134] : memref<32x65536xi32, #tpu.memory_space<hbm>> -> memref<1x65536xi32, #tpu.memory_space<hbm>>
      %dma_wait3A_136 = tpu.memref_squeeze %dma_wait3A_135 : memref<1x65536xi32, #tpu.memory_space<hbm>> -> memref<65536xi32, #tpu.memory_space<hbm>>
      %dma_wait3A_137 = arith.constant 0 : i32
      %dma_wait3A_138 = tpu.memref_slice %arg4[%add3A, %dma_wait3A_137] : memref<32x65536xi32, #tpu.memory_space<hbm>> -> memref<1x65536xi32, #tpu.memory_space<hbm>>
      %dma_wait3A_139 = tpu.memref_squeeze %dma_wait3A_138 : memref<1x65536xi32, #tpu.memory_space<hbm>> -> memref<65536xi32, #tpu.memory_space<hbm>>
      tpu.wait_dma2 semaphore(%run_scoped3A : memref<!tpu.dma_semaphore, #tpu.memory_space<semaphore_mem>>) src(%arg7 : memref<65536xi32, #tpu.memory_space<vmem>>) dst(%dma_wait3A_139 : memref<65536xi32, #tpu.memory_space<hbm>>)
      tpu.yield
    }) : () -> ()
    return
  }
}

#map = affine_map<(d0, d1) -> (0)>
#map1 = affine_map<(d0, d1) -> (0, 0)>
module attributes {stable_mosaic.version = 14 : i64} {
  func.func @hist(%arg0: i32, %arg1: i32, %arg2: memref<2097152xf32, #tpu.memory_space<hbm>>, %arg3: memref<2x16xi32, #tpu.memory_space<hbm>>, %arg4: memref<32x65536xi32, #tpu.memory_space<hbm>>, %arg5: memref<2x16384xf32, #tpu.memory_space<vmem>>, %arg6: memref<2x16xi32, #tpu.memory_space<vmem>>, %arg7: memref<65536xi32, #tpu.memory_space<vmem>>, %arg8: memref<!tpu.dma_semaphore, #tpu.memory_space<semaphore_mem>>, %arg9: memref<!tpu.dma_semaphore, #tpu.memory_space<semaphore_mem>>) attributes {dimension_semantics = [#tpu.dimension_semantics<core_parallel>, #tpu.dimension_semantics<subcore_parallel>], iteration_bounds = array<i64: 2, 16>, scalar_prefetch = 0 : i64, scratch_operands = 5 : i64, tpu.core_type = #tpu.core_type<sc_vector_subcore>, window_params = [{transform_indices = #map}, {transform_indices = #map1}, {transform_indices = #map1}]} {
    %mul3A = arith.constant 2 : i32
    %mul3A_0 = arith.muli %arg1, %mul3A : i32
    %add3A = arith.addi %mul3A_0, %arg0 : i32
    %mul3A_1 = arith.constant 65536 : i32
    %mul3A_2 = arith.muli %add3A, %mul3A_1 : i32
    %multiple_of3A = tpu.assume_multiple %mul3A_2, 8 : i32
    %add3A_3 = arith.constant 0 : i32
    %add3A_4 = arith.addi %multiple_of3A, %add3A_3 : i32
    %dma_start3A = arith.constant 0 : i32
    %dma_start3A_5 = arith.constant 0 : i32
    %dma_start3A_6 = tpu.memref_slice %arg5[%dma_start3A, %dma_start3A_5] : memref<2x16384xf32, #tpu.memory_space<vmem>> -> memref<1x16384xf32, #tpu.memory_space<vmem>>
    %dma_start3A_7 = tpu.memref_squeeze %dma_start3A_6 : memref<1x16384xf32, #tpu.memory_space<vmem>> -> memref<16384xf32, #tpu.memory_space<vmem>>
    %dma_start3A_8 = tpu.memref_slice %arg2[%add3A_4] : memref<2097152xf32, #tpu.memory_space<hbm>> -> memref<16384xf32, #tpu.memory_space<hbm>>
    %dma_start3A_9 = arith.constant 0 : i32
    %dma_start3A_10 = tpu.memref_slice %arg5[%dma_start3A, %dma_start3A_9] : memref<2x16384xf32, #tpu.memory_space<vmem>> -> memref<1x16384xf32, #tpu.memory_space<vmem>>
    %dma_start3A_11 = tpu.memref_squeeze %dma_start3A_10 : memref<1x16384xf32, #tpu.memory_space<vmem>> -> memref<16384xf32, #tpu.memory_space<vmem>>
    %dma_start3A_12 = tpu.memref_slice %arg2[%add3A_4] : memref<2097152xf32, #tpu.memory_space<hbm>> -> memref<16384xf32, #tpu.memory_space<hbm>>
    tpu.enqueue_dma source(%dma_start3A_12 : memref<16384xf32, #tpu.memory_space<hbm>>) target(%dma_start3A_11 : memref<16384xf32, #tpu.memory_space<vmem>>) target_semaphore(%arg8 : memref<!tpu.dma_semaphore, #tpu.memory_space<semaphore_mem>>)
    %add3A_13 = arith.constant 16384 : i32
    %add3A_14 = arith.addi %multiple_of3A, %add3A_13 : i32
    %dma_start3A_15 = arith.constant 1 : i32
    %dma_start3A_16 = arith.constant 0 : i32
    %dma_start3A_17 = tpu.memref_slice %arg5[%dma_start3A_15, %dma_start3A_16] : memref<2x16384xf32, #tpu.memory_space<vmem>> -> memref<1x16384xf32, #tpu.memory_space<vmem>>
    %dma_start3A_18 = tpu.memref_squeeze %dma_start3A_17 : memref<1x16384xf32, #tpu.memory_space<vmem>> -> memref<16384xf32, #tpu.memory_space<vmem>>
    %dma_start3A_19 = tpu.memref_slice %arg2[%add3A_14] : memref<2097152xf32, #tpu.memory_space<hbm>> -> memref<16384xf32, #tpu.memory_space<hbm>>
    %dma_start3A_20 = arith.constant 0 : i32
    %dma_start3A_21 = tpu.memref_slice %arg5[%dma_start3A_15, %dma_start3A_20] : memref<2x16384xf32, #tpu.memory_space<vmem>> -> memref<1x16384xf32, #tpu.memory_space<vmem>>
    %dma_start3A_22 = tpu.memref_squeeze %dma_start3A_21 : memref<1x16384xf32, #tpu.memory_space<vmem>> -> memref<16384xf32, #tpu.memory_space<vmem>>
    %dma_start3A_23 = tpu.memref_slice %arg2[%add3A_14] : memref<2097152xf32, #tpu.memory_space<hbm>> -> memref<16384xf32, #tpu.memory_space<hbm>>
    tpu.enqueue_dma source(%dma_start3A_23 : memref<16384xf32, #tpu.memory_space<hbm>>) target(%dma_start3A_22 : memref<16384xf32, #tpu.memory_space<vmem>>) target_semaphore(%arg9 : memref<!tpu.dma_semaphore, #tpu.memory_space<semaphore_mem>>)
    "tpu.region"() ({
      %run_scoped3A = tpu.sem_alloc : memref<!tpu.dma_semaphore, #tpu.memory_space<semaphore_mem>>
      tpu.enqueue_dma source(%arg3 : memref<2x16xi32, #tpu.memory_space<hbm>>) target(%arg6 : memref<2x16xi32, #tpu.memory_space<vmem>>) target_semaphore(%run_scoped3A : memref<!tpu.dma_semaphore, #tpu.memory_space<semaphore_mem>>)
      tpu.wait_dma2 semaphore(%run_scoped3A : memref<!tpu.dma_semaphore, #tpu.memory_space<semaphore_mem>>) src(%arg3 : memref<2x16xi32, #tpu.memory_space<hbm>>) dst(%arg6 : memref<2x16xi32, #tpu.memory_space<vmem>>)
      tpu.yield
    }) : () -> ()
    %get3A = arith.constant 0 : i32
    %get3A_24 = arith.index_cast %get3A : i32 to index
    %get3A_25 = arith.constant 0 : index
    %get3A_26 = tpu.vector_load %arg6[%get3A_24, %get3A_25] {strides = array<i32>} : memref<2x16xi32, #tpu.memory_space<vmem>>, vector<16xi32>,
    %get3A_27 = arith.constant 1 : i32
    %get3A_28 = arith.index_cast %get3A_27 : i32 to index
    %get3A_29 = arith.constant 0 : index
    %get3A_30 = tpu.vector_load %arg6[%get3A_28, %get3A_29] {strides = array<i32>} : memref<2x16xi32, #tpu.memory_space<vmem>>, vector<16xi32>,
    %broadcast_in_dim3A = arith.constant 0 : i32
    %broadcast_in_dim3A_31 = vector.broadcast %broadcast_in_dim3A : i32 to vector<16xi32>
    %scan3A = arith.constant 0 : i32
    %scan3A_32 = arith.constant 0 : i32
    %scan3A_33 = arith.constant 512 : i32
    %scan3A_34 = arith.addi %scan3A_32, %scan3A_33 : i32
    %scan3A_35 = arith.constant 1 : i32
    scf.for %scan3A_128 = %scan3A_32 to %scan3A_34 step %scan3A_35  : i32 {
      %mul3A_129 = arith.constant 8 : i32
      %mul3A_130 = arith.muli %scan3A_128, %mul3A_129 : i32
      %add3A_131 = arith.constant 0 : i32
      %add3A_132 = arith.addi %mul3A_130, %add3A_131 : i32
      %mul3A_133 = arith.constant 16 : i32
      %mul3A_134 = arith.muli %add3A_132, %mul3A_133 : i32
      %swap3A = arith.index_cast %mul3A_134 : i32 to index
      %swap3A_135 = tpu.vector_load %arg7[%swap3A] {strides = array<i32>} : memref<65536xi32, #tpu.memory_space<vmem>>, vector<16xi32>,
      tpu.vector_store %arg7[%swap3A], %broadcast_in_dim3A_31 {strides = array<i32>} : memref<65536xi32, #tpu.memory_space<vmem>>, vector<16xi32>,
      %mul3A_136 = arith.constant 8 : i32
      %mul3A_137 = arith.muli %scan3A_128, %mul3A_136 : i32
      %add3A_138 = arith.constant 1 : i32
      %add3A_139 = arith.addi %mul3A_137, %add3A_138 : i32
      %mul3A_140 = arith.constant 16 : i32
      %mul3A_141 = arith.muli %add3A_139, %mul3A_140 : i32
      %swap3A_142 = arith.index_cast %mul3A_141 : i32 to index
      %swap3A_143 = tpu.vector_load %arg7[%swap3A_142] {strides = array<i32>} : memref<65536xi32, #tpu.memory_space<vmem>>, vector<16xi32>,
      tpu.vector_store %arg7[%swap3A_142], %broadcast_in_dim3A_31 {strides = array<i32>} : memref<65536xi32, #tpu.memory_space<vmem>>, vector<16xi32>,
      %mul3A_144 = arith.constant 8 : i32
      %mul3A_145 = arith.muli %scan3A_128, %mul3A_144 : i32
      %add3A_146 = arith.constant 2 : i32
      %add3A_147 = arith.addi %mul3A_145, %add3A_146 : i32
      %mul3A_148 = arith.constant 16 : i32
      %mul3A_149 = arith.muli %add3A_147, %mul3A_148 : i32
      %swap3A_150 = arith.index_cast %mul3A_149 : i32 to index
      %swap3A_151 = tpu.vector_load %arg7[%swap3A_150] {strides = array<i32>} : memref<65536xi32, #tpu.memory_space<vmem>>, vector<16xi32>,
      tpu.vector_store %arg7[%swap3A_150], %broadcast_in_dim3A_31 {strides = array<i32>} : memref<65536xi32, #tpu.memory_space<vmem>>, vector<16xi32>,
      %mul3A_152 = arith.constant 8 : i32
      %mul3A_153 = arith.muli %scan3A_128, %mul3A_152 : i32
      %add3A_154 = arith.constant 3 : i32
      %add3A_155 = arith.addi %mul3A_153, %add3A_154 : i32
      %mul3A_156 = arith.constant 16 : i32
      %mul3A_157 = arith.muli %add3A_155, %mul3A_156 : i32
      %swap3A_158 = arith.index_cast %mul3A_157 : i32 to index
      %swap3A_159 = tpu.vector_load %arg7[%swap3A_158] {strides = array<i32>} : memref<65536xi32, #tpu.memory_space<vmem>>, vector<16xi32>,
      tpu.vector_store %arg7[%swap3A_158], %broadcast_in_dim3A_31 {strides = array<i32>} : memref<65536xi32, #tpu.memory_space<vmem>>, vector<16xi32>,
      %mul3A_160 = arith.constant 8 : i32
      %mul3A_161 = arith.muli %scan3A_128, %mul3A_160 : i32
      %add3A_162 = arith.constant 4 : i32
      %add3A_163 = arith.addi %mul3A_161, %add3A_162 : i32
      %mul3A_164 = arith.constant 16 : i32
      %mul3A_165 = arith.muli %add3A_163, %mul3A_164 : i32
      %swap3A_166 = arith.index_cast %mul3A_165 : i32 to index
      %swap3A_167 = tpu.vector_load %arg7[%swap3A_166] {strides = array<i32>} : memref<65536xi32, #tpu.memory_space<vmem>>, vector<16xi32>,
      tpu.vector_store %arg7[%swap3A_166], %broadcast_in_dim3A_31 {strides = array<i32>} : memref<65536xi32, #tpu.memory_space<vmem>>, vector<16xi32>,
      %mul3A_168 = arith.constant 8 : i32
      %mul3A_169 = arith.muli %scan3A_128, %mul3A_168 : i32
      %add3A_170 = arith.constant 5 : i32
      %add3A_171 = arith.addi %mul3A_169, %add3A_170 : i32
      %mul3A_172 = arith.constant 16 : i32
      %mul3A_173 = arith.muli %add3A_171, %mul3A_172 : i32
      %swap3A_174 = arith.index_cast %mul3A_173 : i32 to index
      %swap3A_175 = tpu.vector_load %arg7[%swap3A_174] {strides = array<i32>} : memref<65536xi32, #tpu.memory_space<vmem>>, vector<16xi32>,
      tpu.vector_store %arg7[%swap3A_174], %broadcast_in_dim3A_31 {strides = array<i32>} : memref<65536xi32, #tpu.memory_space<vmem>>, vector<16xi32>,
      %mul3A_176 = arith.constant 8 : i32
      %mul3A_177 = arith.muli %scan3A_128, %mul3A_176 : i32
      %add3A_178 = arith.constant 6 : i32
      %add3A_179 = arith.addi %mul3A_177, %add3A_178 : i32
      %mul3A_180 = arith.constant 16 : i32
      %mul3A_181 = arith.muli %add3A_179, %mul3A_180 : i32
      %swap3A_182 = arith.index_cast %mul3A_181 : i32 to index
      %swap3A_183 = tpu.vector_load %arg7[%swap3A_182] {strides = array<i32>} : memref<65536xi32, #tpu.memory_space<vmem>>, vector<16xi32>,
      tpu.vector_store %arg7[%swap3A_182], %broadcast_in_dim3A_31 {strides = array<i32>} : memref<65536xi32, #tpu.memory_space<vmem>>, vector<16xi32>,
      %mul3A_184 = arith.constant 8 : i32
      %mul3A_185 = arith.muli %scan3A_128, %mul3A_184 : i32
      %add3A_186 = arith.constant 7 : i32
      %add3A_187 = arith.addi %mul3A_185, %add3A_186 : i32
      %mul3A_188 = arith.constant 16 : i32
      %mul3A_189 = arith.muli %add3A_187, %mul3A_188 : i32
      %swap3A_190 = arith.index_cast %mul3A_189 : i32 to index
      %swap3A_191 = tpu.vector_load %arg7[%swap3A_190] {strides = array<i32>} : memref<65536xi32, #tpu.memory_space<vmem>>, vector<16xi32>,
      tpu.vector_store %arg7[%swap3A_190], %broadcast_in_dim3A_31 {strides = array<i32>} : memref<65536xi32, #tpu.memory_space<vmem>>, vector<16xi32>,
    }
    %scan3A_36 = arith.constant 512 : i32
    %broadcast_in_dim3A_37 = arith.constant 1 : i32
    %broadcast_in_dim3A_38 = vector.broadcast %broadcast_in_dim3A_37 : i32 to vector<16xi32>
    %dma_wait3A = arith.constant 0 : i32
    %dma_wait3A_39 = arith.constant 0 : i32
    %dma_wait3A_40 = tpu.memref_slice %arg5[%dma_wait3A, %dma_wait3A_39] : memref<2x16384xf32, #tpu.memory_space<vmem>> -> memref<1x16384xf32, #tpu.memory_space<vmem>>
    %dma_wait3A_41 = tpu.memref_squeeze %dma_wait3A_40 : memref<1x16384xf32, #tpu.memory_space<vmem>> -> memref<16384xf32, #tpu.memory_space<vmem>>
    %dma_wait3A_42 = tpu.memref_slice %arg2[%add3A_4] : memref<2097152xf32, #tpu.memory_space<hbm>> -> memref<16384xf32, #tpu.memory_space<hbm>>
    %dma_wait3A_43 = arith.constant 0 : i32
    %dma_wait3A_44 = tpu.memref_slice %arg5[%dma_wait3A, %dma_wait3A_43] : memref<2x16384xf32, #tpu.memory_space<vmem>> -> memref<1x16384xf32, #tpu.memory_space<vmem>>
    %dma_wait3A_45 = tpu.memref_squeeze %dma_wait3A_44 : memref<1x16384xf32, #tpu.memory_space<vmem>> -> memref<16384xf32, #tpu.memory_space<vmem>>
    %dma_wait3A_46 = tpu.memref_slice %arg2[%add3A_4] : memref<2097152xf32, #tpu.memory_space<hbm>> -> memref<16384xf32, #tpu.memory_space<hbm>>
    tpu.wait_dma2 semaphore(%arg8 : memref<!tpu.dma_semaphore, #tpu.memory_space<semaphore_mem>>) src(%dma_wait3A_46 : memref<16384xf32, #tpu.memory_space<hbm>>) dst(%dma_wait3A_45 : memref<16384xf32, #tpu.memory_space<vmem>>)
    %add3A_47 = arith.constant 32768 : i32
    %add3A_48 = arith.addi %multiple_of3A, %add3A_47 : i32
    %dma_start3A_49 = arith.constant 0 : i32
    %dma_start3A_50 = arith.constant 0 : i32
    %dma_start3A_51 = tpu.memref_slice %arg5[%dma_start3A_49, %dma_start3A_50] : memref<2x16384xf32, #tpu.memory_space<vmem>> -> memref<1x16384xf32, #tpu.memory_space<vmem>>
    %dma_start3A_52 = tpu.memref_squeeze %dma_start3A_51 : memref<1x16384xf32, #tpu.memory_space<vmem>> -> memref<16384xf32, #tpu.memory_space<vmem>>
    %dma_start3A_53 = tpu.memref_slice %arg2[%add3A_48] : memref<2097152xf32, #tpu.memory_space<hbm>> -> memref<16384xf32, #tpu.memory_space<hbm>>
    %dma_start3A_54 = arith.constant 0 : i32
    %dma_start3A_55 = tpu.memref_slice %arg5[%dma_start3A_49, %dma_start3A_54] : memref<2x16384xf32, #tpu.memory_space<vmem>> -> memref<1x16384xf32, #tpu.memory_space<vmem>>
    %dma_start3A_56 = tpu.memref_squeeze %dma_start3A_55 : memref<1x16384xf32, #tpu.memory_space<vmem>> -> memref<16384xf32, #tpu.memory_space<vmem>>
    %dma_start3A_57 = tpu.memref_slice %arg2[%add3A_48] : memref<2097152xf32, #tpu.memory_space<hbm>> -> memref<16384xf32, #tpu.memory_space<hbm>>
    tpu.enqueue_dma source(%dma_start3A_57 : memref<16384xf32, #tpu.memory_space<hbm>>) target(%dma_start3A_56 : memref<16384xf32, #tpu.memory_space<vmem>>) target_semaphore(%arg8 : memref<!tpu.dma_semaphore, #tpu.memory_space<semaphore_mem>>)
    %scan3A_58 = arith.constant 0 : i32
    %scan3A_59 = arith.constant -2147483648 : i32
    %scan3A_60 = arith.constant 65535 : i32
    %scan3A_61 = arith.constant 0 : i32
    %scan3A_62 = arith.constant 128 : i32
    %scan3A_63 = arith.addi %scan3A_61, %scan3A_62 : i32
    %scan3A_64 = arith.constant 1 : i32
    scf.for %scan3A_128 = %scan3A_61 to %scan3A_63 step %scan3A_64  : i32 {
      %mul3A_129 = arith.constant 8 : i32
      %mul3A_130 = arith.muli %scan3A_128, %mul3A_129 : i32
      %add3A_131 = arith.constant 0 : i32
      %add3A_132 = arith.addi %mul3A_130, %add3A_131 : i32
      %mul3A_133 = arith.constant 16 : i32
      %mul3A_134 = arith.muli %add3A_132, %mul3A_133 : i32
      %get3A_135 = arith.constant 0 : i32
      %get3A_136 = arith.index_cast %get3A_135 : i32 to index
      %get3A_137 = arith.index_cast %mul3A_134 : i32 to index
      %get3A_138 = tpu.vector_load %arg5[%get3A_136, %get3A_137] {strides = array<i32>} : memref<2x16384xf32, #tpu.memory_space<vmem>>, vector<16xf32>,
      %bitcast_convert_type3A = tpu.bitcast %get3A_138 : vector<16xf32> -> vector<16xi32>
      %shift_right_arithmetic3A = arith.constant 31 : i32
      %shift_right_arithmetic3A_139 = vector.broadcast %shift_right_arithmetic3A : i32 to vector<16xi32>
      %shift_right_arithmetic3A_140 = arith.shrsi %bitcast_convert_type3A, %shift_right_arithmetic3A_139 : vector<16xi32>
      %or3A = vector.broadcast %scan3A_59 : i32 to vector<16xi32>
      %or3A_141 = arith.ori %shift_right_arithmetic3A_140, %or3A : vector<16xi32>
      %xor3A = arith.xori %bitcast_convert_type3A, %or3A_141 : vector<16xi32>
      %shift_right_arithmetic3A_142 = arith.constant 0 : i32
      %shift_right_arithmetic3A_143 = vector.broadcast %shift_right_arithmetic3A_142 : i32 to vector<16xi32>
      %shift_right_arithmetic3A_144 = arith.shrsi %xor3A, %shift_right_arithmetic3A_143 : vector<16xi32>
      %and3A = vector.broadcast %scan3A_60 : i32 to vector<16xi32>
      %and3A_145 = arith.andi %shift_right_arithmetic3A_144, %and3A : vector<16xi32>
      %and3A_146 = arith.andi %xor3A, %get3A_30 : vector<16xi32>
      %eq3A = arith.cmpi eq, %and3A_146, %get3A_26 : vector<16xi32>
      tpu.vector_store_idx %arg7[%and3A_145], %broadcast_in_dim3A_38 masked %eq3A {add = true} : memref<65536xi32, #tpu.memory_space<vmem>>[vector<16xi32>], vector<16xi32>, vector<16xi1>
      %mul3A_147 = arith.constant 8 : i32
      %mul3A_148 = arith.muli %scan3A_128, %mul3A_147 : i32
      %add3A_149 = arith.constant 1 : i32
      %add3A_150 = arith.addi %mul3A_148, %add3A_149 : i32
      %mul3A_151 = arith.constant 16 : i32
      %mul3A_152 = arith.muli %add3A_150, %mul3A_151 : i32
      %get3A_153 = arith.constant 0 : i32
      %get3A_154 = arith.index_cast %get3A_153 : i32 to index
      %get3A_155 = arith.index_cast %mul3A_152 : i32 to index
      %get3A_156 = tpu.vector_load %arg5[%get3A_154, %get3A_155] {strides = array<i32>} : memref<2x16384xf32, #tpu.memory_space<vmem>>, vector<16xf32>,
      %bitcast_convert_type3A_157 = tpu.bitcast %get3A_156 : vector<16xf32> -> vector<16xi32>
      %shift_right_arithmetic3A_158 = arith.constant 31 : i32
      %shift_right_arithmetic3A_159 = vector.broadcast %shift_right_arithmetic3A_158 : i32 to vector<16xi32>
      %shift_right_arithmetic3A_160 = arith.shrsi %bitcast_convert_type3A_157, %shift_right_arithmetic3A_159 : vector<16xi32>
      %or3A_161 = vector.broadcast %scan3A_59 : i32 to vector<16xi32>
      %or3A_162 = arith.ori %shift_right_arithmetic3A_160, %or3A_161 : vector<16xi32>
      %xor3A_163 = arith.xori %bitcast_convert_type3A_157, %or3A_162 : vector<16xi32>
      %shift_right_arithmetic3A_164 = arith.constant 0 : i32
      %shift_right_arithmetic3A_165 = vector.broadcast %shift_right_arithmetic3A_164 : i32 to vector<16xi32>
      %shift_right_arithmetic3A_166 = arith.shrsi %xor3A_163, %shift_right_arithmetic3A_165 : vector<16xi32>
      %and3A_167 = vector.broadcast %scan3A_60 : i32 to vector<16xi32>
      %and3A_168 = arith.andi %shift_right_arithmetic3A_166, %and3A_167 : vector<16xi32>
      %and3A_169 = arith.andi %xor3A_163, %get3A_30 : vector<16xi32>
      %eq3A_170 = arith.cmpi eq, %and3A_169, %get3A_26 : vector<16xi32>
      tpu.vector_store_idx %arg7[%and3A_168], %broadcast_in_dim3A_38 masked %eq3A_170 {add = true} : memref<65536xi32, #tpu.memory_space<vmem>>[vector<16xi32>], vector<16xi32>, vector<16xi1>
      %mul3A_171 = arith.constant 8 : i32
      %mul3A_172 = arith.muli %scan3A_128, %mul3A_171 : i32
      %add3A_173 = arith.constant 2 : i32
      %add3A_174 = arith.addi %mul3A_172, %add3A_173 : i32
      %mul3A_175 = arith.constant 16 : i32
      %mul3A_176 = arith.muli %add3A_174, %mul3A_175 : i32
      %get3A_177 = arith.constant 0 : i32
      %get3A_178 = arith.index_cast %get3A_177 : i32 to index
      %get3A_179 = arith.index_cast %mul3A_176 : i32 to index
      %get3A_180 = tpu.vector_load %arg5[%get3A_178, %get3A_179] {strides = array<i32>} : memref<2x16384xf32, #tpu.memory_space<vmem>>, vector<16xf32>,
      %bitcast_convert_type3A_181 = tpu.bitcast %get3A_180 : vector<16xf32> -> vector<16xi32>
      %shift_right_arithmetic3A_182 = arith.constant 31 : i32
      %shift_right_arithmetic3A_183 = vector.broadcast %shift_right_arithmetic3A_182 : i32 to vector<16xi32>
      %shift_right_arithmetic3A_184 = arith.shrsi %bitcast_convert_type3A_181, %shift_right_arithmetic3A_183 : vector<16xi32>
      %or3A_185 = vector.broadcast %scan3A_59 : i32 to vector<16xi32>
      %or3A_186 = arith.ori %shift_right_arithmetic3A_184, %or3A_185 : vector<16xi32>
      %xor3A_187 = arith.xori %bitcast_convert_type3A_181, %or3A_186 : vector<16xi32>
      %shift_right_arithmetic3A_188 = arith.constant 0 : i32
      %shift_right_arithmetic3A_189 = vector.broadcast %shift_right_arithmetic3A_188 : i32 to vector<16xi32>
      %shift_right_arithmetic3A_190 = arith.shrsi %xor3A_187, %shift_right_arithmetic3A_189 : vector<16xi32>
      %and3A_191 = vector.broadcast %scan3A_60 : i32 to vector<16xi32>
      %and3A_192 = arith.andi %shift_right_arithmetic3A_190, %and3A_191 : vector<16xi32>
      %and3A_193 = arith.andi %xor3A_187, %get3A_30 : vector<16xi32>
      %eq3A_194 = arith.cmpi eq, %and3A_193, %get3A_26 : vector<16xi32>
      tpu.vector_store_idx %arg7[%and3A_192], %broadcast_in_dim3A_38 masked %eq3A_194 {add = true} : memref<65536xi32, #tpu.memory_space<vmem>>[vector<16xi32>], vector<16xi32>, vector<16xi1>
      %mul3A_195 = arith.constant 8 : i32
      %mul3A_196 = arith.muli %scan3A_128, %mul3A_195 : i32
      %add3A_197 = arith.constant 3 : i32
      %add3A_198 = arith.addi %mul3A_196, %add3A_197 : i32
      %mul3A_199 = arith.constant 16 : i32
      %mul3A_200 = arith.muli %add3A_198, %mul3A_199 : i32
      %get3A_201 = arith.constant 0 : i32
      %get3A_202 = arith.index_cast %get3A_201 : i32 to index
      %get3A_203 = arith.index_cast %mul3A_200 : i32 to index
      %get3A_204 = tpu.vector_load %arg5[%get3A_202, %get3A_203] {strides = array<i32>} : memref<2x16384xf32, #tpu.memory_space<vmem>>, vector<16xf32>,
      %bitcast_convert_type3A_205 = tpu.bitcast %get3A_204 : vector<16xf32> -> vector<16xi32>
      %shift_right_arithmetic3A_206 = arith.constant 31 : i32
      %shift_right_arithmetic3A_207 = vector.broadcast %shift_right_arithmetic3A_206 : i32 to vector<16xi32>
      %shift_right_arithmetic3A_208 = arith.shrsi %bitcast_convert_type3A_205, %shift_right_arithmetic3A_207 : vector<16xi32>
      %or3A_209 = vector.broadcast %scan3A_59 : i32 to vector<16xi32>
      %or3A_210 = arith.ori %shift_right_arithmetic3A_208, %or3A_209 : vector<16xi32>
      %xor3A_211 = arith.xori %bitcast_convert_type3A_205, %or3A_210 : vector<16xi32>
      %shift_right_arithmetic3A_212 = arith.constant 0 : i32
      %shift_right_arithmetic3A_213 = vector.broadcast %shift_right_arithmetic3A_212 : i32 to vector<16xi32>
      %shift_right_arithmetic3A_214 = arith.shrsi %xor3A_211, %shift_right_arithmetic3A_213 : vector<16xi32>
      %and3A_215 = vector.broadcast %scan3A_60 : i32 to vector<16xi32>
      %and3A_216 = arith.andi %shift_right_arithmetic3A_214, %and3A_215 : vector<16xi32>
      %and3A_217 = arith.andi %xor3A_211, %get3A_30 : vector<16xi32>
      %eq3A_218 = arith.cmpi eq, %and3A_217, %get3A_26 : vector<16xi32>
      tpu.vector_store_idx %arg7[%and3A_216], %broadcast_in_dim3A_38 masked %eq3A_218 {add = true} : memref<65536xi32, #tpu.memory_space<vmem>>[vector<16xi32>], vector<16xi32>, vector<16xi1>
      %mul3A_219 = arith.constant 8 : i32
      %mul3A_220 = arith.muli %scan3A_128, %mul3A_219 : i32
      %add3A_221 = arith.constant 4 : i32
      %add3A_222 = arith.addi %mul3A_220, %add3A_221 : i32
      %mul3A_223 = arith.constant 16 : i32
      %mul3A_224 = arith.muli %add3A_222, %mul3A_223 : i32
      %get3A_225 = arith.constant 0 : i32
      %get3A_226 = arith.index_cast %get3A_225 : i32 to index
      %get3A_227 = arith.index_cast %mul3A_224 : i32 to index
      %get3A_228 = tpu.vector_load %arg5[%get3A_226, %get3A_227] {strides = array<i32>} : memref<2x16384xf32, #tpu.memory_space<vmem>>, vector<16xf32>,
      %bitcast_convert_type3A_229 = tpu.bitcast %get3A_228 : vector<16xf32> -> vector<16xi32>
      %shift_right_arithmetic3A_230 = arith.constant 31 : i32
      %shift_right_arithmetic3A_231 = vector.broadcast %shift_right_arithmetic3A_230 : i32 to vector<16xi32>
      %shift_right_arithmetic3A_232 = arith.shrsi %bitcast_convert_type3A_229, %shift_right_arithmetic3A_231 : vector<16xi32>
      %or3A_233 = vector.broadcast %scan3A_59 : i32 to vector<16xi32>
      %or3A_234 = arith.ori %shift_right_arithmetic3A_232, %or3A_233 : vector<16xi32>
      %xor3A_235 = arith.xori %bitcast_convert_type3A_229, %or3A_234 : vector<16xi32>
      %shift_right_arithmetic3A_236 = arith.constant 0 : i32
      %shift_right_arithmetic3A_237 = vector.broadcast %shift_right_arithmetic3A_236 : i32 to vector<16xi32>
      %shift_right_arithmetic3A_238 = arith.shrsi %xor3A_235, %shift_right_arithmetic3A_237 : vector<16xi32>
      %and3A_239 = vector.broadcast %scan3A_60 : i32 to vector<16xi32>
      %and3A_240 = arith.andi %shift_right_arithmetic3A_238, %and3A_239 : vector<16xi32>
      %and3A_241 = arith.andi %xor3A_235, %get3A_30 : vector<16xi32>
      %eq3A_242 = arith.cmpi eq, %and3A_241, %get3A_26 : vector<16xi32>
      tpu.vector_store_idx %arg7[%and3A_240], %broadcast_in_dim3A_38 masked %eq3A_242 {add = true} : memref<65536xi32, #tpu.memory_space<vmem>>[vector<16xi32>], vector<16xi32>, vector<16xi1>
      %mul3A_243 = arith.constant 8 : i32
      %mul3A_244 = arith.muli %scan3A_128, %mul3A_243 : i32
      %add3A_245 = arith.constant 5 : i32
      %add3A_246 = arith.addi %mul3A_244, %add3A_245 : i32
      %mul3A_247 = arith.constant 16 : i32
      %mul3A_248 = arith.muli %add3A_246, %mul3A_247 : i32
      %get3A_249 = arith.constant 0 : i32
      %get3A_250 = arith.index_cast %get3A_249 : i32 to index
      %get3A_251 = arith.index_cast %mul3A_248 : i32 to index
      %get3A_252 = tpu.vector_load %arg5[%get3A_250, %get3A_251] {strides = array<i32>} : memref<2x16384xf32, #tpu.memory_space<vmem>>, vector<16xf32>,
      %bitcast_convert_type3A_253 = tpu.bitcast %get3A_252 : vector<16xf32> -> vector<16xi32>
      %shift_right_arithmetic3A_254 = arith.constant 31 : i32
      %shift_right_arithmetic3A_255 = vector.broadcast %shift_right_arithmetic3A_254 : i32 to vector<16xi32>
      %shift_right_arithmetic3A_256 = arith.shrsi %bitcast_convert_type3A_253, %shift_right_arithmetic3A_255 : vector<16xi32>
      %or3A_257 = vector.broadcast %scan3A_59 : i32 to vector<16xi32>
      %or3A_258 = arith.ori %shift_right_arithmetic3A_256, %or3A_257 : vector<16xi32>
      %xor3A_259 = arith.xori %bitcast_convert_type3A_253, %or3A_258 : vector<16xi32>
      %shift_right_arithmetic3A_260 = arith.constant 0 : i32
      %shift_right_arithmetic3A_261 = vector.broadcast %shift_right_arithmetic3A_260 : i32 to vector<16xi32>
      %shift_right_arithmetic3A_262 = arith.shrsi %xor3A_259, %shift_right_arithmetic3A_261 : vector<16xi32>
      %and3A_263 = vector.broadcast %scan3A_60 : i32 to vector<16xi32>
      %and3A_264 = arith.andi %shift_right_arithmetic3A_262, %and3A_263 : vector<16xi32>
      %and3A_265 = arith.andi %xor3A_259, %get3A_30 : vector<16xi32>
      %eq3A_266 = arith.cmpi eq, %and3A_265, %get3A_26 : vector<16xi32>
      tpu.vector_store_idx %arg7[%and3A_264], %broadcast_in_dim3A_38 masked %eq3A_266 {add = true} : memref<65536xi32, #tpu.memory_space<vmem>>[vector<16xi32>], vector<16xi32>, vector<16xi1>
      %mul3A_267 = arith.constant 8 : i32
      %mul3A_268 = arith.muli %scan3A_128, %mul3A_267 : i32
      %add3A_269 = arith.constant 6 : i32
      %add3A_270 = arith.addi %mul3A_268, %add3A_269 : i32
      %mul3A_271 = arith.constant 16 : i32
      %mul3A_272 = arith.muli %add3A_270, %mul3A_271 : i32
      %get3A_273 = arith.constant 0 : i32
      %get3A_274 = arith.index_cast %get3A_273 : i32 to index
      %get3A_275 = arith.index_cast %mul3A_272 : i32 to index
      %get3A_276 = tpu.vector_load %arg5[%get3A_274, %get3A_275] {strides = array<i32>} : memref<2x16384xf32, #tpu.memory_space<vmem>>, vector<16xf32>,
      %bitcast_convert_type3A_277 = tpu.bitcast %get3A_276 : vector<16xf32> -> vector<16xi32>
      %shift_right_arithmetic3A_278 = arith.constant 31 : i32
      %shift_right_arithmetic3A_279 = vector.broadcast %shift_right_arithmetic3A_278 : i32 to vector<16xi32>
      %shift_right_arithmetic3A_280 = arith.shrsi %bitcast_convert_type3A_277, %shift_right_arithmetic3A_279 : vector<16xi32>
      %or3A_281 = vector.broadcast %scan3A_59 : i32 to vector<16xi32>
      %or3A_282 = arith.ori %shift_right_arithmetic3A_280, %or3A_281 : vector<16xi32>
      %xor3A_283 = arith.xori %bitcast_convert_type3A_277, %or3A_282 : vector<16xi32>
      %shift_right_arithmetic3A_284 = arith.constant 0 : i32
      %shift_right_arithmetic3A_285 = vector.broadcast %shift_right_arithmetic3A_284 : i32 to vector<16xi32>
      %shift_right_arithmetic3A_286 = arith.shrsi %xor3A_283, %shift_right_arithmetic3A_285 : vector<16xi32>
      %and3A_287 = vector.broadcast %scan3A_60 : i32 to vector<16xi32>
      %and3A_288 = arith.andi %shift_right_arithmetic3A_286, %and3A_287 : vector<16xi32>
      %and3A_289 = arith.andi %xor3A_283, %get3A_30 : vector<16xi32>
      %eq3A_290 = arith.cmpi eq, %and3A_289, %get3A_26 : vector<16xi32>
      tpu.vector_store_idx %arg7[%and3A_288], %broadcast_in_dim3A_38 masked %eq3A_290 {add = true} : memref<65536xi32, #tpu.memory_space<vmem>>[vector<16xi32>], vector<16xi32>, vector<16xi1>
      %mul3A_291 = arith.constant 8 : i32
      %mul3A_292 = arith.muli %scan3A_128, %mul3A_291 : i32
      %add3A_293 = arith.constant 7 : i32
      %add3A_294 = arith.addi %mul3A_292, %add3A_293 : i32
      %mul3A_295 = arith.constant 16 : i32
      %mul3A_296 = arith.muli %add3A_294, %mul3A_295 : i32
      %get3A_297 = arith.constant 0 : i32
      %get3A_298 = arith.index_cast %get3A_297 : i32 to index
      %get3A_299 = arith.index_cast %mul3A_296 : i32 to index
      %get3A_300 = tpu.vector_load %arg5[%get3A_298, %get3A_299] {strides = array<i32>} : memref<2x16384xf32, #tpu.memory_space<vmem>>, vector<16xf32>,
      %bitcast_convert_type3A_301 = tpu.bitcast %get3A_300 : vector<16xf32> -> vector<16xi32>
      %shift_right_arithmetic3A_302 = arith.constant 31 : i32
      %shift_right_arithmetic3A_303 = vector.broadcast %shift_right_arithmetic3A_302 : i32 to vector<16xi32>
      %shift_right_arithmetic3A_304 = arith.shrsi %bitcast_convert_type3A_301, %shift_right_arithmetic3A_303 : vector<16xi32>
      %or3A_305 = vector.broadcast %scan3A_59 : i32 to vector<16xi32>
      %or3A_306 = arith.ori %shift_right_arithmetic3A_304, %or3A_305 : vector<16xi32>
      %xor3A_307 = arith.xori %bitcast_convert_type3A_301, %or3A_306 : vector<16xi32>
      %shift_right_arithmetic3A_308 = arith.constant 0 : i32
      %shift_right_arithmetic3A_309 = vector.broadcast %shift_right_arithmetic3A_308 : i32 to vector<16xi32>
      %shift_right_arithmetic3A_310 = arith.shrsi %xor3A_307, %shift_right_arithmetic3A_309 : vector<16xi32>
      %and3A_311 = vector.broadcast %scan3A_60 : i32 to vector<16xi32>
      %and3A_312 = arith.andi %shift_right_arithmetic3A_310, %and3A_311 : vector<16xi32>
      %and3A_313 = arith.andi %xor3A_307, %get3A_30 : vector<16xi32>
      %eq3A_314 = arith.cmpi eq, %and3A_313, %get3A_26 : vector<16xi32>
      tpu.vector_store_idx %arg7[%and3A_312], %broadcast_in_dim3A_38 masked %eq3A_314 {add = true} : memref<65536xi32, #tpu.memory_space<vmem>>[vector<16xi32>], vector<16xi32>, vector<16xi1>
    }
    %scan3A_65 = arith.constant 128 : i32
    %dma_wait3A_66 = arith.constant 1 : i32
    %dma_wait3A_67 = arith.constant 0 : i32
    %dma_wait3A_68 = tpu.memref_slice %arg5[%dma_wait3A_66, %dma_wait3A_67] : memref<2x16384xf32, #tpu.memory_space<vmem>> -> memref<1x16384xf32, #tpu.memory_space<vmem>>
    %dma_wait3A_69 = tpu.memref_squeeze %dma_wait3A_68 : memref<1x16384xf32, #tpu.memory_space<vmem>> -> memref<16384xf32, #tpu.memory_space<vmem>>
    %dma_wait3A_70 = tpu.memref_slice %arg2[%add3A_14] : memref<2097152xf32, #tpu.memory_space<hbm>> -> memref<16384xf32, #tpu.memory_space<hbm>>
    %dma_wait3A_71 = arith.constant 0 : i32
    %dma_wait3A_72 = tpu.memref_slice %arg5[%dma_wait3A_66, %dma_wait3A_71] : memref<2x16384xf32, #tpu.memory_space<vmem>> -> memref<1x16384xf32, #tpu.memory_space<vmem>>
    %dma_wait3A_73 = tpu.memref_squeeze %dma_wait3A_72 : memref<1x16384xf32, #tpu.memory_space<vmem>> -> memref<16384xf32, #tpu.memory_space<vmem>>
    %dma_wait3A_74 = tpu.memref_slice %arg2[%add3A_14] : memref<2097152xf32, #tpu.memory_space<hbm>> -> memref<16384xf32, #tpu.memory_space<hbm>>
    tpu.wait_dma2 semaphore(%arg9 : memref<!tpu.dma_semaphore, #tpu.memory_space<semaphore_mem>>) src(%dma_wait3A_74 : memref<16384xf32, #tpu.memory_space<hbm>>) dst(%dma_wait3A_73 : memref<16384xf32, #tpu.memory_space<vmem>>)
    %add3A_75 = arith.constant 49152 : i32
    %add3A_76 = arith.addi %multiple_of3A, %add3A_75 : i32
    %dma_start3A_77 = arith.constant 1 : i32
    %dma_start3A_78 = arith.constant 0 : i32
    %dma_start3A_79 = tpu.memref_slice %arg5[%dma_start3A_77, %dma_start3A_78] : memref<2x16384xf32, #tpu.memory_space<vmem>> -> memref<1x16384xf32, #tpu.memory_space<vmem>>
    %dma_start3A_80 = tpu.memref_squeeze %dma_start3A_79 : memref<1x16384xf32, #tpu.memory_space<vmem>> -> memref<16384xf32, #tpu.memory_space<vmem>>
    %dma_start3A_81 = tpu.memref_slice %arg2[%add3A_76] : memref<2097152xf32, #tpu.memory_space<hbm>> -> memref<16384xf32, #tpu.memory_space<hbm>>
    %dma_start3A_82 = arith.constant 0 : i32
    %dma_start3A_83 = tpu.memref_slice %arg5[%dma_start3A_77, %dma_start3A_82] : memref<2x16384xf32, #tpu.memory_space<vmem>> -> memref<1x16384xf32, #tpu.memory_space<vmem>>
    %dma_start3A_84 = tpu.memref_squeeze %dma_start3A_83 : memref<1x16384xf32, #tpu.memory_space<vmem>> -> memref<16384xf32, #tpu.memory_space<vmem>>
    %dma_start3A_85 = tpu.memref_slice %arg2[%add3A_76] : memref<2097152xf32, #tpu.memory_space<hbm>> -> memref<16384xf32, #tpu.memory_space<hbm>>
    tpu.enqueue_dma source(%dma_start3A_85 : memref<16384xf32, #tpu.memory_space<hbm>>) target(%dma_start3A_84 : memref<16384xf32, #tpu.memory_space<vmem>>) target_semaphore(%arg9 : memref<!tpu.dma_semaphore, #tpu.memory_space<semaphore_mem>>)
    %scan3A_86 = arith.constant 0 : i32
    %scan3A_87 = arith.constant -2147483648 : i32
    %scan3A_88 = arith.constant 65535 : i32
    %scan3A_89 = arith.constant 0 : i32
    %scan3A_90 = arith.constant 128 : i32
    %scan3A_91 = arith.addi %scan3A_89, %scan3A_90 : i32
    %scan3A_92 = arith.constant 1 : i32
    scf.for %scan3A_128 = %scan3A_89 to %scan3A_91 step %scan3A_92  : i32 {
      %mul3A_129 = arith.constant 8 : i32
      %mul3A_130 = arith.muli %scan3A_128, %mul3A_129 : i32
      %add3A_131 = arith.constant 0 : i32
      %add3A_132 = arith.addi %mul3A_130, %add3A_131 : i32
      %mul3A_133 = arith.constant 16 : i32
      %mul3A_134 = arith.muli %add3A_132, %mul3A_133 : i32
      %get3A_135 = arith.constant 1 : i32
      %get3A_136 = arith.index_cast %get3A_135 : i32 to index
      %get3A_137 = arith.index_cast %mul3A_134 : i32 to index
      %get3A_138 = tpu.vector_load %arg5[%get3A_136, %get3A_137] {strides = array<i32>} : memref<2x16384xf32, #tpu.memory_space<vmem>>, vector<16xf32>,
      %bitcast_convert_type3A = tpu.bitcast %get3A_138 : vector<16xf32> -> vector<16xi32>
      %shift_right_arithmetic3A = arith.constant 31 : i32
      %shift_right_arithmetic3A_139 = vector.broadcast %shift_right_arithmetic3A : i32 to vector<16xi32>
      %shift_right_arithmetic3A_140 = arith.shrsi %bitcast_convert_type3A, %shift_right_arithmetic3A_139 : vector<16xi32>
      %or3A = vector.broadcast %scan3A_87 : i32 to vector<16xi32>
      %or3A_141 = arith.ori %shift_right_arithmetic3A_140, %or3A : vector<16xi32>
      %xor3A = arith.xori %bitcast_convert_type3A, %or3A_141 : vector<16xi32>
      %shift_right_arithmetic3A_142 = arith.constant 0 : i32
      %shift_right_arithmetic3A_143 = vector.broadcast %shift_right_arithmetic3A_142 : i32 to vector<16xi32>
      %shift_right_arithmetic3A_144 = arith.shrsi %xor3A, %shift_right_arithmetic3A_143 : vector<16xi32>
      %and3A = vector.broadcast %scan3A_88 : i32 to vector<16xi32>
      %and3A_145 = arith.andi %shift_right_arithmetic3A_144, %and3A : vector<16xi32>
      %and3A_146 = arith.andi %xor3A, %get3A_30 : vector<16xi32>
      %eq3A = arith.cmpi eq, %and3A_146, %get3A_26 : vector<16xi32>
      tpu.vector_store_idx %arg7[%and3A_145], %broadcast_in_dim3A_38 masked %eq3A {add = true} : memref<65536xi32, #tpu.memory_space<vmem>>[vector<16xi32>], vector<16xi32>, vector<16xi1>
      %mul3A_147 = arith.constant 8 : i32
      %mul3A_148 = arith.muli %scan3A_128, %mul3A_147 : i32
      %add3A_149 = arith.constant 1 : i32
      %add3A_150 = arith.addi %mul3A_148, %add3A_149 : i32
      %mul3A_151 = arith.constant 16 : i32
      %mul3A_152 = arith.muli %add3A_150, %mul3A_151 : i32
      %get3A_153 = arith.constant 1 : i32
      %get3A_154 = arith.index_cast %get3A_153 : i32 to index
      %get3A_155 = arith.index_cast %mul3A_152 : i32 to index
      %get3A_156 = tpu.vector_load %arg5[%get3A_154, %get3A_155] {strides = array<i32>} : memref<2x16384xf32, #tpu.memory_space<vmem>>, vector<16xf32>,
      %bitcast_convert_type3A_157 = tpu.bitcast %get3A_156 : vector<16xf32> -> vector<16xi32>
      %shift_right_arithmetic3A_158 = arith.constant 31 : i32
      %shift_right_arithmetic3A_159 = vector.broadcast %shift_right_arithmetic3A_158 : i32 to vector<16xi32>
      %shift_right_arithmetic3A_160 = arith.shrsi %bitcast_convert_type3A_157, %shift_right_arithmetic3A_159 : vector<16xi32>
      %or3A_161 = vector.broadcast %scan3A_87 : i32 to vector<16xi32>
      %or3A_162 = arith.ori %shift_right_arithmetic3A_160, %or3A_161 : vector<16xi32>
      %xor3A_163 = arith.xori %bitcast_convert_type3A_157, %or3A_162 : vector<16xi32>
      %shift_right_arithmetic3A_164 = arith.constant 0 : i32
      %shift_right_arithmetic3A_165 = vector.broadcast %shift_right_arithmetic3A_164 : i32 to vector<16xi32>
      %shift_right_arithmetic3A_166 = arith.shrsi %xor3A_163, %shift_right_arithmetic3A_165 : vector<16xi32>
      %and3A_167 = vector.broadcast %scan3A_88 : i32 to vector<16xi32>
      %and3A_168 = arith.andi %shift_right_arithmetic3A_166, %and3A_167 : vector<16xi32>
      %and3A_169 = arith.andi %xor3A_163, %get3A_30 : vector<16xi32>
      %eq3A_170 = arith.cmpi eq, %and3A_169, %get3A_26 : vector<16xi32>
      tpu.vector_store_idx %arg7[%and3A_168], %broadcast_in_dim3A_38 masked %eq3A_170 {add = true} : memref<65536xi32, #tpu.memory_space<vmem>>[vector<16xi32>], vector<16xi32>, vector<16xi1>
      %mul3A_171 = arith.constant 8 : i32
      %mul3A_172 = arith.muli %scan3A_128, %mul3A_171 : i32
      %add3A_173 = arith.constant 2 : i32
      %add3A_174 = arith.addi %mul3A_172, %add3A_173 : i32
      %mul3A_175 = arith.constant 16 : i32
      %mul3A_176 = arith.muli %add3A_174, %mul3A_175 : i32
      %get3A_177 = arith.constant 1 : i32
      %get3A_178 = arith.index_cast %get3A_177 : i32 to index
      %get3A_179 = arith.index_cast %mul3A_176 : i32 to index
      %get3A_180 = tpu.vector_load %arg5[%get3A_178, %get3A_179] {strides = array<i32>} : memref<2x16384xf32, #tpu.memory_space<vmem>>, vector<16xf32>,
      %bitcast_convert_type3A_181 = tpu.bitcast %get3A_180 : vector<16xf32> -> vector<16xi32>
      %shift_right_arithmetic3A_182 = arith.constant 31 : i32
      %shift_right_arithmetic3A_183 = vector.broadcast %shift_right_arithmetic3A_182 : i32 to vector<16xi32>
      %shift_right_arithmetic3A_184 = arith.shrsi %bitcast_convert_type3A_181, %shift_right_arithmetic3A_183 : vector<16xi32>
      %or3A_185 = vector.broadcast %scan3A_87 : i32 to vector<16xi32>
      %or3A_186 = arith.ori %shift_right_arithmetic3A_184, %or3A_185 : vector<16xi32>
      %xor3A_187 = arith.xori %bitcast_convert_type3A_181, %or3A_186 : vector<16xi32>
      %shift_right_arithmetic3A_188 = arith.constant 0 : i32
      %shift_right_arithmetic3A_189 = vector.broadcast %shift_right_arithmetic3A_188 : i32 to vector<16xi32>
      %shift_right_arithmetic3A_190 = arith.shrsi %xor3A_187, %shift_right_arithmetic3A_189 : vector<16xi32>
      %and3A_191 = vector.broadcast %scan3A_88 : i32 to vector<16xi32>
      %and3A_192 = arith.andi %shift_right_arithmetic3A_190, %and3A_191 : vector<16xi32>
      %and3A_193 = arith.andi %xor3A_187, %get3A_30 : vector<16xi32>
      %eq3A_194 = arith.cmpi eq, %and3A_193, %get3A_26 : vector<16xi32>
      tpu.vector_store_idx %arg7[%and3A_192], %broadcast_in_dim3A_38 masked %eq3A_194 {add = true} : memref<65536xi32, #tpu.memory_space<vmem>>[vector<16xi32>], vector<16xi32>, vector<16xi1>
      %mul3A_195 = arith.constant 8 : i32
      %mul3A_196 = arith.muli %scan3A_128, %mul3A_195 : i32
      %add3A_197 = arith.constant 3 : i32
      %add3A_198 = arith.addi %mul3A_196, %add3A_197 : i32
      %mul3A_199 = arith.constant 16 : i32
      %mul3A_200 = arith.muli %add3A_198, %mul3A_199 : i32
      %get3A_201 = arith.constant 1 : i32
      %get3A_202 = arith.index_cast %get3A_201 : i32 to index
      %get3A_203 = arith.index_cast %mul3A_200 : i32 to index
      %get3A_204 = tpu.vector_load %arg5[%get3A_202, %get3A_203] {strides = array<i32>} : memref<2x16384xf32, #tpu.memory_space<vmem>>, vector<16xf32>,
      %bitcast_convert_type3A_205 = tpu.bitcast %get3A_204 : vector<16xf32> -> vector<16xi32>
      %shift_right_arithmetic3A_206 = arith.constant 31 : i32
      %shift_right_arithmetic3A_207 = vector.broadcast %shift_right_arithmetic3A_206 : i32 to vector<16xi32>
      %shift_right_arithmetic3A_208 = arith.shrsi %bitcast_convert_type3A_205, %shift_right_arithmetic3A_207 : vector<16xi32>
      %or3A_209 = vector.broadcast %scan3A_87 : i32 to vector<16xi32>
      %or3A_210 = arith.ori %shift_right_arithmetic3A_208, %or3A_209 : vector<16xi32>
      %xor3A_211 = arith.xori %bitcast_convert_type3A_205, %or3A_210 : vector<16xi32>
      %shift_right_arithmetic3A_212 = arith.constant 0 : i32
      %shift_right_arithmetic3A_213 = vector.broadcast %shift_right_arithmetic3A_212 : i32 to vector<16xi32>
      %shift_right_arithmetic3A_214 = arith.shrsi %xor3A_211, %shift_right_arithmetic3A_213 : vector<16xi32>
      %and3A_215 = vector.broadcast %scan3A_88 : i32 to vector<16xi32>
      %and3A_216 = arith.andi %shift_right_arithmetic3A_214, %and3A_215 : vector<16xi32>
      %and3A_217 = arith.andi %xor3A_211, %get3A_30 : vector<16xi32>
      %eq3A_218 = arith.cmpi eq, %and3A_217, %get3A_26 : vector<16xi32>
      tpu.vector_store_idx %arg7[%and3A_216], %broadcast_in_dim3A_38 masked %eq3A_218 {add = true} : memref<65536xi32, #tpu.memory_space<vmem>>[vector<16xi32>], vector<16xi32>, vector<16xi1>
      %mul3A_219 = arith.constant 8 : i32
      %mul3A_220 = arith.muli %scan3A_128, %mul3A_219 : i32
      %add3A_221 = arith.constant 4 : i32
      %add3A_222 = arith.addi %mul3A_220, %add3A_221 : i32
      %mul3A_223 = arith.constant 16 : i32
      %mul3A_224 = arith.muli %add3A_222, %mul3A_223 : i32
      %get3A_225 = arith.constant 1 : i32
      %get3A_226 = arith.index_cast %get3A_225 : i32 to index
      %get3A_227 = arith.index_cast %mul3A_224 : i32 to index
      %get3A_228 = tpu.vector_load %arg5[%get3A_226, %get3A_227] {strides = array<i32>} : memref<2x16384xf32, #tpu.memory_space<vmem>>, vector<16xf32>,
      %bitcast_convert_type3A_229 = tpu.bitcast %get3A_228 : vector<16xf32> -> vector<16xi32>
      %shift_right_arithmetic3A_230 = arith.constant 31 : i32
      %shift_right_arithmetic3A_231 = vector.broadcast %shift_right_arithmetic3A_230 : i32 to vector<16xi32>
      %shift_right_arithmetic3A_232 = arith.shrsi %bitcast_convert_type3A_229, %shift_right_arithmetic3A_231 : vector<16xi32>
      %or3A_233 = vector.broadcast %scan3A_87 : i32 to vector<16xi32>
      %or3A_234 = arith.ori %shift_right_arithmetic3A_232, %or3A_233 : vector<16xi32>
      %xor3A_235 = arith.xori %bitcast_convert_type3A_229, %or3A_234 : vector<16xi32>
      %shift_right_arithmetic3A_236 = arith.constant 0 : i32
      %shift_right_arithmetic3A_237 = vector.broadcast %shift_right_arithmetic3A_236 : i32 to vector<16xi32>
      %shift_right_arithmetic3A_238 = arith.shrsi %xor3A_235, %shift_right_arithmetic3A_237 : vector<16xi32>
      %and3A_239 = vector.broadcast %scan3A_88 : i32 to vector<16xi32>
      %and3A_240 = arith.andi %shift_right_arithmetic3A_238, %and3A_239 : vector<16xi32>
      %and3A_241 = arith.andi %xor3A_235, %get3A_30 : vector<16xi32>
      %eq3A_242 = arith.cmpi eq, %and3A_241, %get3A_26 : vector<16xi32>
      tpu.vector_store_idx %arg7[%and3A_240], %broadcast_in_dim3A_38 masked %eq3A_242 {add = true} : memref<65536xi32, #tpu.memory_space<vmem>>[vector<16xi32>], vector<16xi32>, vector<16xi1>
      %mul3A_243 = arith.constant 8 : i32
      %mul3A_244 = arith.muli %scan3A_128, %mul3A_243 : i32
      %add3A_245 = arith.constant 5 : i32
      %add3A_246 = arith.addi %mul3A_244, %add3A_245 : i32
      %mul3A_247 = arith.constant 16 : i32
      %mul3A_248 = arith.muli %add3A_246, %mul3A_247 : i32
      %get3A_249 = arith.constant 1 : i32
      %get3A_250 = arith.index_cast %get3A_249 : i32 to index
      %get3A_251 = arith.index_cast %mul3A_248 : i32 to index
      %get3A_252 = tpu.vector_load %arg5[%get3A_250, %get3A_251] {strides = array<i32>} : memref<2x16384xf32, #tpu.memory_space<vmem>>, vector<16xf32>,
      %bitcast_convert_type3A_253 = tpu.bitcast %get3A_252 : vector<16xf32> -> vector<16xi32>
      %shift_right_arithmetic3A_254 = arith.constant 31 : i32
      %shift_right_arithmetic3A_255 = vector.broadcast %shift_right_arithmetic3A_254 : i32 to vector<16xi32>
      %shift_right_arithmetic3A_256 = arith.shrsi %bitcast_convert_type3A_253, %shift_right_arithmetic3A_255 : vector<16xi32>
      %or3A_257 = vector.broadcast %scan3A_87 : i32 to vector<16xi32>
      %or3A_258 = arith.ori %shift_right_arithmetic3A_256, %or3A_257 : vector<16xi32>
      %xor3A_259 = arith.xori %bitcast_convert_type3A_253, %or3A_258 : vector<16xi32>
      %shift_right_arithmetic3A_260 = arith.constant 0 : i32
      %shift_right_arithmetic3A_261 = vector.broadcast %shift_right_arithmetic3A_260 : i32 to vector<16xi32>
      %shift_right_arithmetic3A_262 = arith.shrsi %xor3A_259, %shift_right_arithmetic3A_261 : vector<16xi32>
      %and3A_263 = vector.broadcast %scan3A_88 : i32 to vector<16xi32>
      %and3A_264 = arith.andi %shift_right_arithmetic3A_262, %and3A_263 : vector<16xi32>
      %and3A_265 = arith.andi %xor3A_259, %get3A_30 : vector<16xi32>
      %eq3A_266 = arith.cmpi eq, %and3A_265, %get3A_26 : vector<16xi32>
      tpu.vector_store_idx %arg7[%and3A_264], %broadcast_in_dim3A_38 masked %eq3A_266 {add = true} : memref<65536xi32, #tpu.memory_space<vmem>>[vector<16xi32>], vector<16xi32>, vector<16xi1>
      %mul3A_267 = arith.constant 8 : i32
      %mul3A_268 = arith.muli %scan3A_128, %mul3A_267 : i32
      %add3A_269 = arith.constant 6 : i32
      %add3A_270 = arith.addi %mul3A_268, %add3A_269 : i32
      %mul3A_271 = arith.constant 16 : i32
      %mul3A_272 = arith.muli %add3A_270, %mul3A_271 : i32
      %get3A_273 = arith.constant 1 : i32
      %get3A_274 = arith.index_cast %get3A_273 : i32 to index
      %get3A_275 = arith.index_cast %mul3A_272 : i32 to index
      %get3A_276 = tpu.vector_load %arg5[%get3A_274, %get3A_275] {strides = array<i32>} : memref<2x16384xf32, #tpu.memory_space<vmem>>, vector<16xf32>,
      %bitcast_convert_type3A_277 = tpu.bitcast %get3A_276 : vector<16xf32> -> vector<16xi32>
      %shift_right_arithmetic3A_278 = arith.constant 31 : i32
      %shift_right_arithmetic3A_279 = vector.broadcast %shift_right_arithmetic3A_278 : i32 to vector<16xi32>
      %shift_right_arithmetic3A_280 = arith.shrsi %bitcast_convert_type3A_277, %shift_right_arithmetic3A_279 : vector<16xi32>
      %or3A_281 = vector.broadcast %scan3A_87 : i32 to vector<16xi32>
      %or3A_282 = arith.ori %shift_right_arithmetic3A_280, %or3A_281 : vector<16xi32>
      %xor3A_283 = arith.xori %bitcast_convert_type3A_277, %or3A_282 : vector<16xi32>
      %shift_right_arithmetic3A_284 = arith.constant 0 : i32
      %shift_right_arithmetic3A_285 = vector.broadcast %shift_right_arithmetic3A_284 : i32 to vector<16xi32>
      %shift_right_arithmetic3A_286 = arith.shrsi %xor3A_283, %shift_right_arithmetic3A_285 : vector<16xi32>
      %and3A_287 = vector.broadcast %scan3A_88 : i32 to vector<16xi32>
      %and3A_288 = arith.andi %shift_right_arithmetic3A_286, %and3A_287 : vector<16xi32>
      %and3A_289 = arith.andi %xor3A_283, %get3A_30 : vector<16xi32>
      %eq3A_290 = arith.cmpi eq, %and3A_289, %get3A_26 : vector<16xi32>
      tpu.vector_store_idx %arg7[%and3A_288], %broadcast_in_dim3A_38 masked %eq3A_290 {add = true} : memref<65536xi32, #tpu.memory_space<vmem>>[vector<16xi32>], vector<16xi32>, vector<16xi1>
      %mul3A_291 = arith.constant 8 : i32
      %mul3A_292 = arith.muli %scan3A_128, %mul3A_291 : i32
      %add3A_293 = arith.constant 7 : i32
      %add3A_294 = arith.addi %mul3A_292, %add3A_293 : i32
      %mul3A_295 = arith.constant 16 : i32
      %mul3A_296 = arith.muli %add3A_294, %mul3A_295 : i32
      %get3A_297 = arith.constant 1 : i32
      %get3A_298 = arith.index_cast %get3A_297 : i32 to index
      %get3A_299 = arith.index_cast %mul3A_296 : i32 to index
      %get3A_300 = tpu.vector_load %arg5[%get3A_298, %get3A_299] {strides = array<i32>} : memref<2x16384xf32, #tpu.memory_space<vmem>>, vector<16xf32>,
      %bitcast_convert_type3A_301 = tpu.bitcast %get3A_300 : vector<16xf32> -> vector<16xi32>
      %shift_right_arithmetic3A_302 = arith.constant 31 : i32
      %shift_right_arithmetic3A_303 = vector.broadcast %shift_right_arithmetic3A_302 : i32 to vector<16xi32>
      %shift_right_arithmetic3A_304 = arith.shrsi %bitcast_convert_type3A_301, %shift_right_arithmetic3A_303 : vector<16xi32>
      %or3A_305 = vector.broadcast %scan3A_87 : i32 to vector<16xi32>
      %or3A_306 = arith.ori %shift_right_arithmetic3A_304, %or3A_305 : vector<16xi32>
      %xor3A_307 = arith.xori %bitcast_convert_type3A_301, %or3A_306 : vector<16xi32>
      %shift_right_arithmetic3A_308 = arith.constant 0 : i32
      %shift_right_arithmetic3A_309 = vector.broadcast %shift_right_arithmetic3A_308 : i32 to vector<16xi32>
      %shift_right_arithmetic3A_310 = arith.shrsi %xor3A_307, %shift_right_arithmetic3A_309 : vector<16xi32>
      %and3A_311 = vector.broadcast %scan3A_88 : i32 to vector<16xi32>
      %and3A_312 = arith.andi %shift_right_arithmetic3A_310, %and3A_311 : vector<16xi32>
      %and3A_313 = arith.andi %xor3A_307, %get3A_30 : vector<16xi32>
      %eq3A_314 = arith.cmpi eq, %and3A_313, %get3A_26 : vector<16xi32>
      tpu.vector_store_idx %arg7[%and3A_312], %broadcast_in_dim3A_38 masked %eq3A_314 {add = true} : memref<65536xi32, #tpu.memory_space<vmem>>[vector<16xi32>], vector<16xi32>, vector<16xi1>
    }
    %scan3A_93 = arith.constant 128 : i32
    %dma_wait3A_94 = arith.constant 0 : i32
    %dma_wait3A_95 = arith.constant 0 : i32
    %dma_wait3A_96 = tpu.memref_slice %arg5[%dma_wait3A_94, %dma_wait3A_95] : memref<2x16384xf32, #tpu.memory_space<vmem>> -> memref<1x16384xf32, #tpu.memory_space<vmem>>
    %dma_wait3A_97 = tpu.memref_squeeze %dma_wait3A_96 : memref<1x16384xf32, #tpu.memory_space<vmem>> -> memref<16384xf32, #tpu.memory_space<vmem>>
    %dma_wait3A_98 = tpu.memref_slice %arg2[%add3A_48] : memref<2097152xf32, #tpu.memory_space<hbm>> -> memref<16384xf32, #tpu.memory_space<hbm>>
    %dma_wait3A_99 = arith.constant 0 : i32
    %dma_wait3A_100 = tpu.memref_slice %arg5[%dma_wait3A_94, %dma_wait3A_99] : memref<2x16384xf32, #tpu.memory_space<vmem>> -> memref<1x16384xf32, #tpu.memory_space<vmem>>
    %dma_wait3A_101 = tpu.memref_squeeze %dma_wait3A_100 : memref<1x16384xf32, #tpu.memory_space<vmem>> -> memref<16384xf32, #tpu.memory_space<vmem>>
    %dma_wait3A_102 = tpu.memref_slice %arg2[%add3A_48] : memref<2097152xf32, #tpu.memory_space<hbm>> -> memref<16384xf32, #tpu.memory_space<hbm>>
    tpu.wait_dma2 semaphore(%arg8 : memref<!tpu.dma_semaphore, #tpu.memory_space<semaphore_mem>>) src(%dma_wait3A_102 : memref<16384xf32, #tpu.memory_space<hbm>>) dst(%dma_wait3A_101 : memref<16384xf32, #tpu.memory_space<vmem>>)
    %scan3A_103 = arith.constant 0 : i32
    %scan3A_104 = arith.constant -2147483648 : i32
    %scan3A_105 = arith.constant 65535 : i32
    %scan3A_106 = arith.constant 0 : i32
    %scan3A_107 = arith.constant 128 : i32
    %scan3A_108 = arith.addi %scan3A_106, %scan3A_107 : i32
    %scan3A_109 = arith.constant 1 : i32
    scf.for %scan3A_128 = %scan3A_106 to %scan3A_108 step %scan3A_109  : i32 {
      %mul3A_129 = arith.constant 8 : i32
      %mul3A_130 = arith.muli %scan3A_128, %mul3A_129 : i32
      %add3A_131 = arith.constant 0 : i32
      %add3A_132 = arith.addi %mul3A_130, %add3A_131 : i32
      %mul3A_133 = arith.constant 16 : i32
      %mul3A_134 = arith.muli %add3A_132, %mul3A_133 : i32
      %get3A_135 = arith.constant 0 : i32
      %get3A_136 = arith.index_cast %get3A_135 : i32 to index
      %get3A_137 = arith.index_cast %mul3A_134 : i32 to index
      %get3A_138 = tpu.vector_load %arg5[%get3A_136, %get3A_137] {strides = array<i32>} : memref<2x16384xf32, #tpu.memory_space<vmem>>, vector<16xf32>,
      %bitcast_convert_type3A = tpu.bitcast %get3A_138 : vector<16xf32> -> vector<16xi32>
      %shift_right_arithmetic3A = arith.constant 31 : i32
      %shift_right_arithmetic3A_139 = vector.broadcast %shift_right_arithmetic3A : i32 to vector<16xi32>
      %shift_right_arithmetic3A_140 = arith.shrsi %bitcast_convert_type3A, %shift_right_arithmetic3A_139 : vector<16xi32>
      %or3A = vector.broadcast %scan3A_104 : i32 to vector<16xi32>
      %or3A_141 = arith.ori %shift_right_arithmetic3A_140, %or3A : vector<16xi32>
      %xor3A = arith.xori %bitcast_convert_type3A, %or3A_141 : vector<16xi32>
      %shift_right_arithmetic3A_142 = arith.constant 0 : i32
      %shift_right_arithmetic3A_143 = vector.broadcast %shift_right_arithmetic3A_142 : i32 to vector<16xi32>
      %shift_right_arithmetic3A_144 = arith.shrsi %xor3A, %shift_right_arithmetic3A_143 : vector<16xi32>
      %and3A = vector.broadcast %scan3A_105 : i32 to vector<16xi32>
      %and3A_145 = arith.andi %shift_right_arithmetic3A_144, %and3A : vector<16xi32>
      %and3A_146 = arith.andi %xor3A, %get3A_30 : vector<16xi32>
      %eq3A = arith.cmpi eq, %and3A_146, %get3A_26 : vector<16xi32>
      tpu.vector_store_idx %arg7[%and3A_145], %broadcast_in_dim3A_38 masked %eq3A {add = true} : memref<65536xi32, #tpu.memory_space<vmem>>[vector<16xi32>], vector<16xi32>, vector<16xi1>
      %mul3A_147 = arith.constant 8 : i32
      %mul3A_148 = arith.muli %scan3A_128, %mul3A_147 : i32
      %add3A_149 = arith.constant 1 : i32
      %add3A_150 = arith.addi %mul3A_148, %add3A_149 : i32
      %mul3A_151 = arith.constant 16 : i32
      %mul3A_152 = arith.muli %add3A_150, %mul3A_151 : i32
      %get3A_153 = arith.constant 0 : i32
      %get3A_154 = arith.index_cast %get3A_153 : i32 to index
      %get3A_155 = arith.index_cast %mul3A_152 : i32 to index
      %get3A_156 = tpu.vector_load %arg5[%get3A_154, %get3A_155] {strides = array<i32>} : memref<2x16384xf32, #tpu.memory_space<vmem>>, vector<16xf32>,
      %bitcast_convert_type3A_157 = tpu.bitcast %get3A_156 : vector<16xf32> -> vector<16xi32>
      %shift_right_arithmetic3A_158 = arith.constant 31 : i32
      %shift_right_arithmetic3A_159 = vector.broadcast %shift_right_arithmetic3A_158 : i32 to vector<16xi32>
      %shift_right_arithmetic3A_160 = arith.shrsi %bitcast_convert_type3A_157, %shift_right_arithmetic3A_159 : vector<16xi32>
      %or3A_161 = vector.broadcast %scan3A_104 : i32 to vector<16xi32>
      %or3A_162 = arith.ori %shift_right_arithmetic3A_160, %or3A_161 : vector<16xi32>
      %xor3A_163 = arith.xori %bitcast_convert_type3A_157, %or3A_162 : vector<16xi32>
      %shift_right_arithmetic3A_164 = arith.constant 0 : i32
      %shift_right_arithmetic3A_165 = vector.broadcast %shift_right_arithmetic3A_164 : i32 to vector<16xi32>
      %shift_right_arithmetic3A_166 = arith.shrsi %xor3A_163, %shift_right_arithmetic3A_165 : vector<16xi32>
      %and3A_167 = vector.broadcast %scan3A_105 : i32 to vector<16xi32>
      %and3A_168 = arith.andi %shift_right_arithmetic3A_166, %and3A_167 : vector<16xi32>
      %and3A_169 = arith.andi %xor3A_163, %get3A_30 : vector<16xi32>
      %eq3A_170 = arith.cmpi eq, %and3A_169, %get3A_26 : vector<16xi32>
      tpu.vector_store_idx %arg7[%and3A_168], %broadcast_in_dim3A_38 masked %eq3A_170 {add = true} : memref<65536xi32, #tpu.memory_space<vmem>>[vector<16xi32>], vector<16xi32>, vector<16xi1>
      %mul3A_171 = arith.constant 8 : i32
      %mul3A_172 = arith.muli %scan3A_128, %mul3A_171 : i32
      %add3A_173 = arith.constant 2 : i32
      %add3A_174 = arith.addi %mul3A_172, %add3A_173 : i32
      %mul3A_175 = arith.constant 16 : i32
      %mul3A_176 = arith.muli %add3A_174, %mul3A_175 : i32
      %get3A_177 = arith.constant 0 : i32
      %get3A_178 = arith.index_cast %get3A_177 : i32 to index
      %get3A_179 = arith.index_cast %mul3A_176 : i32 to index
      %get3A_180 = tpu.vector_load %arg5[%get3A_178, %get3A_179] {strides = array<i32>} : memref<2x16384xf32, #tpu.memory_space<vmem>>, vector<16xf32>,
      %bitcast_convert_type3A_181 = tpu.bitcast %get3A_180 : vector<16xf32> -> vector<16xi32>
      %shift_right_arithmetic3A_182 = arith.constant 31 : i32
      %shift_right_arithmetic3A_183 = vector.broadcast %shift_right_arithmetic3A_182 : i32 to vector<16xi32>
      %shift_right_arithmetic3A_184 = arith.shrsi %bitcast_convert_type3A_181, %shift_right_arithmetic3A_183 : vector<16xi32>
      %or3A_185 = vector.broadcast %scan3A_104 : i32 to vector<16xi32>
      %or3A_186 = arith.ori %shift_right_arithmetic3A_184, %or3A_185 : vector<16xi32>
      %xor3A_187 = arith.xori %bitcast_convert_type3A_181, %or3A_186 : vector<16xi32>
      %shift_right_arithmetic3A_188 = arith.constant 0 : i32
      %shift_right_arithmetic3A_189 = vector.broadcast %shift_right_arithmetic3A_188 : i32 to vector<16xi32>
      %shift_right_arithmetic3A_190 = arith.shrsi %xor3A_187, %shift_right_arithmetic3A_189 : vector<16xi32>
      %and3A_191 = vector.broadcast %scan3A_105 : i32 to vector<16xi32>
      %and3A_192 = arith.andi %shift_right_arithmetic3A_190, %and3A_191 : vector<16xi32>
      %and3A_193 = arith.andi %xor3A_187, %get3A_30 : vector<16xi32>
      %eq3A_194 = arith.cmpi eq, %and3A_193, %get3A_26 : vector<16xi32>
      tpu.vector_store_idx %arg7[%and3A_192], %broadcast_in_dim3A_38 masked %eq3A_194 {add = true} : memref<65536xi32, #tpu.memory_space<vmem>>[vector<16xi32>], vector<16xi32>, vector<16xi1>
      %mul3A_195 = arith.constant 8 : i32
      %mul3A_196 = arith.muli %scan3A_128, %mul3A_195 : i32
      %add3A_197 = arith.constant 3 : i32
      %add3A_198 = arith.addi %mul3A_196, %add3A_197 : i32
      %mul3A_199 = arith.constant 16 : i32
      %mul3A_200 = arith.muli %add3A_198, %mul3A_199 : i32
      %get3A_201 = arith.constant 0 : i32
      %get3A_202 = arith.index_cast %get3A_201 : i32 to index
      %get3A_203 = arith.index_cast %mul3A_200 : i32 to index
      %get3A_204 = tpu.vector_load %arg5[%get3A_202, %get3A_203] {strides = array<i32>} : memref<2x16384xf32, #tpu.memory_space<vmem>>, vector<16xf32>,
      %bitcast_convert_type3A_205 = tpu.bitcast %get3A_204 : vector<16xf32> -> vector<16xi32>
      %shift_right_arithmetic3A_206 = arith.constant 31 : i32
      %shift_right_arithmetic3A_207 = vector.broadcast %shift_right_arithmetic3A_206 : i32 to vector<16xi32>
      %shift_right_arithmetic3A_208 = arith.shrsi %bitcast_convert_type3A_205, %shift_right_arithmetic3A_207 : vector<16xi32>
      %or3A_209 = vector.broadcast %scan3A_104 : i32 to vector<16xi32>
      %or3A_210 = arith.ori %shift_right_arithmetic3A_208, %or3A_209 : vector<16xi32>
      %xor3A_211 = arith.xori %bitcast_convert_type3A_205, %or3A_210 : vector<16xi32>
      %shift_right_arithmetic3A_212 = arith.constant 0 : i32
      %shift_right_arithmetic3A_213 = vector.broadcast %shift_right_arithmetic3A_212 : i32 to vector<16xi32>
      %shift_right_arithmetic3A_214 = arith.shrsi %xor3A_211, %shift_right_arithmetic3A_213 : vector<16xi32>
      %and3A_215 = vector.broadcast %scan3A_105 : i32 to vector<16xi32>
      %and3A_216 = arith.andi %shift_right_arithmetic3A_214, %and3A_215 : vector<16xi32>
      %and3A_217 = arith.andi %xor3A_211, %get3A_30 : vector<16xi32>
      %eq3A_218 = arith.cmpi eq, %and3A_217, %get3A_26 : vector<16xi32>
      tpu.vector_store_idx %arg7[%and3A_216], %broadcast_in_dim3A_38 masked %eq3A_218 {add = true} : memref<65536xi32, #tpu.memory_space<vmem>>[vector<16xi32>], vector<16xi32>, vector<16xi1>
      %mul3A_219 = arith.constant 8 : i32
      %mul3A_220 = arith.muli %scan3A_128, %mul3A_219 : i32
      %add3A_221 = arith.constant 4 : i32
      %add3A_222 = arith.addi %mul3A_220, %add3A_221 : i32
      %mul3A_223 = arith.constant 16 : i32
      %mul3A_224 = arith.muli %add3A_222, %mul3A_223 : i32
      %get3A_225 = arith.constant 0 : i32
      %get3A_226 = arith.index_cast %get3A_225 : i32 to index
      %get3A_227 = arith.index_cast %mul3A_224 : i32 to index
      %get3A_228 = tpu.vector_load %arg5[%get3A_226, %get3A_227] {strides = array<i32>} : memref<2x16384xf32, #tpu.memory_space<vmem>>, vector<16xf32>,
      %bitcast_convert_type3A_229 = tpu.bitcast %get3A_228 : vector<16xf32> -> vector<16xi32>
      %shift_right_arithmetic3A_230 = arith.constant 31 : i32
      %shift_right_arithmetic3A_231 = vector.broadcast %shift_right_arithmetic3A_230 : i32 to vector<16xi32>
      %shift_right_arithmetic3A_232 = arith.shrsi %bitcast_convert_type3A_229, %shift_right_arithmetic3A_231 : vector<16xi32>
      %or3A_233 = vector.broadcast %scan3A_104 : i32 to vector<16xi32>
      %or3A_234 = arith.ori %shift_right_arithmetic3A_232, %or3A_233 : vector<16xi32>
      %xor3A_235 = arith.xori %bitcast_convert_type3A_229, %or3A_234 : vector<16xi32>
      %shift_right_arithmetic3A_236 = arith.constant 0 : i32
      %shift_right_arithmetic3A_237 = vector.broadcast %shift_right_arithmetic3A_236 : i32 to vector<16xi32>
      %shift_right_arithmetic3A_238 = arith.shrsi %xor3A_235, %shift_right_arithmetic3A_237 : vector<16xi32>
      %and3A_239 = vector.broadcast %scan3A_105 : i32 to vector<16xi32>
      %and3A_240 = arith.andi %shift_right_arithmetic3A_238, %and3A_239 : vector<16xi32>
      %and3A_241 = arith.andi %xor3A_235, %get3A_30 : vector<16xi32>
      %eq3A_242 = arith.cmpi eq, %and3A_241, %get3A_26 : vector<16xi32>
      tpu.vector_store_idx %arg7[%and3A_240], %broadcast_in_dim3A_38 masked %eq3A_242 {add = true} : memref<65536xi32, #tpu.memory_space<vmem>>[vector<16xi32>], vector<16xi32>, vector<16xi1>
      %mul3A_243 = arith.constant 8 : i32
      %mul3A_244 = arith.muli %scan3A_128, %mul3A_243 : i32
      %add3A_245 = arith.constant 5 : i32
      %add3A_246 = arith.addi %mul3A_244, %add3A_245 : i32
      %mul3A_247 = arith.constant 16 : i32
      %mul3A_248 = arith.muli %add3A_246, %mul3A_247 : i32
      %get3A_249 = arith.constant 0 : i32
      %get3A_250 = arith.index_cast %get3A_249 : i32 to index
      %get3A_251 = arith.index_cast %mul3A_248 : i32 to index
      %get3A_252 = tpu.vector_load %arg5[%get3A_250, %get3A_251] {strides = array<i32>} : memref<2x16384xf32, #tpu.memory_space<vmem>>, vector<16xf32>,
      %bitcast_convert_type3A_253 = tpu.bitcast %get3A_252 : vector<16xf32> -> vector<16xi32>
      %shift_right_arithmetic3A_254 = arith.constant 31 : i32
      %shift_right_arithmetic3A_255 = vector.broadcast %shift_right_arithmetic3A_254 : i32 to vector<16xi32>
      %shift_right_arithmetic3A_256 = arith.shrsi %bitcast_convert_type3A_253, %shift_right_arithmetic3A_255 : vector<16xi32>
      %or3A_257 = vector.broadcast %scan3A_104 : i32 to vector<16xi32>
      %or3A_258 = arith.ori %shift_right_arithmetic3A_256, %or3A_257 : vector<16xi32>
      %xor3A_259 = arith.xori %bitcast_convert_type3A_253, %or3A_258 : vector<16xi32>
      %shift_right_arithmetic3A_260 = arith.constant 0 : i32
      %shift_right_arithmetic3A_261 = vector.broadcast %shift_right_arithmetic3A_260 : i32 to vector<16xi32>
      %shift_right_arithmetic3A_262 = arith.shrsi %xor3A_259, %shift_right_arithmetic3A_261 : vector<16xi32>
      %and3A_263 = vector.broadcast %scan3A_105 : i32 to vector<16xi32>
      %and3A_264 = arith.andi %shift_right_arithmetic3A_262, %and3A_263 : vector<16xi32>
      %and3A_265 = arith.andi %xor3A_259, %get3A_30 : vector<16xi32>
      %eq3A_266 = arith.cmpi eq, %and3A_265, %get3A_26 : vector<16xi32>
      tpu.vector_store_idx %arg7[%and3A_264], %broadcast_in_dim3A_38 masked %eq3A_266 {add = true} : memref<65536xi32, #tpu.memory_space<vmem>>[vector<16xi32>], vector<16xi32>, vector<16xi1>
      %mul3A_267 = arith.constant 8 : i32
      %mul3A_268 = arith.muli %scan3A_128, %mul3A_267 : i32
      %add3A_269 = arith.constant 6 : i32
      %add3A_270 = arith.addi %mul3A_268, %add3A_269 : i32
      %mul3A_271 = arith.constant 16 : i32
      %mul3A_272 = arith.muli %add3A_270, %mul3A_271 : i32
      %get3A_273 = arith.constant 0 : i32
      %get3A_274 = arith.index_cast %get3A_273 : i32 to index
      %get3A_275 = arith.index_cast %mul3A_272 : i32 to index
      %get3A_276 = tpu.vector_load %arg5[%get3A_274, %get3A_275] {strides = array<i32>} : memref<2x16384xf32, #tpu.memory_space<vmem>>, vector<16xf32>,
      %bitcast_convert_type3A_277 = tpu.bitcast %get3A_276 : vector<16xf32> -> vector<16xi32>
      %shift_right_arithmetic3A_278 = arith.constant 31 : i32
      %shift_right_arithmetic3A_279 = vector.broadcast %shift_right_arithmetic3A_278 : i32 to vector<16xi32>
      %shift_right_arithmetic3A_280 = arith.shrsi %bitcast_convert_type3A_277, %shift_right_arithmetic3A_279 : vector<16xi32>
      %or3A_281 = vector.broadcast %scan3A_104 : i32 to vector<16xi32>
      %or3A_282 = arith.ori %shift_right_arithmetic3A_280, %or3A_281 : vector<16xi32>
      %xor3A_283 = arith.xori %bitcast_convert_type3A_277, %or3A_282 : vector<16xi32>
      %shift_right_arithmetic3A_284 = arith.constant 0 : i32
      %shift_right_arithmetic3A_285 = vector.broadcast %shift_right_arithmetic3A_284 : i32 to vector<16xi32>
      %shift_right_arithmetic3A_286 = arith.shrsi %xor3A_283, %shift_right_arithmetic3A_285 : vector<16xi32>
      %and3A_287 = vector.broadcast %scan3A_105 : i32 to vector<16xi32>
      %and3A_288 = arith.andi %shift_right_arithmetic3A_286, %and3A_287 : vector<16xi32>
      %and3A_289 = arith.andi %xor3A_283, %get3A_30 : vector<16xi32>
      %eq3A_290 = arith.cmpi eq, %and3A_289, %get3A_26 : vector<16xi32>
      tpu.vector_store_idx %arg7[%and3A_288], %broadcast_in_dim3A_38 masked %eq3A_290 {add = true} : memref<65536xi32, #tpu.memory_space<vmem>>[vector<16xi32>], vector<16xi32>, vector<16xi1>
      %mul3A_291 = arith.constant 8 : i32
      %mul3A_292 = arith.muli %scan3A_128, %mul3A_291 : i32
      %add3A_293 = arith.constant 7 : i32
      %add3A_294 = arith.addi %mul3A_292, %add3A_293 : i32
      %mul3A_295 = arith.constant 16 : i32
      %mul3A_296 = arith.muli %add3A_294, %mul3A_295 : i32
      %get3A_297 = arith.constant 0 : i32
      %get3A_298 = arith.index_cast %get3A_297 : i32 to index
      %get3A_299 = arith.index_cast %mul3A_296 : i32 to index
      %get3A_300 = tpu.vector_load %arg5[%get3A_298, %get3A_299] {strides = array<i32>} : memref<2x16384xf32, #tpu.memory_space<vmem>>, vector<16xf32>,
      %bitcast_convert_type3A_301 = tpu.bitcast %get3A_300 : vector<16xf32> -> vector<16xi32>
      %shift_right_arithmetic3A_302 = arith.constant 31 : i32
      %shift_right_arithmetic3A_303 = vector.broadcast %shift_right_arithmetic3A_302 : i32 to vector<16xi32>
      %shift_right_arithmetic3A_304 = arith.shrsi %bitcast_convert_type3A_301, %shift_right_arithmetic3A_303 : vector<16xi32>
      %or3A_305 = vector.broadcast %scan3A_104 : i32 to vector<16xi32>
      %or3A_306 = arith.ori %shift_right_arithmetic3A_304, %or3A_305 : vector<16xi32>
      %xor3A_307 = arith.xori %bitcast_convert_type3A_301, %or3A_306 : vector<16xi32>
      %shift_right_arithmetic3A_308 = arith.constant 0 : i32
      %shift_right_arithmetic3A_309 = vector.broadcast %shift_right_arithmetic3A_308 : i32 to vector<16xi32>
      %shift_right_arithmetic3A_310 = arith.shrsi %xor3A_307, %shift_right_arithmetic3A_309 : vector<16xi32>
      %and3A_311 = vector.broadcast %scan3A_105 : i32 to vector<16xi32>
      %and3A_312 = arith.andi %shift_right_arithmetic3A_310, %and3A_311 : vector<16xi32>
      %and3A_313 = arith.andi %xor3A_307, %get3A_30 : vector<16xi32>
      %eq3A_314 = arith.cmpi eq, %and3A_313, %get3A_26 : vector<16xi32>
      tpu.vector_store_idx %arg7[%and3A_312], %broadcast_in_dim3A_38 masked %eq3A_314 {add = true} : memref<65536xi32, #tpu.memory_space<vmem>>[vector<16xi32>], vector<16xi32>, vector<16xi1>
    }
    %scan3A_110 = arith.constant 128 : i32
    %dma_wait3A_111 = arith.constant 1 : i32
    %dma_wait3A_112 = arith.constant 0 : i32
    %dma_wait3A_113 = tpu.memref_slice %arg5[%dma_wait3A_111, %dma_wait3A_112] : memref<2x16384xf32, #tpu.memory_space<vmem>> -> memref<1x16384xf32, #tpu.memory_space<vmem>>
    %dma_wait3A_114 = tpu.memref_squeeze %dma_wait3A_113 : memref<1x16384xf32, #tpu.memory_space<vmem>> -> memref<16384xf32, #tpu.memory_space<vmem>>
    %dma_wait3A_115 = tpu.memref_slice %arg2[%add3A_76] : memref<2097152xf32, #tpu.memory_space<hbm>> -> memref<16384xf32, #tpu.memory_space<hbm>>
    %dma_wait3A_116 = arith.constant 0 : i32
    %dma_wait3A_117 = tpu.memref_slice %arg5[%dma_wait3A_111, %dma_wait3A_116] : memref<2x16384xf32, #tpu.memory_space<vmem>> -> memref<1x16384xf32, #tpu.memory_space<vmem>>
    %dma_wait3A_118 = tpu.memref_squeeze %dma_wait3A_117 : memref<1x16384xf32, #tpu.memory_space<vmem>> -> memref<16384xf32, #tpu.memory_space<vmem>>
    %dma_wait3A_119 = tpu.memref_slice %arg2[%add3A_76] : memref<2097152xf32, #tpu.memory_space<hbm>> -> memref<16384xf32, #tpu.memory_space<hbm>>
    tpu.wait_dma2 semaphore(%arg9 : memref<!tpu.dma_semaphore, #tpu.memory_space<semaphore_mem>>) src(%dma_wait3A_119 : memref<16384xf32, #tpu.memory_space<hbm>>) dst(%dma_wait3A_118 : memref<16384xf32, #tpu.memory_space<vmem>>)
    %scan3A_120 = arith.constant 0 : i32
    %scan3A_121 = arith.constant -2147483648 : i32
    %scan3A_122 = arith.constant 65535 : i32
    %scan3A_123 = arith.constant 0 : i32
    %scan3A_124 = arith.constant 128 : i32
    %scan3A_125 = arith.addi %scan3A_123, %scan3A_124 : i32
    %scan3A_126 = arith.constant 1 : i32
    scf.for %scan3A_128 = %scan3A_123 to %scan3A_125 step %scan3A_126  : i32 {
      %mul3A_129 = arith.constant 8 : i32
      %mul3A_130 = arith.muli %scan3A_128, %mul3A_129 : i32
      %add3A_131 = arith.constant 0 : i32
      %add3A_132 = arith.addi %mul3A_130, %add3A_131 : i32
      %mul3A_133 = arith.constant 16 : i32
      %mul3A_134 = arith.muli %add3A_132, %mul3A_133 : i32
      %get3A_135 = arith.constant 1 : i32
      %get3A_136 = arith.index_cast %get3A_135 : i32 to index
      %get3A_137 = arith.index_cast %mul3A_134 : i32 to index
      %get3A_138 = tpu.vector_load %arg5[%get3A_136, %get3A_137] {strides = array<i32>} : memref<2x16384xf32, #tpu.memory_space<vmem>>, vector<16xf32>,
      %bitcast_convert_type3A = tpu.bitcast %get3A_138 : vector<16xf32> -> vector<16xi32>
      %shift_right_arithmetic3A = arith.constant 31 : i32
      %shift_right_arithmetic3A_139 = vector.broadcast %shift_right_arithmetic3A : i32 to vector<16xi32>
      %shift_right_arithmetic3A_140 = arith.shrsi %bitcast_convert_type3A, %shift_right_arithmetic3A_139 : vector<16xi32>
      %or3A = vector.broadcast %scan3A_121 : i32 to vector<16xi32>
      %or3A_141 = arith.ori %shift_right_arithmetic3A_140, %or3A : vector<16xi32>
      %xor3A = arith.xori %bitcast_convert_type3A, %or3A_141 : vector<16xi32>
      %shift_right_arithmetic3A_142 = arith.constant 0 : i32
      %shift_right_arithmetic3A_143 = vector.broadcast %shift_right_arithmetic3A_142 : i32 to vector<16xi32>
      %shift_right_arithmetic3A_144 = arith.shrsi %xor3A, %shift_right_arithmetic3A_143 : vector<16xi32>
      %and3A = vector.broadcast %scan3A_122 : i32 to vector<16xi32>
      %and3A_145 = arith.andi %shift_right_arithmetic3A_144, %and3A : vector<16xi32>
      %and3A_146 = arith.andi %xor3A, %get3A_30 : vector<16xi32>
      %eq3A = arith.cmpi eq, %and3A_146, %get3A_26 : vector<16xi32>
      tpu.vector_store_idx %arg7[%and3A_145], %broadcast_in_dim3A_38 masked %eq3A {add = true} : memref<65536xi32, #tpu.memory_space<vmem>>[vector<16xi32>], vector<16xi32>, vector<16xi1>
      %mul3A_147 = arith.constant 8 : i32
      %mul3A_148 = arith.muli %scan3A_128, %mul3A_147 : i32
      %add3A_149 = arith.constant 1 : i32
      %add3A_150 = arith.addi %mul3A_148, %add3A_149 : i32
      %mul3A_151 = arith.constant 16 : i32
      %mul3A_152 = arith.muli %add3A_150, %mul3A_151 : i32
      %get3A_153 = arith.constant 1 : i32
      %get3A_154 = arith.index_cast %get3A_153 : i32 to index
      %get3A_155 = arith.index_cast %mul3A_152 : i32 to index
      %get3A_156 = tpu.vector_load %arg5[%get3A_154, %get3A_155] {strides = array<i32>} : memref<2x16384xf32, #tpu.memory_space<vmem>>, vector<16xf32>,
      %bitcast_convert_type3A_157 = tpu.bitcast %get3A_156 : vector<16xf32> -> vector<16xi32>
      %shift_right_arithmetic3A_158 = arith.constant 31 : i32
      %shift_right_arithmetic3A_159 = vector.broadcast %shift_right_arithmetic3A_158 : i32 to vector<16xi32>
      %shift_right_arithmetic3A_160 = arith.shrsi %bitcast_convert_type3A_157, %shift_right_arithmetic3A_159 : vector<16xi32>
      %or3A_161 = vector.broadcast %scan3A_121 : i32 to vector<16xi32>
      %or3A_162 = arith.ori %shift_right_arithmetic3A_160, %or3A_161 : vector<16xi32>
      %xor3A_163 = arith.xori %bitcast_convert_type3A_157, %or3A_162 : vector<16xi32>
      %shift_right_arithmetic3A_164 = arith.constant 0 : i32
      %shift_right_arithmetic3A_165 = vector.broadcast %shift_right_arithmetic3A_164 : i32 to vector<16xi32>
      %shift_right_arithmetic3A_166 = arith.shrsi %xor3A_163, %shift_right_arithmetic3A_165 : vector<16xi32>
      %and3A_167 = vector.broadcast %scan3A_122 : i32 to vector<16xi32>
      %and3A_168 = arith.andi %shift_right_arithmetic3A_166, %and3A_167 : vector<16xi32>
      %and3A_169 = arith.andi %xor3A_163, %get3A_30 : vector<16xi32>
      %eq3A_170 = arith.cmpi eq, %and3A_169, %get3A_26 : vector<16xi32>
      tpu.vector_store_idx %arg7[%and3A_168], %broadcast_in_dim3A_38 masked %eq3A_170 {add = true} : memref<65536xi32, #tpu.memory_space<vmem>>[vector<16xi32>], vector<16xi32>, vector<16xi1>
      %mul3A_171 = arith.constant 8 : i32
      %mul3A_172 = arith.muli %scan3A_128, %mul3A_171 : i32
      %add3A_173 = arith.constant 2 : i32
      %add3A_174 = arith.addi %mul3A_172, %add3A_173 : i32
      %mul3A_175 = arith.constant 16 : i32
      %mul3A_176 = arith.muli %add3A_174, %mul3A_175 : i32
      %get3A_177 = arith.constant 1 : i32
      %get3A_178 = arith.index_cast %get3A_177 : i32 to index
      %get3A_179 = arith.index_cast %mul3A_176 : i32 to index
      %get3A_180 = tpu.vector_load %arg5[%get3A_178, %get3A_179] {strides = array<i32>} : memref<2x16384xf32, #tpu.memory_space<vmem>>, vector<16xf32>,
      %bitcast_convert_type3A_181 = tpu.bitcast %get3A_180 : vector<16xf32> -> vector<16xi32>
      %shift_right_arithmetic3A_182 = arith.constant 31 : i32
      %shift_right_arithmetic3A_183 = vector.broadcast %shift_right_arithmetic3A_182 : i32 to vector<16xi32>
      %shift_right_arithmetic3A_184 = arith.shrsi %bitcast_convert_type3A_181, %shift_right_arithmetic3A_183 : vector<16xi32>
      %or3A_185 = vector.broadcast %scan3A_121 : i32 to vector<16xi32>
      %or3A_186 = arith.ori %shift_right_arithmetic3A_184, %or3A_185 : vector<16xi32>
      %xor3A_187 = arith.xori %bitcast_convert_type3A_181, %or3A_186 : vector<16xi32>
      %shift_right_arithmetic3A_188 = arith.constant 0 : i32
      %shift_right_arithmetic3A_189 = vector.broadcast %shift_right_arithmetic3A_188 : i32 to vector<16xi32>
      %shift_right_arithmetic3A_190 = arith.shrsi %xor3A_187, %shift_right_arithmetic3A_189 : vector<16xi32>
      %and3A_191 = vector.broadcast %scan3A_122 : i32 to vector<16xi32>
      %and3A_192 = arith.andi %shift_right_arithmetic3A_190, %and3A_191 : vector<16xi32>
      %and3A_193 = arith.andi %xor3A_187, %get3A_30 : vector<16xi32>
      %eq3A_194 = arith.cmpi eq, %and3A_193, %get3A_26 : vector<16xi32>
      tpu.vector_store_idx %arg7[%and3A_192], %broadcast_in_dim3A_38 masked %eq3A_194 {add = true} : memref<65536xi32, #tpu.memory_space<vmem>>[vector<16xi32>], vector<16xi32>, vector<16xi1>
      %mul3A_195 = arith.constant 8 : i32
      %mul3A_196 = arith.muli %scan3A_128, %mul3A_195 : i32
      %add3A_197 = arith.constant 3 : i32
      %add3A_198 = arith.addi %mul3A_196, %add3A_197 : i32
      %mul3A_199 = arith.constant 16 : i32
      %mul3A_200 = arith.muli %add3A_198, %mul3A_199 : i32
      %get3A_201 = arith.constant 1 : i32
      %get3A_202 = arith.index_cast %get3A_201 : i32 to index
      %get3A_203 = arith.index_cast %mul3A_200 : i32 to index
      %get3A_204 = tpu.vector_load %arg5[%get3A_202, %get3A_203] {strides = array<i32>} : memref<2x16384xf32, #tpu.memory_space<vmem>>, vector<16xf32>,
      %bitcast_convert_type3A_205 = tpu.bitcast %get3A_204 : vector<16xf32> -> vector<16xi32>
      %shift_right_arithmetic3A_206 = arith.constant 31 : i32
      %shift_right_arithmetic3A_207 = vector.broadcast %shift_right_arithmetic3A_206 : i32 to vector<16xi32>
      %shift_right_arithmetic3A_208 = arith.shrsi %bitcast_convert_type3A_205, %shift_right_arithmetic3A_207 : vector<16xi32>
      %or3A_209 = vector.broadcast %scan3A_121 : i32 to vector<16xi32>
      %or3A_210 = arith.ori %shift_right_arithmetic3A_208, %or3A_209 : vector<16xi32>
      %xor3A_211 = arith.xori %bitcast_convert_type3A_205, %or3A_210 : vector<16xi32>
      %shift_right_arithmetic3A_212 = arith.constant 0 : i32
      %shift_right_arithmetic3A_213 = vector.broadcast %shift_right_arithmetic3A_212 : i32 to vector<16xi32>
      %shift_right_arithmetic3A_214 = arith.shrsi %xor3A_211, %shift_right_arithmetic3A_213 : vector<16xi32>
      %and3A_215 = vector.broadcast %scan3A_122 : i32 to vector<16xi32>
      %and3A_216 = arith.andi %shift_right_arithmetic3A_214, %and3A_215 : vector<16xi32>
      %and3A_217 = arith.andi %xor3A_211, %get3A_30 : vector<16xi32>
      %eq3A_218 = arith.cmpi eq, %and3A_217, %get3A_26 : vector<16xi32>
      tpu.vector_store_idx %arg7[%and3A_216], %broadcast_in_dim3A_38 masked %eq3A_218 {add = true} : memref<65536xi32, #tpu.memory_space<vmem>>[vector<16xi32>], vector<16xi32>, vector<16xi1>
      %mul3A_219 = arith.constant 8 : i32
      %mul3A_220 = arith.muli %scan3A_128, %mul3A_219 : i32
      %add3A_221 = arith.constant 4 : i32
      %add3A_222 = arith.addi %mul3A_220, %add3A_221 : i32
      %mul3A_223 = arith.constant 16 : i32
      %mul3A_224 = arith.muli %add3A_222, %mul3A_223 : i32
      %get3A_225 = arith.constant 1 : i32
      %get3A_226 = arith.index_cast %get3A_225 : i32 to index
      %get3A_227 = arith.index_cast %mul3A_224 : i32 to index
      %get3A_228 = tpu.vector_load %arg5[%get3A_226, %get3A_227] {strides = array<i32>} : memref<2x16384xf32, #tpu.memory_space<vmem>>, vector<16xf32>,
      %bitcast_convert_type3A_229 = tpu.bitcast %get3A_228 : vector<16xf32> -> vector<16xi32>
      %shift_right_arithmetic3A_230 = arith.constant 31 : i32
      %shift_right_arithmetic3A_231 = vector.broadcast %shift_right_arithmetic3A_230 : i32 to vector<16xi32>
      %shift_right_arithmetic3A_232 = arith.shrsi %bitcast_convert_type3A_229, %shift_right_arithmetic3A_231 : vector<16xi32>
      %or3A_233 = vector.broadcast %scan3A_121 : i32 to vector<16xi32>
      %or3A_234 = arith.ori %shift_right_arithmetic3A_232, %or3A_233 : vector<16xi32>
      %xor3A_235 = arith.xori %bitcast_convert_type3A_229, %or3A_234 : vector<16xi32>
      %shift_right_arithmetic3A_236 = arith.constant 0 : i32
      %shift_right_arithmetic3A_237 = vector.broadcast %shift_right_arithmetic3A_236 : i32 to vector<16xi32>
      %shift_right_arithmetic3A_238 = arith.shrsi %xor3A_235, %shift_right_arithmetic3A_237 : vector<16xi32>
      %and3A_239 = vector.broadcast %scan3A_122 : i32 to vector<16xi32>
      %and3A_240 = arith.andi %shift_right_arithmetic3A_238, %and3A_239 : vector<16xi32>
      %and3A_241 = arith.andi %xor3A_235, %get3A_30 : vector<16xi32>
      %eq3A_242 = arith.cmpi eq, %and3A_241, %get3A_26 : vector<16xi32>
      tpu.vector_store_idx %arg7[%and3A_240], %broadcast_in_dim3A_38 masked %eq3A_242 {add = true} : memref<65536xi32, #tpu.memory_space<vmem>>[vector<16xi32>], vector<16xi32>, vector<16xi1>
      %mul3A_243 = arith.constant 8 : i32
      %mul3A_244 = arith.muli %scan3A_128, %mul3A_243 : i32
      %add3A_245 = arith.constant 5 : i32
      %add3A_246 = arith.addi %mul3A_244, %add3A_245 : i32
      %mul3A_247 = arith.constant 16 : i32
      %mul3A_248 = arith.muli %add3A_246, %mul3A_247 : i32
      %get3A_249 = arith.constant 1 : i32
      %get3A_250 = arith.index_cast %get3A_249 : i32 to index
      %get3A_251 = arith.index_cast %mul3A_248 : i32 to index
      %get3A_252 = tpu.vector_load %arg5[%get3A_250, %get3A_251] {strides = array<i32>} : memref<2x16384xf32, #tpu.memory_space<vmem>>, vector<16xf32>,
      %bitcast_convert_type3A_253 = tpu.bitcast %get3A_252 : vector<16xf32> -> vector<16xi32>
      %shift_right_arithmetic3A_254 = arith.constant 31 : i32
      %shift_right_arithmetic3A_255 = vector.broadcast %shift_right_arithmetic3A_254 : i32 to vector<16xi32>
      %shift_right_arithmetic3A_256 = arith.shrsi %bitcast_convert_type3A_253, %shift_right_arithmetic3A_255 : vector<16xi32>
      %or3A_257 = vector.broadcast %scan3A_121 : i32 to vector<16xi32>
      %or3A_258 = arith.ori %shift_right_arithmetic3A_256, %or3A_257 : vector<16xi32>
      %xor3A_259 = arith.xori %bitcast_convert_type3A_253, %or3A_258 : vector<16xi32>
      %shift_right_arithmetic3A_260 = arith.constant 0 : i32
      %shift_right_arithmetic3A_261 = vector.broadcast %shift_right_arithmetic3A_260 : i32 to vector<16xi32>
      %shift_right_arithmetic3A_262 = arith.shrsi %xor3A_259, %shift_right_arithmetic3A_261 : vector<16xi32>
      %and3A_263 = vector.broadcast %scan3A_122 : i32 to vector<16xi32>
      %and3A_264 = arith.andi %shift_right_arithmetic3A_262, %and3A_263 : vector<16xi32>
      %and3A_265 = arith.andi %xor3A_259, %get3A_30 : vector<16xi32>
      %eq3A_266 = arith.cmpi eq, %and3A_265, %get3A_26 : vector<16xi32>
      tpu.vector_store_idx %arg7[%and3A_264], %broadcast_in_dim3A_38 masked %eq3A_266 {add = true} : memref<65536xi32, #tpu.memory_space<vmem>>[vector<16xi32>], vector<16xi32>, vector<16xi1>
      %mul3A_267 = arith.constant 8 : i32
      %mul3A_268 = arith.muli %scan3A_128, %mul3A_267 : i32
      %add3A_269 = arith.constant 6 : i32
      %add3A_270 = arith.addi %mul3A_268, %add3A_269 : i32
      %mul3A_271 = arith.constant 16 : i32
      %mul3A_272 = arith.muli %add3A_270, %mul3A_271 : i32
      %get3A_273 = arith.constant 1 : i32
      %get3A_274 = arith.index_cast %get3A_273 : i32 to index
      %get3A_275 = arith.index_cast %mul3A_272 : i32 to index
      %get3A_276 = tpu.vector_load %arg5[%get3A_274, %get3A_275] {strides = array<i32>} : memref<2x16384xf32, #tpu.memory_space<vmem>>, vector<16xf32>,
      %bitcast_convert_type3A_277 = tpu.bitcast %get3A_276 : vector<16xf32> -> vector<16xi32>
      %shift_right_arithmetic3A_278 = arith.constant 31 : i32
      %shift_right_arithmetic3A_279 = vector.broadcast %shift_right_arithmetic3A_278 : i32 to vector<16xi32>
      %shift_right_arithmetic3A_280 = arith.shrsi %bitcast_convert_type3A_277, %shift_right_arithmetic3A_279 : vector<16xi32>
      %or3A_281 = vector.broadcast %scan3A_121 : i32 to vector<16xi32>
      %or3A_282 = arith.ori %shift_right_arithmetic3A_280, %or3A_281 : vector<16xi32>
      %xor3A_283 = arith.xori %bitcast_convert_type3A_277, %or3A_282 : vector<16xi32>
      %shift_right_arithmetic3A_284 = arith.constant 0 : i32
      %shift_right_arithmetic3A_285 = vector.broadcast %shift_right_arithmetic3A_284 : i32 to vector<16xi32>
      %shift_right_arithmetic3A_286 = arith.shrsi %xor3A_283, %shift_right_arithmetic3A_285 : vector<16xi32>
      %and3A_287 = vector.broadcast %scan3A_122 : i32 to vector<16xi32>
      %and3A_288 = arith.andi %shift_right_arithmetic3A_286, %and3A_287 : vector<16xi32>
      %and3A_289 = arith.andi %xor3A_283, %get3A_30 : vector<16xi32>
      %eq3A_290 = arith.cmpi eq, %and3A_289, %get3A_26 : vector<16xi32>
      tpu.vector_store_idx %arg7[%and3A_288], %broadcast_in_dim3A_38 masked %eq3A_290 {add = true} : memref<65536xi32, #tpu.memory_space<vmem>>[vector<16xi32>], vector<16xi32>, vector<16xi1>
      %mul3A_291 = arith.constant 8 : i32
      %mul3A_292 = arith.muli %scan3A_128, %mul3A_291 : i32
      %add3A_293 = arith.constant 7 : i32
      %add3A_294 = arith.addi %mul3A_292, %add3A_293 : i32
      %mul3A_295 = arith.constant 16 : i32
      %mul3A_296 = arith.muli %add3A_294, %mul3A_295 : i32
      %get3A_297 = arith.constant 1 : i32
      %get3A_298 = arith.index_cast %get3A_297 : i32 to index
      %get3A_299 = arith.index_cast %mul3A_296 : i32 to index
      %get3A_300 = tpu.vector_load %arg5[%get3A_298, %get3A_299] {strides = array<i32>} : memref<2x16384xf32, #tpu.memory_space<vmem>>, vector<16xf32>,
      %bitcast_convert_type3A_301 = tpu.bitcast %get3A_300 : vector<16xf32> -> vector<16xi32>
      %shift_right_arithmetic3A_302 = arith.constant 31 : i32
      %shift_right_arithmetic3A_303 = vector.broadcast %shift_right_arithmetic3A_302 : i32 to vector<16xi32>
      %shift_right_arithmetic3A_304 = arith.shrsi %bitcast_convert_type3A_301, %shift_right_arithmetic3A_303 : vector<16xi32>
      %or3A_305 = vector.broadcast %scan3A_121 : i32 to vector<16xi32>
      %or3A_306 = arith.ori %shift_right_arithmetic3A_304, %or3A_305 : vector<16xi32>
      %xor3A_307 = arith.xori %bitcast_convert_type3A_301, %or3A_306 : vector<16xi32>
      %shift_right_arithmetic3A_308 = arith.constant 0 : i32
      %shift_right_arithmetic3A_309 = vector.broadcast %shift_right_arithmetic3A_308 : i32 to vector<16xi32>
      %shift_right_arithmetic3A_310 = arith.shrsi %xor3A_307, %shift_right_arithmetic3A_309 : vector<16xi32>
      %and3A_311 = vector.broadcast %scan3A_122 : i32 to vector<16xi32>
      %and3A_312 = arith.andi %shift_right_arithmetic3A_310, %and3A_311 : vector<16xi32>
      %and3A_313 = arith.andi %xor3A_307, %get3A_30 : vector<16xi32>
      %eq3A_314 = arith.cmpi eq, %and3A_313, %get3A_26 : vector<16xi32>
      tpu.vector_store_idx %arg7[%and3A_312], %broadcast_in_dim3A_38 masked %eq3A_314 {add = true} : memref<65536xi32, #tpu.memory_space<vmem>>[vector<16xi32>], vector<16xi32>, vector<16xi1>
    }
    %scan3A_127 = arith.constant 128 : i32
    "tpu.region"() ({
      %run_scoped3A = tpu.sem_alloc : memref<!tpu.dma_semaphore, #tpu.memory_space<semaphore_mem>>
      %dma_start3A_128 = arith.constant 0 : i32
      %dma_start3A_129 = tpu.memref_slice %arg4[%add3A, %dma_start3A_128] : memref<32x65536xi32, #tpu.memory_space<hbm>> -> memref<1x65536xi32, #tpu.memory_space<hbm>>
      %dma_start3A_130 = tpu.memref_squeeze %dma_start3A_129 : memref<1x65536xi32, #tpu.memory_space<hbm>> -> memref<65536xi32, #tpu.memory_space<hbm>>
      %dma_start3A_131 = arith.constant 0 : i32
      %dma_start3A_132 = tpu.memref_slice %arg4[%add3A, %dma_start3A_131] : memref<32x65536xi32, #tpu.memory_space<hbm>> -> memref<1x65536xi32, #tpu.memory_space<hbm>>
      %dma_start3A_133 = tpu.memref_squeeze %dma_start3A_132 : memref<1x65536xi32, #tpu.memory_space<hbm>> -> memref<65536xi32, #tpu.memory_space<hbm>>
      tpu.enqueue_dma source(%arg7 : memref<65536xi32, #tpu.memory_space<vmem>>) target(%dma_start3A_133 : memref<65536xi32, #tpu.memory_space<hbm>>) target_semaphore(%run_scoped3A : memref<!tpu.dma_semaphore, #tpu.memory_space<semaphore_mem>>)
      %dma_wait3A_134 = arith.constant 0 : i32
      %dma_wait3A_135 = tpu.memref_slice %arg4[%add3A, %dma_wait3A_134] : memref<32x65536xi32, #tpu.memory_space<hbm>> -> memref<1x65536xi32, #tpu.memory_space<hbm>>
      %dma_wait3A_136 = tpu.memref_squeeze %dma_wait3A_135 : memref<1x65536xi32, #tpu.memory_space<hbm>> -> memref<65536xi32, #tpu.memory_space<hbm>>
      %dma_wait3A_137 = arith.constant 0 : i32
      %dma_wait3A_138 = tpu.memref_slice %arg4[%add3A, %dma_wait3A_137] : memref<32x65536xi32, #tpu.memory_space<hbm>> -> memref<1x65536xi32, #tpu.memory_space<hbm>>
      %dma_wait3A_139 = tpu.memref_squeeze %dma_wait3A_138 : memref<1x65536xi32, #tpu.memory_space<hbm>> -> memref<65536xi32, #tpu.memory_space<hbm>>
      tpu.wait_dma2 semaphore(%run_scoped3A : memref<!tpu.dma_semaphore, #tpu.memory_space<semaphore_mem>>) src(%arg7 : memref<65536xi32, #tpu.memory_space<vmem>>) dst(%dma_wait3A_139 : memref<65536xi32, #tpu.memory_space<hbm>>)
      tpu.yield
    }) : () -> ()
    return
  }
}

#map = affine_map<(d0, d1) -> (0)>
#map1 = affine_map<(d0, d1) -> (0, 0)>
module attributes {stable_mosaic.version = 14 : i64} {
  func.func @sumgt(%arg0: i32, %arg1: i32, %arg2: memref<2097152xf32, #tpu.memory_space<hbm>>, %arg3: memref<16xf32, #tpu.memory_space<hbm>>, %arg4: memref<32x16xf32, #tpu.memory_space<hbm>>, %arg5: memref<2x16384xf32, #tpu.memory_space<vmem>>, %arg6: memref<16xf32, #tpu.memory_space<vmem>>, %arg7: memref<!tpu.dma_semaphore, #tpu.memory_space<semaphore_mem>>, %arg8: memref<!tpu.dma_semaphore, #tpu.memory_space<semaphore_mem>>) attributes {dimension_semantics = [#tpu.dimension_semantics<core_parallel>, #tpu.dimension_semantics<subcore_parallel>], iteration_bounds = array<i64: 2, 16>, scalar_prefetch = 0 : i64, scratch_operands = 4 : i64, tpu.core_type = #tpu.core_type<sc_vector_subcore>, window_params = [{transform_indices = #map}, {transform_indices = #map}, {transform_indices = #map1}]} {
    %mul3A = arith.constant 2 : i32
    %mul3A_0 = arith.muli %arg1, %mul3A : i32
    %add3A = arith.addi %mul3A_0, %arg0 : i32
    %mul3A_1 = arith.constant 65536 : i32
    %mul3A_2 = arith.muli %add3A, %mul3A_1 : i32
    %multiple_of3A = tpu.assume_multiple %mul3A_2, 8 : i32
    %add3A_3 = arith.constant 0 : i32
    %add3A_4 = arith.addi %multiple_of3A, %add3A_3 : i32
    %dma_start3A = arith.constant 0 : i32
    %dma_start3A_5 = arith.constant 0 : i32
    %dma_start3A_6 = tpu.memref_slice %arg5[%dma_start3A, %dma_start3A_5] : memref<2x16384xf32, #tpu.memory_space<vmem>> -> memref<1x16384xf32, #tpu.memory_space<vmem>>
    %dma_start3A_7 = tpu.memref_squeeze %dma_start3A_6 : memref<1x16384xf32, #tpu.memory_space<vmem>> -> memref<16384xf32, #tpu.memory_space<vmem>>
    %dma_start3A_8 = tpu.memref_slice %arg2[%add3A_4] : memref<2097152xf32, #tpu.memory_space<hbm>> -> memref<16384xf32, #tpu.memory_space<hbm>>
    %dma_start3A_9 = arith.constant 0 : i32
    %dma_start3A_10 = tpu.memref_slice %arg5[%dma_start3A, %dma_start3A_9] : memref<2x16384xf32, #tpu.memory_space<vmem>> -> memref<1x16384xf32, #tpu.memory_space<vmem>>
    %dma_start3A_11 = tpu.memref_squeeze %dma_start3A_10 : memref<1x16384xf32, #tpu.memory_space<vmem>> -> memref<16384xf32, #tpu.memory_space<vmem>>
    %dma_start3A_12 = tpu.memref_slice %arg2[%add3A_4] : memref<2097152xf32, #tpu.memory_space<hbm>> -> memref<16384xf32, #tpu.memory_space<hbm>>
    tpu.enqueue_dma source(%dma_start3A_12 : memref<16384xf32, #tpu.memory_space<hbm>>) target(%dma_start3A_11 : memref<16384xf32, #tpu.memory_space<vmem>>) target_semaphore(%arg7 : memref<!tpu.dma_semaphore, #tpu.memory_space<semaphore_mem>>)
    %add3A_13 = arith.constant 16384 : i32
    %add3A_14 = arith.addi %multiple_of3A, %add3A_13 : i32
    %dma_start3A_15 = arith.constant 1 : i32
    %dma_start3A_16 = arith.constant 0 : i32
    %dma_start3A_17 = tpu.memref_slice %arg5[%dma_start3A_15, %dma_start3A_16] : memref<2x16384xf32, #tpu.memory_space<vmem>> -> memref<1x16384xf32, #tpu.memory_space<vmem>>
    %dma_start3A_18 = tpu.memref_squeeze %dma_start3A_17 : memref<1x16384xf32, #tpu.memory_space<vmem>> -> memref<16384xf32, #tpu.memory_space<vmem>>
    %dma_start3A_19 = tpu.memref_slice %arg2[%add3A_14] : memref<2097152xf32, #tpu.memory_space<hbm>> -> memref<16384xf32, #tpu.memory_space<hbm>>
    %dma_start3A_20 = arith.constant 0 : i32
    %dma_start3A_21 = tpu.memref_slice %arg5[%dma_start3A_15, %dma_start3A_20] : memref<2x16384xf32, #tpu.memory_space<vmem>> -> memref<1x16384xf32, #tpu.memory_space<vmem>>
    %dma_start3A_22 = tpu.memref_squeeze %dma_start3A_21 : memref<1x16384xf32, #tpu.memory_space<vmem>> -> memref<16384xf32, #tpu.memory_space<vmem>>
    %dma_start3A_23 = tpu.memref_slice %arg2[%add3A_14] : memref<2097152xf32, #tpu.memory_space<hbm>> -> memref<16384xf32, #tpu.memory_space<hbm>>
    tpu.enqueue_dma source(%dma_start3A_23 : memref<16384xf32, #tpu.memory_space<hbm>>) target(%dma_start3A_22 : memref<16384xf32, #tpu.memory_space<vmem>>) target_semaphore(%arg8 : memref<!tpu.dma_semaphore, #tpu.memory_space<semaphore_mem>>)
    "tpu.region"() ({
      %run_scoped3A = tpu.sem_alloc : memref<!tpu.dma_semaphore, #tpu.memory_space<semaphore_mem>>
      tpu.enqueue_dma source(%arg3 : memref<16xf32, #tpu.memory_space<hbm>>) target(%arg6 : memref<16xf32, #tpu.memory_space<vmem>>) target_semaphore(%run_scoped3A : memref<!tpu.dma_semaphore, #tpu.memory_space<semaphore_mem>>)
      tpu.wait_dma2 semaphore(%run_scoped3A : memref<!tpu.dma_semaphore, #tpu.memory_space<semaphore_mem>>) src(%arg3 : memref<16xf32, #tpu.memory_space<hbm>>) dst(%arg6 : memref<16xf32, #tpu.memory_space<vmem>>)
      tpu.yield
    }) : () -> ()
    %get3A = arith.constant 0 : index
    %get3A_24 = tpu.vector_load %arg6[%get3A] {strides = array<i32>} : memref<16xf32, #tpu.memory_space<vmem>>, vector<16xf32>,
    %broadcast_in_dim3A = arith.constant 0.000000e+00 : f32
    %broadcast_in_dim3A_25 = vector.broadcast %broadcast_in_dim3A : f32 to vector<16xf32>
    %dma_wait3A = arith.constant 0 : i32
    %dma_wait3A_26 = arith.constant 0 : i32
    %dma_wait3A_27 = tpu.memref_slice %arg5[%dma_wait3A, %dma_wait3A_26] : memref<2x16384xf32, #tpu.memory_space<vmem>> -> memref<1x16384xf32, #tpu.memory_space<vmem>>
    %dma_wait3A_28 = tpu.memref_squeeze %dma_wait3A_27 : memref<1x16384xf32, #tpu.memory_space<vmem>> -> memref<16384xf32, #tpu.memory_space<vmem>>
    %dma_wait3A_29 = tpu.memref_slice %arg2[%add3A_4] : memref<2097152xf32, #tpu.memory_space<hbm>> -> memref<16384xf32, #tpu.memory_space<hbm>>
    %dma_wait3A_30 = arith.constant 0 : i32
    %dma_wait3A_31 = tpu.memref_slice %arg5[%dma_wait3A, %dma_wait3A_30] : memref<2x16384xf32, #tpu.memory_space<vmem>> -> memref<1x16384xf32, #tpu.memory_space<vmem>>
    %dma_wait3A_32 = tpu.memref_squeeze %dma_wait3A_31 : memref<1x16384xf32, #tpu.memory_space<vmem>> -> memref<16384xf32, #tpu.memory_space<vmem>>
    %dma_wait3A_33 = tpu.memref_slice %arg2[%add3A_4] : memref<2097152xf32, #tpu.memory_space<hbm>> -> memref<16384xf32, #tpu.memory_space<hbm>>
    tpu.wait_dma2 semaphore(%arg7 : memref<!tpu.dma_semaphore, #tpu.memory_space<semaphore_mem>>) src(%dma_wait3A_33 : memref<16384xf32, #tpu.memory_space<hbm>>) dst(%dma_wait3A_32 : memref<16384xf32, #tpu.memory_space<vmem>>)
    %add3A_34 = arith.constant 32768 : i32
    %add3A_35 = arith.addi %multiple_of3A, %add3A_34 : i32
    %dma_start3A_36 = arith.constant 0 : i32
    %dma_start3A_37 = arith.constant 0 : i32
    %dma_start3A_38 = tpu.memref_slice %arg5[%dma_start3A_36, %dma_start3A_37] : memref<2x16384xf32, #tpu.memory_space<vmem>> -> memref<1x16384xf32, #tpu.memory_space<vmem>>
    %dma_start3A_39 = tpu.memref_squeeze %dma_start3A_38 : memref<1x16384xf32, #tpu.memory_space<vmem>> -> memref<16384xf32, #tpu.memory_space<vmem>>
    %dma_start3A_40 = tpu.memref_slice %arg2[%add3A_35] : memref<2097152xf32, #tpu.memory_space<hbm>> -> memref<16384xf32, #tpu.memory_space<hbm>>
    %dma_start3A_41 = arith.constant 0 : i32
    %dma_start3A_42 = tpu.memref_slice %arg5[%dma_start3A_36, %dma_start3A_41] : memref<2x16384xf32, #tpu.memory_space<vmem>> -> memref<1x16384xf32, #tpu.memory_space<vmem>>
    %dma_start3A_43 = tpu.memref_squeeze %dma_start3A_42 : memref<1x16384xf32, #tpu.memory_space<vmem>> -> memref<16384xf32, #tpu.memory_space<vmem>>
    %dma_start3A_44 = tpu.memref_slice %arg2[%add3A_35] : memref<2097152xf32, #tpu.memory_space<hbm>> -> memref<16384xf32, #tpu.memory_space<hbm>>
    tpu.enqueue_dma source(%dma_start3A_44 : memref<16384xf32, #tpu.memory_space<hbm>>) target(%dma_start3A_43 : memref<16384xf32, #tpu.memory_space<vmem>>) target_semaphore(%arg7 : memref<!tpu.dma_semaphore, #tpu.memory_space<semaphore_mem>>)
    %scan3A = arith.constant 0 : i32
    %scan3A_45 = arith.constant 128 : i32
    %scan3A_46 = arith.addi %scan3A, %scan3A_45 : i32
    %scan3A_47 = arith.constant 1 : i32
    %scan3A_48 = scf.for %scan3A_107 = %scan3A to %scan3A_46 step %scan3A_47 iter_args(%scan3A_108 = %broadcast_in_dim3A_25) -> (vector<16xf32>)  : i32 {
      %mul3A_109 = arith.constant 8 : i32
      %mul3A_110 = arith.muli %scan3A_107, %mul3A_109 : i32
      %add3A_111 = arith.constant 0 : i32
      %add3A_112 = arith.addi %mul3A_110, %add3A_111 : i32
      %mul3A_113 = arith.constant 16 : i32
      %mul3A_114 = arith.muli %add3A_112, %mul3A_113 : i32
      %get3A_115 = arith.constant 0 : i32
      %get3A_116 = arith.index_cast %get3A_115 : i32 to index
      %get3A_117 = arith.index_cast %mul3A_114 : i32 to index
      %get3A_118 = tpu.vector_load %arg5[%get3A_116, %get3A_117] {strides = array<i32>} : memref<2x16384xf32, #tpu.memory_space<vmem>>, vector<16xf32>,
      %gt3A = arith.cmpf ogt, %get3A_118, %get3A_24 : vector<16xf32>
      %select_n3A = arith.select %gt3A, %get3A_118, %broadcast_in_dim3A_25 : vector<16xi1>, vector<16xf32>
      %add3A_119 = arith.addf %scan3A_108, %select_n3A : vector<16xf32>
      %mul3A_120 = arith.constant 8 : i32
      %mul3A_121 = arith.muli %scan3A_107, %mul3A_120 : i32
      %add3A_122 = arith.constant 1 : i32
      %add3A_123 = arith.addi %mul3A_121, %add3A_122 : i32
      %mul3A_124 = arith.constant 16 : i32
      %mul3A_125 = arith.muli %add3A_123, %mul3A_124 : i32
      %get3A_126 = arith.constant 0 : i32
      %get3A_127 = arith.index_cast %get3A_126 : i32 to index
      %get3A_128 = arith.index_cast %mul3A_125 : i32 to index
      %get3A_129 = tpu.vector_load %arg5[%get3A_127, %get3A_128] {strides = array<i32>} : memref<2x16384xf32, #tpu.memory_space<vmem>>, vector<16xf32>,
      %gt3A_130 = arith.cmpf ogt, %get3A_129, %get3A_24 : vector<16xf32>
      %select_n3A_131 = arith.select %gt3A_130, %get3A_129, %broadcast_in_dim3A_25 : vector<16xi1>, vector<16xf32>
      %add3A_132 = arith.addf %add3A_119, %select_n3A_131 : vector<16xf32>
      %mul3A_133 = arith.constant 8 : i32
      %mul3A_134 = arith.muli %scan3A_107, %mul3A_133 : i32
      %add3A_135 = arith.constant 2 : i32
      %add3A_136 = arith.addi %mul3A_134, %add3A_135 : i32
      %mul3A_137 = arith.constant 16 : i32
      %mul3A_138 = arith.muli %add3A_136, %mul3A_137 : i32
      %get3A_139 = arith.constant 0 : i32
      %get3A_140 = arith.index_cast %get3A_139 : i32 to index
      %get3A_141 = arith.index_cast %mul3A_138 : i32 to index
      %get3A_142 = tpu.vector_load %arg5[%get3A_140, %get3A_141] {strides = array<i32>} : memref<2x16384xf32, #tpu.memory_space<vmem>>, vector<16xf32>,
      %gt3A_143 = arith.cmpf ogt, %get3A_142, %get3A_24 : vector<16xf32>
      %select_n3A_144 = arith.select %gt3A_143, %get3A_142, %broadcast_in_dim3A_25 : vector<16xi1>, vector<16xf32>
      %add3A_145 = arith.addf %add3A_132, %select_n3A_144 : vector<16xf32>
      %mul3A_146 = arith.constant 8 : i32
      %mul3A_147 = arith.muli %scan3A_107, %mul3A_146 : i32
      %add3A_148 = arith.constant 3 : i32
      %add3A_149 = arith.addi %mul3A_147, %add3A_148 : i32
      %mul3A_150 = arith.constant 16 : i32
      %mul3A_151 = arith.muli %add3A_149, %mul3A_150 : i32
      %get3A_152 = arith.constant 0 : i32
      %get3A_153 = arith.index_cast %get3A_152 : i32 to index
      %get3A_154 = arith.index_cast %mul3A_151 : i32 to index
      %get3A_155 = tpu.vector_load %arg5[%get3A_153, %get3A_154] {strides = array<i32>} : memref<2x16384xf32, #tpu.memory_space<vmem>>, vector<16xf32>,
      %gt3A_156 = arith.cmpf ogt, %get3A_155, %get3A_24 : vector<16xf32>
      %select_n3A_157 = arith.select %gt3A_156, %get3A_155, %broadcast_in_dim3A_25 : vector<16xi1>, vector<16xf32>
      %add3A_158 = arith.addf %add3A_145, %select_n3A_157 : vector<16xf32>
      %mul3A_159 = arith.constant 8 : i32
      %mul3A_160 = arith.muli %scan3A_107, %mul3A_159 : i32
      %add3A_161 = arith.constant 4 : i32
      %add3A_162 = arith.addi %mul3A_160, %add3A_161 : i32
      %mul3A_163 = arith.constant 16 : i32
      %mul3A_164 = arith.muli %add3A_162, %mul3A_163 : i32
      %get3A_165 = arith.constant 0 : i32
      %get3A_166 = arith.index_cast %get3A_165 : i32 to index
      %get3A_167 = arith.index_cast %mul3A_164 : i32 to index
      %get3A_168 = tpu.vector_load %arg5[%get3A_166, %get3A_167] {strides = array<i32>} : memref<2x16384xf32, #tpu.memory_space<vmem>>, vector<16xf32>,
      %gt3A_169 = arith.cmpf ogt, %get3A_168, %get3A_24 : vector<16xf32>
      %select_n3A_170 = arith.select %gt3A_169, %get3A_168, %broadcast_in_dim3A_25 : vector<16xi1>, vector<16xf32>
      %add3A_171 = arith.addf %add3A_158, %select_n3A_170 : vector<16xf32>
      %mul3A_172 = arith.constant 8 : i32
      %mul3A_173 = arith.muli %scan3A_107, %mul3A_172 : i32
      %add3A_174 = arith.constant 5 : i32
      %add3A_175 = arith.addi %mul3A_173, %add3A_174 : i32
      %mul3A_176 = arith.constant 16 : i32
      %mul3A_177 = arith.muli %add3A_175, %mul3A_176 : i32
      %get3A_178 = arith.constant 0 : i32
      %get3A_179 = arith.index_cast %get3A_178 : i32 to index
      %get3A_180 = arith.index_cast %mul3A_177 : i32 to index
      %get3A_181 = tpu.vector_load %arg5[%get3A_179, %get3A_180] {strides = array<i32>} : memref<2x16384xf32, #tpu.memory_space<vmem>>, vector<16xf32>,
      %gt3A_182 = arith.cmpf ogt, %get3A_181, %get3A_24 : vector<16xf32>
      %select_n3A_183 = arith.select %gt3A_182, %get3A_181, %broadcast_in_dim3A_25 : vector<16xi1>, vector<16xf32>
      %add3A_184 = arith.addf %add3A_171, %select_n3A_183 : vector<16xf32>
      %mul3A_185 = arith.constant 8 : i32
      %mul3A_186 = arith.muli %scan3A_107, %mul3A_185 : i32
      %add3A_187 = arith.constant 6 : i32
      %add3A_188 = arith.addi %mul3A_186, %add3A_187 : i32
      %mul3A_189 = arith.constant 16 : i32
      %mul3A_190 = arith.muli %add3A_188, %mul3A_189 : i32
      %get3A_191 = arith.constant 0 : i32
      %get3A_192 = arith.index_cast %get3A_191 : i32 to index
      %get3A_193 = arith.index_cast %mul3A_190 : i32 to index
      %get3A_194 = tpu.vector_load %arg5[%get3A_192, %get3A_193] {strides = array<i32>} : memref<2x16384xf32, #tpu.memory_space<vmem>>, vector<16xf32>,
      %gt3A_195 = arith.cmpf ogt, %get3A_194, %get3A_24 : vector<16xf32>
      %select_n3A_196 = arith.select %gt3A_195, %get3A_194, %broadcast_in_dim3A_25 : vector<16xi1>, vector<16xf32>
      %add3A_197 = arith.addf %add3A_184, %select_n3A_196 : vector<16xf32>
      %mul3A_198 = arith.constant 8 : i32
      %mul3A_199 = arith.muli %scan3A_107, %mul3A_198 : i32
      %add3A_200 = arith.constant 7 : i32
      %add3A_201 = arith.addi %mul3A_199, %add3A_200 : i32
      %mul3A_202 = arith.constant 16 : i32
      %mul3A_203 = arith.muli %add3A_201, %mul3A_202 : i32
      %get3A_204 = arith.constant 0 : i32
      %get3A_205 = arith.index_cast %get3A_204 : i32 to index
      %get3A_206 = arith.index_cast %mul3A_203 : i32 to index
      %get3A_207 = tpu.vector_load %arg5[%get3A_205, %get3A_206] {strides = array<i32>} : memref<2x16384xf32, #tpu.memory_space<vmem>>, vector<16xf32>,
      %gt3A_208 = arith.cmpf ogt, %get3A_207, %get3A_24 : vector<16xf32>
      %select_n3A_209 = arith.select %gt3A_208, %get3A_207, %broadcast_in_dim3A_25 : vector<16xi1>, vector<16xf32>
      %add3A_210 = arith.addf %add3A_197, %select_n3A_209 : vector<16xf32>
      scf.yield %add3A_210 : vector<16xf32>
    }
    %scan3A_49 = arith.constant 128 : i32
    %dma_wait3A_50 = arith.constant 1 : i32
    %dma_wait3A_51 = arith.constant 0 : i32
    %dma_wait3A_52 = tpu.memref_slice %arg5[%dma_wait3A_50, %dma_wait3A_51] : memref<2x16384xf32, #tpu.memory_space<vmem>> -> memref<1x16384xf32, #tpu.memory_space<vmem>>
    %dma_wait3A_53 = tpu.memref_squeeze %dma_wait3A_52 : memref<1x16384xf32, #tpu.memory_space<vmem>> -> memref<16384xf32, #tpu.memory_space<vmem>>
    %dma_wait3A_54 = tpu.memref_slice %arg2[%add3A_14] : memref<2097152xf32, #tpu.memory_space<hbm>> -> memref<16384xf32, #tpu.memory_space<hbm>>
    %dma_wait3A_55 = arith.constant 0 : i32
    %dma_wait3A_56 = tpu.memref_slice %arg5[%dma_wait3A_50, %dma_wait3A_55] : memref<2x16384xf32, #tpu.memory_space<vmem>> -> memref<1x16384xf32, #tpu.memory_space<vmem>>
    %dma_wait3A_57 = tpu.memref_squeeze %dma_wait3A_56 : memref<1x16384xf32, #tpu.memory_space<vmem>> -> memref<16384xf32, #tpu.memory_space<vmem>>
    %dma_wait3A_58 = tpu.memref_slice %arg2[%add3A_14] : memref<2097152xf32, #tpu.memory_space<hbm>> -> memref<16384xf32, #tpu.memory_space<hbm>>
    tpu.wait_dma2 semaphore(%arg8 : memref<!tpu.dma_semaphore, #tpu.memory_space<semaphore_mem>>) src(%dma_wait3A_58 : memref<16384xf32, #tpu.memory_space<hbm>>) dst(%dma_wait3A_57 : memref<16384xf32, #tpu.memory_space<vmem>>)
    %add3A_59 = arith.constant 49152 : i32
    %add3A_60 = arith.addi %multiple_of3A, %add3A_59 : i32
    %dma_start3A_61 = arith.constant 1 : i32
    %dma_start3A_62 = arith.constant 0 : i32
    %dma_start3A_63 = tpu.memref_slice %arg5[%dma_start3A_61, %dma_start3A_62] : memref<2x16384xf32, #tpu.memory_space<vmem>> -> memref<1x16384xf32, #tpu.memory_space<vmem>>
    %dma_start3A_64 = tpu.memref_squeeze %dma_start3A_63 : memref<1x16384xf32, #tpu.memory_space<vmem>> -> memref<16384xf32, #tpu.memory_space<vmem>>
    %dma_start3A_65 = tpu.memref_slice %arg2[%add3A_60] : memref<2097152xf32, #tpu.memory_space<hbm>> -> memref<16384xf32, #tpu.memory_space<hbm>>
    %dma_start3A_66 = arith.constant 0 : i32
    %dma_start3A_67 = tpu.memref_slice %arg5[%dma_start3A_61, %dma_start3A_66] : memref<2x16384xf32, #tpu.memory_space<vmem>> -> memref<1x16384xf32, #tpu.memory_space<vmem>>
    %dma_start3A_68 = tpu.memref_squeeze %dma_start3A_67 : memref<1x16384xf32, #tpu.memory_space<vmem>> -> memref<16384xf32, #tpu.memory_space<vmem>>
    %dma_start3A_69 = tpu.memref_slice %arg2[%add3A_60] : memref<2097152xf32, #tpu.memory_space<hbm>> -> memref<16384xf32, #tpu.memory_space<hbm>>
    tpu.enqueue_dma source(%dma_start3A_69 : memref<16384xf32, #tpu.memory_space<hbm>>) target(%dma_start3A_68 : memref<16384xf32, #tpu.memory_space<vmem>>) target_semaphore(%arg8 : memref<!tpu.dma_semaphore, #tpu.memory_space<semaphore_mem>>)
    %scan3A_70 = arith.constant 0 : i32
    %scan3A_71 = arith.constant 128 : i32
    %scan3A_72 = arith.addi %scan3A_70, %scan3A_71 : i32
    %scan3A_73 = arith.constant 1 : i32
    %scan3A_74 = scf.for %scan3A_107 = %scan3A_70 to %scan3A_72 step %scan3A_73 iter_args(%scan3A_108 = %scan3A_48) -> (vector<16xf32>)  : i32 {
      %mul3A_109 = arith.constant 8 : i32
      %mul3A_110 = arith.muli %scan3A_107, %mul3A_109 : i32
      %add3A_111 = arith.constant 0 : i32
      %add3A_112 = arith.addi %mul3A_110, %add3A_111 : i32
      %mul3A_113 = arith.constant 16 : i32
      %mul3A_114 = arith.muli %add3A_112, %mul3A_113 : i32
      %get3A_115 = arith.constant 1 : i32
      %get3A_116 = arith.index_cast %get3A_115 : i32 to index
      %get3A_117 = arith.index_cast %mul3A_114 : i32 to index
      %get3A_118 = tpu.vector_load %arg5[%get3A_116, %get3A_117] {strides = array<i32>} : memref<2x16384xf32, #tpu.memory_space<vmem>>, vector<16xf32>,
      %gt3A = arith.cmpf ogt, %get3A_118, %get3A_24 : vector<16xf32>
      %select_n3A = arith.select %gt3A, %get3A_118, %broadcast_in_dim3A_25 : vector<16xi1>, vector<16xf32>
      %add3A_119 = arith.addf %scan3A_108, %select_n3A : vector<16xf32>
      %mul3A_120 = arith.constant 8 : i32
      %mul3A_121 = arith.muli %scan3A_107, %mul3A_120 : i32
      %add3A_122 = arith.constant 1 : i32
      %add3A_123 = arith.addi %mul3A_121, %add3A_122 : i32
      %mul3A_124 = arith.constant 16 : i32
      %mul3A_125 = arith.muli %add3A_123, %mul3A_124 : i32
      %get3A_126 = arith.constant 1 : i32
      %get3A_127 = arith.index_cast %get3A_126 : i32 to index
      %get3A_128 = arith.index_cast %mul3A_125 : i32 to index
      %get3A_129 = tpu.vector_load %arg5[%get3A_127, %get3A_128] {strides = array<i32>} : memref<2x16384xf32, #tpu.memory_space<vmem>>, vector<16xf32>,
      %gt3A_130 = arith.cmpf ogt, %get3A_129, %get3A_24 : vector<16xf32>
      %select_n3A_131 = arith.select %gt3A_130, %get3A_129, %broadcast_in_dim3A_25 : vector<16xi1>, vector<16xf32>
      %add3A_132 = arith.addf %add3A_119, %select_n3A_131 : vector<16xf32>
      %mul3A_133 = arith.constant 8 : i32
      %mul3A_134 = arith.muli %scan3A_107, %mul3A_133 : i32
      %add3A_135 = arith.constant 2 : i32
      %add3A_136 = arith.addi %mul3A_134, %add3A_135 : i32
      %mul3A_137 = arith.constant 16 : i32
      %mul3A_138 = arith.muli %add3A_136, %mul3A_137 : i32
      %get3A_139 = arith.constant 1 : i32
      %get3A_140 = arith.index_cast %get3A_139 : i32 to index
      %get3A_141 = arith.index_cast %mul3A_138 : i32 to index
      %get3A_142 = tpu.vector_load %arg5[%get3A_140, %get3A_141] {strides = array<i32>} : memref<2x16384xf32, #tpu.memory_space<vmem>>, vector<16xf32>,
      %gt3A_143 = arith.cmpf ogt, %get3A_142, %get3A_24 : vector<16xf32>
      %select_n3A_144 = arith.select %gt3A_143, %get3A_142, %broadcast_in_dim3A_25 : vector<16xi1>, vector<16xf32>
      %add3A_145 = arith.addf %add3A_132, %select_n3A_144 : vector<16xf32>
      %mul3A_146 = arith.constant 8 : i32
      %mul3A_147 = arith.muli %scan3A_107, %mul3A_146 : i32
      %add3A_148 = arith.constant 3 : i32
      %add3A_149 = arith.addi %mul3A_147, %add3A_148 : i32
      %mul3A_150 = arith.constant 16 : i32
      %mul3A_151 = arith.muli %add3A_149, %mul3A_150 : i32
      %get3A_152 = arith.constant 1 : i32
      %get3A_153 = arith.index_cast %get3A_152 : i32 to index
      %get3A_154 = arith.index_cast %mul3A_151 : i32 to index
      %get3A_155 = tpu.vector_load %arg5[%get3A_153, %get3A_154] {strides = array<i32>} : memref<2x16384xf32, #tpu.memory_space<vmem>>, vector<16xf32>,
      %gt3A_156 = arith.cmpf ogt, %get3A_155, %get3A_24 : vector<16xf32>
      %select_n3A_157 = arith.select %gt3A_156, %get3A_155, %broadcast_in_dim3A_25 : vector<16xi1>, vector<16xf32>
      %add3A_158 = arith.addf %add3A_145, %select_n3A_157 : vector<16xf32>
      %mul3A_159 = arith.constant 8 : i32
      %mul3A_160 = arith.muli %scan3A_107, %mul3A_159 : i32
      %add3A_161 = arith.constant 4 : i32
      %add3A_162 = arith.addi %mul3A_160, %add3A_161 : i32
      %mul3A_163 = arith.constant 16 : i32
      %mul3A_164 = arith.muli %add3A_162, %mul3A_163 : i32
      %get3A_165 = arith.constant 1 : i32
      %get3A_166 = arith.index_cast %get3A_165 : i32 to index
      %get3A_167 = arith.index_cast %mul3A_164 : i32 to index
      %get3A_168 = tpu.vector_load %arg5[%get3A_166, %get3A_167] {strides = array<i32>} : memref<2x16384xf32, #tpu.memory_space<vmem>>, vector<16xf32>,
      %gt3A_169 = arith.cmpf ogt, %get3A_168, %get3A_24 : vector<16xf32>
      %select_n3A_170 = arith.select %gt3A_169, %get3A_168, %broadcast_in_dim3A_25 : vector<16xi1>, vector<16xf32>
      %add3A_171 = arith.addf %add3A_158, %select_n3A_170 : vector<16xf32>
      %mul3A_172 = arith.constant 8 : i32
      %mul3A_173 = arith.muli %scan3A_107, %mul3A_172 : i32
      %add3A_174 = arith.constant 5 : i32
      %add3A_175 = arith.addi %mul3A_173, %add3A_174 : i32
      %mul3A_176 = arith.constant 16 : i32
      %mul3A_177 = arith.muli %add3A_175, %mul3A_176 : i32
      %get3A_178 = arith.constant 1 : i32
      %get3A_179 = arith.index_cast %get3A_178 : i32 to index
      %get3A_180 = arith.index_cast %mul3A_177 : i32 to index
      %get3A_181 = tpu.vector_load %arg5[%get3A_179, %get3A_180] {strides = array<i32>} : memref<2x16384xf32, #tpu.memory_space<vmem>>, vector<16xf32>,
      %gt3A_182 = arith.cmpf ogt, %get3A_181, %get3A_24 : vector<16xf32>
      %select_n3A_183 = arith.select %gt3A_182, %get3A_181, %broadcast_in_dim3A_25 : vector<16xi1>, vector<16xf32>
      %add3A_184 = arith.addf %add3A_171, %select_n3A_183 : vector<16xf32>
      %mul3A_185 = arith.constant 8 : i32
      %mul3A_186 = arith.muli %scan3A_107, %mul3A_185 : i32
      %add3A_187 = arith.constant 6 : i32
      %add3A_188 = arith.addi %mul3A_186, %add3A_187 : i32
      %mul3A_189 = arith.constant 16 : i32
      %mul3A_190 = arith.muli %add3A_188, %mul3A_189 : i32
      %get3A_191 = arith.constant 1 : i32
      %get3A_192 = arith.index_cast %get3A_191 : i32 to index
      %get3A_193 = arith.index_cast %mul3A_190 : i32 to index
      %get3A_194 = tpu.vector_load %arg5[%get3A_192, %get3A_193] {strides = array<i32>} : memref<2x16384xf32, #tpu.memory_space<vmem>>, vector<16xf32>,
      %gt3A_195 = arith.cmpf ogt, %get3A_194, %get3A_24 : vector<16xf32>
      %select_n3A_196 = arith.select %gt3A_195, %get3A_194, %broadcast_in_dim3A_25 : vector<16xi1>, vector<16xf32>
      %add3A_197 = arith.addf %add3A_184, %select_n3A_196 : vector<16xf32>
      %mul3A_198 = arith.constant 8 : i32
      %mul3A_199 = arith.muli %scan3A_107, %mul3A_198 : i32
      %add3A_200 = arith.constant 7 : i32
      %add3A_201 = arith.addi %mul3A_199, %add3A_200 : i32
      %mul3A_202 = arith.constant 16 : i32
      %mul3A_203 = arith.muli %add3A_201, %mul3A_202 : i32
      %get3A_204 = arith.constant 1 : i32
      %get3A_205 = arith.index_cast %get3A_204 : i32 to index
      %get3A_206 = arith.index_cast %mul3A_203 : i32 to index
      %get3A_207 = tpu.vector_load %arg5[%get3A_205, %get3A_206] {strides = array<i32>} : memref<2x16384xf32, #tpu.memory_space<vmem>>, vector<16xf32>,
      %gt3A_208 = arith.cmpf ogt, %get3A_207, %get3A_24 : vector<16xf32>
      %select_n3A_209 = arith.select %gt3A_208, %get3A_207, %broadcast_in_dim3A_25 : vector<16xi1>, vector<16xf32>
      %add3A_210 = arith.addf %add3A_197, %select_n3A_209 : vector<16xf32>
      scf.yield %add3A_210 : vector<16xf32>
    }
    %scan3A_75 = arith.constant 128 : i32
    %dma_wait3A_76 = arith.constant 0 : i32
    %dma_wait3A_77 = arith.constant 0 : i32
    %dma_wait3A_78 = tpu.memref_slice %arg5[%dma_wait3A_76, %dma_wait3A_77] : memref<2x16384xf32, #tpu.memory_space<vmem>> -> memref<1x16384xf32, #tpu.memory_space<vmem>>
    %dma_wait3A_79 = tpu.memref_squeeze %dma_wait3A_78 : memref<1x16384xf32, #tpu.memory_space<vmem>> -> memref<16384xf32, #tpu.memory_space<vmem>>
    %dma_wait3A_80 = tpu.memref_slice %arg2[%add3A_35] : memref<2097152xf32, #tpu.memory_space<hbm>> -> memref<16384xf32, #tpu.memory_space<hbm>>
    %dma_wait3A_81 = arith.constant 0 : i32
    %dma_wait3A_82 = tpu.memref_slice %arg5[%dma_wait3A_76, %dma_wait3A_81] : memref<2x16384xf32, #tpu.memory_space<vmem>> -> memref<1x16384xf32, #tpu.memory_space<vmem>>
    %dma_wait3A_83 = tpu.memref_squeeze %dma_wait3A_82 : memref<1x16384xf32, #tpu.memory_space<vmem>> -> memref<16384xf32, #tpu.memory_space<vmem>>
    %dma_wait3A_84 = tpu.memref_slice %arg2[%add3A_35] : memref<2097152xf32, #tpu.memory_space<hbm>> -> memref<16384xf32, #tpu.memory_space<hbm>>
    tpu.wait_dma2 semaphore(%arg7 : memref<!tpu.dma_semaphore, #tpu.memory_space<semaphore_mem>>) src(%dma_wait3A_84 : memref<16384xf32, #tpu.memory_space<hbm>>) dst(%dma_wait3A_83 : memref<16384xf32, #tpu.memory_space<vmem>>)
    %scan3A_85 = arith.constant 0 : i32
    %scan3A_86 = arith.constant 128 : i32
    %scan3A_87 = arith.addi %scan3A_85, %scan3A_86 : i32
    %scan3A_88 = arith.constant 1 : i32
    %scan3A_89 = scf.for %scan3A_107 = %scan3A_85 to %scan3A_87 step %scan3A_88 iter_args(%scan3A_108 = %scan3A_74) -> (vector<16xf32>)  : i32 {
      %mul3A_109 = arith.constant 8 : i32
      %mul3A_110 = arith.muli %scan3A_107, %mul3A_109 : i32
      %add3A_111 = arith.constant 0 : i32
      %add3A_112 = arith.addi %mul3A_110, %add3A_111 : i32
      %mul3A_113 = arith.constant 16 : i32
      %mul3A_114 = arith.muli %add3A_112, %mul3A_113 : i32
      %get3A_115 = arith.constant 0 : i32
      %get3A_116 = arith.index_cast %get3A_115 : i32 to index
      %get3A_117 = arith.index_cast %mul3A_114 : i32 to index
      %get3A_118 = tpu.vector_load %arg5[%get3A_116, %get3A_117] {strides = array<i32>} : memref<2x16384xf32, #tpu.memory_space<vmem>>, vector<16xf32>,
      %gt3A = arith.cmpf ogt, %get3A_118, %get3A_24 : vector<16xf32>
      %select_n3A = arith.select %gt3A, %get3A_118, %broadcast_in_dim3A_25 : vector<16xi1>, vector<16xf32>
      %add3A_119 = arith.addf %scan3A_108, %select_n3A : vector<16xf32>
      %mul3A_120 = arith.constant 8 : i32
      %mul3A_121 = arith.muli %scan3A_107, %mul3A_120 : i32
      %add3A_122 = arith.constant 1 : i32
      %add3A_123 = arith.addi %mul3A_121, %add3A_122 : i32
      %mul3A_124 = arith.constant 16 : i32
      %mul3A_125 = arith.muli %add3A_123, %mul3A_124 : i32
      %get3A_126 = arith.constant 0 : i32
      %get3A_127 = arith.index_cast %get3A_126 : i32 to index
      %get3A_128 = arith.index_cast %mul3A_125 : i32 to index
      %get3A_129 = tpu.vector_load %arg5[%get3A_127, %get3A_128] {strides = array<i32>} : memref<2x16384xf32, #tpu.memory_space<vmem>>, vector<16xf32>,
      %gt3A_130 = arith.cmpf ogt, %get3A_129, %get3A_24 : vector<16xf32>
      %select_n3A_131 = arith.select %gt3A_130, %get3A_129, %broadcast_in_dim3A_25 : vector<16xi1>, vector<16xf32>
      %add3A_132 = arith.addf %add3A_119, %select_n3A_131 : vector<16xf32>
      %mul3A_133 = arith.constant 8 : i32
      %mul3A_134 = arith.muli %scan3A_107, %mul3A_133 : i32
      %add3A_135 = arith.constant 2 : i32
      %add3A_136 = arith.addi %mul3A_134, %add3A_135 : i32
      %mul3A_137 = arith.constant 16 : i32
      %mul3A_138 = arith.muli %add3A_136, %mul3A_137 : i32
      %get3A_139 = arith.constant 0 : i32
      %get3A_140 = arith.index_cast %get3A_139 : i32 to index
      %get3A_141 = arith.index_cast %mul3A_138 : i32 to index
      %get3A_142 = tpu.vector_load %arg5[%get3A_140, %get3A_141] {strides = array<i32>} : memref<2x16384xf32, #tpu.memory_space<vmem>>, vector<16xf32>,
      %gt3A_143 = arith.cmpf ogt, %get3A_142, %get3A_24 : vector<16xf32>
      %select_n3A_144 = arith.select %gt3A_143, %get3A_142, %broadcast_in_dim3A_25 : vector<16xi1>, vector<16xf32>
      %add3A_145 = arith.addf %add3A_132, %select_n3A_144 : vector<16xf32>
      %mul3A_146 = arith.constant 8 : i32
      %mul3A_147 = arith.muli %scan3A_107, %mul3A_146 : i32
      %add3A_148 = arith.constant 3 : i32
      %add3A_149 = arith.addi %mul3A_147, %add3A_148 : i32
      %mul3A_150 = arith.constant 16 : i32
      %mul3A_151 = arith.muli %add3A_149, %mul3A_150 : i32
      %get3A_152 = arith.constant 0 : i32
      %get3A_153 = arith.index_cast %get3A_152 : i32 to index
      %get3A_154 = arith.index_cast %mul3A_151 : i32 to index
      %get3A_155 = tpu.vector_load %arg5[%get3A_153, %get3A_154] {strides = array<i32>} : memref<2x16384xf32, #tpu.memory_space<vmem>>, vector<16xf32>,
      %gt3A_156 = arith.cmpf ogt, %get3A_155, %get3A_24 : vector<16xf32>
      %select_n3A_157 = arith.select %gt3A_156, %get3A_155, %broadcast_in_dim3A_25 : vector<16xi1>, vector<16xf32>
      %add3A_158 = arith.addf %add3A_145, %select_n3A_157 : vector<16xf32>
      %mul3A_159 = arith.constant 8 : i32
      %mul3A_160 = arith.muli %scan3A_107, %mul3A_159 : i32
      %add3A_161 = arith.constant 4 : i32
      %add3A_162 = arith.addi %mul3A_160, %add3A_161 : i32
      %mul3A_163 = arith.constant 16 : i32
      %mul3A_164 = arith.muli %add3A_162, %mul3A_163 : i32
      %get3A_165 = arith.constant 0 : i32
      %get3A_166 = arith.index_cast %get3A_165 : i32 to index
      %get3A_167 = arith.index_cast %mul3A_164 : i32 to index
      %get3A_168 = tpu.vector_load %arg5[%get3A_166, %get3A_167] {strides = array<i32>} : memref<2x16384xf32, #tpu.memory_space<vmem>>, vector<16xf32>,
      %gt3A_169 = arith.cmpf ogt, %get3A_168, %get3A_24 : vector<16xf32>
      %select_n3A_170 = arith.select %gt3A_169, %get3A_168, %broadcast_in_dim3A_25 : vector<16xi1>, vector<16xf32>
      %add3A_171 = arith.addf %add3A_158, %select_n3A_170 : vector<16xf32>
      %mul3A_172 = arith.constant 8 : i32
      %mul3A_173 = arith.muli %scan3A_107, %mul3A_172 : i32
      %add3A_174 = arith.constant 5 : i32
      %add3A_175 = arith.addi %mul3A_173, %add3A_174 : i32
      %mul3A_176 = arith.constant 16 : i32
      %mul3A_177 = arith.muli %add3A_175, %mul3A_176 : i32
      %get3A_178 = arith.constant 0 : i32
      %get3A_179 = arith.index_cast %get3A_178 : i32 to index
      %get3A_180 = arith.index_cast %mul3A_177 : i32 to index
      %get3A_181 = tpu.vector_load %arg5[%get3A_179, %get3A_180] {strides = array<i32>} : memref<2x16384xf32, #tpu.memory_space<vmem>>, vector<16xf32>,
      %gt3A_182 = arith.cmpf ogt, %get3A_181, %get3A_24 : vector<16xf32>
      %select_n3A_183 = arith.select %gt3A_182, %get3A_181, %broadcast_in_dim3A_25 : vector<16xi1>, vector<16xf32>
      %add3A_184 = arith.addf %add3A_171, %select_n3A_183 : vector<16xf32>
      %mul3A_185 = arith.constant 8 : i32
      %mul3A_186 = arith.muli %scan3A_107, %mul3A_185 : i32
      %add3A_187 = arith.constant 6 : i32
      %add3A_188 = arith.addi %mul3A_186, %add3A_187 : i32
      %mul3A_189 = arith.constant 16 : i32
      %mul3A_190 = arith.muli %add3A_188, %mul3A_189 : i32
      %get3A_191 = arith.constant 0 : i32
      %get3A_192 = arith.index_cast %get3A_191 : i32 to index
      %get3A_193 = arith.index_cast %mul3A_190 : i32 to index
      %get3A_194 = tpu.vector_load %arg5[%get3A_192, %get3A_193] {strides = array<i32>} : memref<2x16384xf32, #tpu.memory_space<vmem>>, vector<16xf32>,
      %gt3A_195 = arith.cmpf ogt, %get3A_194, %get3A_24 : vector<16xf32>
      %select_n3A_196 = arith.select %gt3A_195, %get3A_194, %broadcast_in_dim3A_25 : vector<16xi1>, vector<16xf32>
      %add3A_197 = arith.addf %add3A_184, %select_n3A_196 : vector<16xf32>
      %mul3A_198 = arith.constant 8 : i32
      %mul3A_199 = arith.muli %scan3A_107, %mul3A_198 : i32
      %add3A_200 = arith.constant 7 : i32
      %add3A_201 = arith.addi %mul3A_199, %add3A_200 : i32
      %mul3A_202 = arith.constant 16 : i32
      %mul3A_203 = arith.muli %add3A_201, %mul3A_202 : i32
      %get3A_204 = arith.constant 0 : i32
      %get3A_205 = arith.index_cast %get3A_204 : i32 to index
      %get3A_206 = arith.index_cast %mul3A_203 : i32 to index
      %get3A_207 = tpu.vector_load %arg5[%get3A_205, %get3A_206] {strides = array<i32>} : memref<2x16384xf32, #tpu.memory_space<vmem>>, vector<16xf32>,
      %gt3A_208 = arith.cmpf ogt, %get3A_207, %get3A_24 : vector<16xf32>
      %select_n3A_209 = arith.select %gt3A_208, %get3A_207, %broadcast_in_dim3A_25 : vector<16xi1>, vector<16xf32>
      %add3A_210 = arith.addf %add3A_197, %select_n3A_209 : vector<16xf32>
      scf.yield %add3A_210 : vector<16xf32>
    }
    %scan3A_90 = arith.constant 128 : i32
    %dma_wait3A_91 = arith.constant 1 : i32
    %dma_wait3A_92 = arith.constant 0 : i32
    %dma_wait3A_93 = tpu.memref_slice %arg5[%dma_wait3A_91, %dma_wait3A_92] : memref<2x16384xf32, #tpu.memory_space<vmem>> -> memref<1x16384xf32, #tpu.memory_space<vmem>>
    %dma_wait3A_94 = tpu.memref_squeeze %dma_wait3A_93 : memref<1x16384xf32, #tpu.memory_space<vmem>> -> memref<16384xf32, #tpu.memory_space<vmem>>
    %dma_wait3A_95 = tpu.memref_slice %arg2[%add3A_60] : memref<2097152xf32, #tpu.memory_space<hbm>> -> memref<16384xf32, #tpu.memory_space<hbm>>
    %dma_wait3A_96 = arith.constant 0 : i32
    %dma_wait3A_97 = tpu.memref_slice %arg5[%dma_wait3A_91, %dma_wait3A_96] : memref<2x16384xf32, #tpu.memory_space<vmem>> -> memref<1x16384xf32, #tpu.memory_space<vmem>>
    %dma_wait3A_98 = tpu.memref_squeeze %dma_wait3A_97 : memref<1x16384xf32, #tpu.memory_space<vmem>> -> memref<16384xf32, #tpu.memory_space<vmem>>
    %dma_wait3A_99 = tpu.memref_slice %arg2[%add3A_60] : memref<2097152xf32, #tpu.memory_space<hbm>> -> memref<16384xf32, #tpu.memory_space<hbm>>
    tpu.wait_dma2 semaphore(%arg8 : memref<!tpu.dma_semaphore, #tpu.memory_space<semaphore_mem>>) src(%dma_wait3A_99 : memref<16384xf32, #tpu.memory_space<hbm>>) dst(%dma_wait3A_98 : memref<16384xf32, #tpu.memory_space<vmem>>)
    %scan3A_100 = arith.constant 0 : i32
    %scan3A_101 = arith.constant 128 : i32
    %scan3A_102 = arith.addi %scan3A_100, %scan3A_101 : i32
    %scan3A_103 = arith.constant 1 : i32
    %scan3A_104 = scf.for %scan3A_107 = %scan3A_100 to %scan3A_102 step %scan3A_103 iter_args(%scan3A_108 = %scan3A_89) -> (vector<16xf32>)  : i32 {
      %mul3A_109 = arith.constant 8 : i32
      %mul3A_110 = arith.muli %scan3A_107, %mul3A_109 : i32
      %add3A_111 = arith.constant 0 : i32
      %add3A_112 = arith.addi %mul3A_110, %add3A_111 : i32
      %mul3A_113 = arith.constant 16 : i32
      %mul3A_114 = arith.muli %add3A_112, %mul3A_113 : i32
      %get3A_115 = arith.constant 1 : i32
      %get3A_116 = arith.index_cast %get3A_115 : i32 to index
      %get3A_117 = arith.index_cast %mul3A_114 : i32 to index
      %get3A_118 = tpu.vector_load %arg5[%get3A_116, %get3A_117] {strides = array<i32>} : memref<2x16384xf32, #tpu.memory_space<vmem>>, vector<16xf32>,
      %gt3A = arith.cmpf ogt, %get3A_118, %get3A_24 : vector<16xf32>
      %select_n3A = arith.select %gt3A, %get3A_118, %broadcast_in_dim3A_25 : vector<16xi1>, vector<16xf32>
      %add3A_119 = arith.addf %scan3A_108, %select_n3A : vector<16xf32>
      %mul3A_120 = arith.constant 8 : i32
      %mul3A_121 = arith.muli %scan3A_107, %mul3A_120 : i32
      %add3A_122 = arith.constant 1 : i32
      %add3A_123 = arith.addi %mul3A_121, %add3A_122 : i32
      %mul3A_124 = arith.constant 16 : i32
      %mul3A_125 = arith.muli %add3A_123, %mul3A_124 : i32
      %get3A_126 = arith.constant 1 : i32
      %get3A_127 = arith.index_cast %get3A_126 : i32 to index
      %get3A_128 = arith.index_cast %mul3A_125 : i32 to index
      %get3A_129 = tpu.vector_load %arg5[%get3A_127, %get3A_128] {strides = array<i32>} : memref<2x16384xf32, #tpu.memory_space<vmem>>, vector<16xf32>,
      %gt3A_130 = arith.cmpf ogt, %get3A_129, %get3A_24 : vector<16xf32>
      %select_n3A_131 = arith.select %gt3A_130, %get3A_129, %broadcast_in_dim3A_25 : vector<16xi1>, vector<16xf32>
      %add3A_132 = arith.addf %add3A_119, %select_n3A_131 : vector<16xf32>
      %mul3A_133 = arith.constant 8 : i32
      %mul3A_134 = arith.muli %scan3A_107, %mul3A_133 : i32
      %add3A_135 = arith.constant 2 : i32
      %add3A_136 = arith.addi %mul3A_134, %add3A_135 : i32
      %mul3A_137 = arith.constant 16 : i32
      %mul3A_138 = arith.muli %add3A_136, %mul3A_137 : i32
      %get3A_139 = arith.constant 1 : i32
      %get3A_140 = arith.index_cast %get3A_139 : i32 to index
      %get3A_141 = arith.index_cast %mul3A_138 : i32 to index
      %get3A_142 = tpu.vector_load %arg5[%get3A_140, %get3A_141] {strides = array<i32>} : memref<2x16384xf32, #tpu.memory_space<vmem>>, vector<16xf32>,
      %gt3A_143 = arith.cmpf ogt, %get3A_142, %get3A_24 : vector<16xf32>
      %select_n3A_144 = arith.select %gt3A_143, %get3A_142, %broadcast_in_dim3A_25 : vector<16xi1>, vector<16xf32>
      %add3A_145 = arith.addf %add3A_132, %select_n3A_144 : vector<16xf32>
      %mul3A_146 = arith.constant 8 : i32
      %mul3A_147 = arith.muli %scan3A_107, %mul3A_146 : i32
      %add3A_148 = arith.constant 3 : i32
      %add3A_149 = arith.addi %mul3A_147, %add3A_148 : i32
      %mul3A_150 = arith.constant 16 : i32
      %mul3A_151 = arith.muli %add3A_149, %mul3A_150 : i32
      %get3A_152 = arith.constant 1 : i32
      %get3A_153 = arith.index_cast %get3A_152 : i32 to index
      %get3A_154 = arith.index_cast %mul3A_151 : i32 to index
      %get3A_155 = tpu.vector_load %arg5[%get3A_153, %get3A_154] {strides = array<i32>} : memref<2x16384xf32, #tpu.memory_space<vmem>>, vector<16xf32>,
      %gt3A_156 = arith.cmpf ogt, %get3A_155, %get3A_24 : vector<16xf32>
      %select_n3A_157 = arith.select %gt3A_156, %get3A_155, %broadcast_in_dim3A_25 : vector<16xi1>, vector<16xf32>
      %add3A_158 = arith.addf %add3A_145, %select_n3A_157 : vector<16xf32>
      %mul3A_159 = arith.constant 8 : i32
      %mul3A_160 = arith.muli %scan3A_107, %mul3A_159 : i32
      %add3A_161 = arith.constant 4 : i32
      %add3A_162 = arith.addi %mul3A_160, %add3A_161 : i32
      %mul3A_163 = arith.constant 16 : i32
      %mul3A_164 = arith.muli %add3A_162, %mul3A_163 : i32
      %get3A_165 = arith.constant 1 : i32
      %get3A_166 = arith.index_cast %get3A_165 : i32 to index
      %get3A_167 = arith.index_cast %mul3A_164 : i32 to index
      %get3A_168 = tpu.vector_load %arg5[%get3A_166, %get3A_167] {strides = array<i32>} : memref<2x16384xf32, #tpu.memory_space<vmem>>, vector<16xf32>,
      %gt3A_169 = arith.cmpf ogt, %get3A_168, %get3A_24 : vector<16xf32>
      %select_n3A_170 = arith.select %gt3A_169, %get3A_168, %broadcast_in_dim3A_25 : vector<16xi1>, vector<16xf32>
      %add3A_171 = arith.addf %add3A_158, %select_n3A_170 : vector<16xf32>
      %mul3A_172 = arith.constant 8 : i32
      %mul3A_173 = arith.muli %scan3A_107, %mul3A_172 : i32
      %add3A_174 = arith.constant 5 : i32
      %add3A_175 = arith.addi %mul3A_173, %add3A_174 : i32
      %mul3A_176 = arith.constant 16 : i32
      %mul3A_177 = arith.muli %add3A_175, %mul3A_176 : i32
      %get3A_178 = arith.constant 1 : i32
      %get3A_179 = arith.index_cast %get3A_178 : i32 to index
      %get3A_180 = arith.index_cast %mul3A_177 : i32 to index
      %get3A_181 = tpu.vector_load %arg5[%get3A_179, %get3A_180] {strides = array<i32>} : memref<2x16384xf32, #tpu.memory_space<vmem>>, vector<16xf32>,
      %gt3A_182 = arith.cmpf ogt, %get3A_181, %get3A_24 : vector<16xf32>
      %select_n3A_183 = arith.select %gt3A_182, %get3A_181, %broadcast_in_dim3A_25 : vector<16xi1>, vector<16xf32>
      %add3A_184 = arith.addf %add3A_171, %select_n3A_183 : vector<16xf32>
      %mul3A_185 = arith.constant 8 : i32
      %mul3A_186 = arith.muli %scan3A_107, %mul3A_185 : i32
      %add3A_187 = arith.constant 6 : i32
      %add3A_188 = arith.addi %mul3A_186, %add3A_187 : i32
      %mul3A_189 = arith.constant 16 : i32
      %mul3A_190 = arith.muli %add3A_188, %mul3A_189 : i32
      %get3A_191 = arith.constant 1 : i32
      %get3A_192 = arith.index_cast %get3A_191 : i32 to index
      %get3A_193 = arith.index_cast %mul3A_190 : i32 to index
      %get3A_194 = tpu.vector_load %arg5[%get3A_192, %get3A_193] {strides = array<i32>} : memref<2x16384xf32, #tpu.memory_space<vmem>>, vector<16xf32>,
      %gt3A_195 = arith.cmpf ogt, %get3A_194, %get3A_24 : vector<16xf32>
      %select_n3A_196 = arith.select %gt3A_195, %get3A_194, %broadcast_in_dim3A_25 : vector<16xi1>, vector<16xf32>
      %add3A_197 = arith.addf %add3A_184, %select_n3A_196 : vector<16xf32>
      %mul3A_198 = arith.constant 8 : i32
      %mul3A_199 = arith.muli %scan3A_107, %mul3A_198 : i32
      %add3A_200 = arith.constant 7 : i32
      %add3A_201 = arith.addi %mul3A_199, %add3A_200 : i32
      %mul3A_202 = arith.constant 16 : i32
      %mul3A_203 = arith.muli %add3A_201, %mul3A_202 : i32
      %get3A_204 = arith.constant 1 : i32
      %get3A_205 = arith.index_cast %get3A_204 : i32 to index
      %get3A_206 = arith.index_cast %mul3A_203 : i32 to index
      %get3A_207 = tpu.vector_load %arg5[%get3A_205, %get3A_206] {strides = array<i32>} : memref<2x16384xf32, #tpu.memory_space<vmem>>, vector<16xf32>,
      %gt3A_208 = arith.cmpf ogt, %get3A_207, %get3A_24 : vector<16xf32>
      %select_n3A_209 = arith.select %gt3A_208, %get3A_207, %broadcast_in_dim3A_25 : vector<16xi1>, vector<16xf32>
      %add3A_210 = arith.addf %add3A_197, %select_n3A_209 : vector<16xf32>
      scf.yield %add3A_210 : vector<16xf32>
    }
    %scan3A_105 = arith.constant 128 : i32
    %swap3A = arith.constant 0 : index
    %swap3A_106 = tpu.vector_load %arg6[%swap3A] {strides = array<i32>} : memref<16xf32, #tpu.memory_space<vmem>>, vector<16xf32>,
    tpu.vector_store %arg6[%swap3A], %scan3A_104 {strides = array<i32>} : memref<16xf32, #tpu.memory_space<vmem>>, vector<16xf32>,
    "tpu.region"() ({
      %run_scoped3A = tpu.sem_alloc : memref<!tpu.dma_semaphore, #tpu.memory_space<semaphore_mem>>
      %dma_start3A_107 = arith.constant 0 : i32
      %dma_start3A_108 = tpu.memref_slice %arg4[%add3A, %dma_start3A_107] : memref<32x16xf32, #tpu.memory_space<hbm>> -> memref<1x16xf32, #tpu.memory_space<hbm>>
      %dma_start3A_109 = tpu.memref_squeeze %dma_start3A_108 : memref<1x16xf32, #tpu.memory_space<hbm>> -> memref<16xf32, #tpu.memory_space<hbm>>
      %dma_start3A_110 = arith.constant 0 : i32
      %dma_start3A_111 = tpu.memref_slice %arg4[%add3A, %dma_start3A_110] : memref<32x16xf32, #tpu.memory_space<hbm>> -> memref<1x16xf32, #tpu.memory_space<hbm>>
      %dma_start3A_112 = tpu.memref_squeeze %dma_start3A_111 : memref<1x16xf32, #tpu.memory_space<hbm>> -> memref<16xf32, #tpu.memory_space<hbm>>
      tpu.enqueue_dma source(%arg6 : memref<16xf32, #tpu.memory_space<vmem>>) target(%dma_start3A_112 : memref<16xf32, #tpu.memory_space<hbm>>) target_semaphore(%run_scoped3A : memref<!tpu.dma_semaphore, #tpu.memory_space<semaphore_mem>>)
      %dma_wait3A_113 = arith.constant 0 : i32
      %dma_wait3A_114 = tpu.memref_slice %arg4[%add3A, %dma_wait3A_113] : memref<32x16xf32, #tpu.memory_space<hbm>> -> memref<1x16xf32, #tpu.memory_space<hbm>>
      %dma_wait3A_115 = tpu.memref_squeeze %dma_wait3A_114 : memref<1x16xf32, #tpu.memory_space<hbm>> -> memref<16xf32, #tpu.memory_space<hbm>>
      %dma_wait3A_116 = arith.constant 0 : i32
      %dma_wait3A_117 = tpu.memref_slice %arg4[%add3A, %dma_wait3A_116] : memref<32x16xf32, #tpu.memory_space<hbm>> -> memref<1x16xf32, #tpu.memory_space<hbm>>
      %dma_wait3A_118 = tpu.memref_squeeze %dma_wait3A_117 : memref<1x16xf32, #tpu.memory_space<hbm>> -> memref<16xf32, #tpu.memory_space<hbm>>
      tpu.wait_dma2 semaphore(%run_scoped3A : memref<!tpu.dma_semaphore, #tpu.memory_space<semaphore_mem>>) src(%arg6 : memref<16xf32, #tpu.memory_space<vmem>>) dst(%dma_wait3A_118 : memref<16xf32, #tpu.memory_space<hbm>>)
      tpu.yield
    }) : () -> ()
    return
  }
}

module attributes {stable_mosaic.version = 14 : i64} {
  func.func @_ce_body(%arg0: i32, %arg1: i32, %arg2: memref<1x19x512x128xf32, #tpu.memory_space<vmem>>, %arg3: memref<1x512x128xi32, #tpu.memory_space<vmem>>, %arg4: memref<1x512x128xf32, #tpu.memory_space<vmem>>, %arg5: memref<8x128xf32, #tpu.memory_space<vmem>>, %arg6: memref<8x128xf32, #tpu.memory_space<vmem>>) attributes {dimension_semantics = [#tpu.dimension_semantics<arbitrary>, #tpu.dimension_semantics<arbitrary>], iteration_bounds = array<i64: 8, 4>, scalar_prefetch = 0 : i64, scratch_operands = 0 : i64, tpu.core_type = #tpu.core_type<tc>, window_params = [{transform_indices = @transform_0, window_bounds = array<i64: 1, 19, 512, 128>}, {transform_indices = @transform_1, window_bounds = array<i64: 1, 512, 128>}, {transform_indices = @transform_2, window_bounds = array<i64: 1, 512, 128>}, {pipeline_mode = #tpu.pipeline_mode<synchronous>, transform_indices = @transform_3, window_bounds = array<i64: 8, 128>}, {pipeline_mode = #tpu.pipeline_mode<synchronous>, transform_indices = @transform_4, window_bounds = array<i64: 8, 128>}]} {
    %get3A = arith.constant 0 : index
    %get3A_0 = arith.constant 0 : index
    %get3A_1 = arith.constant 0 : index
    %get3A_2 = arith.constant 0 : index
    %get3A_3 = vector.load %arg2[%get3A, %get3A_0, %get3A_1, %get3A_2] : memref<1x19x512x128xf32, #tpu.memory_space<vmem>>, vector<1x19x512x128xf32>
    %get3A_4 = vector.shape_cast %get3A_3 : vector<1x19x512x128xf32> to vector<19x512x128xf32>
    %get3A_5 = arith.constant 0 : index
    %get3A_6 = arith.constant 0 : index
    %get3A_7 = arith.constant 0 : index
    %get3A_8 = vector.load %arg3[%get3A_5, %get3A_6, %get3A_7] : memref<1x512x128xi32, #tpu.memory_space<vmem>>, vector<1x512x128xi32>
    %get3A_9 = vector.shape_cast %get3A_8 : vector<1x512x128xi32> to vector<512x128xi32>
    %exp3A = math.exp %get3A_4 : vector<19x512x128xf32>
    %reduce_sum3A = arith.constant dense<0.000000e+00> : vector<512x128xf32>
    %reduce_sum3A_10 = vector.multi_reduction <add>, %exp3A, %reduce_sum3A [0] : vector<19x512x128xf32> to vector<512x128xf32>
    %log3A = math.log %reduce_sum3A_10 : vector<512x128xf32>
    %iota3A = tpu.iota {dimensions = array<i32: 0>} : vector<19x512x128xi32>
    %broadcast_in_dim3A = vector.shape_cast %get3A_9 : vector<512x128xi32> to vector<1x512x128xi32>
    %eq3A = vector.broadcast %broadcast_in_dim3A : vector<1x512x128xi32> to vector<19x512x128xi32>
    %eq3A_11 = arith.cmpi eq, %iota3A, %eq3A : vector<19x512x128xi32>
    %jit3A = arith.constant 0.000000e+00 : f32
    %broadcast_in_dim3A_12 = vector.broadcast %jit3A : f32 to vector<19x512x128xf32>
    %select_n3A = arith.select %eq3A_11, %get3A_4, %broadcast_in_dim3A_12 : vector<19x512x128xi1>, vector<19x512x128xf32>
    %reduce_sum3A_13 = arith.constant dense<0.000000e+00> : vector<512x128xf32>
    %reduce_sum3A_14 = vector.multi_reduction <add>, %select_n3A, %reduce_sum3A_13 [0] : vector<19x512x128xf32> to vector<512x128xf32>
    %sub3A = arith.subf %log3A, %reduce_sum3A_14 : vector<512x128xf32>
    %swap3A = arith.constant 0 : index
    %swap3A_15 = arith.constant 0 : index
    %swap3A_16 = arith.constant 0 : index
    %swap3A_17 = vector.load %arg4[%swap3A, %swap3A_15, %swap3A_16] : memref<1x512x128xf32, #tpu.memory_space<vmem>>, vector<1x512x128xf32>
    %swap3A_18 = vector.shape_cast %swap3A_17 : vector<1x512x128xf32> to vector<512x128xf32>
    %swap3A_19 = vector.shape_cast %sub3A : vector<512x128xf32> to vector<1x512x128xf32>
    tpu.vector_store %arg4[%swap3A, %swap3A_15, %swap3A_16], %swap3A_19 {strides = array<i32>} : memref<1x512x128xf32, #tpu.memory_space<vmem>>, vector<1x512x128xf32>,
    %gt3A = arith.constant 0.356674939 : f32
    %gt3A_20 = vector.broadcast %gt3A : f32 to vector<512x128xf32>
    %gt3A_21 = arith.cmpf ogt, %sub3A, %gt3A_20 : vector<512x128xf32>
    %jit3A_22 = arith.constant 0.000000e+00 : f32
    %broadcast_in_dim3A_23 = vector.broadcast %jit3A_22 : f32 to vector<512x128xf32>
    %select_n3A_24 = arith.select %gt3A_21, %sub3A, %broadcast_in_dim3A_23 : vector<512x128xi1>, vector<512x128xf32>
    %reshape3A = vector.shape_cast %select_n3A_24 : vector<512x128xf32> to vector<64x8x128xf32>
    %convert_element_type3A = arith.extui %gt3A_21 : vector<512x128xi1> to vector<512x128xi32>
    %convert_element_type3A_25 = arith.sitofp %convert_element_type3A : vector<512x128xi32> to vector<512x128xf32>
    %reshape3A_26 = vector.shape_cast %convert_element_type3A_25 : vector<512x128xf32> to vector<64x8x128xf32>
    %eq3A_27 = arith.constant 0 : i32
    %eq3A_28 = arith.cmpi eq, %arg0, %eq3A_27 : i32
    %eq3A_29 = arith.constant 0 : i32
    %eq3A_30 = arith.cmpi eq, %arg1, %eq3A_29 : i32
    %and3A = arith.andi %eq3A_28, %eq3A_30 : i1
    %convert_element_type3A_31 = arith.extui %and3A : i1 to i32
    %cond3A = arith.constant 0 : i32
    %cond3A_32 = arith.cmpi ne, %convert_element_type3A_31, %cond3A : i32
    scf.if %cond3A_32 {
      %broadcast_in_dim3A_50 = arith.constant 0.000000e+00 : f32
      %broadcast_in_dim3A_51 = vector.broadcast %broadcast_in_dim3A_50 : f32 to vector<8x128xf32>
      %swap3A_52 = arith.constant 0 : index
      %swap3A_53 = arith.constant 0 : index
      %swap3A_54 = vector.load %arg5[%swap3A_52, %swap3A_53] : memref<8x128xf32, #tpu.memory_space<vmem>>, vector<8x128xf32>
      tpu.vector_store %arg5[%swap3A_52, %swap3A_53], %broadcast_in_dim3A_51 {strides = array<i32>} : memref<8x128xf32, #tpu.memory_space<vmem>>, vector<8x128xf32>,
      %broadcast_in_dim3A_55 = arith.constant 0.000000e+00 : f32
      %broadcast_in_dim3A_56 = vector.broadcast %broadcast_in_dim3A_55 : f32 to vector<8x128xf32>
      %swap3A_57 = arith.constant 0 : index
      %swap3A_58 = arith.constant 0 : index
      %swap3A_59 = vector.load %arg6[%swap3A_57, %swap3A_58] : memref<8x128xf32, #tpu.memory_space<vmem>>, vector<8x128xf32>
      tpu.vector_store %arg6[%swap3A_57, %swap3A_58], %broadcast_in_dim3A_56 {strides = array<i32>} : memref<8x128xf32, #tpu.memory_space<vmem>>, vector<8x128xf32>,
    } else {
    }
    %get3A_33 = arith.constant 0 : index
    %get3A_34 = arith.constant 0 : index
    %get3A_35 = vector.load %arg5[%get3A_33, %get3A_34] : memref<8x128xf32, #tpu.memory_space<vmem>>, vector<8x128xf32>
    %reduce_sum3A_36 = arith.constant dense<0.000000e+00> : vector<8x128xf32>
    %reduce_sum3A_37 = vector.multi_reduction <add>, %reshape3A, %reduce_sum3A_36 [0] : vector<64x8x128xf32> to vector<8x128xf32>
    %add3A = arith.addf %get3A_35, %reduce_sum3A_37 : vector<8x128xf32>
    %swap3A_38 = arith.constant 0 : index
    %swap3A_39 = arith.constant 0 : index
    %swap3A_40 = vector.load %arg5[%swap3A_38, %swap3A_39] : memref<8x128xf32, #tpu.memory_space<vmem>>, vector<8x128xf32>
    tpu.vector_store %arg5[%swap3A_38, %swap3A_39], %add3A {strides = array<i32>} : memref<8x128xf32, #tpu.memory_space<vmem>>, vector<8x128xf32>,
    %get3A_41 = arith.constant 0 : index
    %get3A_42 = arith.constant 0 : index
    %get3A_43 = vector.load %arg6[%get3A_41, %get3A_42] : memref<8x128xf32, #tpu.memory_space<vmem>>, vector<8x128xf32>
    %reduce_sum3A_44 = arith.constant dense<0.000000e+00> : vector<8x128xf32>
    %reduce_sum3A_45 = vector.multi_reduction <add>, %reshape3A_26, %reduce_sum3A_44 [0] : vector<64x8x128xf32> to vector<8x128xf32>
    %add3A_46 = arith.addf %get3A_43, %reduce_sum3A_45 : vector<8x128xf32>
    %swap3A_47 = arith.constant 0 : index
    %swap3A_48 = arith.constant 0 : index
    %swap3A_49 = vector.load %arg6[%swap3A_47, %swap3A_48] : memref<8x128xf32, #tpu.memory_space<vmem>>, vector<8x128xf32>
    tpu.vector_store %arg6[%swap3A_47, %swap3A_48], %add3A_46 {strides = array<i32>} : memref<8x128xf32, #tpu.memory_space<vmem>>, vector<8x128xf32>,
    return
  }
  func.func @transform_0(%arg0: i32, %arg1: i32) -> (i32, i32, i32, i32) {
    %c0_i32 = arith.constant 0 : i32
    %c0_i32_0 = arith.constant 0 : i32
    %c0_i32_1 = arith.constant 0 : i32
    return %arg0, %c0_i32, %arg1, %c0_i32_0 : i32, i32, i32, i32
  }
  func.func @transform_1(%arg0: i32, %arg1: i32) -> (i32, i32, i32) {
    %c0_i32 = arith.constant 0 : i32
    %c0_i32_0 = arith.constant 0 : i32
    return %arg0, %arg1, %c0_i32 : i32, i32, i32
  }
  func.func @transform_2(%arg0: i32, %arg1: i32) -> (i32, i32, i32) {
    %c0_i32 = arith.constant 0 : i32
    %c0_i32_0 = arith.constant 0 : i32
    return %arg0, %arg1, %c0_i32 : i32, i32, i32
  }
  func.func @transform_3(%arg0: i32, %arg1: i32) -> (i32, i32) {
    %c0_i32 = arith.constant 0 : i32
    %c0_i32_0 = arith.constant 0 : i32
    %c0_i32_1 = arith.constant 0 : i32
    return %c0_i32, %c0_i32_0 : i32, i32
  }
  func.func @transform_4(%arg0: i32, %arg1: i32) -> (i32, i32) {
    %c0_i32 = arith.constant 0 : i32
    %c0_i32_0 = arith.constant 0 : i32
    %c0_i32_1 = arith.constant 0 : i32
    return %c0_i32, %c0_i32_0 : i32, i32
  }
}

</mosaic_0001>

<sc_bundles>
// kernel: kernel.12.cloned.1.call-start
scs
__scs_entry_jumppad:
0x0: {  	(pc) =	sbr.rel $0x88, $3  }
0x1: {  	(tag) =	ssettag $0x0;
	lr =	simm.s32 $0x1  }
0x2: {  	[smem:$0x3F9F] =	sst lr;
	_ =	strace $0xD0000000  }
0x3: {  	_ = 	snop  }
0x4: {  	_ = 	snop  }
0x5: {  	_ = 	snop  }
0x6: {  	_ = 	snop  }
0x7: {  	_ = 	snop  }
__scs_overlays_trampoline_lowered:
0x8: {  	[smem:$0x3FAE] =	sst s0  }
0x9: {  	[smem:$0x3FAF] =	sst s1  }
0xa: {  	[smem:$0x3FB0] =	sst s2  }
0xb: {  	[smem:$0x3FB1] =	sst s3  }
0xc: {  	[smem:$0x3FB2] =	sst s4  }
0xd: {  	[smem:$0x3FB3] =	sst s5  }
0xe: {  	[smem:$0x3FB4] =	sst s6  }
0xf: {  	[smem:$0x3FB5] =	sst s7  }
0x10: {  	[smem:$0x3FB6] =	sst s8  }
0x11: {  	[smem:$0x3FB7] =	sst s9;
	s0 =	simm.s32 @!p0 $0x0  }
0x12: {  	s1 =	sld [smem:$0x3F9D];
	s0 =	simm.s32 @p0 $0x1  }
0x13: {  	[smem:$0x3FB8] =	sst s0;
	s0 =	simm.s32 @!p1 $0x0  }
0x14: {  	s2 =	sld [smem:$0x3F9C];
	s0 =	simm.s32 @p1 $0x1  }
0x15: {  	[smem:$0x3FB9] =	sst s0;
	s0 =	simm.s32 @!p2 $0x0  }
0x16: {  	s3 =	sld [smem:$0x3FDB];
	s0 =	simm.s32 @p2 $0x1  }
0x17: {  	s4 =	simm.s32 $0x1BF5;
	[smem:$0x3FBB] =	sst s0  }
0x18: {  	s0 =	sld [smem:$0x3F9E];
	_ =	swait.ge [sflag:s4], $0x0  }
0x19: {  	s7 =	sld [smem:$0x3F9F]  }
0x1a: {  	s8 =	sadd.s32 $0xFFFFE003, lr  }
0x1b: {  	s9 =	sadd.s32 $0xFFFFFEF7, lr;
	s5 =	simm.s32 $0xFFFFFFFF;
	p2 =	slt.u32 s8, $0xFFFFF086  }
0x1c: {  	p1 =	slt.u32 s9, $0xF7A;
	s5 =	simm.s32 @!p2 $0x0  }
0x1d: {  	s5 =	simm.s32 @p1 $0x1;
	p0 =	seq.s32 s7, s2  }
0x1e: {  	s7 =	smul.u32 @!p0 $0xF7A, s2;
	p2 =	seq.s32 @!p0 s5, $0x0  }
0x1f: {  	s9 =	smul.u32 $0xF7A, s1;
	s8 =	simm.s32 @!p0 $0x1BF5;
	p2 =	por !p2, p0  }
0x20: {  	[sflag:s8] =	ssyncset.s32 @!p0 $0xFFFFF086;
	s6 =	sadd.s32 @!p0 s3, s7;
	s7 =	simm.s32 @!p0 $0x108  }
0x21: {  	s3 =	sadd.s32 s3, s9;
	s6 =	sadd.s32 @!p0 $0x88, s6;
	s7 =	simm.s32 @p2 $0x1082  }
0x22: {  	[simem:s7], [sflag:s8] =	dma.local @!p0 [hbm:s6], $0xF7A  }
0x23: {  	s9 =	sor.u32 $0xD0000000, s2;
	s6 =	simm.s32 $0x108;
	_ =	swait.ge @!p0 [sflag:s8], $0x0  }
0x24: {  	s3 =	sadd.s32 $0x88, s3;
	s6 =	simm.s32 @!p1 $0x1082;
	[sflag:s4] =	ssyncset.s32 $0xFFFFF086  }
0x25: {  	[simem:s6], [sflag:s4] =	dma.local [hbm:s3], $0xF7A  }
0x26: {  	[smem:$0x3F9F] =	sst s1;
	(tag) =	ssettag s2;
	_ =	strace s9  }
0x27: {  	s1 =	sld [smem:$0x3FAF]  }
0x28: {  	s2 =	sld [smem:$0x3FB0]  }
0x29: {  	s4 =	sld [smem:$0x3FB2]  }
0x2a: {  	p0 =	seq.s32 s5, $0x0;
	s5 =	sld [smem:$0x3FB3]  }
0x2b: {  	s6 =	sld [smem:$0x3FB4]  }
0x2c: {  	s7 =	sld [smem:$0x3FB5]  }
0x2d: {  	s3 =	simm.s32 $0x108;
	s8 =	sld [smem:$0x3FB6]  }
0x2e: {  	s3 =	simm.s32 @!p0 $0x1082;
	s9 =	sld [smem:$0x3FB7]  }
0x2f: {  	lr =	sadd.s32 s0, s3;
	s0 =	sld [smem:$0x3FAE]  }
0x30: {  	s3 =	sld [smem:$0x3FB1]  }
0x31: {  	[smem:$0x3FBA] =	sst s10  }
0x32: {  	s10 =	sld [smem:$0x3FB8];
	_ =	sdelay $0x3  }
0x33: {  	p0 =	seq.s32 s10, $0x1;
	s10 =	sld [smem:$0x3FBA];
	_ =	sdelay $0x3  }
0x34: {  	[smem:$0x3FBA] =	sst s10  }
0x35: {  	s10 =	sld [smem:$0x3FB9];
	_ =	sdelay $0x3  }
0x36: {  	p1 =	seq.s32 s10, $0x1;
	s10 =	sld [smem:$0x3FBA];
	_ =	sdelay $0x3  }
0x37: {  	[smem:$0x3FBA] =	sst s10  }
0x38: {  	s10 =	sld [smem:$0x3FBB]  }
0x39: {  	_ = 	snop;
	(pc) =	sbr.ind lr, $3  }
0x3a: {  	_ = 	snop  }
0x3b: {  	_ = 	snop  }
0x3c: {  	p2 =	seq.s32 s10, $0x1;
	s10 =	sld [smem:$0x3FBA]  }
0x3d: {  	_ =	shalt  }
0x3e: {  	_ =	shalt  }
0x3f: {  	_ =	shalt  }
0x40: {  	_ =	shalt  }
0x41: {  	_ =	shalt  }
0x42: {  	_ =	shalt  }
0x43: {  	_ =	shalt  }
0x44: {  	_ =	shalt  }
0x45: {  	_ =	shalt  }
0x46: {  	_ =	shalt  }
0x47: {  	_ =	shalt  }
0x48: {  	_ =	shalt  }
0x49: {  	_ =	shalt  }
0x4a: {  	_ =	shalt  }
0x4b: {  	_ =	shalt  }
0x4c: {  	_ =	shalt  }
0x4d: {  	_ =	shalt  }
0x4e: {  	_ =	shalt  }
0x4f: {  	_ =	shalt  }
0x50: {  	_ =	shalt  }
0x51: {  	_ =	shalt  }
0x52: {  	_ =	shalt  }
0x53: {  	_ =	shalt  }
0x54: {  	_ =	shalt  }
0x55: {  	_ =	shalt  }
0x56: {  	_ =	shalt  }
0x57: {  	_ =	shalt  }
0x58: {  	_ =	shalt  }
0x59: {  	_ =	shalt  }
0x5a: {  	_ =	shalt  }
0x5b: {  	_ =	shalt  }
0x5c: {  	_ =	shalt  }
0x5d: {  	_ =	shalt  }
0x5e: {  	_ =	shalt  }
0x5f: {  	_ =	shalt  }
0x60: {  	_ =	shalt  }
0x61: {  	_ =	shalt  }
0x62: {  	_ =	shalt  }
0x63: {  	_ =	shalt  }
0x64: {  	_ =	shalt  }
0x65: {  	_ =	shalt  }
0x66: {  	_ =	shalt  }
0x67: {  	_ =	shalt  }
0x68: {  	_ =	shalt  }
0x69: {  	_ =	shalt  }
0x6a: {  	_ =	shalt  }
0x6b: {  	_ =	shalt  }
0x6c: {  	_ =	shalt  }
0x6d: {  	_ =	shalt  }
0x6e: {  	_ =	shalt  }
0x6f: {  	_ =	shalt  }
0x70: {  	_ =	shalt  }
0x71: {  	_ =	shalt  }
0x72: {  	_ =	shalt  }
0x73: {  	_ =	shalt  }
0x74: {  	_ =	shalt  }
0x75: {  	_ =	shalt  }
0x76: {  	_ =	shalt  }
0x77: {  	_ =	shalt  }
0x78: {  	_ =	shalt  }
0x79: {  	_ =	shalt  }
0x7a: {  	_ =	shalt  }
0x7b: {  	_ =	shalt  }
0x7c: {  	_ =	shalt  }
0x7d: {  	_ =	shalt  }
0x7e: {  	_ =	shalt  }
0x7f: {  	_ =	shalt  }
0x80: {  	_ =	shalt  }
0x81: {  	_ =	shalt  }
0x82: {  	_ =	shalt  }
0x83: {  	_ =	shalt  }
0x84: {  	_ =	shalt  }
0x85: {  	_ =	shalt  }
0x86: {  	_ =	shalt  }
0x87: {  	_ =	shalt  }
.Lfunc_end0:
.L_simem_size_0:
called_computation.2_lowered:
.L_overlay_start_0:
0x88: {  	s2 =	sld [smem:$0x3FD9]  }
0x89: {  	s3 =	sld [smem:$0x3FFE];
	_ =	sdelay $0x1  }
0x8a: {  	s1 =	srdreg.scid  }
0x8b: {  	s0 =	sand.u32 $0x1, s1  }
0x8c: {  	s16 =	sshll.u32 s0, $0xA;
	s2 =	sadd.s32 s3, s2  }
0x8d: {  	s2 =	sadd.s32 s2, s16  }
0x8e: {  	[smem:$0x3FC6] =	sst s2  }
0x8f: {  	_ = 	snop  }
0x90: {  	(tm) =	ssettm $0x1  }
0x91: {  	s17 =	sld [smem:$0x3FFB];
	_ =	sdelay $0x3  }
0x92: {  	_ =	strace s17  }
0x93: {  	s2 =	sld [smem:$0x3FFC];
	_ =	sdelay $0x3  }
0x94: {  	_ =	strace s2  }
0x95: {  	s2 =	sld [smem:$0x3FFD];
	_ =	sdelay $0x3  }
0x96: {  	_ =	strace s2  }
0x97: {  	_ =	strace $0x8FFFFFFF  }
0x98: {  	s18 =	sld [smem:$0x3FDB];
	_ =	sdelay $0x1  }
0x99: {  	s19 =	simm.s32 $_scs_section_size  }
0x9a: {  	s4 =	simm.s32 $_size__tile_overlayer_lowered;
	s5 =	simm.s32 $_tile_overlayer_lowered  }
0x9b: {  	s22 =	simm.s32 $0x1BFF;
	s21 =	sshll.u32 s5, $0x1;
	s2 =	sadd.s32 s19, s18  }
0x9c: {  	s6 =	simm.s32 $0x0;
	s20 =	sshll.u32 s4, $0x1;
	s4 =	sadd.s32 s21, s2  }
0x9d: {  	[timem:s6], [sflag:s22] =	dma.local [hbm:s4], s20  }
0x9e: {  	_ =	swait.ge [sflag:s22], s20  }
0x9f: {  	s3 =	ssub.s32 $0x0, s20;
	[sflag:s22] =	ssyncset.done $0x0  }
0xa0: {  	[sflag:s22] =	ssyncadd.s32 s3;
	_ =	sdelay $0x1  }
0xa1: {  	s23 =	simm.s32 $0x1B8B  }
0xa2: {  	_ =	swait.ge [sflag:s23], $0x1  }
0xa3: {  	[sflag:s23] =	ssyncset.done $0x0  }
0xa4: {  	s25 =	simm.s32 $0x1B8E;
	s24 =	sld [smem:$0x3FFE];
	[sflag:s23] =	ssyncadd.s32 $0xFFFFFFFF  }
0xa5: {  	s26 =	simm.s32 $execute0_lowered;
	[smem:$0x3FD2] =	sst s25  }
0xa6: {  	s4 =	sshll.u32 s26, $0x1;
	_ =	strace $0x8000004C;
	[dreg:$0x1] =	wrdreg $0xFFFFFFFF  }
0xa7: {  	s28 =	simm.s32 $_size_execute0_lowered;
	s2 =	sadd.s32 s2, s4;
	[dreg:$0x0] =	wrdreg $0x0  }
0xa8: {  	s4 =	sshll.u32 s28, $0x1;
	[dreg:$0x2] =	wrdreg s2  }
0xa9: {  	[dreg:$0x3] =	wrdreg s4  }
0xaa: {  	[dreg:$0x4] =	wrdreg $0xC0  }
0xab: {  	_ =	task [dreg:s6], $0x5FFFF  }
0xac: {  	[dreg:$0x1] =	wrdreg $0xFFFFFFFF  }
0xad: {  	[dreg:$0x0] =	wrdreg $0x60  }
0xae: {  	[dreg:$0x2] =	wrdreg s24  }
0xaf: {  	[dreg:$0x3] =	wrdreg $0x9  }
0xb0: {  	_ =	task.clear_ibuf [dreg:s6], $0x4FFFF;
	_ =	strace $0x9000004C  }
0xb1: {  	s29 =	simm.s32 $0x9;
	_ =	strace $0x8000004E  }
0xb2: {  	_ =	swait.ge [sflag:s29], $0x1  }
0xb3: {  	[sflag:s29] =	ssyncadd.s32 $0xFFFFFFFF  }
0xb4: {  	_ =	strace $0x9000004E  }
0xb5: {  	_ =	sfence  }
0xb6: {  	s30 =	sld [smem:$0x0];
	_ =	sdelay $0x2  }
0xb7: {  	s31 =	sshll.u32 s1, $0xD;
	s1 =	sshrl.u32 s1, $0x2  }
0xb8: {  	s3 =	sand.u32 $0x4000, s31;
	s1 =	sadd.s32 s1, s30  }
0xb9: {  	s0 =	sor.u32 s3, s0;
	s1 =	sshll.u32 s1, $0x11  }
0xba: {  	s0 =	sor.u32 s1, s0  }
0xbb: {  	s0 =	sadd.s32 $0x8F2B, s0  }
0xbc: {  	[sflag:s0] =	ssyncadd.remote.s32 $0x1  }
0xbd: {  	_ =	sfence.sel $0xFFFF  }
0xbe: {  	[dreg:$0x0] =	wrdreg $0xFFFFFFFF;
	(pc) =	sbr.abs _section_cstart, $3  }
0xbf: {  	[dreg:$0x1] =	wrdreg $0xFFFFFFFF  }
0xc0: {  	_ =	task.clear_ibuf [dreg:s6], $0x2FFFF;
	_ =	strace $0x9FFFFFFF  }
0xc1: {  	(tm) =	ssettm $0x7FFFFFFF  }
tec
execute0_lowered:
.L_overlay_start_1:
0x0: {  	(tag) =	ssettag $0x1  }
0x1: {  	s5 =	rddreg [dreg:$0x0]  }
0x2: {  	s0 =	rddreg [dreg:$0x1];
	s2 =	simm.s32 $0x0;
	s3 =	srdreg.scid  }
0x3: {  	s1 =	stileid.u32;
	s11 =	simm.s32 $0x3;
	s12 =	simm.s32 $0x1  }
0x4: {  	s13 =	simm.s32 $0x2;
	s14 =	simm.s32 $0x0;
	[smem:$0x7FF] =	sst s2  }
0x5: {  	s4 =	sand.u32 $0x1, s3;
	s30 =	sshll.u32 s1, $0x1;
	s3 =	sadd.s32 $0x40000, s5  }
0x6: {  	_ =	strace $0x8000004D;
	s6 =	sor.u32 s4, s30;
	s7 =	ssub.s32 $0x2, s4  }
0x7: {  	s31 =	sshll.u32 s6, $0xD;
	s6 =	sshll.u32 s6, $0x4;
	s8 =	sshrl.u32 s7, $0x1  }
0x8: {  	s4 =	sadd.s32 s5, s31;
	s9 =	sadd.s32 s6, s5;
	s10 =	ssub.s32 s7, s8  }
0x9: {  	s5 =	sadd.s32 $0x800, s4;
	s6 =	sadd.s32 $0x1000, s4;
	s7 =	sadd.s32 $0x1800, s4  }
0xa: {  	s8 =	sadd.s32 $0x40400, s9;
	s9 =	smax.u32 s10, $0x1;
	s10 =	simm.s32 $0x8000  }
.LBB2_1:
0xb: {  	s15 =	simm.s32 $0x10  }
0xc: {  	s18 =	sadd.s32 $0x0, s4;
	s16 =	simm.s32 $0x100;
	s17 =	simm.s32 $0x0  }
.LBB2_2:
0xd: {  	[tilespmem:s17], [sflag:$0x1] =	stream.linear.gather [hbm4b:s18+s2], $0x80, $0x38;
	[tilespmem:$0x8080] =	vst v63  }
0xe: {  	s18 =	smov.u32 s15;
	s17 =	smov.u32 s16;
	p0 =	sne.s32 s15, $0x7F0  }
.Ltmp0:
0xf: {  	s15 =	sadd.s32 $0x10, s15;
	(pc) =	sbr.rel @p0 .LBB2_2-.Ltmp0, $2  }
0x10: {  	_ =	sdelay $0x2  }
0x11: {  	s16 =	sadd.s32 $0x100, s16;
	s18 =	sadd.s32 s18, s4  }
0x12: {  	[tilespmem:s17], [sflag:$0x1] =	stream.linear.gather [hbm4b:s18+s2], $0x80, $0x38;
	[tilespmem:$0x8080] =	vst v63  }
0x13: {  	s15 =	simm.s32 $0x80  }
0x14: {  	s16 =	simm.s32 $0x10;
	s18 =	sadd.s32 $0x0, s5;
	s17 =	simm.s32 $0x180  }
.LBB2_4:
0x15: {  	[tilespmem:s15], [sflag:$0x2] =	stream.linear.gather [hbm4b:s18+s2], $0x80, $0x38;
	[tilespmem:$0x8080] =	vst v63  }
0x16: {  	s18 =	smov.u32 s16;
	s15 =	smov.u32 s17;
	p0 =	sne.s32 s16, $0x7F0  }
.Ltmp1:
0x17: {  	s16 =	sadd.s32 $0x10, s16;
	(pc) =	sbr.rel @p0 .LBB2_4-.Ltmp1, $2  }
0x18: {  	_ =	sdelay $0x2  }
0x19: {  	s17 =	sadd.s32 $0x100, s17;
	s18 =	sadd.s32 s18, s5  }
0x1a: {  	[tilespmem:s15], [sflag:$0x2] =	stream.linear.gather [hbm4b:s18+s2], $0x80, $0x38;
	[tilespmem:$0x8080] =	vst v63  }
0x1b: {  	s15 =	simm.s32 $0x0  }
0x1c: {  	[tilespmem:s10], [sflag:$0x3] =	stream.linear.gather [hbm4b:s3+s15], $0x80, $0x38;
	[tilespmem:$0x8080] =	vst v63  }
0x1d: {  	_ =	swait.ge [sflag:s11], $0x80  }
0x1e: {  	[sflag:s11] =	ssyncset.done $0x0  }
0x1f: {  	[sflag:s11] =	ssyncadd.s32 $0xFFFFFF80  }
0x20: {  	v0 =	vld [tilespmem:$0x8000]  }
0x21: {  	_ =	swait.ge [sflag:s12], $0x4000  }
0x22: {  	[sflag:s12] =	ssyncset.done $0x0  }
0x23: {  	s16 =	simm.s32 $0x0;
	s17 =	simm.s32 $0x0;
	[sflag:s12] =	ssyncadd.s32 $0xFFFFC000  }
.LBB2_6:
0x24: {  	p0 =	sne.s32 s17, $0x7F0  }
.Ltmp2:
0x25: {  	_ = 	snop;
	(pc) =	sbr.rel @p0 .LBB2_6-.Ltmp2, $4  }
0x26: {  	_ = 	snop  }
0x27: {  	s18 =	sadd.s32 s17, s6  }
0x28: {  	[tilespmem:s16], [sflag:$0x1] =	stream.linear.gather [hbm4b:s18+s15], $0x80, $0x38;
	[tilespmem:$0x8080] =	vst v63  }
0x29: {  	s17 =	sadd.s32 $0x10, s17;
	s16 =	sadd.s32 $0x100, s16  }
0x2a: {  	s15 =	simm.s32 $0x0  }
0x2b: {  	v1 =	vld [tilespmem:s15+$0x0];
	_ =	sdelay $0x1  }
0x2c: {  	v2 =	vld [tilespmem:s15+$0x10];
	_ =	sdelay $0x1  }
0x2d: {  	v3 =	vld [tilespmem:s15+$0x20]  }
0x2e: {  	vm0 =	vgt.f32 v1, v0  }
0x2f: {  	v4 =	vimm.f32 $0.0e+00;
	v5 =	vld [tilespmem:s15+$0x30];
	v1 =	vnsel vm0, $0x0, v1  }
0x30: {  	vm0 =	vgt.f32 v2, v0;
	v1 =	vadd.f32 v1, v4  }
0x31: {  	v2 =	vnsel vm0, $0x0, v2  }
0x32: {  	v4 =	vld [tilespmem:s15+$0x40];
	vm0 =	vgt.f32 v3, v0;
	v2 =	vadd.f32 v2, v1  }
0x33: {  	v3 =	vnsel vm0, $0x0, v3  }
0x34: {  	vm0 =	vgt.f32 v5, v0;
	v1 =	vld [tilespmem:s15+$0x50];
	v2 =	vadd.f32 v3, v2  }
0x35: {  	v3 =	vnsel vm0, $0x0, v5  }
0x36: {  	v5 =	vadd.f32 v3, v2;
	v3 =	vld [tilespmem:s15+$0x60]  }
0x37: {  	vm0 =	vgt.f32 v4, v0  }
0x38: {  	v4 =	vnsel vm0, $0x0, v4;
	v2 =	vld [tilespmem:s15+$0x70]  }
0x39: {  	s16 =	simm.s32 $0x800;
	s15 =	simm.s32 $0x100;
	vm0 =	vgt.f32 v1, v0;
	v4 =	vadd.f32 v4, v5  }
.LBB2_8:
0x3a: {  	p0 =	sne.s32 s16, $0x1FC00;
	v5 =	vld [tilespmem:s15+$0x0];
	v1 =	vnsel vm0, $0x0, v1  }
0x3b: {  	v1 =	vadd.f32 v1, v4;
	vm0 =	vgt.f32 v3, v0  }
0x3c: {  	v4 =	vld [tilespmem:s15+$0x10];
	v3 =	vnsel vm0, $0x0, v3  }
0x3d: {  	v1 =	vadd.f32 v3, v1;
	vm0 =	vgt.f32 v2, v0  }
0x3e: {  	v3 =	vld [tilespmem:s15+$0x20];
	v2 =	vnsel vm0, $0x0, v2  }
0x3f: {  	vm0 =	vgt.f32 v5, v0;
	v1 =	vadd.f32 v2, v1  }
0x40: {  	v2 =	vnsel vm0, $0x0, v5;
	v5 =	vld [tilespmem:s15+$0x30]  }
0x41: {  	v1 =	vadd.f32 v2, v1;
	vm0 =	vgt.f32 v4, v0  }
0x42: {  	v2 =	vnsel vm0, $0x0, v4;
	v4 =	vld [tilespmem:s15+$0x40]  }
0x43: {  	v2 =	vadd.f32 v2, v1;
	vm0 =	vgt.f32 v3, v0  }
0x44: {  	v3 =	vnsel vm0, $0x0, v3;
	v1 =	vld [tilespmem:s15+$0x50]  }
.Ltmp3:
0x45: {  	v2 =	vadd.f32 v3, v2;
	vm0 =	vgt.f32 v5, v0;
	(pc) =	sbr.rel @p0 .LBB2_8-.Ltmp3, $4  }
0x46: {  	v5 =	vnsel vm0, $0x0, v5;
	v3 =	vld [tilespmem:s15+$0x60]  }
0x47: {  	v5 =	vadd.f32 v5, v2;
	vm0 =	vgt.f32 v4, v0  }
0x48: {  	v4 =	vnsel vm0, $0x0, v4;
	v2 =	vld [tilespmem:s15+$0x70]  }
0x49: {  	s15 =	sshra.s32 s16, $0x2;
	s16 =	sadd.s32 $0x400, s16;
	v4 =	vadd.f32 v4, v5;
	vm0 =	vgt.f32 v1, v0  }
0x4a: {  	v5 =	vld [tilespmem:s15+$0x0];
	v1 =	vnsel vm0, $0x0, v1  }
0x4b: {  	v1 =	vadd.f32 v1, v4;
	vm6 =	vgt.f32 v3, v0  }
0x4c: {  	v59 =	vld [tilespmem:s15+$0x10];
	v3 =	vnsel vm6, $0x0, v3  }
0x4d: {  	v1 =	vadd.f32 v3, v1;
	vm7 =	vgt.f32 v2, v0  }
0x4e: {  	v3 =	vld [tilespmem:s15+$0x20];
	v2 =	vnsel vm7, $0x0, v2  }
0x4f: {  	vm8 =	vgt.f32 v5, v0;
	v1 =	vadd.f32 v2, v1  }
0x50: {  	v60 =	vld [tilespmem:s15+$0x30];
	v2 =	vnsel vm8, $0x0, v5  }
0x51: {  	vm9 =	vgt.f32 v59, v0;
	v1 =	vadd.f32 v2, v1  }
0x52: {  	v61 =	vld [tilespmem:s15+$0x40];
	v2 =	vnsel vm9, $0x0, v59  }
0x53: {  	vm10 =	vgt.f32 v3, v0;
	v1 =	vadd.f32 v2, v1  }
0x54: {  	v2 =	vnsel vm10, $0x0, v3;
	v3 =	vld [tilespmem:s15+$0x50]  }
0x55: {  	vm11 =	vgt.f32 v60, v0;
	v1 =	vadd.f32 v2, v1  }
0x56: {  	v62 =	vld [tilespmem:s15+$0x60];
	v2 =	vnsel vm11, $0x0, v60  }
0x57: {  	vm12 =	vgt.f32 v61, v0;
	v1 =	vadd.f32 v2, v1  }
0x58: {  	v63 =	vld [tilespmem:s15+$0x70];
	v2 =	vnsel vm12, $0x0, v61  }
0x59: {  	vm13 =	vgt.f32 v3, v0;
	v1 =	vadd.f32 v2, v1  }
0x5a: {  	v2 =	vnsel vm13, $0x0, v3  }
0x5b: {  	vm14 =	vgt.f32 v62, v0;
	v1 =	vadd.f32 v2, v1  }
0x5c: {  	v2 =	vnsel vm14, $0x0, v62  }
0x5d: {  	s16 =	simm.s32 $0x80;
	vm15 =	vgt.f32 v63, v0;
	_ =	swait.ge [sflag:s13], $0x4000;
	v1 =	vadd.f32 v2, v1  }
0x5e: {  	s17 =	simm.s32 $0x10;
	s19 =	sadd.s32 $0x0, s7;
	[sflag:s13] =	ssyncset.done $0x0;
	v2 =	vnsel vm15, $0x0, v63  }
0x5f: {  	s18 =	simm.s32 $0x180;
	s15 =	simm.s32 $0x0;
	[sflag:s13] =	ssyncadd.s32 $0xFFFFC000;
	v1 =	vadd.f32 v2, v1  }
.LBB2_10:
0x60: {  	[tilespmem:s16], [sflag:$0x2] =	stream.linear.gather [hbm4b:s19+s15], $0x80, $0x38;
	[tilespmem:$0x8080] =	vst v63  }
0x61: {  	s19 =	smov.u32 s17;
	s16 =	smov.u32 s18;
	p0 =	sne.s32 s17, $0x7F0  }
.Ltmp4:
0x62: {  	s17 =	sadd.s32 $0x10, s17;
	(pc) =	sbr.rel @p0 .LBB2_10-.Ltmp4, $2  }
0x63: {  	_ =	sdelay $0x2  }
0x64: {  	s18 =	sadd.s32 $0x100, s18;
	s19 =	sadd.s32 s19, s7  }
0x65: {  	[tilespmem:s16], [sflag:$0x2] =	stream.linear.gather [hbm4b:s19+s15], $0x80, $0x38;
	[tilespmem:$0x8080] =	vst v63  }
0x66: {  	s31 =	simm.s32 $0x0  }
0x67: {  	v2 =	vld [tilespmem:s31+$0x80];
	_ =	sdelay $0x1  }
0x68: {  	v3 =	vld [tilespmem:s31+$0x90];
	_ =	sdelay $0x1  }
0x69: {  	v4 =	vld [tilespmem:s31+$0xA0]  }
0x6a: {  	vm0 =	vgt.f32 v2, v0  }
0x6b: {  	v5 =	vld [tilespmem:s31+$0xB0];
	v2 =	vnsel vm0, $0x0, v2  }
0x6c: {  	vm0 =	vgt.f32 v3, v0;
	v1 =	vadd.f32 v2, v1  }
0x6d: {  	v2 =	vnsel vm0, $0x0, v3  }
0x6e: {  	v6 =	vld [tilespmem:s31+$0xC0];
	vm0 =	vgt.f32 v4, v0;
	v2 =	vadd.f32 v2, v1  }
0x6f: {  	v3 =	vnsel vm0, $0x0, v4  }
0x70: {  	vm0 =	vgt.f32 v5, v0;
	v1 =	vld [tilespmem:s31+$0xD0];
	v2 =	vadd.f32 v3, v2  }
0x71: {  	v3 =	vnsel vm0, $0x0, v5  }
0x72: {  	v4 =	vadd.f32 v3, v2;
	v3 =	vld [tilespmem:s31+$0xE0]  }
0x73: {  	vm0 =	vgt.f32 v6, v0  }
0x74: {  	v5 =	vnsel vm0, $0x0, v6;
	v2 =	vld [tilespmem:s31+$0xF0]  }
0x75: {  	s15 =	simm.s32 $0x100;
	s16 =	simm.s32 $0x800;
	vm0 =	vgt.f32 v1, v0;
	v4 =	vadd.f32 v5, v4  }
.LBB2_12:
0x76: {  	p0 =	sne.s32 s16, $0x1FC00;
	v5 =	vld [tilespmem:s15+$0x80];
	v1 =	vnsel vm0, $0x0, v1  }
0x77: {  	v1 =	vadd.f32 v1, v4;
	vm0 =	vgt.f32 v3, v0  }
0x78: {  	v4 =	vld [tilespmem:s15+$0x90];
	v3 =	vnsel vm0, $0x0, v3  }
0x79: {  	v1 =	vadd.f32 v3, v1;
	vm0 =	vgt.f32 v2, v0  }
0x7a: {  	v3 =	vld [tilespmem:s15+$0xA0];
	v2 =	vnsel vm0, $0x0, v2  }
0x7b: {  	vm0 =	vgt.f32 v5, v0;
	v1 =	vadd.f32 v2, v1  }
0x7c: {  	v2 =	vnsel vm0, $0x0, v5;
	v5 =	vld [tilespmem:s15+$0xB0]  }
0x7d: {  	v1 =	vadd.f32 v2, v1;
	vm0 =	vgt.f32 v4, v0  }
0x7e: {  	v2 =	vnsel vm0, $0x0, v4;
	v4 =	vld [tilespmem:s15+$0xC0]  }
0x7f: {  	v2 =	vadd.f32 v2, v1;
	vm0 =	vgt.f32 v3, v0  }
0x80: {  	v3 =	vnsel vm0, $0x0, v3;
	v1 =	vld [tilespmem:s15+$0xD0]  }
.Ltmp5:
0x81: {  	v2 =	vadd.f32 v3, v2;
	vm0 =	vgt.f32 v5, v0;
	(pc) =	sbr.rel @p0 .LBB2_12-.Ltmp5, $4  }
0x82: {  	v5 =	vnsel vm0, $0x0, v5;
	v3 =	vld [tilespmem:s15+$0xE0]  }
0x83: {  	v5 =	vadd.f32 v5, v2;
	vm0 =	vgt.f32 v4, v0  }
0x84: {  	v4 =	vnsel vm0, $0x0, v4;
	v2 =	vld [tilespmem:s15+$0xF0]  }
0x85: {  	s15 =	sshra.s32 s16, $0x2;
	s16 =	sadd.s32 $0x400, s16;
	v4 =	vadd.f32 v4, v5;
	vm0 =	vgt.f32 v1, v0  }
0x86: {  	v5 =	vld [tilespmem:s15+$0x80];
	v1 =	vnsel vm0, $0x0, v1  }
0x87: {  	v1 =	vadd.f32 v1, v4;
	vm0 =	vgt.f32 v3, v0  }
0x88: {  	v4 =	vld [tilespmem:s15+$0x90];
	v3 =	vnsel vm0, $0x0, v3  }
0x89: {  	v1 =	vadd.f32 v3, v1;
	vm0 =	vgt.f32 v2, v0  }
0x8a: {  	v3 =	vld [tilespmem:s15+$0xA0];
	v2 =	vnsel vm0, $0x0, v2  }
0x8b: {  	vm0 =	vgt.f32 v5, v0;
	v1 =	vadd.f32 v2, v1  }
0x8c: {  	v2 =	vnsel vm0, $0x0, v5;
	v5 =	vld [tilespmem:s15+$0xB0]  }
0x8d: {  	vm0 =	vgt.f32 v4, v0;
	v1 =	vadd.f32 v2, v1  }
0x8e: {  	v2 =	vnsel vm0, $0x0, v4;
	v4 =	vld [tilespmem:s15+$0xC0]  }
0x8f: {  	vm0 =	vgt.f32 v3, v0;
	v1 =	vadd.f32 v2, v1  }
0x90: {  	v2 =	vnsel vm0, $0x0, v3;
	v3 =	vld [tilespmem:s15+$0xD0]  }
0x91: {  	v1 =	vadd.f32 v2, v1;
	vm0 =	vgt.f32 v5, v0  }
0x92: {  	v2 =	vld [tilespmem:s15+$0xE0];
	v5 =	vnsel vm0, $0x0, v5  }
0x93: {  	v6 =	vld [tilespmem:s15+$0xF0];
	_ =	swait.ge [sflag:s12], $0x4000;
	vm0 =	vgt.f32 v4, v0;
	v1 =	vadd.f32 v5, v1  }
0x94: {  	[sflag:s12] =	ssyncset.done $0x0;
	v4 =	vnsel vm0, $0x0, v4  }
0x95: {  	s31 =	simm.s32 $0x0;
	[sflag:s12] =	ssyncadd.s32 $0xFFFFC000;
	vm0 =	vgt.f32 v3, v0;
	v1 =	vadd.f32 v4, v1  }
0x96: {  	v3 =	vnsel vm0, $0x0, v3;
	v4 =	vld [tilespmem:s31+$0x0]  }
0x97: {  	vm0 =	vgt.f32 v2, v0;
	v1 =	vadd.f32 v3, v1  }
0x98: {  	v2 =	vnsel vm0, $0x0, v2;
	v3 =	vld [tilespmem:s31+$0x10]  }
0x99: {  	vm0 =	vgt.f32 v6, v0;
	v1 =	vadd.f32 v2, v1  }
0x9a: {  	v5 =	vld [tilespmem:s31+$0x20];
	v2 =	vnsel vm0, $0x0, v6  }
0x9b: {  	vm0 =	vgt.f32 v4, v0;
	v1 =	vadd.f32 v2, v1  }
0x9c: {  	v2 =	vnsel vm0, $0x0, v4;
	v4 =	vld [tilespmem:s31+$0x30]  }
0x9d: {  	vm0 =	vgt.f32 v3, v0;
	v1 =	vadd.f32 v2, v1  }
0x9e: {  	v2 =	vnsel vm0, $0x0, v3  }
0x9f: {  	v6 =	vld [tilespmem:s31+$0x40];
	vm0 =	vgt.f32 v5, v0;
	v2 =	vadd.f32 v2, v1  }
0xa0: {  	v3 =	vnsel vm0, $0x0, v5  }
0xa1: {  	v1 =	vld [tilespmem:s31+$0x50];
	vm0 =	vgt.f32 v4, v0;
	v2 =	vadd.f32 v3, v2  }
0xa2: {  	v3 =	vnsel vm0, $0x0, v4  }
0xa3: {  	v4 =	vadd.f32 v3, v2;
	v3 =	vld [tilespmem:s31+$0x60]  }
0xa4: {  	vm0 =	vgt.f32 v6, v0  }
0xa5: {  	v5 =	vnsel vm0, $0x0, v6;
	v2 =	vld [tilespmem:s31+$0x70]  }
0xa6: {  	s16 =	simm.s32 $0x800;
	s15 =	simm.s32 $0x100;
	vm0 =	vgt.f32 v1, v0;
	v4 =	vadd.f32 v5, v4  }
.LBB2_14:
0xa7: {  	p0 =	sne.s32 s16, $0x1FC00;
	v5 =	vld [tilespmem:s15+$0x0];
	v1 =	vnsel vm0, $0x0, v1  }
0xa8: {  	v1 =	vadd.f32 v1, v4;
	vm0 =	vgt.f32 v3, v0  }
0xa9: {  	v4 =	vld [tilespmem:s15+$0x10];
	v3 =	vnsel vm0, $0x0, v3  }
0xaa: {  	v1 =	vadd.f32 v3, v1;
	vm0 =	vgt.f32 v2, v0  }
0xab: {  	v3 =	vld [tilespmem:s15+$0x20];
	v2 =	vnsel vm0, $0x0, v2  }
0xac: {  	vm0 =	vgt.f32 v5, v0;
	v1 =	vadd.f32 v2, v1  }
0xad: {  	v2 =	vnsel vm0, $0x0, v5;
	v5 =	vld [tilespmem:s15+$0x30]  }
0xae: {  	v1 =	vadd.f32 v2, v1;
	vm0 =	vgt.f32 v4, v0  }
0xaf: {  	v2 =	vnsel vm0, $0x0, v4;
	v4 =	vld [tilespmem:s15+$0x40]  }
0xb0: {  	v2 =	vadd.f32 v2, v1;
	vm0 =	vgt.f32 v3, v0  }
0xb1: {  	v3 =	vnsel vm0, $0x0, v3;
	v1 =	vld [tilespmem:s15+$0x50]  }
.Ltmp6:
0xb2: {  	v2 =	vadd.f32 v3, v2;
	vm0 =	vgt.f32 v5, v0;
	(pc) =	sbr.rel @p0 .LBB2_14-.Ltmp6, $4  }
0xb3: {  	v5 =	vnsel vm0, $0x0, v5;
	v3 =	vld [tilespmem:s15+$0x60]  }
0xb4: {  	v5 =	vadd.f32 v5, v2;
	vm0 =	vgt.f32 v4, v0  }
0xb5: {  	v4 =	vnsel vm0, $0x0, v4;
	v2 =	vld [tilespmem:s15+$0x70]  }
0xb6: {  	s15 =	sshra.s32 s16, $0x2;
	s16 =	sadd.s32 $0x400, s16;
	v4 =	vadd.f32 v4, v5;
	vm0 =	vgt.f32 v1, v0  }
0xb7: {  	v5 =	vld [tilespmem:s15+$0x0];
	v1 =	vnsel vm0, $0x0, v1  }
0xb8: {  	v1 =	vadd.f32 v1, v4;
	vm0 =	vgt.f32 v3, v0  }
0xb9: {  	v4 =	vld [tilespmem:s15+$0x10];
	v3 =	vnsel vm0, $0x0, v3  }
0xba: {  	v1 =	vadd.f32 v3, v1;
	vm0 =	vgt.f32 v2, v0  }
0xbb: {  	v3 =	vld [tilespmem:s15+$0x20];
	v2 =	vnsel vm0, $0x0, v2  }
0xbc: {  	vm0 =	vgt.f32 v5, v0;
	v1 =	vadd.f32 v2, v1  }
0xbd: {  	v2 =	vnsel vm0, $0x0, v5;
	v5 =	vld [tilespmem:s15+$0x30]  }
0xbe: {  	vm0 =	vgt.f32 v4, v0;
	v1 =	vadd.f32 v2, v1  }
0xbf: {  	v2 =	vnsel vm0, $0x0, v4;
	v4 =	vld [tilespmem:s15+$0x40]  }
0xc0: {  	vm0 =	vgt.f32 v3, v0;
	v1 =	vadd.f32 v2, v1  }
0xc1: {  	v2 =	vnsel vm0, $0x0, v3;
	v3 =	vld [tilespmem:s15+$0x50]  }
0xc2: {  	v1 =	vadd.f32 v2, v1;
	vm0 =	vgt.f32 v5, v0  }
0xc3: {  	v2 =	vld [tilespmem:s15+$0x60];
	v5 =	vnsel vm0, $0x0, v5  }
0xc4: {  	v6 =	vld [tilespmem:s15+$0x70];
	_ =	swait.ge [sflag:s13], $0x4000;
	vm0 =	vgt.f32 v4, v0;
	v1 =	vadd.f32 v5, v1  }
0xc5: {  	[sflag:s13] =	ssyncset.done $0x0;
	v4 =	vnsel vm0, $0x0, v4  }
0xc6: {  	s31 =	simm.s32 $0x0;
	[sflag:s13] =	ssyncadd.s32 $0xFFFFC000;
	vm0 =	vgt.f32 v3, v0;
	v1 =	vadd.f32 v4, v1  }
0xc7: {  	v3 =	vnsel vm0, $0x0, v3;
	v4 =	vld [tilespmem:s31+$0x80]  }
0xc8: {  	vm0 =	vgt.f32 v2, v0;
	v1 =	vadd.f32 v3, v1  }
0xc9: {  	v2 =	vnsel vm0, $0x0, v2;
	v3 =	vld [tilespmem:s31+$0x90]  }
0xca: {  	vm0 =	vgt.f32 v6, v0;
	v1 =	vadd.f32 v2, v1  }
0xcb: {  	v5 =	vld [tilespmem:s31+$0xA0];
	v2 =	vnsel vm0, $0x0, v6  }
0xcc: {  	vm0 =	vgt.f32 v4, v0;
	v1 =	vadd.f32 v2, v1  }
0xcd: {  	v2 =	vnsel vm0, $0x0, v4;
	v4 =	vld [tilespmem:s31+$0xB0]  }
0xce: {  	vm0 =	vgt.f32 v3, v0;
	v1 =	vadd.f32 v2, v1  }
0xcf: {  	v2 =	vnsel vm0, $0x0, v3  }
0xd0: {  	v6 =	vld [tilespmem:s31+$0xC0];
	vm0 =	vgt.f32 v5, v0;
	v2 =	vadd.f32 v2, v1  }
0xd1: {  	v3 =	vnsel vm0, $0x0, v5  }
0xd2: {  	v1 =	vld [tilespmem:s31+$0xD0];
	vm0 =	vgt.f32 v4, v0;
	v2 =	vadd.f32 v3, v2  }
0xd3: {  	v3 =	vnsel vm0, $0x0, v4  }
0xd4: {  	v4 =	vadd.f32 v3, v2;
	v3 =	vld [tilespmem:s31+$0xE0]  }
0xd5: {  	vm0 =	vgt.f32 v6, v0  }
0xd6: {  	v5 =	vnsel vm0, $0x0, v6;
	v2 =	vld [tilespmem:s31+$0xF0]  }
0xd7: {  	s16 =	simm.s32 $0x800;
	s15 =	simm.s32 $0x100;
	vm0 =	vgt.f32 v1, v0;
	v4 =	vadd.f32 v5, v4  }
.LBB2_16:
0xd8: {  	p0 =	sne.s32 s16, $0x1FC00;
	v5 =	vld [tilespmem:s15+$0x80];
	v1 =	vnsel vm0, $0x0, v1  }
0xd9: {  	v1 =	vadd.f32 v1, v4;
	vm0 =	vgt.f32 v3, v0  }
0xda: {  	v4 =	vld [tilespmem:s15+$0x90];
	v3 =	vnsel vm0, $0x0, v3  }
0xdb: {  	v1 =	vadd.f32 v3, v1;
	vm0 =	vgt.f32 v2, v0  }
0xdc: {  	v3 =	vld [tilespmem:s15+$0xA0];
	v2 =	vnsel vm0, $0x0, v2  }
0xdd: {  	vm0 =	vgt.f32 v5, v0;
	v1 =	vadd.f32 v2, v1  }
0xde: {  	v2 =	vnsel vm0, $0x0, v5;
	v5 =	vld [tilespmem:s15+$0xB0]  }
0xdf: {  	v1 =	vadd.f32 v2, v1;
	vm0 =	vgt.f32 v4, v0  }
0xe0: {  	v2 =	vnsel vm0, $0x0, v4;
	v4 =	vld [tilespmem:s15+$0xC0]  }
0xe1: {  	v2 =	vadd.f32 v2, v1;
	vm0 =	vgt.f32 v3, v0  }
0xe2: {  	v3 =	vnsel vm0, $0x0, v3;
	v1 =	vld [tilespmem:s15+$0xD0]  }
.Ltmp7:
0xe3: {  	v2 =	vadd.f32 v3, v2;
	vm0 =	vgt.f32 v5, v0;
	(pc) =	sbr.rel @p0 .LBB2_16-.Ltmp7, $4  }
0xe4: {  	v5 =	vnsel vm0, $0x0, v5;
	v3 =	vld [tilespmem:s15+$0xE0]  }
0xe5: {  	v5 =	vadd.f32 v5, v2;
	vm0 =	vgt.f32 v4, v0  }
0xe6: {  	v4 =	vnsel vm0, $0x0, v4;
	v2 =	vld [tilespmem:s15+$0xF0]  }
0xe7: {  	s15 =	sshra.s32 s16, $0x2;
	s16 =	sadd.s32 $0x400, s16;
	v4 =	vadd.f32 v4, v5;
	vm0 =	vgt.f32 v1, v0  }
0xe8: {  	v5 =	vld [tilespmem:s15+$0x80];
	v1 =	vnsel vm0, $0x0, v1  }
0xe9: {  	v1 =	vadd.f32 v1, v4;
	vm6 =	vgt.f32 v3, v0  }
0xea: {  	v50 =	vld [tilespmem:s15+$0x90];
	v3 =	vnsel vm6, $0x0, v3  }
0xeb: {  	v1 =	vadd.f32 v3, v1;
	vm7 =	vgt.f32 v2, v0  }
0xec: {  	v51 =	vld [tilespmem:s15+$0xA0];
	v2 =	vnsel vm7, $0x0, v2  }
0xed: {  	vm8 =	vgt.f32 v5, v0;
	v1 =	vadd.f32 v2, v1  }
0xee: {  	v53 =	vld [tilespmem:s15+$0xB0];
	v52 =	vnsel vm8, $0x0, v5  }
0xef: {  	vm9 =	vgt.f32 v50, v0;
	v1 =	vadd.f32 v52, v1  }
0xf0: {  	v55 =	vld [tilespmem:s15+$0xC0];
	v54 =	vnsel vm9, $0x0, v50  }
0xf1: {  	vm10 =	vgt.f32 v51, v0;
	v1 =	vadd.f32 v54, v1  }
0xf2: {  	v57 =	vld [tilespmem:s15+$0xD0];
	v56 =	vnsel vm10, $0x0, v51  }
0xf3: {  	vm11 =	vgt.f32 v53, v0;
	v1 =	vadd.f32 v56, v1  }
0xf4: {  	v59 =	vld [tilespmem:s15+$0xE0];
	v58 =	vnsel vm11, $0x0, v53  }
0xf5: {  	vm12 =	vgt.f32 v55, v0;
	v1 =	vadd.f32 v58, v1  }
0xf6: {  	v61 =	vld [tilespmem:s15+$0xF0];
	v60 =	vnsel vm12, $0x0, v55  }
0xf7: {  	vm13 =	vgt.f32 v57, v0;
	v1 =	vadd.f32 v60, v1  }
0xf8: {  	v62 =	vnsel vm13, $0x0, v57  }
0xf9: {  	vm14 =	vgt.f32 v59, v0;
	v1 =	vadd.f32 v62, v1  }
0xfa: {  	v63 =	vnsel vm14, $0x0, v59  }
0xfb: {  	vm15 =	vgt.f32 v61, v0;
	v1 =	vadd.f32 v63, v1  }
0xfc: {  	v0 =	vnsel vm15, $0x0, v61  }
0xfd: {  	s14 =	sadd.s32 $0x1, s14;
	v0 =	vadd.f32 v0, v1  }
0xfe: {  	p0 =	sne.s32 s14, s9  }
.Ltmp8:
0xff: {  	[tilespmem:$0x8000] =	vst v0;
	(pc) =	sbr.rel @p0 .LBB2_1-.Ltmp8, $4  }
0x100: {  	[hbm4b:s8+s2] =	stream.linear.scatter [tilespmem:s10], [sflag:$0x3], $0x80, $0x38;
	[tilespmem:$0x8080] =	vst v63  }
0x101: {  	_ =	swait.ge [sflag:s11], $0x80  }
0x102: {  	[sflag:s11] =	ssyncset.done $0x0  }
0x103: {  	[sflag:s11] =	ssyncadd.s32 $0xFFFFFF80  }
0x104: {  	_ =	sfence.sel $0x180000  }
0x105: {  	[bflag:$0x0] =	sbarrier.arrive $0xFFFF  }
0x106: {  	p0 =	sne.s32 s1, $0x0;
	_ =	strace $0x9000004D  }
0x107: {  	s0 =	sadd.s32 @!p0 $0x100000, s0;
	[bflag:$0x2] =	sbarrier.arrive $0xFFFF  }
0x108: {  	[sflag:s0] =	ssyncadd.tile.s32 @!p0 $0x1;
	_ =	shalt  }
.Lfunc_end2:
_tile_overlayer_lowered:
.L_overlay_start_2:
0x109: {  	(tag) =	ssettag $0x2  }
0x10a: {  	s0 =	rddreg [dreg:$0x0];
	s2 =	stileid.u32  }
0x10b: {  	s1 =	rddreg [dreg:$0x1];
	p0 =	sne.s32 s2, $0x0  }
0x10c: {  	s3 =	rddreg [dreg:$0x2];
	[bflag:$0x3] =	sbarrier.arrive $0xFFFF;
	s2 =	simm.s32 @!p0 $0x1C03  }
0x10d: {  	[timem:s3], [sflag:s2] =	dma.local @!p0 [hbm:s0], s1  }
0x10e: {  	s0 =	simm.s32 @!p0 $0x3  }
0x10f: {  	_ =	swait.ge @!p0 [sflag:s0], s1  }
0x110: {  	s1 =	ssub.s32 @!p0 $0x0, s1;
	[sflag:s0] =	ssyncset.done @!p0 $0x0  }
0x111: {  	[sflag:s0] =	ssyncadd.s32 @!p0 s1  }
0x112: {  	[bflag:$0x3] =	sbarrier.arrive $0xFFFF  }
0x113: {  	_ =	shalt  }

// kernel: kernel.6.cloned.1.call-start
scs
__scs_entry_jumppad:
0x0: {  	(pc) =	sbr.rel $0x88, $3  }
0x1: {  	(tag) =	ssettag $0x0;
	lr =	simm.s32 $0x1  }
0x2: {  	[smem:$0x3F9F] =	sst lr;
	_ =	strace $0xD0000000  }
0x3: {  	_ = 	snop  }
0x4: {  	_ = 	snop  }
0x5: {  	_ = 	snop  }
0x6: {  	_ = 	snop  }
0x7: {  	_ = 	snop  }
__scs_overlays_trampoline_lowered:
0x8: {  	[smem:$0x3FAE] =	sst s0  }
0x9: {  	[smem:$0x3FAF] =	sst s1  }
0xa: {  	[smem:$0x3FB0] =	sst s2  }
0xb: {  	[smem:$0x3FB1] =	sst s3  }
0xc: {  	[smem:$0x3FB2] =	sst s4  }
0xd: {  	[smem:$0x3FB3] =	sst s5  }
0xe: {  	[smem:$0x3FB4] =	sst s6  }
0xf: {  	[smem:$0x3FB5] =	sst s7  }
0x10: {  	[smem:$0x3FB6] =	sst s8  }
0x11: {  	[smem:$0x3FB7] =	sst s9;
	s0 =	simm.s32 @!p0 $0x0  }
0x12: {  	s1 =	sld [smem:$0x3F9D];
	s0 =	simm.s32 @p0 $0x1  }
0x13: {  	[smem:$0x3FB8] =	sst s0;
	s0 =	simm.s32 @!p1 $0x0  }
0x14: {  	s2 =	sld [smem:$0x3F9C];
	s0 =	simm.s32 @p1 $0x1  }
0x15: {  	[smem:$0x3FB9] =	sst s0;
	s0 =	simm.s32 @!p2 $0x0  }
0x16: {  	s3 =	sld [smem:$0x3FDB];
	s0 =	simm.s32 @p2 $0x1  }
0x17: {  	s4 =	simm.s32 $0x1BF5;
	[smem:$0x3FBB] =	sst s0  }
0x18: {  	s0 =	sld [smem:$0x3F9E];
	_ =	swait.ge [sflag:s4], $0x0  }
0x19: {  	s7 =	sld [smem:$0x3F9F]  }
0x1a: {  	s8 =	sadd.s32 $0xFFFFE003, lr  }
0x1b: {  	s9 =	sadd.s32 $0xFFFFFEF7, lr;
	s5 =	simm.s32 $0xFFFFFFFF;
	p2 =	slt.u32 s8, $0xFFFFF086  }
0x1c: {  	p1 =	slt.u32 s9, $0xF7A;
	s5 =	simm.s32 @!p2 $0x0  }
0x1d: {  	s5 =	simm.s32 @p1 $0x1;
	p0 =	seq.s32 s7, s2  }
0x1e: {  	s7 =	smul.u32 @!p0 $0xF7A, s2;
	p2 =	seq.s32 @!p0 s5, $0x0  }
0x1f: {  	s9 =	smul.u32 $0xF7A, s1;
	s8 =	simm.s32 @!p0 $0x1BF5;
	p2 =	por !p2, p0  }
0x20: {  	[sflag:s8] =	ssyncset.s32 @!p0 $0xFFFFF086;
	s6 =	sadd.s32 @!p0 s3, s7;
	s7 =	simm.s32 @!p0 $0x108  }
0x21: {  	s3 =	sadd.s32 s3, s9;
	s6 =	sadd.s32 @!p0 $0x88, s6;
	s7 =	simm.s32 @p2 $0x1082  }
0x22: {  	[simem:s7], [sflag:s8] =	dma.local @!p0 [hbm:s6], $0xF7A  }
0x23: {  	s9 =	sor.u32 $0xD0000000, s2;
	s6 =	simm.s32 $0x108;
	_ =	swait.ge @!p0 [sflag:s8], $0x0  }
0x24: {  	s3 =	sadd.s32 $0x88, s3;
	s6 =	simm.s32 @!p1 $0x1082;
	[sflag:s4] =	ssyncset.s32 $0xFFFFF086  }
0x25: {  	[simem:s6], [sflag:s4] =	dma.local [hbm:s3], $0xF7A  }
0x26: {  	[smem:$0x3F9F] =	sst s1;
	(tag) =	ssettag s2;
	_ =	strace s9  }
0x27: {  	s1 =	sld [smem:$0x3FAF]  }
0x28: {  	s2 =	sld [smem:$0x3FB0]  }
0x29: {  	s4 =	sld [smem:$0x3FB2]  }
0x2a: {  	p0 =	seq.s32 s5, $0x0;
	s5 =	sld [smem:$0x3FB3]  }
0x2b: {  	s6 =	sld [smem:$0x3FB4]  }
0x2c: {  	s7 =	sld [smem:$0x3FB5]  }
0x2d: {  	s3 =	simm.s32 $0x108;
	s8 =	sld [smem:$0x3FB6]  }
0x2e: {  	s3 =	simm.s32 @!p0 $0x1082;
	s9 =	sld [smem:$0x3FB7]  }
0x2f: {  	lr =	sadd.s32 s0, s3;
	s0 =	sld [smem:$0x3FAE]  }
0x30: {  	s3 =	sld [smem:$0x3FB1]  }
0x31: {  	[smem:$0x3FBA] =	sst s10  }
0x32: {  	s10 =	sld [smem:$0x3FB8];
	_ =	sdelay $0x3  }
0x33: {  	p0 =	seq.s32 s10, $0x1;
	s10 =	sld [smem:$0x3FBA];
	_ =	sdelay $0x3  }
0x34: {  	[smem:$0x3FBA] =	sst s10  }
0x35: {  	s10 =	sld [smem:$0x3FB9];
	_ =	sdelay $0x3  }
0x36: {  	p1 =	seq.s32 s10, $0x1;
	s10 =	sld [smem:$0x3FBA];
	_ =	sdelay $0x3  }
0x37: {  	[smem:$0x3FBA] =	sst s10  }
0x38: {  	s10 =	sld [smem:$0x3FBB]  }
0x39: {  	_ = 	snop;
	(pc) =	sbr.ind lr, $3  }
0x3a: {  	_ = 	snop  }
0x3b: {  	_ = 	snop  }
0x3c: {  	p2 =	seq.s32 s10, $0x1;
	s10 =	sld [smem:$0x3FBA]  }
0x3d: {  	_ =	shalt  }
0x3e: {  	_ =	shalt  }
0x3f: {  	_ =	shalt  }
0x40: {  	_ =	shalt  }
0x41: {  	_ =	shalt  }
0x42: {  	_ =	shalt  }
0x43: {  	_ =	shalt  }
0x44: {  	_ =	shalt  }
0x45: {  	_ =	shalt  }
0x46: {  	_ =	shalt  }
0x47: {  	_ =	shalt  }
0x48: {  	_ =	shalt  }
0x49: {  	_ =	shalt  }
0x4a: {  	_ =	shalt  }
0x4b: {  	_ =	shalt  }
0x4c: {  	_ =	shalt  }
0x4d: {  	_ =	shalt  }
0x4e: {  	_ =	shalt  }
0x4f: {  	_ =	shalt  }
0x50: {  	_ =	shalt  }
0x51: {  	_ =	shalt  }
0x52: {  	_ =	shalt  }
0x53: {  	_ =	shalt  }
0x54: {  	_ =	shalt  }
0x55: {  	_ =	shalt  }
0x56: {  	_ =	shalt  }
0x57: {  	_ =	shalt  }
0x58: {  	_ =	shalt  }
0x59: {  	_ =	shalt  }
0x5a: {  	_ =	shalt  }
0x5b: {  	_ =	shalt  }
0x5c: {  	_ =	shalt  }
0x5d: {  	_ =	shalt  }
0x5e: {  	_ =	shalt  }
0x5f: {  	_ =	shalt  }
0x60: {  	_ =	shalt  }
0x61: {  	_ =	shalt  }
0x62: {  	_ =	shalt  }
0x63: {  	_ =	shalt  }
0x64: {  	_ =	shalt  }
0x65: {  	_ =	shalt  }
0x66: {  	_ =	shalt  }
0x67: {  	_ =	shalt  }
0x68: {  	_ =	shalt  }
0x69: {  	_ =	shalt  }
0x6a: {  	_ =	shalt  }
0x6b: {  	_ =	shalt  }
0x6c: {  	_ =	shalt  }
0x6d: {  	_ =	shalt  }
0x6e: {  	_ =	shalt  }
0x6f: {  	_ =	shalt  }
0x70: {  	_ =	shalt  }
0x71: {  	_ =	shalt  }
0x72: {  	_ =	shalt  }
0x73: {  	_ =	shalt  }
0x74: {  	_ =	shalt  }
0x75: {  	_ =	shalt  }
0x76: {  	_ =	shalt  }
0x77: {  	_ =	shalt  }
0x78: {  	_ =	shalt  }
0x79: {  	_ =	shalt  }
0x7a: {  	_ =	shalt  }
0x7b: {  	_ =	shalt  }
0x7c: {  	_ =	shalt  }
0x7d: {  	_ =	shalt  }
0x7e: {  	_ =	shalt  }
0x7f: {  	_ =	shalt  }
0x80: {  	_ =	shalt  }
0x81: {  	_ =	shalt  }
0x82: {  	_ =	shalt  }
0x83: {  	_ =	shalt  }
0x84: {  	_ =	shalt  }
0x85: {  	_ =	shalt  }
0x86: {  	_ =	shalt  }
0x87: {  	_ =	shalt  }
.Lfunc_end0:
.L_simem_size_0:
called_computation_lowered:
.L_overlay_start_0:
0x88: {  	s2 =	sld [smem:$0x3FD9]  }
0x89: {  	s3 =	sld [smem:$0x3FFE];
	_ =	sdelay $0x1  }
0x8a: {  	s1 =	srdreg.scid  }
0x8b: {  	s0 =	sand.u32 $0x1, s1  }
0x8c: {  	s16 =	sshll.u32 s0, $0xA;
	s2 =	sadd.s32 s3, s2  }
0x8d: {  	s2 =	sadd.s32 s2, s16  }
0x8e: {  	[smem:$0x3FC6] =	sst s2  }
0x8f: {  	_ = 	snop  }
0x90: {  	(tm) =	ssettm $0x1  }
0x91: {  	s17 =	sld [smem:$0x3FFB];
	_ =	sdelay $0x3  }
0x92: {  	_ =	strace s17  }
0x93: {  	s2 =	sld [smem:$0x3FFC];
	_ =	sdelay $0x3  }
0x94: {  	_ =	strace s2  }
0x95: {  	s2 =	sld [smem:$0x3FFD];
	_ =	sdelay $0x3  }
0x96: {  	_ =	strace s2  }
0x97: {  	_ =	strace $0x8FFFFFFF  }
0x98: {  	s18 =	sld [smem:$0x3FDB];
	_ =	sdelay $0x1  }
0x99: {  	s19 =	simm.s32 $_scs_section_size  }
0x9a: {  	s4 =	simm.s32 $_size__tile_overlayer_lowered;
	s5 =	simm.s32 $_tile_overlayer_lowered  }
0x9b: {  	s22 =	simm.s32 $0x1BFF;
	s21 =	sshll.u32 s5, $0x1;
	s2 =	sadd.s32 s19, s18  }
0x9c: {  	s6 =	simm.s32 $0x0;
	s20 =	sshll.u32 s4, $0x1;
	s4 =	sadd.s32 s21, s2  }
0x9d: {  	[timem:s6], [sflag:s22] =	dma.local [hbm:s4], s20  }
0x9e: {  	_ =	swait.ge [sflag:s22], s20  }
0x9f: {  	s3 =	ssub.s32 $0x0, s20;
	[sflag:s22] =	ssyncset.done $0x0  }
0xa0: {  	[sflag:s22] =	ssyncadd.s32 s3;
	_ =	sdelay $0x1  }
0xa1: {  	s23 =	simm.s32 $0x1B8B  }
0xa2: {  	_ =	swait.ge [sflag:s23], $0x1  }
0xa3: {  	[sflag:s23] =	ssyncset.done $0x0  }
0xa4: {  	s25 =	simm.s32 $0x1B8E;
	s24 =	sld [smem:$0x3FFE];
	[sflag:s23] =	ssyncadd.s32 $0xFFFFFFFF  }
0xa5: {  	s26 =	simm.s32 $execute0_lowered;
	[smem:$0x3FD2] =	sst s25  }
0xa6: {  	s4 =	sshll.u32 s26, $0x1;
	_ =	strace $0x80000046;
	[dreg:$0x1] =	wrdreg $0xFFFFFFFF  }
0xa7: {  	s28 =	simm.s32 $_size_execute0_lowered;
	s2 =	sadd.s32 s2, s4;
	[dreg:$0x0] =	wrdreg $0x0  }
0xa8: {  	s4 =	sshll.u32 s28, $0x1;
	[dreg:$0x2] =	wrdreg s2  }
0xa9: {  	[dreg:$0x3] =	wrdreg s4  }
0xaa: {  	[dreg:$0x4] =	wrdreg $0xC0  }
0xab: {  	_ =	task [dreg:s6], $0x5FFFF  }
0xac: {  	[dreg:$0x1] =	wrdreg $0xFFFFFFFF  }
0xad: {  	[dreg:$0x0] =	wrdreg $0x60  }
0xae: {  	[dreg:$0x2] =	wrdreg s24  }
0xaf: {  	[dreg:$0x3] =	wrdreg $0x9  }
0xb0: {  	_ =	task.clear_ibuf [dreg:s6], $0x4FFFF;
	_ =	strace $0x90000046  }
0xb1: {  	s29 =	simm.s32 $0x9;
	_ =	strace $0x80000048  }
0xb2: {  	_ =	swait.ge [sflag:s29], $0x1  }
0xb3: {  	[sflag:s29] =	ssyncadd.s32 $0xFFFFFFFF  }
0xb4: {  	_ =	strace $0x90000048  }
0xb5: {  	_ =	sfence  }
0xb6: {  	s30 =	sld [smem:$0x0];
	_ =	sdelay $0x2  }
0xb7: {  	s31 =	sshll.u32 s1, $0xD;
	s1 =	sshrl.u32 s1, $0x2  }
0xb8: {  	s3 =	sand.u32 $0x4000, s31;
	s1 =	sadd.s32 s1, s30  }
0xb9: {  	s0 =	sor.u32 s3, s0;
	s1 =	sshll.u32 s1, $0x11  }
0xba: {  	s0 =	sor.u32 s1, s0  }
0xbb: {  	s0 =	sadd.s32 $0x8F2B, s0  }
0xbc: {  	[sflag:s0] =	ssyncadd.remote.s32 $0x1  }
0xbd: {  	_ =	sfence.sel $0xFFFF  }
0xbe: {  	[dreg:$0x0] =	wrdreg $0xFFFFFFFF;
	(pc) =	sbr.abs _section_cstart, $3  }
0xbf: {  	[dreg:$0x1] =	wrdreg $0xFFFFFFFF  }
0xc0: {  	_ =	task.clear_ibuf [dreg:s6], $0x2FFFF;
	_ =	strace $0x9FFFFFFF  }
0xc1: {  	(tm) =	ssettm $0x7FFFFFFF  }
tec
execute0_lowered:
.L_overlay_start_1:
0x0: {  	(tag) =	ssettag $0x1  }
0x1: {  	s4 =	rddreg [dreg:$0x0]  }
0x2: {  	s0 =	rddreg [dreg:$0x1]  }
0x3: {  	s2 =	simm.s32 $0x0;
	s1 =	stileid.u32;
	s5 =	srdreg.scid  }
0x4: {  	s10 =	simm.s32 $0x8000;
	s11 =	simm.s32 $0x3;
	s12 =	simm.s32 $0x1  }
0x5: {  	s13 =	simm.s32 $0x8100;
	s14 =	simm.s32 $0x2;
	s15 =	simm.s32 $0x80  }
0x6: {  	s16 =	simm.s32 $0x400;
	s17 =	simm.s32 $0x0;
	[smem:$0x7FF] =	sst s2  }
0x7: {  	s3 =	sshll.u32 s1, $0xE;
	s5 =	sand.u32 $0x1, s5;
	s7 =	sshll.u32 s1, $0x1  }
0x8: {  	_ =	strace $0x80000047;
	s6 =	sand.u32 $0x30000, s3;
	s3 =	sadd.s32 $0x40000, s4  }
0x9: {  	s7 =	sor.u32 s5, s7;
	s5 =	ssub.s32 $0x2, s5;
	s6 =	sadd.s32 s6, s4  }
0xa: {  	s8 =	sshll.u32 s7, $0xD;
	s7 =	sshll.u32 s7, $0x4;
	s9 =	sshrl.u32 s5, $0x1  }
0xb: {  	s4 =	sadd.s32 s4, s8;
	s7 =	sand.u32 $0x70, s7;
	s9 =	ssub.s32 s5, s9  }
0xc: {  	s5 =	sadd.s32 $0x800, s4;
	s31 =	sadd.s32 s7, s6;
	s6 =	sadd.s32 $0x1000, s4  }
0xd: {  	v0 =	vimm.s32 $0x0;
	v1 =	vimm.s32 $0x1;
	s7 =	sadd.s32 $0x1800, s4;
	s9 =	smax.u32 s9, $0x1;
	s8 =	sadd.s32 $0x40200, s31  }
.LBB2_1:
0xe: {  	s18 =	simm.s32 $0x10  }
0xf: {  	s21 =	sadd.s32 $0x0, s4;
	s19 =	simm.s32 $0x100;
	s20 =	simm.s32 $0x0  }
.LBB2_2:
0x10: {  	[tilespmem:s20], [sflag:$0x1] =	stream.linear.gather [hbm4b:s21+s2], $0x80, $0x38;
	[tilespmem:$0x18100] =	vst v63  }
0x11: {  	s21 =	smov.u32 s18;
	s20 =	smov.u32 s19;
	p0 =	sne.s32 s18, $0x7F0  }
.Ltmp0:
0x12: {  	s18 =	sadd.s32 $0x10, s18;
	(pc) =	sbr.rel @p0 .LBB2_2-.Ltmp0, $2  }
0x13: {  	_ =	sdelay $0x2  }
0x14: {  	s19 =	sadd.s32 $0x100, s19;
	s21 =	sadd.s32 s21, s4  }
0x15: {  	[tilespmem:s20], [sflag:$0x1] =	stream.linear.gather [hbm4b:s21+s2], $0x80, $0x38;
	[tilespmem:$0x18100] =	vst v63  }
0x16: {  	s18 =	simm.s32 $0x80  }
0x17: {  	s19 =	simm.s32 $0x10;
	s21 =	sadd.s32 $0x0, s5;
	s20 =	simm.s32 $0x180  }
.LBB2_4:
0x18: {  	[tilespmem:s18], [sflag:$0x2] =	stream.linear.gather [hbm4b:s21+s2], $0x80, $0x38;
	[tilespmem:$0x18100] =	vst v63  }
0x19: {  	s21 =	smov.u32 s19;
	s18 =	smov.u32 s20;
	p0 =	sne.s32 s19, $0x7F0  }
.Ltmp1:
0x1a: {  	s19 =	sadd.s32 $0x10, s19;
	(pc) =	sbr.rel @p0 .LBB2_4-.Ltmp1, $2  }
0x1b: {  	_ =	sdelay $0x2  }
0x1c: {  	s20 =	sadd.s32 $0x100, s20;
	s21 =	sadd.s32 s21, s5  }
0x1d: {  	[tilespmem:s18], [sflag:$0x2] =	stream.linear.gather [hbm4b:s21+s2], $0x80, $0x38;
	[tilespmem:$0x18100] =	vst v63  }
0x1e: {  	s31 =	simm.s32 $0x0  }
0x1f: {  	[tilespmem:s10], [sflag:$0x3] =	stream.linear.gather [hbm4b:s3+s31], $0x100, $0x38;
	[tilespmem:$0x18100] =	vst v63  }
0x20: {  	_ =	swait.ge [sflag:s11], $0x100  }
0x21: {  	[sflag:s11] =	ssyncset.done $0x0  }
0x22: {  	s18 =	simm.s32 $0x0;
	s19 =	simm.s32 $0x200;
	[sflag:s11] =	ssyncadd.s32 $0xFFFFFF00  }
.LBB2_6:
0x23: {  	p0 =	sne.s32 s19, $0x3FE00;
	[tilespmem:s18+$0x8170] =	vst v0  }
0x24: {  	[tilespmem:s18+$0x8100] =	vst v0  }
0x25: {  	[tilespmem:s18+$0x8110] =	vst v0  }
.Ltmp2:
0x26: {  	[tilespmem:s18+$0x8120] =	vst v0;
	(pc) =	sbr.rel @p0 .LBB2_6-.Ltmp2, $4  }
0x27: {  	[tilespmem:s18+$0x8130] =	vst v0  }
0x28: {  	[tilespmem:s18+$0x8140] =	vst v0  }
0x29: {  	[tilespmem:s18+$0x8150] =	vst v0  }
0x2a: {  	[tilespmem:s18+$0x8160] =	vst v0;
	s18 =	sshra.s32 s19, $0x2;
	s19 =	sadd.s32 $0x200, s19  }
0x2b: {  	[tilespmem:s18+$0x8170] =	vst v0  }
0x2c: {  	[tilespmem:s18+$0x8100] =	vst v0  }
0x2d: {  	[tilespmem:s18+$0x8110] =	vst v0  }
0x2e: {  	[tilespmem:s18+$0x8120] =	vst v0  }
0x2f: {  	[tilespmem:s18+$0x8130] =	vst v0  }
0x30: {  	[tilespmem:s18+$0x8140] =	vst v0  }
0x31: {  	[tilespmem:s18+$0x8150] =	vst v0  }
0x32: {  	[tilespmem:s18+$0x8160] =	vst v0  }
0x33: {  	s18 =	simm.s32 $0x0;
	_ =	swait.ge [sflag:s12], $0x4000  }
0x34: {  	s19 =	simm.s32 $0x10;
	s22 =	sadd.s32 $0x0, s6;
	[sflag:s12] =	ssyncset.done $0x0  }
0x35: {  	s20 =	simm.s32 $0x100;
	s21 =	simm.s32 $0x0;
	[sflag:s12] =	ssyncadd.s32 $0xFFFFC000  }
.LBB2_8:
0x36: {  	[tilespmem:s21], [sflag:$0x1] =	stream.linear.gather [hbm4b:s22+s18], $0x80, $0x38;
	[tilespmem:$0x18100] =	vst v63  }
0x37: {  	s22 =	smov.u32 s19;
	s21 =	smov.u32 s20;
	p0 =	sne.s32 s19, $0x7F0  }
.Ltmp3:
0x38: {  	s19 =	sadd.s32 $0x10, s19;
	(pc) =	sbr.rel @p0 .LBB2_8-.Ltmp3, $2  }
0x39: {  	_ =	sdelay $0x2  }
0x3a: {  	s20 =	sadd.s32 $0x100, s20;
	s22 =	sadd.s32 s22, s6  }
0x3b: {  	[tilespmem:s21], [sflag:$0x1] =	stream.linear.gather [hbm4b:s22+s18], $0x80, $0x38;
	[tilespmem:$0x18100] =	vst v63  }
.LBB2_10:
0x3c: {  	s19 =	sshra.s32 s18, $0x2  }
0x3d: {  	v2 =	vld [tilespmem:s19+$0x0];
	_ =	sdelay $0x4  }
0x3e: {  	v3 =	vshra.s32 v2, $0x1F  }
0x3f: {  	v3 =	vor.u32 $0x80000000, v3  }
0x40: {  	v2 =	vxor.u32 v2, v3  }
0x41: {  	v2 =	vshrl.u32 v2, $0x10;
	_ =	sdelay $0x4  }
0x42: {  	[tilespmem:v2+s13+$0x0] =	vst.idx.add.s32.msk $0xffff, v1  }
0x43: {  	v2 =	vld [tilespmem:s19+$0x10];
	_ =	sdelay $0x4  }
0x44: {  	v3 =	vshra.s32 v2, $0x1F  }
0x45: {  	v3 =	vor.u32 $0x80000000, v3  }
0x46: {  	v2 =	vxor.u32 v2, v3  }
0x47: {  	v2 =	vshrl.u32 v2, $0x10;
	_ =	sdelay $0x4  }
0x48: {  	[tilespmem:v2+s13+$0x0] =	vst.idx.add.s32.msk $0xffff, v1  }
0x49: {  	v2 =	vld [tilespmem:s19+$0x20];
	_ =	sdelay $0x4  }
0x4a: {  	v3 =	vshra.s32 v2, $0x1F  }
0x4b: {  	v3 =	vor.u32 $0x80000000, v3  }
0x4c: {  	v2 =	vxor.u32 v2, v3  }
0x4d: {  	v2 =	vshrl.u32 v2, $0x10;
	_ =	sdelay $0x4  }
0x4e: {  	[tilespmem:v2+s13+$0x0] =	vst.idx.add.s32.msk $0xffff, v1  }
0x4f: {  	v2 =	vld [tilespmem:s19+$0x30];
	_ =	sdelay $0x4  }
0x50: {  	v3 =	vshra.s32 v2, $0x1F  }
0x51: {  	v3 =	vor.u32 $0x80000000, v3  }
0x52: {  	v2 =	vxor.u32 v2, v3  }
0x53: {  	v2 =	vshrl.u32 v2, $0x10;
	_ =	sdelay $0x4  }
0x54: {  	[tilespmem:v2+s13+$0x0] =	vst.idx.add.s32.msk $0xffff, v1  }
0x55: {  	v2 =	vld [tilespmem:s19+$0x40];
	_ =	sdelay $0x4  }
0x56: {  	v3 =	vshra.s32 v2, $0x1F  }
0x57: {  	v3 =	vor.u32 $0x80000000, v3  }
0x58: {  	v2 =	vxor.u32 v2, v3  }
0x59: {  	v2 =	vshrl.u32 v2, $0x10;
	_ =	sdelay $0x4  }
0x5a: {  	[tilespmem:v2+s13+$0x0] =	vst.idx.add.s32.msk $0xffff, v1  }
0x5b: {  	v2 =	vld [tilespmem:s19+$0x50];
	_ =	sdelay $0x4  }
0x5c: {  	v3 =	vshra.s32 v2, $0x1F  }
0x5d: {  	v3 =	vor.u32 $0x80000000, v3  }
0x5e: {  	v2 =	vxor.u32 v2, v3  }
0x5f: {  	v2 =	vshrl.u32 v2, $0x10;
	_ =	sdelay $0x4  }
0x60: {  	[tilespmem:v2+s13+$0x0] =	vst.idx.add.s32.msk $0xffff, v1  }
0x61: {  	v2 =	vld [tilespmem:s19+$0x60];
	_ =	sdelay $0x4  }
0x62: {  	v3 =	vshra.s32 v2, $0x1F  }
0x63: {  	v3 =	vor.u32 $0x80000000, v3  }
0x64: {  	v2 =	vxor.u32 v2, v3  }
0x65: {  	v2 =	vshrl.u32 v2, $0x10;
	_ =	sdelay $0x4  }
0x66: {  	[tilespmem:v2+s13+$0x0] =	vst.idx.add.s32.msk $0xffff, v1  }
0x67: {  	v2 =	vld [tilespmem:s19+$0x70];
	_ =	sdelay $0x4  }
0x68: {  	v3 =	vshra.s32 v2, $0x1F  }
0x69: {  	v3 =	vor.u32 $0x80000000, v3  }
0x6a: {  	v2 =	vxor.u32 v2, v3  }
0x6b: {  	p0 =	sne.s32 s18, $0x1FC00;
	v2 =	vshrl.u32 v2, $0x10  }
.Ltmp4:
0x6c: {  	_ = 	snop;
	(pc) =	sbr.rel @p0 .LBB2_10-.Ltmp4, $2  }
0x6d: {  	_ =	sdelay $0x2  }
0x6e: {  	s18 =	sadd.s32 $0x400, s18;
	[tilespmem:v2+s13+$0x0] =	vst.idx.add.s32.msk $0xffff, v1  }
0x6f: {  	_ =	swait.ge [sflag:s14], $0x4000;
	s18 =	simm.s32 $0x0  }
0x70: {  	s19 =	simm.s32 $0x80;
	s20 =	simm.s32 $0x10;
	[sflag:s14] =	ssyncset.done $0x0  }
0x71: {  	s22 =	sadd.s32 $0x0, s7;
	s21 =	simm.s32 $0x180;
	[sflag:s14] =	ssyncadd.s32 $0xFFFFC000  }
.LBB2_12:
0x72: {  	[tilespmem:s19], [sflag:$0x2] =	stream.linear.gather [hbm4b:s22+s18], $0x80, $0x38;
	[tilespmem:$0x18100] =	vst v63  }
0x73: {  	s22 =	smov.u32 s20;
	s19 =	smov.u32 s21;
	p0 =	sne.s32 s20, $0x7F0  }
.Ltmp5:
0x74: {  	s20 =	sadd.s32 $0x10, s20;
	(pc) =	sbr.rel @p0 .LBB2_12-.Ltmp5, $2  }
0x75: {  	_ =	sdelay $0x2  }
0x76: {  	s21 =	sadd.s32 $0x100, s21;
	s22 =	sadd.s32 s22, s7  }
0x77: {  	[tilespmem:s19], [sflag:$0x2] =	stream.linear.gather [hbm4b:s22+s18], $0x80, $0x38;
	[tilespmem:$0x18100] =	vst v63  }
.LBB2_14:
0x78: {  	s19 =	sshra.s32 s18, $0x2  }
0x79: {  	v2 =	vld [tilespmem:s19+$0x80];
	_ =	sdelay $0x4  }
0x7a: {  	v3 =	vshra.s32 v2, $0x1F  }
0x7b: {  	v3 =	vor.u32 $0x80000000, v3  }
0x7c: {  	v2 =	vxor.u32 v2, v3  }
0x7d: {  	v2 =	vshrl.u32 v2, $0x10;
	_ =	sdelay $0x4  }
0x7e: {  	[tilespmem:v2+s13+$0x0] =	vst.idx.add.s32.msk $0xffff, v1  }
0x7f: {  	v2 =	vld [tilespmem:s19+$0x90];
	_ =	sdelay $0x4  }
0x80: {  	v3 =	vshra.s32 v2, $0x1F  }
0x81: {  	v3 =	vor.u32 $0x80000000, v3  }
0x82: {  	v2 =	vxor.u32 v2, v3  }
0x83: {  	v2 =	vshrl.u32 v2, $0x10;
	_ =	sdelay $0x4  }
0x84: {  	[tilespmem:v2+s13+$0x0] =	vst.idx.add.s32.msk $0xffff, v1  }
0x85: {  	v2 =	vld [tilespmem:s19+$0xA0];
	_ =	sdelay $0x4  }
0x86: {  	v3 =	vshra.s32 v2, $0x1F  }
0x87: {  	v3 =	vor.u32 $0x80000000, v3  }
0x88: {  	v2 =	vxor.u32 v2, v3  }
0x89: {  	v2 =	vshrl.u32 v2, $0x10;
	_ =	sdelay $0x4  }
0x8a: {  	[tilespmem:v2+s13+$0x0] =	vst.idx.add.s32.msk $0xffff, v1  }
0x8b: {  	v2 =	vld [tilespmem:s19+$0xB0];
	_ =	sdelay $0x4  }
0x8c: {  	v3 =	vshra.s32 v2, $0x1F  }
0x8d: {  	v3 =	vor.u32 $0x80000000, v3  }
0x8e: {  	v2 =	vxor.u32 v2, v3  }
0x8f: {  	v2 =	vshrl.u32 v2, $0x10;
	_ =	sdelay $0x4  }
0x90: {  	[tilespmem:v2+s13+$0x0] =	vst.idx.add.s32.msk $0xffff, v1  }
0x91: {  	v2 =	vld [tilespmem:s19+$0xC0];
	_ =	sdelay $0x4  }
0x92: {  	v3 =	vshra.s32 v2, $0x1F  }
0x93: {  	v3 =	vor.u32 $0x80000000, v3  }
0x94: {  	v2 =	vxor.u32 v2, v3  }
0x95: {  	v2 =	vshrl.u32 v2, $0x10;
	_ =	sdelay $0x4  }
0x96: {  	[tilespmem:v2+s13+$0x0] =	vst.idx.add.s32.msk $0xffff, v1  }
0x97: {  	v2 =	vld [tilespmem:s19+$0xD0];
	_ =	sdelay $0x4  }
0x98: {  	v3 =	vshra.s32 v2, $0x1F  }
0x99: {  	v3 =	vor.u32 $0x80000000, v3  }
0x9a: {  	v2 =	vxor.u32 v2, v3  }
0x9b: {  	v2 =	vshrl.u32 v2, $0x10;
	_ =	sdelay $0x4  }
0x9c: {  	[tilespmem:v2+s13+$0x0] =	vst.idx.add.s32.msk $0xffff, v1  }
0x9d: {  	v2 =	vld [tilespmem:s19+$0xE0];
	_ =	sdelay $0x4  }
0x9e: {  	v3 =	vshra.s32 v2, $0x1F  }
0x9f: {  	v3 =	vor.u32 $0x80000000, v3  }
0xa0: {  	v2 =	vxor.u32 v2, v3  }
0xa1: {  	v2 =	vshrl.u32 v2, $0x10;
	_ =	sdelay $0x4  }
0xa2: {  	[tilespmem:v2+s13+$0x0] =	vst.idx.add.s32.msk $0xffff, v1  }
0xa3: {  	v2 =	vld [tilespmem:s19+$0xF0];
	_ =	sdelay $0x4  }
0xa4: {  	v3 =	vshra.s32 v2, $0x1F  }
0xa5: {  	v3 =	vor.u32 $0x80000000, v3  }
0xa6: {  	v2 =	vxor.u32 v2, v3  }
0xa7: {  	p0 =	sne.s32 s18, $0x1FC00;
	v2 =	vshrl.u32 v2, $0x10  }
.Ltmp6:
0xa8: {  	_ = 	snop;
	(pc) =	sbr.rel @p0 .LBB2_14-.Ltmp6, $2  }
0xa9: {  	_ =	sdelay $0x2  }
0xaa: {  	s18 =	sadd.s32 $0x400, s18;
	[tilespmem:v2+s13+$0x0] =	vst.idx.add.s32.msk $0xffff, v1  }
0xab: {  	_ =	swait.ge [sflag:s12], $0x4000  }
0xac: {  	[sflag:s12] =	ssyncset.done $0x0  }
0xad: {  	s18 =	simm.s32 $0x0;
	[sflag:s12] =	ssyncadd.s32 $0xFFFFC000  }
.LBB2_16:
0xae: {  	s19 =	sshra.s32 s18, $0x2  }
0xaf: {  	v2 =	vld [tilespmem:s19+$0x0];
	_ =	sdelay $0x4  }
0xb0: {  	v3 =	vshra.s32 v2, $0x1F  }
0xb1: {  	v3 =	vor.u32 $0x80000000, v3  }
0xb2: {  	v2 =	vxor.u32 v2, v3  }
0xb3: {  	v2 =	vshrl.u32 v2, $0x10;
	_ =	sdelay $0x4  }
0xb4: {  	[tilespmem:v2+s13+$0x0] =	vst.idx.add.s32.msk $0xffff, v1  }
0xb5: {  	v2 =	vld [tilespmem:s19+$0x10];
	_ =	sdelay $0x4  }
0xb6: {  	v3 =	vshra.s32 v2, $0x1F  }
0xb7: {  	v3 =	vor.u32 $0x80000000, v3  }
0xb8: {  	v2 =	vxor.u32 v2, v3  }
0xb9: {  	v2 =	vshrl.u32 v2, $0x10;
	_ =	sdelay $0x4  }
0xba: {  	[tilespmem:v2+s13+$0x0] =	vst.idx.add.s32.msk $0xffff, v1  }
0xbb: {  	v2 =	vld [tilespmem:s19+$0x20];
	_ =	sdelay $0x4  }
0xbc: {  	v3 =	vshra.s32 v2, $0x1F  }
0xbd: {  	v3 =	vor.u32 $0x80000000, v3  }
0xbe: {  	v2 =	vxor.u32 v2, v3  }
0xbf: {  	v2 =	vshrl.u32 v2, $0x10;
	_ =	sdelay $0x4  }
0xc0: {  	[tilespmem:v2+s13+$0x0] =	vst.idx.add.s32.msk $0xffff, v1  }
0xc1: {  	v2 =	vld [tilespmem:s19+$0x30];
	_ =	sdelay $0x4  }
0xc2: {  	v3 =	vshra.s32 v2, $0x1F  }
0xc3: {  	v3 =	vor.u32 $0x80000000, v3  }
0xc4: {  	v2 =	vxor.u32 v2, v3  }
0xc5: {  	v2 =	vshrl.u32 v2, $0x10;
	_ =	sdelay $0x4  }
0xc6: {  	[tilespmem:v2+s13+$0x0] =	vst.idx.add.s32.msk $0xffff, v1  }
0xc7: {  	v2 =	vld [tilespmem:s19+$0x40];
	_ =	sdelay $0x4  }
0xc8: {  	v3 =	vshra.s32 v2, $0x1F  }
0xc9: {  	v3 =	vor.u32 $0x80000000, v3  }
0xca: {  	v2 =	vxor.u32 v2, v3  }
0xcb: {  	v2 =	vshrl.u32 v2, $0x10;
	_ =	sdelay $0x4  }
0xcc: {  	[tilespmem:v2+s13+$0x0] =	vst.idx.add.s32.msk $0xffff, v1  }
0xcd: {  	v2 =	vld [tilespmem:s19+$0x50];
	_ =	sdelay $0x4  }
0xce: {  	v3 =	vshra.s32 v2, $0x1F  }
0xcf: {  	v3 =	vor.u32 $0x80000000, v3  }
0xd0: {  	v2 =	vxor.u32 v2, v3  }
0xd1: {  	v2 =	vshrl.u32 v2, $0x10;
	_ =	sdelay $0x4  }
0xd2: {  	[tilespmem:v2+s13+$0x0] =	vst.idx.add.s32.msk $0xffff, v1  }
0xd3: {  	v2 =	vld [tilespmem:s19+$0x60];
	_ =	sdelay $0x4  }
0xd4: {  	v3 =	vshra.s32 v2, $0x1F  }
0xd5: {  	v3 =	vor.u32 $0x80000000, v3  }
0xd6: {  	v2 =	vxor.u32 v2, v3  }
0xd7: {  	v2 =	vshrl.u32 v2, $0x10;
	_ =	sdelay $0x4  }
0xd8: {  	[tilespmem:v2+s13+$0x0] =	vst.idx.add.s32.msk $0xffff, v1  }
0xd9: {  	v2 =	vld [tilespmem:s19+$0x70];
	_ =	sdelay $0x4  }
0xda: {  	v3 =	vshra.s32 v2, $0x1F  }
0xdb: {  	v3 =	vor.u32 $0x80000000, v3  }
0xdc: {  	v2 =	vxor.u32 v2, v3  }
0xdd: {  	p0 =	sne.s32 s18, $0x1FC00;
	v2 =	vshrl.u32 v2, $0x10  }
.Ltmp7:
0xde: {  	_ = 	snop;
	(pc) =	sbr.rel @p0 .LBB2_16-.Ltmp7, $2  }
0xdf: {  	_ =	sdelay $0x2  }
0xe0: {  	s18 =	sadd.s32 $0x400, s18;
	[tilespmem:v2+s13+$0x0] =	vst.idx.add.s32.msk $0xffff, v1  }
0xe1: {  	_ =	swait.ge [sflag:s14], $0x4000  }
0xe2: {  	[sflag:s14] =	ssyncset.done $0x0  }
0xe3: {  	s18 =	simm.s32 $0x0;
	[sflag:s14] =	ssyncadd.s32 $0xFFFFC000  }
.LBB2_18:
0xe4: {  	s19 =	sshra.s32 s18, $0x2  }
0xe5: {  	v2 =	vld [tilespmem:s19+$0x80];
	_ =	sdelay $0x4  }
0xe6: {  	v3 =	vshra.s32 v2, $0x1F  }
0xe7: {  	v3 =	vor.u32 $0x80000000, v3  }
0xe8: {  	v2 =	vxor.u32 v2, v3  }
0xe9: {  	v2 =	vshrl.u32 v2, $0x10;
	_ =	sdelay $0x4  }
0xea: {  	[tilespmem:v2+s13+$0x0] =	vst.idx.add.s32.msk $0xffff, v1  }
0xeb: {  	v2 =	vld [tilespmem:s19+$0x90];
	_ =	sdelay $0x4  }
0xec: {  	v3 =	vshra.s32 v2, $0x1F  }
0xed: {  	v3 =	vor.u32 $0x80000000, v3  }
0xee: {  	v2 =	vxor.u32 v2, v3  }
0xef: {  	v2 =	vshrl.u32 v2, $0x10;
	_ =	sdelay $0x4  }
0xf0: {  	[tilespmem:v2+s13+$0x0] =	vst.idx.add.s32.msk $0xffff, v1  }
0xf1: {  	v2 =	vld [tilespmem:s19+$0xA0];
	_ =	sdelay $0x4  }
0xf2: {  	v3 =	vshra.s32 v2, $0x1F  }
0xf3: {  	v3 =	vor.u32 $0x80000000, v3  }
0xf4: {  	v2 =	vxor.u32 v2, v3  }
0xf5: {  	v2 =	vshrl.u32 v2, $0x10;
	_ =	sdelay $0x4  }
0xf6: {  	[tilespmem:v2+s13+$0x0] =	vst.idx.add.s32.msk $0xffff, v1  }
0xf7: {  	v2 =	vld [tilespmem:s19+$0xB0];
	_ =	sdelay $0x4  }
0xf8: {  	v3 =	vshra.s32 v2, $0x1F  }
0xf9: {  	v3 =	vor.u32 $0x80000000, v3  }
0xfa: {  	v2 =	vxor.u32 v2, v3  }
0xfb: {  	v2 =	vshrl.u32 v2, $0x10;
	_ =	sdelay $0x4  }
0xfc: {  	[tilespmem:v2+s13+$0x0] =	vst.idx.add.s32.msk $0xffff, v1  }
0xfd: {  	v2 =	vld [tilespmem:s19+$0xC0];
	_ =	sdelay $0x4  }
0xfe: {  	v3 =	vshra.s32 v2, $0x1F  }
0xff: {  	v3 =	vor.u32 $0x80000000, v3  }
0x100: {  	v2 =	vxor.u32 v2, v3  }
0x101: {  	v2 =	vshrl.u32 v2, $0x10;
	_ =	sdelay $0x4  }
0x102: {  	[tilespmem:v2+s13+$0x0] =	vst.idx.add.s32.msk $0xffff, v1  }
0x103: {  	v2 =	vld [tilespmem:s19+$0xD0];
	_ =	sdelay $0x4  }
0x104: {  	v3 =	vshra.s32 v2, $0x1F  }
0x105: {  	v3 =	vor.u32 $0x80000000, v3  }
0x106: {  	v2 =	vxor.u32 v2, v3  }
0x107: {  	v2 =	vshrl.u32 v2, $0x10;
	_ =	sdelay $0x4  }
0x108: {  	[tilespmem:v2+s13+$0x0] =	vst.idx.add.s32.msk $0xffff, v1  }
0x109: {  	v2 =	vld [tilespmem:s19+$0xE0];
	_ =	sdelay $0x4  }
0x10a: {  	v3 =	vshra.s32 v2, $0x1F  }
0x10b: {  	v3 =	vor.u32 $0x80000000, v3  }
0x10c: {  	v2 =	vxor.u32 v2, v3  }
0x10d: {  	v2 =	vshrl.u32 v2, $0x10;
	_ =	sdelay $0x4  }
0x10e: {  	[tilespmem:v2+s13+$0x0] =	vst.idx.add.s32.msk $0xffff, v1  }
0x10f: {  	v2 =	vld [tilespmem:s19+$0xF0];
	_ =	sdelay $0x4  }
0x110: {  	v3 =	vshra.s32 v2, $0x1F  }
0x111: {  	v3 =	vor.u32 $0x80000000, v3  }
0x112: {  	v2 =	vxor.u32 v2, v3  }
0x113: {  	p0 =	sne.s32 s18, $0x1FC00;
	v2 =	vshrl.u32 v2, $0x10  }
.Ltmp8:
0x114: {  	_ = 	snop;
	(pc) =	sbr.rel @p0 .LBB2_18-.Ltmp8, $2  }
0x115: {  	_ =	sdelay $0x2  }
0x116: {  	s18 =	sadd.s32 $0x400, s18;
	[tilespmem:v2+s13+$0x0] =	vst.idx.add.s32.msk $0xffff, v1  }
0x117: {  	s17 =	sadd.s32 $0x1, s17  }
0x118: {  	p0 =	sne.s32 s17, s9  }
.Ltmp9:
0x119: {  	_ = 	snop;
	(pc) =	sbr.rel @p0 .LBB2_1-.Ltmp9, $4  }
0x11a: {  	[hbm4b:s8+s15] =	stream.strided.scatter [tilespmem:s13], [sflag:$0x3], $0x10000, s16, s15, $0x38;
	[tilespmem:$0x18100] =	vst v63  }
0x11b: {  	_ =	swait.ge [sflag:s11], $0x10000  }
0x11c: {  	[sflag:s11] =	ssyncset.done $0x0  }
0x11d: {  	[sflag:s11] =	ssyncadd.s32 $0xFFFF0000  }
0x11e: {  	_ =	sfence.sel $0x180000  }
0x11f: {  	[bflag:$0x0] =	sbarrier.arrive $0xFFFF  }
0x120: {  	p0 =	sne.s32 s1, $0x0;
	_ =	strace $0x90000047  }
0x121: {  	s0 =	sadd.s32 @!p0 $0x100000, s0;
	[bflag:$0x2] =	sbarrier.arrive $0xFFFF  }
0x122: {  	[sflag:s0] =	ssyncadd.tile.s32 @!p0 $0x1;
	_ =	shalt  }
.Lfunc_end2:
_tile_overlayer_lowered:
.L_overlay_start_2:
0x123: {  	(tag) =	ssettag $0x2  }
0x124: {  	s0 =	rddreg [dreg:$0x0];
	s2 =	stileid.u32  }
0x125: {  	s1 =	rddreg [dreg:$0x1];
	p0 =	sne.s32 s2, $0x0  }
0x126: {  	s3 =	rddreg [dreg:$0x2];
	[bflag:$0x3] =	sbarrier.arrive $0xFFFF;
	s2 =	simm.s32 @!p0 $0x1C03  }
0x127: {  	[timem:s3], [sflag:s2] =	dma.local @!p0 [hbm:s0], s1  }
0x128: {  	s0 =	simm.s32 @!p0 $0x3  }
0x129: {  	_ =	swait.ge @!p0 [sflag:s0], s1  }
0x12a: {  	s1 =	ssub.s32 @!p0 $0x0, s1;
	[sflag:s0] =	ssyncset.done @!p0 $0x0  }
0x12b: {  	[sflag:s0] =	ssyncadd.s32 @!p0 s1  }
0x12c: {  	[bflag:$0x3] =	sbarrier.arrive $0xFFFF  }
0x12d: {  	_ =	shalt  }

// kernel: kernel.9.cloned.1.call-start
scs
__scs_entry_jumppad:
0x0: {  	(pc) =	sbr.rel $0x88, $3  }
0x1: {  	(tag) =	ssettag $0x0;
	lr =	simm.s32 $0x1  }
0x2: {  	[smem:$0x3F9F] =	sst lr;
	_ =	strace $0xD0000000  }
0x3: {  	_ = 	snop  }
0x4: {  	_ = 	snop  }
0x5: {  	_ = 	snop  }
0x6: {  	_ = 	snop  }
0x7: {  	_ = 	snop  }
__scs_overlays_trampoline_lowered:
0x8: {  	[smem:$0x3FAE] =	sst s0  }
0x9: {  	[smem:$0x3FAF] =	sst s1  }
0xa: {  	[smem:$0x3FB0] =	sst s2  }
0xb: {  	[smem:$0x3FB1] =	sst s3  }
0xc: {  	[smem:$0x3FB2] =	sst s4  }
0xd: {  	[smem:$0x3FB3] =	sst s5  }
0xe: {  	[smem:$0x3FB4] =	sst s6  }
0xf: {  	[smem:$0x3FB5] =	sst s7  }
0x10: {  	[smem:$0x3FB6] =	sst s8  }
0x11: {  	[smem:$0x3FB7] =	sst s9;
	s0 =	simm.s32 @!p0 $0x0  }
0x12: {  	s1 =	sld [smem:$0x3F9D];
	s0 =	simm.s32 @p0 $0x1  }
0x13: {  	[smem:$0x3FB8] =	sst s0;
	s0 =	simm.s32 @!p1 $0x0  }
0x14: {  	s2 =	sld [smem:$0x3F9C];
	s0 =	simm.s32 @p1 $0x1  }
0x15: {  	[smem:$0x3FB9] =	sst s0;
	s0 =	simm.s32 @!p2 $0x0  }
0x16: {  	s3 =	sld [smem:$0x3FDB];
	s0 =	simm.s32 @p2 $0x1  }
0x17: {  	s4 =	simm.s32 $0x1BF5;
	[smem:$0x3FBB] =	sst s0  }
0x18: {  	s0 =	sld [smem:$0x3F9E];
	_ =	swait.ge [sflag:s4], $0x0  }
0x19: {  	s7 =	sld [smem:$0x3F9F]  }
0x1a: {  	s8 =	sadd.s32 $0xFFFFE003, lr  }
0x1b: {  	s9 =	sadd.s32 $0xFFFFFEF7, lr;
	s5 =	simm.s32 $0xFFFFFFFF;
	p2 =	slt.u32 s8, $0xFFFFF086  }
0x1c: {  	p1 =	slt.u32 s9, $0xF7A;
	s5 =	simm.s32 @!p2 $0x0  }
0x1d: {  	s5 =	simm.s32 @p1 $0x1;
	p0 =	seq.s32 s7, s2  }
0x1e: {  	s7 =	smul.u32 @!p0 $0xF7A, s2;
	p2 =	seq.s32 @!p0 s5, $0x0  }
0x1f: {  	s9 =	smul.u32 $0xF7A, s1;
	s8 =	simm.s32 @!p0 $0x1BF5;
	p2 =	por !p2, p0  }
0x20: {  	[sflag:s8] =	ssyncset.s32 @!p0 $0xFFFFF086;
	s6 =	sadd.s32 @!p0 s3, s7;
	s7 =	simm.s32 @!p0 $0x108  }
0x21: {  	s3 =	sadd.s32 s3, s9;
	s6 =	sadd.s32 @!p0 $0x88, s6;
	s7 =	simm.s32 @p2 $0x1082  }
0x22: {  	[simem:s7], [sflag:s8] =	dma.local @!p0 [hbm:s6], $0xF7A  }
0x23: {  	s9 =	sor.u32 $0xD0000000, s2;
	s6 =	simm.s32 $0x108;
	_ =	swait.ge @!p0 [sflag:s8], $0x0  }
0x24: {  	s3 =	sadd.s32 $0x88, s3;
	s6 =	simm.s32 @!p1 $0x1082;
	[sflag:s4] =	ssyncset.s32 $0xFFFFF086  }
0x25: {  	[simem:s6], [sflag:s4] =	dma.local [hbm:s3], $0xF7A  }
0x26: {  	[smem:$0x3F9F] =	sst s1;
	(tag) =	ssettag s2;
	_ =	strace s9  }
0x27: {  	s1 =	sld [smem:$0x3FAF]  }
0x28: {  	s2 =	sld [smem:$0x3FB0]  }
0x29: {  	s4 =	sld [smem:$0x3FB2]  }
0x2a: {  	p0 =	seq.s32 s5, $0x0;
	s5 =	sld [smem:$0x3FB3]  }
0x2b: {  	s6 =	sld [smem:$0x3FB4]  }
0x2c: {  	s7 =	sld [smem:$0x3FB5]  }
0x2d: {  	s3 =	simm.s32 $0x108;
	s8 =	sld [smem:$0x3FB6]  }
0x2e: {  	s3 =	simm.s32 @!p0 $0x1082;
	s9 =	sld [smem:$0x3FB7]  }
0x2f: {  	lr =	sadd.s32 s0, s3;
	s0 =	sld [smem:$0x3FAE]  }
0x30: {  	s3 =	sld [smem:$0x3FB1]  }
0x31: {  	[smem:$0x3FBA] =	sst s10  }
0x32: {  	s10 =	sld [smem:$0x3FB8];
	_ =	sdelay $0x3  }
0x33: {  	p0 =	seq.s32 s10, $0x1;
	s10 =	sld [smem:$0x3FBA];
	_ =	sdelay $0x3  }
0x34: {  	[smem:$0x3FBA] =	sst s10  }
0x35: {  	s10 =	sld [smem:$0x3FB9];
	_ =	sdelay $0x3  }
0x36: {  	p1 =	seq.s32 s10, $0x1;
	s10 =	sld [smem:$0x3FBA];
	_ =	sdelay $0x3  }
0x37: {  	[smem:$0x3FBA] =	sst s10  }
0x38: {  	s10 =	sld [smem:$0x3FBB]  }
0x39: {  	_ = 	snop;
	(pc) =	sbr.ind lr, $3  }
0x3a: {  	_ = 	snop  }
0x3b: {  	_ = 	snop  }
0x3c: {  	p2 =	seq.s32 s10, $0x1;
	s10 =	sld [smem:$0x3FBA]  }
0x3d: {  	_ =	shalt  }
0x3e: {  	_ =	shalt  }
0x3f: {  	_ =	shalt  }
0x40: {  	_ =	shalt  }
0x41: {  	_ =	shalt  }
0x42: {  	_ =	shalt  }
0x43: {  	_ =	shalt  }
0x44: {  	_ =	shalt  }
0x45: {  	_ =	shalt  }
0x46: {  	_ =	shalt  }
0x47: {  	_ =	shalt  }
0x48: {  	_ =	shalt  }
0x49: {  	_ =	shalt  }
0x4a: {  	_ =	shalt  }
0x4b: {  	_ =	shalt  }
0x4c: {  	_ =	shalt  }
0x4d: {  	_ =	shalt  }
0x4e: {  	_ =	shalt  }
0x4f: {  	_ =	shalt  }
0x50: {  	_ =	shalt  }
0x51: {  	_ =	shalt  }
0x52: {  	_ =	shalt  }
0x53: {  	_ =	shalt  }
0x54: {  	_ =	shalt  }
0x55: {  	_ =	shalt  }
0x56: {  	_ =	shalt  }
0x57: {  	_ =	shalt  }
0x58: {  	_ =	shalt  }
0x59: {  	_ =	shalt  }
0x5a: {  	_ =	shalt  }
0x5b: {  	_ =	shalt  }
0x5c: {  	_ =	shalt  }
0x5d: {  	_ =	shalt  }
0x5e: {  	_ =	shalt  }
0x5f: {  	_ =	shalt  }
0x60: {  	_ =	shalt  }
0x61: {  	_ =	shalt  }
0x62: {  	_ =	shalt  }
0x63: {  	_ =	shalt  }
0x64: {  	_ =	shalt  }
0x65: {  	_ =	shalt  }
0x66: {  	_ =	shalt  }
0x67: {  	_ =	shalt  }
0x68: {  	_ =	shalt  }
0x69: {  	_ =	shalt  }
0x6a: {  	_ =	shalt  }
0x6b: {  	_ =	shalt  }
0x6c: {  	_ =	shalt  }
0x6d: {  	_ =	shalt  }
0x6e: {  	_ =	shalt  }
0x6f: {  	_ =	shalt  }
0x70: {  	_ =	shalt  }
0x71: {  	_ =	shalt  }
0x72: {  	_ =	shalt  }
0x73: {  	_ =	shalt  }
0x74: {  	_ =	shalt  }
0x75: {  	_ =	shalt  }
0x76: {  	_ =	shalt  }
0x77: {  	_ =	shalt  }
0x78: {  	_ =	shalt  }
0x79: {  	_ =	shalt  }
0x7a: {  	_ =	shalt  }
0x7b: {  	_ =	shalt  }
0x7c: {  	_ =	shalt  }
0x7d: {  	_ =	shalt  }
0x7e: {  	_ =	shalt  }
0x7f: {  	_ =	shalt  }
0x80: {  	_ =	shalt  }
0x81: {  	_ =	shalt  }
0x82: {  	_ =	shalt  }
0x83: {  	_ =	shalt  }
0x84: {  	_ =	shalt  }
0x85: {  	_ =	shalt  }
0x86: {  	_ =	shalt  }
0x87: {  	_ =	shalt  }
.Lfunc_end0:
.L_simem_size_0:
called_computation.1_lowered:
.L_overlay_start_0:
0x88: {  	s2 =	sld [smem:$0x3FD9]  }
0x89: {  	s3 =	sld [smem:$0x3FFE];
	_ =	sdelay $0x1  }
0x8a: {  	s1 =	srdreg.scid  }
0x8b: {  	s0 =	sand.u32 $0x1, s1  }
0x8c: {  	s16 =	sshll.u32 s0, $0xA;
	s2 =	sadd.s32 s3, s2  }
0x8d: {  	s2 =	sadd.s32 s2, s16  }
0x8e: {  	[smem:$0x3FC6] =	sst s2  }
0x8f: {  	_ = 	snop  }
0x90: {  	(tm) =	ssettm $0x1  }
0x91: {  	s17 =	sld [smem:$0x3FFB];
	_ =	sdelay $0x3  }
0x92: {  	_ =	strace s17  }
0x93: {  	s2 =	sld [smem:$0x3FFC];
	_ =	sdelay $0x3  }
0x94: {  	_ =	strace s2  }
0x95: {  	s2 =	sld [smem:$0x3FFD];
	_ =	sdelay $0x3  }
0x96: {  	_ =	strace s2  }
0x97: {  	_ =	strace $0x8FFFFFFF  }
0x98: {  	s18 =	sld [smem:$0x3FDB];
	_ =	sdelay $0x1  }
0x99: {  	s19 =	simm.s32 $_scs_section_size  }
0x9a: {  	s4 =	simm.s32 $_size__tile_overlayer_lowered;
	s5 =	simm.s32 $_tile_overlayer_lowered  }
0x9b: {  	s22 =	simm.s32 $0x1BFF;
	s21 =	sshll.u32 s5, $0x1;
	s2 =	sadd.s32 s19, s18  }
0x9c: {  	s6 =	simm.s32 $0x0;
	s20 =	sshll.u32 s4, $0x1;
	s4 =	sadd.s32 s21, s2  }
0x9d: {  	[timem:s6], [sflag:s22] =	dma.local [hbm:s4], s20  }
0x9e: {  	_ =	swait.ge [sflag:s22], s20  }
0x9f: {  	s3 =	ssub.s32 $0x0, s20;
	[sflag:s22] =	ssyncset.done $0x0  }
0xa0: {  	[sflag:s22] =	ssyncadd.s32 s3;
	_ =	sdelay $0x1  }
0xa1: {  	s23 =	simm.s32 $0x1B8B  }
0xa2: {  	_ =	swait.ge [sflag:s23], $0x1  }
0xa3: {  	[sflag:s23] =	ssyncset.done $0x0  }
0xa4: {  	s25 =	simm.s32 $0x1B8E;
	s24 =	sld [smem:$0x3FFE];
	[sflag:s23] =	ssyncadd.s32 $0xFFFFFFFF  }
0xa5: {  	s26 =	simm.s32 $execute0_lowered;
	[smem:$0x3FD2] =	sst s25  }
0xa6: {  	s4 =	sshll.u32 s26, $0x1;
	_ =	strace $0x80000049;
	[dreg:$0x1] =	wrdreg $0xFFFFFFFF  }
0xa7: {  	s28 =	simm.s32 $_size_execute0_lowered;
	s2 =	sadd.s32 s2, s4;
	[dreg:$0x0] =	wrdreg $0x0  }
0xa8: {  	s4 =	sshll.u32 s28, $0x1;
	[dreg:$0x2] =	wrdreg s2  }
0xa9: {  	[dreg:$0x3] =	wrdreg s4  }
0xaa: {  	[dreg:$0x4] =	wrdreg $0xC0  }
0xab: {  	_ =	task [dreg:s6], $0x5FFFF  }
0xac: {  	[dreg:$0x1] =	wrdreg $0xFFFFFFFF  }
0xad: {  	[dreg:$0x0] =	wrdreg $0x60  }
0xae: {  	[dreg:$0x2] =	wrdreg s24  }
0xaf: {  	[dreg:$0x3] =	wrdreg $0x9  }
0xb0: {  	_ =	task.clear_ibuf [dreg:s6], $0x4FFFF;
	_ =	strace $0x90000049  }
0xb1: {  	s29 =	simm.s32 $0x9;
	_ =	strace $0x8000004B  }
0xb2: {  	_ =	swait.ge [sflag:s29], $0x1  }
0xb3: {  	[sflag:s29] =	ssyncadd.s32 $0xFFFFFFFF  }
0xb4: {  	_ =	strace $0x9000004B  }
0xb5: {  	_ =	sfence  }
0xb6: {  	s30 =	sld [smem:$0x0];
	_ =	sdelay $0x2  }
0xb7: {  	s31 =	sshll.u32 s1, $0xD;
	s1 =	sshrl.u32 s1, $0x2  }
0xb8: {  	s3 =	sand.u32 $0x4000, s31;
	s1 =	sadd.s32 s1, s30  }
0xb9: {  	s0 =	sor.u32 s3, s0;
	s1 =	sshll.u32 s1, $0x11  }
0xba: {  	s0 =	sor.u32 s1, s0  }
0xbb: {  	s0 =	sadd.s32 $0x8F2B, s0  }
0xbc: {  	[sflag:s0] =	ssyncadd.remote.s32 $0x1  }
0xbd: {  	_ =	sfence.sel $0xFFFF  }
0xbe: {  	[dreg:$0x0] =	wrdreg $0xFFFFFFFF;
	(pc) =	sbr.abs _section_cstart, $3  }
0xbf: {  	[dreg:$0x1] =	wrdreg $0xFFFFFFFF  }
0xc0: {  	_ =	task.clear_ibuf [dreg:s6], $0x2FFFF;
	_ =	strace $0x9FFFFFFF  }
0xc1: {  	(tm) =	ssettm $0x7FFFFFFF  }
tec
execute0_lowered:
.L_overlay_start_1:
0x0: {  	(tag) =	ssettag $0x1  }
0x1: {  	s4 =	rddreg [dreg:$0x0]  }
0x2: {  	s0 =	rddreg [dreg:$0x1]  }
0x3: {  	s2 =	simm.s32 $0x0;
	s1 =	stileid.u32;
	s5 =	srdreg.scid  }
0x4: {  	s10 =	simm.s32 $0x8000;
	s11 =	simm.s32 $0x3;
	s12 =	simm.s32 $0x1  }
0x5: {  	s13 =	simm.s32 $0x8100;
	s14 =	simm.s32 $0x2;
	s15 =	simm.s32 $0x80  }
0x6: {  	s16 =	simm.s32 $0x400;
	s17 =	simm.s32 $0x0;
	[smem:$0x7FF] =	sst s2  }
0x7: {  	s3 =	sshll.u32 s1, $0xE;
	s5 =	sand.u32 $0x1, s5;
	s7 =	sshll.u32 s1, $0x1  }
0x8: {  	_ =	strace $0x8000004A;
	s6 =	sand.u32 $0x30000, s3;
	s3 =	sadd.s32 $0x40200, s4  }
0x9: {  	s7 =	sor.u32 s5, s7;
	s5 =	ssub.s32 $0x2, s5;
	s6 =	sadd.s32 s6, s4  }
0xa: {  	s8 =	sshll.u32 s7, $0xD;
	s7 =	sshll.u32 s7, $0x4;
	s9 =	sshrl.u32 s5, $0x1  }
0xb: {  	s4 =	sadd.s32 s4, s8;
	s7 =	sand.u32 $0x70, s7;
	s9 =	ssub.s32 s5, s9  }
0xc: {  	s5 =	sadd.s32 $0x800, s4;
	s31 =	sadd.s32 s7, s6;
	s6 =	sadd.s32 $0x1000, s4  }
0xd: {  	v0 =	vimm.s32 $0x0;
	v1 =	vimm.s32 $0x1;
	s7 =	sadd.s32 $0x1800, s4;
	s9 =	smax.u32 s9, $0x1;
	s8 =	sadd.s32 $0x40400, s31  }
.LBB2_1:
0xe: {  	s18 =	simm.s32 $0x10  }
0xf: {  	s21 =	sadd.s32 $0x0, s4;
	s19 =	simm.s32 $0x100;
	s20 =	simm.s32 $0x0  }
.LBB2_2:
0x10: {  	[tilespmem:s20], [sflag:$0x1] =	stream.linear.gather [hbm4b:s21+s2], $0x80, $0x38;
	[tilespmem:$0x18100] =	vst v63  }
0x11: {  	s21 =	smov.u32 s18;
	s20 =	smov.u32 s19;
	p0 =	sne.s32 s18, $0x7F0  }
.Ltmp0:
0x12: {  	s18 =	sadd.s32 $0x10, s18;
	(pc) =	sbr.rel @p0 .LBB2_2-.Ltmp0, $2  }
0x13: {  	_ =	sdelay $0x2  }
0x14: {  	s19 =	sadd.s32 $0x100, s19;
	s21 =	sadd.s32 s21, s4  }
0x15: {  	[tilespmem:s20], [sflag:$0x1] =	stream.linear.gather [hbm4b:s21+s2], $0x80, $0x38;
	[tilespmem:$0x18100] =	vst v63  }
0x16: {  	s18 =	simm.s32 $0x80  }
0x17: {  	s19 =	simm.s32 $0x10;
	s21 =	sadd.s32 $0x0, s5;
	s20 =	simm.s32 $0x180  }
.LBB2_4:
0x18: {  	[tilespmem:s18], [sflag:$0x2] =	stream.linear.gather [hbm4b:s21+s2], $0x80, $0x38;
	[tilespmem:$0x18100] =	vst v63  }
0x19: {  	s21 =	smov.u32 s19;
	s18 =	smov.u32 s20;
	p0 =	sne.s32 s19, $0x7F0  }
.Ltmp1:
0x1a: {  	s19 =	sadd.s32 $0x10, s19;
	(pc) =	sbr.rel @p0 .LBB2_4-.Ltmp1, $2  }
0x1b: {  	_ =	sdelay $0x2  }
0x1c: {  	s20 =	sadd.s32 $0x100, s20;
	s21 =	sadd.s32 s21, s5  }
0x1d: {  	[tilespmem:s18], [sflag:$0x2] =	stream.linear.gather [hbm4b:s21+s2], $0x80, $0x38;
	[tilespmem:$0x18100] =	vst v63  }
0x1e: {  	s31 =	simm.s32 $0x0  }
0x1f: {  	[tilespmem:s10], [sflag:$0x3] =	stream.linear.gather [hbm4b:s3+s31], $0x100, $0x38;
	[tilespmem:$0x18100] =	vst v63  }
0x20: {  	_ =	swait.ge [sflag:s11], $0x100  }
0x21: {  	[sflag:s11] =	ssyncset.done $0x0  }
0x22: {  	[sflag:s11] =	ssyncadd.s32 $0xFFFFFF00  }
0x23: {  	v2 =	vld [tilespmem:$0x8000]  }
0x24: {  	s18 =	simm.s32 $0x0;
	s19 =	simm.s32 $0x200;
	v3 =	vld [tilespmem:$0x8080]  }
.LBB2_6:
0x25: {  	p0 =	sne.s32 s19, $0x3FE00;
	[tilespmem:s18+$0x8170] =	vst v0  }
0x26: {  	[tilespmem:s18+$0x8100] =	vst v0  }
0x27: {  	[tilespmem:s18+$0x8110] =	vst v0  }
.Ltmp2:
0x28: {  	[tilespmem:s18+$0x8120] =	vst v0;
	(pc) =	sbr.rel @p0 .LBB2_6-.Ltmp2, $4  }
0x29: {  	[tilespmem:s18+$0x8130] =	vst v0  }
0x2a: {  	[tilespmem:s18+$0x8140] =	vst v0  }
0x2b: {  	[tilespmem:s18+$0x8150] =	vst v0  }
0x2c: {  	[tilespmem:s18+$0x8160] =	vst v0;
	s18 =	sshra.s32 s19, $0x2;
	s19 =	sadd.s32 $0x200, s19  }
0x2d: {  	[tilespmem:s18+$0x8170] =	vst v0  }
0x2e: {  	[tilespmem:s18+$0x8100] =	vst v0  }
0x2f: {  	[tilespmem:s18+$0x8110] =	vst v0  }
0x30: {  	[tilespmem:s18+$0x8120] =	vst v0  }
0x31: {  	[tilespmem:s18+$0x8130] =	vst v0  }
0x32: {  	[tilespmem:s18+$0x8140] =	vst v0  }
0x33: {  	[tilespmem:s18+$0x8150] =	vst v0  }
0x34: {  	[tilespmem:s18+$0x8160] =	vst v0  }
0x35: {  	s18 =	simm.s32 $0x0;
	_ =	swait.ge [sflag:s12], $0x4000  }
0x36: {  	s19 =	simm.s32 $0x10;
	s22 =	sadd.s32 $0x0, s6;
	[sflag:s12] =	ssyncset.done $0x0  }
0x37: {  	s20 =	simm.s32 $0x100;
	s21 =	simm.s32 $0x0;
	[sflag:s12] =	ssyncadd.s32 $0xFFFFC000  }
.LBB2_8:
0x38: {  	[tilespmem:s21], [sflag:$0x1] =	stream.linear.gather [hbm4b:s22+s18], $0x80, $0x38;
	[tilespmem:$0x18100] =	vst v63  }
0x39: {  	s22 =	smov.u32 s19;
	s21 =	smov.u32 s20;
	p0 =	sne.s32 s19, $0x7F0  }
.Ltmp3:
0x3a: {  	s19 =	sadd.s32 $0x10, s19;
	(pc) =	sbr.rel @p0 .LBB2_8-.Ltmp3, $2  }
0x3b: {  	_ =	sdelay $0x2  }
0x3c: {  	s20 =	sadd.s32 $0x100, s20;
	s22 =	sadd.s32 s22, s6  }
0x3d: {  	[tilespmem:s21], [sflag:$0x1] =	stream.linear.gather [hbm4b:s22+s18], $0x80, $0x38;
	[tilespmem:$0x18100] =	vst v63  }
.LBB2_10:
0x3e: {  	s19 =	sshra.s32 s18, $0x2  }
0x3f: {  	v4 =	vld [tilespmem:s19+$0x0];
	_ =	sdelay $0x4  }
0x40: {  	v5 =	vshra.s32 v4, $0x1F  }
0x41: {  	v5 =	vor.u32 $0x80000000, v5  }
0x42: {  	v4 =	vxor.u32 v4, v5  }
0x43: {  	v5 =	vand.u32 v3, v4  }
0x44: {  	vm0 =	veq.s32 v5, v2  }
0x45: {  	v4 =	vand.u32 $0xFFFF, v4;
	_ =	sdelay $0x4  }
0x46: {  	[tilespmem:v4+s13+$0x0] =	vst.idx.add.s32.msk vm0, v1  }
0x47: {  	v4 =	vld [tilespmem:s19+$0x10];
	_ =	sdelay $0x4  }
0x48: {  	v5 =	vshra.s32 v4, $0x1F  }
0x49: {  	v5 =	vor.u32 $0x80000000, v5  }
0x4a: {  	v4 =	vxor.u32 v4, v5  }
0x4b: {  	v5 =	vand.u32 v3, v4  }
0x4c: {  	vm9 =	veq.s32 v5, v2  }
0x4d: {  	v4 =	vand.u32 $0xFFFF, v4;
	_ =	sdelay $0x4  }
0x4e: {  	[tilespmem:v4+s13+$0x0] =	vst.idx.add.s32.msk vm9, v1  }
0x4f: {  	v4 =	vld [tilespmem:s19+$0x20];
	_ =	sdelay $0x4  }
0x50: {  	v5 =	vshra.s32 v4, $0x1F  }
0x51: {  	v5 =	vor.u32 $0x80000000, v5  }
0x52: {  	v4 =	vxor.u32 v4, v5  }
0x53: {  	v5 =	vand.u32 v3, v4  }
0x54: {  	vm10 =	veq.s32 v5, v2  }
0x55: {  	v4 =	vand.u32 $0xFFFF, v4;
	_ =	sdelay $0x4  }
0x56: {  	[tilespmem:v4+s13+$0x0] =	vst.idx.add.s32.msk vm10, v1  }
0x57: {  	v4 =	vld [tilespmem:s19+$0x30];
	_ =	sdelay $0x4  }
0x58: {  	v5 =	vshra.s32 v4, $0x1F  }
0x59: {  	v5 =	vor.u32 $0x80000000, v5  }
0x5a: {  	v4 =	vxor.u32 v4, v5  }
0x5b: {  	v5 =	vand.u32 v3, v4  }
0x5c: {  	vm11 =	veq.s32 v5, v2  }
0x5d: {  	v4 =	vand.u32 $0xFFFF, v4;
	_ =	sdelay $0x4  }
0x5e: {  	[tilespmem:v4+s13+$0x0] =	vst.idx.add.s32.msk vm11, v1  }
0x5f: {  	v4 =	vld [tilespmem:s19+$0x40];
	_ =	sdelay $0x4  }
0x60: {  	v5 =	vshra.s32 v4, $0x1F  }
0x61: {  	v5 =	vor.u32 $0x80000000, v5  }
0x62: {  	v4 =	vxor.u32 v4, v5  }
0x63: {  	v5 =	vand.u32 v3, v4  }
0x64: {  	vm12 =	veq.s32 v5, v2  }
0x65: {  	v4 =	vand.u32 $0xFFFF, v4;
	_ =	sdelay $0x4  }
0x66: {  	[tilespmem:v4+s13+$0x0] =	vst.idx.add.s32.msk vm12, v1  }
0x67: {  	v4 =	vld [tilespmem:s19+$0x50];
	_ =	sdelay $0x4  }
0x68: {  	v5 =	vshra.s32 v4, $0x1F  }
0x69: {  	v5 =	vor.u32 $0x80000000, v5  }
0x6a: {  	v4 =	vxor.u32 v4, v5  }
0x6b: {  	v5 =	vand.u32 v3, v4  }
0x6c: {  	vm13 =	veq.s32 v5, v2  }
0x6d: {  	v4 =	vand.u32 $0xFFFF, v4;
	_ =	sdelay $0x4  }
0x6e: {  	[tilespmem:v4+s13+$0x0] =	vst.idx.add.s32.msk vm13, v1  }
0x6f: {  	v4 =	vld [tilespmem:s19+$0x60];
	_ =	sdelay $0x4  }
0x70: {  	v5 =	vshra.s32 v4, $0x1F  }
0x71: {  	v5 =	vor.u32 $0x80000000, v5  }
0x72: {  	v4 =	vxor.u32 v4, v5  }
0x73: {  	v5 =	vand.u32 v3, v4  }
0x74: {  	vm14 =	veq.s32 v5, v2  }
0x75: {  	v4 =	vand.u32 $0xFFFF, v4;
	_ =	sdelay $0x4  }
0x76: {  	[tilespmem:v4+s13+$0x0] =	vst.idx.add.s32.msk vm14, v1  }
0x77: {  	v4 =	vld [tilespmem:s19+$0x70];
	_ =	sdelay $0x4  }
0x78: {  	v5 =	vshra.s32 v4, $0x1F  }
0x79: {  	v5 =	vor.u32 $0x80000000, v5  }
0x7a: {  	v4 =	vxor.u32 v4, v5  }
0x7b: {  	v5 =	vand.u32 v3, v4  }
0x7c: {  	vm15 =	veq.s32 v5, v2  }
0x7d: {  	p0 =	sne.s32 s18, $0x1FC00;
	v4 =	vand.u32 $0xFFFF, v4  }
.Ltmp4:
0x7e: {  	_ = 	snop;
	(pc) =	sbr.rel @p0 .LBB2_10-.Ltmp4, $2  }
0x7f: {  	_ =	sdelay $0x2  }
0x80: {  	s18 =	sadd.s32 $0x400, s18;
	[tilespmem:v4+s13+$0x0] =	vst.idx.add.s32.msk vm15, v1  }
0x81: {  	_ =	swait.ge [sflag:s14], $0x4000;
	s18 =	simm.s32 $0x0  }
0x82: {  	s19 =	simm.s32 $0x80;
	s20 =	simm.s32 $0x10;
	[sflag:s14] =	ssyncset.done $0x0  }
0x83: {  	s22 =	sadd.s32 $0x0, s7;
	s21 =	simm.s32 $0x180;
	[sflag:s14] =	ssyncadd.s32 $0xFFFFC000  }
.LBB2_12:
0x84: {  	[tilespmem:s19], [sflag:$0x2] =	stream.linear.gather [hbm4b:s22+s18], $0x80, $0x38;
	[tilespmem:$0x18100] =	vst v63  }
0x85: {  	s22 =	smov.u32 s20;
	s19 =	smov.u32 s21;
	p0 =	sne.s32 s20, $0x7F0  }
.Ltmp5:
0x86: {  	s20 =	sadd.s32 $0x10, s20;
	(pc) =	sbr.rel @p0 .LBB2_12-.Ltmp5, $2  }
0x87: {  	_ =	sdelay $0x2  }
0x88: {  	s21 =	sadd.s32 $0x100, s21;
	s22 =	sadd.s32 s22, s7  }
0x89: {  	[tilespmem:s19], [sflag:$0x2] =	stream.linear.gather [hbm4b:s22+s18], $0x80, $0x38;
	[tilespmem:$0x18100] =	vst v63  }
.LBB2_14:
0x8a: {  	s19 =	sshra.s32 s18, $0x2  }
0x8b: {  	v4 =	vld [tilespmem:s19+$0x80];
	_ =	sdelay $0x4  }
0x8c: {  	v5 =	vshra.s32 v4, $0x1F  }
0x8d: {  	v5 =	vor.u32 $0x80000000, v5  }
0x8e: {  	v4 =	vxor.u32 v4, v5  }
0x8f: {  	v5 =	vand.u32 v3, v4  }
0x90: {  	vm0 =	veq.s32 v5, v2  }
0x91: {  	v4 =	vand.u32 $0xFFFF, v4;
	_ =	sdelay $0x4  }
0x92: {  	[tilespmem:v4+s13+$0x0] =	vst.idx.add.s32.msk vm0, v1  }
0x93: {  	v4 =	vld [tilespmem:s19+$0x90];
	_ =	sdelay $0x4  }
0x94: {  	v5 =	vshra.s32 v4, $0x1F  }
0x95: {  	v5 =	vor.u32 $0x80000000, v5  }
0x96: {  	v4 =	vxor.u32 v4, v5  }
0x97: {  	v5 =	vand.u32 v3, v4  }
0x98: {  	vm9 =	veq.s32 v5, v2  }
0x99: {  	v4 =	vand.u32 $0xFFFF, v4;
	_ =	sdelay $0x4  }
0x9a: {  	[tilespmem:v4+s13+$0x0] =	vst.idx.add.s32.msk vm9, v1  }
0x9b: {  	v4 =	vld [tilespmem:s19+$0xA0];
	_ =	sdelay $0x4  }
0x9c: {  	v5 =	vshra.s32 v4, $0x1F  }
0x9d: {  	v5 =	vor.u32 $0x80000000, v5  }
0x9e: {  	v4 =	vxor.u32 v4, v5  }
0x9f: {  	v5 =	vand.u32 v3, v4  }
0xa0: {  	vm10 =	veq.s32 v5, v2  }
0xa1: {  	v4 =	vand.u32 $0xFFFF, v4;
	_ =	sdelay $0x4  }
0xa2: {  	[tilespmem:v4+s13+$0x0] =	vst.idx.add.s32.msk vm10, v1  }
0xa3: {  	v4 =	vld [tilespmem:s19+$0xB0];
	_ =	sdelay $0x4  }
0xa4: {  	v5 =	vshra.s32 v4, $0x1F  }
0xa5: {  	v5 =	vor.u32 $0x80000000, v5  }
0xa6: {  	v4 =	vxor.u32 v4, v5  }
0xa7: {  	v5 =	vand.u32 v3, v4  }
0xa8: {  	vm11 =	veq.s32 v5, v2  }
0xa9: {  	v4 =	vand.u32 $0xFFFF, v4;
	_ =	sdelay $0x4  }
0xaa: {  	[tilespmem:v4+s13+$0x0] =	vst.idx.add.s32.msk vm11, v1  }
0xab: {  	v4 =	vld [tilespmem:s19+$0xC0];
	_ =	sdelay $0x4  }
0xac: {  	v5 =	vshra.s32 v4, $0x1F  }
0xad: {  	v5 =	vor.u32 $0x80000000, v5  }
0xae: {  	v4 =	vxor.u32 v4, v5  }
0xaf: {  	v5 =	vand.u32 v3, v4  }
0xb0: {  	vm12 =	veq.s32 v5, v2  }
0xb1: {  	v4 =	vand.u32 $0xFFFF, v4;
	_ =	sdelay $0x4  }
0xb2: {  	[tilespmem:v4+s13+$0x0] =	vst.idx.add.s32.msk vm12, v1  }
0xb3: {  	v4 =	vld [tilespmem:s19+$0xD0];
	_ =	sdelay $0x4  }
0xb4: {  	v5 =	vshra.s32 v4, $0x1F  }
0xb5: {  	v5 =	vor.u32 $0x80000000, v5  }
0xb6: {  	v4 =	vxor.u32 v4, v5  }
0xb7: {  	v5 =	vand.u32 v3, v4  }
0xb8: {  	vm13 =	veq.s32 v5, v2  }
0xb9: {  	v4 =	vand.u32 $0xFFFF, v4;
	_ =	sdelay $0x4  }
0xba: {  	[tilespmem:v4+s13+$0x0] =	vst.idx.add.s32.msk vm13, v1  }
0xbb: {  	v4 =	vld [tilespmem:s19+$0xE0];
	_ =	sdelay $0x4  }
0xbc: {  	v5 =	vshra.s32 v4, $0x1F  }
0xbd: {  	v5 =	vor.u32 $0x80000000, v5  }
0xbe: {  	v4 =	vxor.u32 v4, v5  }
0xbf: {  	v5 =	vand.u32 v3, v4  }
0xc0: {  	vm14 =	veq.s32 v5, v2  }
0xc1: {  	v4 =	vand.u32 $0xFFFF, v4;
	_ =	sdelay $0x4  }
0xc2: {  	[tilespmem:v4+s13+$0x0] =	vst.idx.add.s32.msk vm14, v1  }
0xc3: {  	v4 =	vld [tilespmem:s19+$0xF0];
	_ =	sdelay $0x4  }
0xc4: {  	v5 =	vshra.s32 v4, $0x1F  }
0xc5: {  	v5 =	vor.u32 $0x80000000, v5  }
0xc6: {  	v4 =	vxor.u32 v4, v5  }
0xc7: {  	v5 =	vand.u32 v3, v4  }
0xc8: {  	vm15 =	veq.s32 v5, v2  }
0xc9: {  	p0 =	sne.s32 s18, $0x1FC00;
	v4 =	vand.u32 $0xFFFF, v4  }
.Ltmp6:
0xca: {  	_ = 	snop;
	(pc) =	sbr.rel @p0 .LBB2_14-.Ltmp6, $2  }
0xcb: {  	_ =	sdelay $0x2  }
0xcc: {  	s18 =	sadd.s32 $0x400, s18;
	[tilespmem:v4+s13+$0x0] =	vst.idx.add.s32.msk vm15, v1  }
0xcd: {  	_ =	swait.ge [sflag:s12], $0x4000  }
0xce: {  	[sflag:s12] =	ssyncset.done $0x0  }
0xcf: {  	s18 =	simm.s32 $0x0;
	[sflag:s12] =	ssyncadd.s32 $0xFFFFC000  }
.LBB2_16:
0xd0: {  	s19 =	sshra.s32 s18, $0x2  }
0xd1: {  	v4 =	vld [tilespmem:s19+$0x0];
	_ =	sdelay $0x4  }
0xd2: {  	v5 =	vshra.s32 v4, $0x1F  }
0xd3: {  	v5 =	vor.u32 $0x80000000, v5  }
0xd4: {  	v4 =	vxor.u32 v4, v5  }
0xd5: {  	v5 =	vand.u32 v3, v4  }
0xd6: {  	vm0 =	veq.s32 v5, v2  }
0xd7: {  	v4 =	vand.u32 $0xFFFF, v4;
	_ =	sdelay $0x4  }
0xd8: {  	[tilespmem:v4+s13+$0x0] =	vst.idx.add.s32.msk vm0, v1  }
0xd9: {  	v4 =	vld [tilespmem:s19+$0x10];
	_ =	sdelay $0x4  }
0xda: {  	v5 =	vshra.s32 v4, $0x1F  }
0xdb: {  	v5 =	vor.u32 $0x80000000, v5  }
0xdc: {  	v4 =	vxor.u32 v4, v5  }
0xdd: {  	v5 =	vand.u32 v3, v4  }
0xde: {  	vm9 =	veq.s32 v5, v2  }
0xdf: {  	v4 =	vand.u32 $0xFFFF, v4;
	_ =	sdelay $0x4  }
0xe0: {  	[tilespmem:v4+s13+$0x0] =	vst.idx.add.s32.msk vm9, v1  }
0xe1: {  	v4 =	vld [tilespmem:s19+$0x20];
	_ =	sdelay $0x4  }
0xe2: {  	v5 =	vshra.s32 v4, $0x1F  }
0xe3: {  	v5 =	vor.u32 $0x80000000, v5  }
0xe4: {  	v4 =	vxor.u32 v4, v5  }
0xe5: {  	v5 =	vand.u32 v3, v4  }
0xe6: {  	vm10 =	veq.s32 v5, v2  }
0xe7: {  	v4 =	vand.u32 $0xFFFF, v4;
	_ =	sdelay $0x4  }
0xe8: {  	[tilespmem:v4+s13+$0x0] =	vst.idx.add.s32.msk vm10, v1  }
0xe9: {  	v4 =	vld [tilespmem:s19+$0x30];
	_ =	sdelay $0x4  }
0xea: {  	v5 =	vshra.s32 v4, $0x1F  }
0xeb: {  	v5 =	vor.u32 $0x80000000, v5  }
0xec: {  	v4 =	vxor.u32 v4, v5  }
0xed: {  	v5 =	vand.u32 v3, v4  }
0xee: {  	vm11 =	veq.s32 v5, v2  }
0xef: {  	v4 =	vand.u32 $0xFFFF, v4;
	_ =	sdelay $0x4  }
0xf0: {  	[tilespmem:v4+s13+$0x0] =	vst.idx.add.s32.msk vm11, v1  }
0xf1: {  	v4 =	vld [tilespmem:s19+$0x40];
	_ =	sdelay $0x4  }
0xf2: {  	v5 =	vshra.s32 v4, $0x1F  }
0xf3: {  	v5 =	vor.u32 $0x80000000, v5  }
0xf4: {  	v4 =	vxor.u32 v4, v5  }
0xf5: {  	v5 =	vand.u32 v3, v4  }
0xf6: {  	vm12 =	veq.s32 v5, v2  }
0xf7: {  	v4 =	vand.u32 $0xFFFF, v4;
	_ =	sdelay $0x4  }
0xf8: {  	[tilespmem:v4+s13+$0x0] =	vst.idx.add.s32.msk vm12, v1  }
0xf9: {  	v4 =	vld [tilespmem:s19+$0x50];
	_ =	sdelay $0x4  }
0xfa: {  	v5 =	vshra.s32 v4, $0x1F  }
0xfb: {  	v5 =	vor.u32 $0x80000000, v5  }
0xfc: {  	v4 =	vxor.u32 v4, v5  }
0xfd: {  	v5 =	vand.u32 v3, v4  }
0xfe: {  	vm13 =	veq.s32 v5, v2  }
0xff: {  	v4 =	vand.u32 $0xFFFF, v4;
	_ =	sdelay $0x4  }
0x100: {  	[tilespmem:v4+s13+$0x0] =	vst.idx.add.s32.msk vm13, v1  }
0x101: {  	v4 =	vld [tilespmem:s19+$0x60];
	_ =	sdelay $0x4  }
0x102: {  	v5 =	vshra.s32 v4, $0x1F  }
0x103: {  	v5 =	vor.u32 $0x80000000, v5  }
0x104: {  	v4 =	vxor.u32 v4, v5  }
0x105: {  	v5 =	vand.u32 v3, v4  }
0x106: {  	vm14 =	veq.s32 v5, v2  }
0x107: {  	v4 =	vand.u32 $0xFFFF, v4;
	_ =	sdelay $0x4  }
0x108: {  	[tilespmem:v4+s13+$0x0] =	vst.idx.add.s32.msk vm14, v1  }
0x109: {  	v4 =	vld [tilespmem:s19+$0x70];
	_ =	sdelay $0x4  }
0x10a: {  	v5 =	vshra.s32 v4, $0x1F  }
0x10b: {  	v5 =	vor.u32 $0x80000000, v5  }
0x10c: {  	v4 =	vxor.u32 v4, v5  }
0x10d: {  	v5 =	vand.u32 v3, v4  }
0x10e: {  	vm15 =	veq.s32 v5, v2  }
0x10f: {  	p0 =	sne.s32 s18, $0x1FC00;
	v4 =	vand.u32 $0xFFFF, v4  }
.Ltmp7:
0x110: {  	_ = 	snop;
	(pc) =	sbr.rel @p0 .LBB2_16-.Ltmp7, $2  }
0x111: {  	_ =	sdelay $0x2  }
0x112: {  	s18 =	sadd.s32 $0x400, s18;
	[tilespmem:v4+s13+$0x0] =	vst.idx.add.s32.msk vm15, v1  }
0x113: {  	_ =	swait.ge [sflag:s14], $0x4000  }
0x114: {  	[sflag:s14] =	ssyncset.done $0x0  }
0x115: {  	s18 =	simm.s32 $0x0;
	[sflag:s14] =	ssyncadd.s32 $0xFFFFC000  }
.LBB2_18:
0x116: {  	s19 =	sshra.s32 s18, $0x2  }
0x117: {  	v4 =	vld [tilespmem:s19+$0x80];
	_ =	sdelay $0x4  }
0x118: {  	v5 =	vshra.s32 v4, $0x1F  }
0x119: {  	v5 =	vor.u32 $0x80000000, v5  }
0x11a: {  	v4 =	vxor.u32 v4, v5  }
0x11b: {  	v5 =	vand.u32 v3, v4  }
0x11c: {  	vm0 =	veq.s32 v5, v2  }
0x11d: {  	v4 =	vand.u32 $0xFFFF, v4;
	_ =	sdelay $0x4  }
0x11e: {  	[tilespmem:v4+s13+$0x0] =	vst.idx.add.s32.msk vm0, v1  }
0x11f: {  	v4 =	vld [tilespmem:s19+$0x90];
	_ =	sdelay $0x4  }
0x120: {  	v5 =	vshra.s32 v4, $0x1F  }
0x121: {  	v5 =	vor.u32 $0x80000000, v5  }
0x122: {  	v4 =	vxor.u32 v4, v5  }
0x123: {  	v5 =	vand.u32 v3, v4  }
0x124: {  	vm9 =	veq.s32 v5, v2  }
0x125: {  	v4 =	vand.u32 $0xFFFF, v4;
	_ =	sdelay $0x4  }
0x126: {  	[tilespmem:v4+s13+$0x0] =	vst.idx.add.s32.msk vm9, v1  }
0x127: {  	v4 =	vld [tilespmem:s19+$0xA0];
	_ =	sdelay $0x4  }
0x128: {  	v5 =	vshra.s32 v4, $0x1F  }
0x129: {  	v5 =	vor.u32 $0x80000000, v5  }
0x12a: {  	v4 =	vxor.u32 v4, v5  }
0x12b: {  	v5 =	vand.u32 v3, v4  }
0x12c: {  	vm10 =	veq.s32 v5, v2  }
0x12d: {  	v4 =	vand.u32 $0xFFFF, v4;
	_ =	sdelay $0x4  }
0x12e: {  	[tilespmem:v4+s13+$0x0] =	vst.idx.add.s32.msk vm10, v1  }
0x12f: {  	v4 =	vld [tilespmem:s19+$0xB0];
	_ =	sdelay $0x4  }
0x130: {  	v5 =	vshra.s32 v4, $0x1F  }
0x131: {  	v5 =	vor.u32 $0x80000000, v5  }
0x132: {  	v4 =	vxor.u32 v4, v5  }
0x133: {  	v5 =	vand.u32 v3, v4  }
0x134: {  	vm11 =	veq.s32 v5, v2  }
0x135: {  	v4 =	vand.u32 $0xFFFF, v4;
	_ =	sdelay $0x4  }
0x136: {  	[tilespmem:v4+s13+$0x0] =	vst.idx.add.s32.msk vm11, v1  }
0x137: {  	v4 =	vld [tilespmem:s19+$0xC0];
	_ =	sdelay $0x4  }
0x138: {  	v5 =	vshra.s32 v4, $0x1F  }
0x139: {  	v5 =	vor.u32 $0x80000000, v5  }
0x13a: {  	v4 =	vxor.u32 v4, v5  }
0x13b: {  	v5 =	vand.u32 v3, v4  }
0x13c: {  	vm12 =	veq.s32 v5, v2  }
0x13d: {  	v4 =	vand.u32 $0xFFFF, v4;
	_ =	sdelay $0x4  }
0x13e: {  	[tilespmem:v4+s13+$0x0] =	vst.idx.add.s32.msk vm12, v1  }
0x13f: {  	v4 =	vld [tilespmem:s19+$0xD0];
	_ =	sdelay $0x4  }
0x140: {  	v5 =	vshra.s32 v4, $0x1F  }
0x141: {  	v5 =	vor.u32 $0x80000000, v5  }
0x142: {  	v4 =	vxor.u32 v4, v5  }
0x143: {  	v5 =	vand.u32 v3, v4  }
0x144: {  	vm13 =	veq.s32 v5, v2  }
0x145: {  	v4 =	vand.u32 $0xFFFF, v4;
	_ =	sdelay $0x4  }
0x146: {  	[tilespmem:v4+s13+$0x0] =	vst.idx.add.s32.msk vm13, v1  }
0x147: {  	v4 =	vld [tilespmem:s19+$0xE0];
	_ =	sdelay $0x4  }
0x148: {  	v5 =	vshra.s32 v4, $0x1F  }
0x149: {  	v5 =	vor.u32 $0x80000000, v5  }
0x14a: {  	v4 =	vxor.u32 v4, v5  }
0x14b: {  	v5 =	vand.u32 v3, v4  }
0x14c: {  	vm14 =	veq.s32 v5, v2  }
0x14d: {  	v4 =	vand.u32 $0xFFFF, v4;
	_ =	sdelay $0x4  }
0x14e: {  	[tilespmem:v4+s13+$0x0] =	vst.idx.add.s32.msk vm14, v1  }
0x14f: {  	v4 =	vld [tilespmem:s19+$0xF0];
	_ =	sdelay $0x4  }
0x150: {  	v5 =	vshra.s32 v4, $0x1F  }
0x151: {  	v5 =	vor.u32 $0x80000000, v5  }
0x152: {  	v4 =	vxor.u32 v4, v5  }
0x153: {  	v5 =	vand.u32 v3, v4  }
0x154: {  	vm15 =	veq.s32 v5, v2  }
0x155: {  	p0 =	sne.s32 s18, $0x1FC00;
	v4 =	vand.u32 $0xFFFF, v4  }
.Ltmp8:
0x156: {  	_ = 	snop;
	(pc) =	sbr.rel @p0 .LBB2_18-.Ltmp8, $2  }
0x157: {  	_ =	sdelay $0x2  }
0x158: {  	s18 =	sadd.s32 $0x400, s18;
	[tilespmem:v4+s13+$0x0] =	vst.idx.add.s32.msk vm15, v1  }
0x159: {  	s17 =	sadd.s32 $0x1, s17  }
0x15a: {  	p0 =	sne.s32 s17, s9  }
.Ltmp9:
0x15b: {  	_ = 	snop;
	(pc) =	sbr.rel @p0 .LBB2_1-.Ltmp9, $4  }
0x15c: {  	[hbm4b:s8+s15] =	stream.strided.scatter [tilespmem:s13], [sflag:$0x3], $0x10000, s16, s15, $0x38;
	[tilespmem:$0x18100] =	vst v63  }
0x15d: {  	_ =	swait.ge [sflag:s11], $0x10000  }
0x15e: {  	[sflag:s11] =	ssyncset.done $0x0  }
0x15f: {  	[sflag:s11] =	ssyncadd.s32 $0xFFFF0000  }
0x160: {  	_ =	sfence.sel $0x180000  }
0x161: {  	[bflag:$0x0] =	sbarrier.arrive $0xFFFF  }
0x162: {  	p0 =	sne.s32 s1, $0x0;
	_ =	strace $0x9000004A  }
0x163: {  	s0 =	sadd.s32 @!p0 $0x100000, s0;
	[bflag:$0x2] =	sbarrier.arrive $0xFFFF  }
0x164: {  	[sflag:s0] =	ssyncadd.tile.s32 @!p0 $0x1;
	_ =	shalt  }
.Lfunc_end2:
_tile_overlayer_lowered:
.L_overlay_start_2:
0x165: {  	(tag) =	ssettag $0x2  }
0x166: {  	s0 =	rddreg [dreg:$0x0];
	s2 =	stileid.u32  }
0x167: {  	s1 =	rddreg [dreg:$0x1];
	p0 =	sne.s32 s2, $0x0  }
0x168: {  	s3 =	rddreg [dreg:$0x2];
	[bflag:$0x3] =	sbarrier.arrive $0xFFFF;
	s2 =	simm.s32 @!p0 $0x1C03  }
0x169: {  	[timem:s3], [sflag:s2] =	dma.local @!p0 [hbm:s0], s1  }
0x16a: {  	s0 =	simm.s32 @!p0 $0x3  }
0x16b: {  	_ =	swait.ge @!p0 [sflag:s0], s1  }
0x16c: {  	s1 =	ssub.s32 @!p0 $0x0, s1;
	[sflag:s0] =	ssyncset.done @!p0 $0x0  }
0x16d: {  	[sflag:s0] =	ssyncadd.s32 @!p0 s1  }
0x16e: {  	[bflag:$0x3] =	sbarrier.arrive $0xFFFF  }
0x16f: {  	_ =	shalt  }

</sc_bundles>
